<compile_context>
chip_gen: v7x
topology: tpu7x:2x2x1
jax: 0.10.2.dev20260603
libtpu: 0.0.44.dev20260713+nightly
codegen_flags: <defaults>
</compile_context>

<pallas_src>
import functools
import jax
import jax.numpy as jnp
from jax import lax
from jax.experimental import pallas as pl
from jax.experimental.pallas import tpu as pltpu
from jax.experimental.pallas import tpu_sc as plsc

N = 10000
E = 320000
D = 128
ALPHA = 0.2

NC = 2
NS = 16
NW = NC * NS
TPW = E // NW
NBLK = 80
NGRP = NBLK // 8
TPAD = NBLK * 128
NPAD = 79 * 128



def _phase_a_body(x_ref, ww_ref, wb_ref, aw_ref, ab_ref, wh_ref, p_ref, q_ref,
                  mst_ref):
    x = x_ref[...]
    wh = lax.dot_general(x, ww_ref[...], (((1,), (1,)), ((), ())),
                         preferred_element_type=jnp.float32)
    wh = wh + wb_ref[...][None, :]
    wh_ref[...] = wh
    a2 = aw_ref[...].reshape(2, D)
    pq = lax.dot_general(wh, a2, (((1,), (1,)), ((), ())),
                         preferred_element_type=jnp.float32)
    p = pq[:, 0] + ab_ref[0]
    q = pq[:, 1]
    pad = jnp.zeros((NPAD - N,), jnp.float32)
    p_ref[...] = jnp.concatenate([p, pad])
    q_ref[...] = jnp.concatenate([q, pad])
    m = jnp.max(p) + jnp.max(q)
    m = jnp.where(m < 0, ALPHA * m, m)
    mst_ref[...] = jnp.full((16,), m, jnp.float32)


def _phase_a(x, W_w, W_b, a_w, a_b):
    return pl.pallas_call(
        _phase_a_body,
        out_shape=(
            jax.ShapeDtypeStruct((N, D), jnp.float32),
            jax.ShapeDtypeStruct((NPAD,), jnp.float32),
            jax.ShapeDtypeStruct((NPAD,), jnp.float32),
            jax.ShapeDtypeStruct((16,), jnp.float32),
        ),
    )(x, W_w, W_b, a_w, a_b)



def _sc_body(wh_hbm, p_hbm, q_hbm, src_hbm, dst_hbm, turn_hbm, tv_hbm,
             mst_hbm, num_out, den_out,
             num_sh, idx_s, idx_d, idx_t, pg0, qg0, pg1, qg1, den_v,
             rows0, rows1, mst_v, tv_v,
             semr0, semr1, semp0, semp1, semsc0, semsc1, semx):
    cid = lax.axis_index("c")
    sid = lax.axis_index("s")
    wid = cid * NS + sid

    pltpu.sync_copy(mst_hbm, mst_v)
    pltpu.sync_copy(tv_hbm, tv_v)

    zeros16f = jnp.zeros((16,), jnp.float32)

    def _zero_den(i, _):
        den_v[pl.ds(i * 16, 16)] = zeros16f
        return 0
    lax.fori_loop(0, NPAD // 16, _zero_den, 0)

    def _zero_rows(i, _):
        r = i // 8
        c = (i % 8) * 16
        rows0[r, pl.ds(c, 16)] = zeros16f
        return 0
    lax.fori_loop(0, 128 * 8, _zero_rows, 0)

    base = sid * (NPAD // NS)
    pltpu.sync_copy(rows0, num_sh.at[pl.ds(base, 128)])
    pltpu.sync_copy(rows0, num_sh.at[pl.ds(base + 128, 128)])
    pltpu.sync_copy(rows0, num_sh.at[pl.ds(base + 256, 128)])
    pltpu.sync_copy(rows0, num_sh.at[pl.ds(base + 384, 128)])
    pltpu.sync_copy(rows0.at[pl.ds(0, 120)], num_sh.at[pl.ds(base + 512, 120)])

    mst = mst_v[...]
    tv = tv_v[...]

    plsc.subcore_barrier()


    def issue_group_load(gi):
        gb = gi % 2
        pltpu.async_copy(src_hbm.at[wid, gi], idx_s.at[gb], semx)
        pltpu.async_copy(dst_hbm.at[wid, gi], idx_d.at[gb], semx)
        pltpu.async_copy(turn_hbm.at[wid, gi], idx_t.at[gb], semx)

    def wait_group_load():
        pltpu.make_async_copy(src_hbm.at[wid, 0], idx_s.at[0], semx).wait()
        pltpu.make_async_copy(dst_hbm.at[wid, 0], idx_d.at[0], semx).wait()
        pltpu.make_async_copy(turn_hbm.at[wid, 0], idx_t.at[0], semx).wait()

    def issue_gather(j, rows_ref, semr, semp, pgr, qgr):
        gp = (j // 8) % 2
        jj = j % 8
        pltpu.async_copy(p_hbm.at[idx_s.at[gp, jj]], pgr, semp)
        pltpu.async_copy(q_hbm.at[idx_d.at[gp, jj]], qgr, semp)
        for o in range(4):
            pltpu.async_copy(
                wh_hbm.at[idx_s.at[gp, jj, pl.ds(o * 32, 32)]],
                rows_ref.at[pl.ds(o * 32, 32)], semr)

    def wait_gather(rows_ref, semr, semp, pgr, qgr):
        pltpu.make_async_copy(p_hbm.at[idx_s.at[0, 0]], pgr, semp).wait()
        pltpu.make_async_copy(q_hbm.at[idx_d.at[0, 0]], qgr, semp).wait()
        for o in range(4):
            pltpu.make_async_copy(
                wh_hbm.at[idx_s.at[0, 0, pl.ds(0, 32)]],
                rows_ref.at[pl.ds(o * 32, 32)], semr).wait()

    def compute_scale(j, rows_ref, pgr, qgr):
        gp = (j // 8) % 2
        jj = j % 8

        def _sub(g, _c):
            c = g * 16
            pv = pgr[pl.ds(c, 16)]
            qv = qgr[pl.ds(c, 16)]
            d16 = idx_d[gp, jj, pl.ds(c, 16)]
            t16 = idx_t[gp, jj, pl.ds(c, 16)]
            e = pv + qv
            e = jnp.where(e < 0, ALPHA * e, e)
            w = jnp.exp(e - mst)
            w = jnp.where((t16 == tv) & (d16 < N), w, 0.0)
            plsc.addupdate_scatter(den_v, [d16], w)
            for i in range(16):
                wsc = w[i]
                r = c + i
                for k in range(8):
                    sl = pl.ds(k * 16, 16)
                    rows_ref[r, sl] = rows_ref[r, sl] * wsc
            return 0
        lax.fori_loop(0, 8, _sub, 0)

    def issue_scatter(j, rows_ref, semsc):
        gp = (j // 8) % 2
        jj = j % 8
        pltpu.async_copy(rows_ref, num_sh.at[idx_d.at[gp, jj]], semsc,
                         add=True)

    def drain_scatter(rows_ref, semsc):
        pltpu.make_async_copy(rows_ref, num_sh.at[pl.ds(0, 128)],
                              semsc).wait()

    pltpu.sync_copy(src_hbm.at[wid, 0], idx_s.at[0])
    pltpu.sync_copy(dst_hbm.at[wid, 0], idx_d.at[0])
    pltpu.sync_copy(turn_hbm.at[wid, 0], idx_t.at[0])
    issue_group_load(1)
    issue_gather(0, rows0, semr0, semp0, pg0, qg0)

    def _pair(it, _):
        j0 = 2 * it
        j1 = j0 + 1

        @pl.when(it > 0)
        def _():
            drain_scatter(rows1, semsc1)

        @pl.when((it % 4 == 0) & (it > 0) & (it // 4 + 1 <= NGRP - 1))
        def _():
            issue_group_load(it // 4 + 1)

        issue_gather(j1, rows1, semr1, semp1, pg1, qg1)
        wait_gather(rows0, semr0, semp0, pg0, qg0)
        compute_scale(j0, rows0, pg0, qg0)
        issue_scatter(j0, rows0, semsc0)

        @pl.when(j0 + 2 < NBLK)
        def _():
            @pl.when((j0 + 2) % 8 == 0)
            def _():
                wait_group_load()
            drain_scatter(rows0, semsc0)
            issue_gather(j0 + 2, rows0, semr0, semp0, pg0, qg0)

        wait_gather(rows1, semr1, semp1, pg1, qg1)
        compute_scale(j1, rows1, pg1, qg1)
        issue_scatter(j1, rows1, semsc1)
        return 0
    lax.fori_loop(0, NBLK // 2, _pair, 0)

    drain_scatter(rows0, semsc0)
    drain_scatter(rows1, semsc1)

    pltpu.sync_copy(den_v, den_out.at[pl.ds(wid * NPAD, NPAD)])

    plsc.subcore_barrier()

    rows_per_tile = NPAD // NS
    pltpu.sync_copy(num_sh.at[pl.ds(base, rows_per_tile)],
                    num_out.at[cid, pl.ds(base, rows_per_tile)])


def _phase_b(wh, p, q, srcp, dstp, turnp, tv, mst):
    mesh = plsc.VectorSubcoreMesh(core_axis_name="c", subcore_axis_name="s",
                                  num_cores=NC, num_subcores=NS)
    f = pl.kernel(
        _sc_body,
        out_type=(
            jax.ShapeDtypeStruct((NC, NPAD, D), jnp.float32),
            jax.ShapeDtypeStruct((NW * NPAD,), jnp.float32),
        ),
        mesh=mesh,
        scratch_types=[
            pltpu.VMEM_SHARED((NPAD, D), jnp.float32),
            pltpu.VMEM((2, 8, 128), jnp.int32),
            pltpu.VMEM((2, 8, 128), jnp.int32),
            pltpu.VMEM((2, 8, 128), jnp.int32),
            pltpu.VMEM((128,), jnp.float32),
            pltpu.VMEM((128,), jnp.float32),
            pltpu.VMEM((128,), jnp.float32),
            pltpu.VMEM((128,), jnp.float32),
            pltpu.VMEM((NPAD,), jnp.float32),
            pltpu.VMEM((128, D), jnp.float32),
            pltpu.VMEM((128, D), jnp.float32),
            pltpu.VMEM((16,), jnp.float32),
            pltpu.VMEM((16,), jnp.int32),
            pltpu.SemaphoreType.DMA,
            pltpu.SemaphoreType.DMA,
            pltpu.SemaphoreType.DMA,
            pltpu.SemaphoreType.DMA,
            pltpu.SemaphoreType.DMA,
            pltpu.SemaphoreType.DMA,
            pltpu.SemaphoreType.DMA,
        ],
        compiler_params=pltpu.CompilerParams(needs_layout_passes=False),
    )
    return f(wh, p, q, srcp, dstp, turnp, tv, mst)



def _phase_c_body(num_ref, den_ref, out_ref):
    num = num_ref[0] + num_ref[1]
    den = jnp.sum(den_ref[...], axis=0)
    out_ref[...] = num / (den[:, None] + 1e-9)


def _phase_c(num, den):
    return pl.pallas_call(
        _phase_c_body,
        out_shape=jax.ShapeDtypeStruct((N, D), jnp.float32),
    )(num, den)



@jax.jit
def _run(x, edge_index, turn, tval, W_w, W_b, a_w, a_b):
    wh, p, q, mst = _phase_a(x, W_w, W_b, a_w, a_b)

    src = edge_index[0].reshape(NW, TPW)
    dst = edge_index[1].reshape(NW, TPW)
    trn = turn.reshape(NW, TPW)
    pad = TPAD - TPW
    srcp = jnp.pad(src, ((0, 0), (0, pad))).reshape(NW, NGRP, 8, 128)
    dstp = jnp.pad(dst, ((0, 0), (0, pad)),
                   constant_values=N).reshape(NW, NGRP, 8, 128)
    turnp = jnp.pad(trn, ((0, 0), (0, pad))).reshape(NW, NGRP, 8, 128)
    tv = jnp.full((16,), tval, jnp.int32)

    num, den = _phase_b(wh, p, q, srcp, dstp, turnp, tv, mst)
    den = den.reshape(NW, NPAD)
    return _phase_c(num[:, :N, :], den[:, :N])


def kernel(x, edge_index, turn, t, offset, W_w, W_b, a_w, a_b):
    return _run(x, edge_index, turn, jnp.int32(t) + jnp.int32(offset),
                W_w, W_b, a_w, a_b)

# --- scband reference (transcript-rebuilt; emitter-appended) ---
"""Pipeline reference for scband-directed-gatlayer-inversed-36009005809889 (READ-ONLY COPY).

The authoritative reference and input builder live on the scoring server;
editing this copy changes nothing except your own understanding.
"""

import jax, jax.numpy as jnp
import numpy as np

N = 10000
E = 320000
D = 128
ALPHA = 0.2

def setup_inputs(seed: int = 0) -> dict:
    key = jax.random.key(seed)
    ks = jax.random.split(key, 8)
    x = jax.random.normal(ks[0], (N, D), dtype=jnp.float32)
    edge_index = jax.random.randint(ks[1], (2, E), 0, N, dtype=jnp.int32)
    turn = jnp.zeros((E,), dtype=jnp.int32)
    t = 0
    offset = 0
    # parameters: W = nn.Linear(D, D), a = nn.Linear(2D, 1), xavier-uniform gain 1.414
    lim_W = 1.414 * np.sqrt(6.0 / (D + D))
    W_w = jax.random.uniform(ks[2], (D, D), minval=-lim_W, maxval=lim_W, dtype=jnp.float32)
    W_b = jnp.zeros((D,), dtype=jnp.float32)
    lim_a = 1.414 * np.sqrt(6.0 / (2 * D + 1))
    a_w = jax.random.uniform(ks[3], (1, 2 * D), minval=-lim_a, maxval=lim_a, dtype=jnp.float32)
    a_b = jnp.zeros((1,), dtype=jnp.float32)
    return {"x": x, "edge_index": edge_index, "turn": turn, "t": t, "offset": offset,
            "W_w": W_w, "W_b": W_b, "a_w": a_w, "a_b": a_b}

def reference(x, edge_index, turn, t, offset, W_w, W_b, a_w, a_b):
    # dropout is identity in eval mode
    src = edge_index[0]
    dst = edge_index[1]
    mask = (turn == (t + offset))
    maskf = mask.astype(x.dtype)
    # Wh = W(h) for all involved nodes (computing for all nodes is math-equivalent on used nodes)
    Wh = x @ W_w.T + W_b
    # edge attention: e = leakyrelu(a([Wh_src || Wh_dst]))
    eh = jnp.concatenate([Wh[src], Wh[dst]], axis=1)
    e = jax.nn.leaky_relu(eh @ a_w.T + a_b, negative_slope=ALPHA)[:, 0]
    # restrict softmax to edges with matching turn (all match here)
    e = jnp.where(mask, e, -1e9)
    # edge softmax grouped by dst (mailbox softmax)
    m = jax.ops.segment_max(e, dst, num_segments=N)
    m = jnp.where(jnp.isfinite(m), m, 0.0)
    e_exp = jnp.exp(e - m[dst]) * maskf
    denom = jax.ops.segment_sum(e_exp, dst, num_segments=N)
    attn = e_exp / (denom[dst] + 1e-9)
    # h_prime = sum_over_incoming attn * Wh_src
    h_prime = jax.ops.segment_sum(attn[:, None] * Wh[src], dst, num_segments=N)
    return h_prime

if __name__ == "__main__":
    import jax
    _d = setup_inputs()
    print(jax.jit(kernel)(*tuple(_d.values())))

</pallas_src>

<mosaic_0001>
#map = affine_map<(d0, d1) -> (0, 0)>
#map1 = affine_map<(d0, d1) -> (0)>
#map2 = affine_map<(d0, d1) -> (0, 0, 0, 0)>
#map3 = affine_map<(d0, d1) -> (0, 0, 0)>
module attributes {stable_mosaic.version = 14 : i64} {
  func.func @_sc_body(%arg0: i32, %arg1: i32, %arg2: memref<10000x128xf32, #tpu.memory_space<hbm>>, %arg3: memref<10112xf32, #tpu.memory_space<hbm>>, %arg4: memref<10112xf32, #tpu.memory_space<hbm>>, %arg5: memref<32x10x8x128xi32, #tpu.memory_space<hbm>>, %arg6: memref<32x10x8x128xi32, #tpu.memory_space<hbm>>, %arg7: memref<32x10x8x128xi32, #tpu.memory_space<hbm>>, %arg8: memref<16xi32, #tpu.memory_space<hbm>>, %arg9: memref<16xf32, #tpu.memory_space<hbm>>, %arg10: memref<2x10112x128xf32, #tpu.memory_space<hbm>>, %arg11: memref<323584xf32, #tpu.memory_space<hbm>>, %arg12: memref<10112x128xf32, #tpu.memory_space<vmem_shared>>, %arg13: memref<2x8x128xi32, #tpu.memory_space<vmem>>, %arg14: memref<2x8x128xi32, #tpu.memory_space<vmem>>, %arg15: memref<2x8x128xi32, #tpu.memory_space<vmem>>, %arg16: memref<128xf32, #tpu.memory_space<vmem>>, %arg17: memref<128xf32, #tpu.memory_space<vmem>>, %arg18: memref<128xf32, #tpu.memory_space<vmem>>, %arg19: memref<128xf32, #tpu.memory_space<vmem>>, %arg20: memref<10112xf32, #tpu.memory_space<vmem>>, %arg21: memref<128x128xf32, #tpu.memory_space<vmem>>, %arg22: memref<128x128xf32, #tpu.memory_space<vmem>>, %arg23: memref<16xf32, #tpu.memory_space<vmem>>, %arg24: memref<16xi32, #tpu.memory_space<vmem>>, %arg25: memref<!tpu.dma_semaphore, #tpu.memory_space<semaphore_mem>>, %arg26: memref<!tpu.dma_semaphore, #tpu.memory_space<semaphore_mem>>, %arg27: memref<!tpu.dma_semaphore, #tpu.memory_space<semaphore_mem>>, %arg28: memref<!tpu.dma_semaphore, #tpu.memory_space<semaphore_mem>>, %arg29: memref<!tpu.dma_semaphore, #tpu.memory_space<semaphore_mem>>, %arg30: memref<!tpu.dma_semaphore, #tpu.memory_space<semaphore_mem>>, %arg31: memref<!tpu.dma_semaphore, #tpu.memory_space<semaphore_mem>>) attributes {dimension_semantics = [#tpu.dimension_semantics<core_parallel>, #tpu.dimension_semantics<subcore_parallel>], iteration_bounds = array<i64: 2, 16>, scalar_prefetch = 0 : i64, scratch_operands = 20 : i64, tpu.core_type = #tpu.core_type<sc_vector_subcore>, window_params = [{transform_indices = #map}, {transform_indices = #map1}, {transform_indices = #map1}, {transform_indices = #map2}, {transform_indices = #map2}, {transform_indices = #map2}, {transform_indices = #map1}, {transform_indices = #map1}, {transform_indices = #map3}, {transform_indices = #map1}]} {
    %mul3A = arith.constant 16 : i32
    %mul3A_0 = arith.muli %arg0, %mul3A : i32
    %add3A = arith.addi %mul3A_0, %arg1 : i32
    "tpu.region"() ({
      %run_scoped3A_165 = tpu.sem_alloc : memref<!tpu.dma_semaphore, #tpu.memory_space<semaphore_mem>>
      tpu.enqueue_dma source(%arg9 : memref<16xf32, #tpu.memory_space<hbm>>) target(%arg23 : memref<16xf32, #tpu.memory_space<vmem>>) target_semaphore(%run_scoped3A_165 : memref<!tpu.dma_semaphore, #tpu.memory_space<semaphore_mem>>)
      tpu.wait_dma2 semaphore(%run_scoped3A_165 : memref<!tpu.dma_semaphore, #tpu.memory_space<semaphore_mem>>) src(%arg9 : memref<16xf32, #tpu.memory_space<hbm>>) dst(%arg23 : memref<16xf32, #tpu.memory_space<vmem>>)
      tpu.yield
    }) : () -> ()
    "tpu.region"() ({
      %run_scoped3A_165 = tpu.sem_alloc : memref<!tpu.dma_semaphore, #tpu.memory_space<semaphore_mem>>
      tpu.enqueue_dma source(%arg8 : memref<16xi32, #tpu.memory_space<hbm>>) target(%arg24 : memref<16xi32, #tpu.memory_space<vmem>>) target_semaphore(%run_scoped3A_165 : memref<!tpu.dma_semaphore, #tpu.memory_space<semaphore_mem>>)
      tpu.wait_dma2 semaphore(%run_scoped3A_165 : memref<!tpu.dma_semaphore, #tpu.memory_space<semaphore_mem>>) src(%arg8 : memref<16xi32, #tpu.memory_space<hbm>>) dst(%arg24 : memref<16xi32, #tpu.memory_space<vmem>>)
      tpu.yield
    }) : () -> ()
    %broadcast_in_dim3A = arith.constant 0.000000e+00 : f32
    %broadcast_in_dim3A_1 = vector.broadcast %broadcast_in_dim3A : f32 to vector<16xf32>
    %scan3A = arith.constant 0 : i32
    %scan3A_2 = arith.constant 0 : i32
    %scan3A_3 = arith.constant 632 : i32
    %scan3A_4 = arith.addi %scan3A_2, %scan3A_3 : i32
    %scan3A_5 = arith.constant 1 : i32
    %scan3A_6 = scf.for %scan3A_165 = %scan3A_2 to %scan3A_4 step %scan3A_5 iter_args(%scan3A_166 = %scan3A) -> (i32)  : i32 {
      %mul3A_167 = arith.constant 16 : i32
      %mul3A_168 = arith.muli %scan3A_165, %mul3A_167 : i32
      %swap3A = arith.index_cast %mul3A_168 : i32 to index
      %swap3A_169 = tpu.vector_load %arg20[%swap3A] {strides = array<i32>} : memref<10112xf32, #tpu.memory_space<vmem>>, vector<16xf32>,
      tpu.vector_store %arg20[%swap3A], %broadcast_in_dim3A_1 {strides = array<i32>} : memref<10112xf32, #tpu.memory_space<vmem>>, vector<16xf32>,
      %scan3A_170 = arith.constant 0 : i32
      scf.yield %scan3A_170 : i32
    }
    %scan3A_7 = arith.constant 632 : i32
    %scan3A_8 = arith.constant 0 : i32
    %scan3A_9 = arith.constant 0 : i32
    %scan3A_10 = arith.constant 1024 : i32
    %scan3A_11 = arith.addi %scan3A_9, %scan3A_10 : i32
    %scan3A_12 = arith.constant 1 : i32
    %scan3A_13 = scf.for %scan3A_165 = %scan3A_9 to %scan3A_11 step %scan3A_12 iter_args(%scan3A_166 = %scan3A_8) -> (i32)  : i32 {
      %jit3A = arith.constant 8 : i32
      %div3A = arith.divsi %scan3A_165, %jit3A : i32
      %sign3A = arith.constant 0 : i32
      %sign3A_167 = arith.cmpi sgt, %scan3A_165, %sign3A : i32
      %sign3A_168 = arith.extui %sign3A_167 : i1 to i32
      %sign3A_169 = arith.constant 0 : i32
      %sign3A_170 = arith.cmpi slt, %scan3A_165, %sign3A_169 : i32
      %sign3A_171 = arith.extui %sign3A_170 : i1 to i32
      %sign3A_172 = arith.subi %sign3A_168, %sign3A_171 : i32
      %sign3A_173 = arith.constant 0 : i32
      %sign3A_174 = arith.cmpi sgt, %jit3A, %sign3A_173 : i32
      %sign3A_175 = arith.extui %sign3A_174 : i1 to i32
      %sign3A_176 = arith.constant 0 : i32
      %sign3A_177 = arith.cmpi slt, %jit3A, %sign3A_176 : i32
      %sign3A_178 = arith.extui %sign3A_177 : i1 to i32
      %sign3A_179 = arith.subi %sign3A_175, %sign3A_178 : i32
      %ne3A = arith.cmpi ne, %sign3A_172, %sign3A_179 : i32
      %rem3A = arith.remsi %scan3A_165, %jit3A : i32
      %ne3A_180 = arith.constant 0 : i32
      %ne3A_181 = arith.cmpi ne, %rem3A, %ne3A_180 : i32
      %and3A = arith.andi %ne3A, %ne3A_181 : i1
      %sub3A = arith.constant 1 : i32
      %sub3A_182 = arith.subi %div3A, %sub3A : i32
      %select_n3A = arith.select %and3A, %sub3A_182, %div3A : i32
      %jit3A_183 = arith.constant 8 : i32
      %eq3A = arith.constant 0 : i32
      %eq3A_184 = arith.cmpi eq, %jit3A_183, %eq3A : i32
      %jit3A_185 = arith.constant 1 : i32
      %select_n3A_186 = arith.select %eq3A_184, %jit3A_185, %jit3A_183 : i32
      %rem3A_187 = arith.remsi %scan3A_165, %select_n3A_186 : i32
      %ne3A_188 = arith.constant 0 : i32
      %ne3A_189 = arith.cmpi ne, %rem3A_187, %ne3A_188 : i32
      %lt3A = arith.constant 0 : i32
      %lt3A_190 = arith.cmpi slt, %rem3A_187, %lt3A : i32
      %lt3A_191 = arith.constant 0 : i32
      %lt3A_192 = arith.cmpi slt, %select_n3A_186, %lt3A_191 : i32
      %ne3A_193 = arith.xori %lt3A_190, %lt3A_192 : i1
      %and3A_194 = arith.andi %ne3A_193, %ne3A_189 : i1
      %add3A_195 = arith.addi %rem3A_187, %select_n3A_186 : i32
      %select_n3A_196 = arith.select %and3A_194, %add3A_195, %rem3A_187 : i32
      %mul3A_197 = arith.constant 16 : i32
      %mul3A_198 = arith.muli %select_n3A_196, %mul3A_197 : i32
      %swap3A = arith.index_cast %select_n3A : i32 to index
      %swap3A_199 = arith.index_cast %mul3A_198 : i32 to index
      %swap3A_200 = tpu.vector_load %arg21[%swap3A, %swap3A_199] {strides = array<i32>} : memref<128x128xf32, #tpu.memory_space<vmem>>, vector<16xf32>,
      tpu.vector_store %arg21[%swap3A, %swap3A_199], %broadcast_in_dim3A_1 {strides = array<i32>} : memref<128x128xf32, #tpu.memory_space<vmem>>, vector<16xf32>,
      %scan3A_201 = arith.constant 0 : i32
      scf.yield %scan3A_201 : i32
    }
    %scan3A_14 = arith.constant 1024 : i32
    %mul3A_15 = arith.constant 632 : i32
    %mul3A_16 = arith.muli %arg1, %mul3A_15 : i32
    "tpu.region"() ({
      %run_scoped3A_165 = tpu.sem_alloc : memref<!tpu.dma_semaphore, #tpu.memory_space<semaphore_mem>>
      %dma_start3A_166 = arith.constant 0 : i32
      %dma_start3A_167 = tpu.memref_slice %arg12[%mul3A_16, %dma_start3A_166] : memref<10112x128xf32, #tpu.memory_space<vmem_shared>> -> memref<128x128xf32, #tpu.memory_space<vmem_shared>>
      %dma_start3A_168 = arith.constant 0 : i32
      %dma_start3A_169 = tpu.memref_slice %arg12[%mul3A_16, %dma_start3A_168] : memref<10112x128xf32, #tpu.memory_space<vmem_shared>> -> memref<128x128xf32, #tpu.memory_space<vmem_shared>>
      tpu.enqueue_dma source(%arg21 : memref<128x128xf32, #tpu.memory_space<vmem>>) target(%dma_start3A_169 : memref<128x128xf32, #tpu.memory_space<vmem_shared>>) target_semaphore(%run_scoped3A_165 : memref<!tpu.dma_semaphore, #tpu.memory_space<semaphore_mem>>)
      %dma_wait3A_170 = arith.constant 0 : i32
      %dma_wait3A_171 = tpu.memref_slice %arg12[%mul3A_16, %dma_wait3A_170] : memref<10112x128xf32, #tpu.memory_space<vmem_shared>> -> memref<128x128xf32, #tpu.memory_space<vmem_shared>>
      %dma_wait3A_172 = arith.constant 0 : i32
      %dma_wait3A_173 = tpu.memref_slice %arg12[%mul3A_16, %dma_wait3A_172] : memref<10112x128xf32, #tpu.memory_space<vmem_shared>> -> memref<128x128xf32, #tpu.memory_space<vmem_shared>>
      tpu.wait_dma2 semaphore(%run_scoped3A_165 : memref<!tpu.dma_semaphore, #tpu.memory_space<semaphore_mem>>) src(%arg21 : memref<128x128xf32, #tpu.memory_space<vmem>>) dst(%dma_wait3A_173 : memref<128x128xf32, #tpu.memory_space<vmem_shared>>)
      tpu.yield
    }) : () -> ()
    %add3A_17 = arith.constant 128 : i32
    %add3A_18 = arith.addi %mul3A_16, %add3A_17 : i32
    "tpu.region"() ({
      %run_scoped3A_165 = tpu.sem_alloc : memref<!tpu.dma_semaphore, #tpu.memory_space<semaphore_mem>>
      %dma_start3A_166 = arith.constant 0 : i32
      %dma_start3A_167 = tpu.memref_slice %arg12[%add3A_18, %dma_start3A_166] : memref<10112x128xf32, #tpu.memory_space<vmem_shared>> -> memref<128x128xf32, #tpu.memory_space<vmem_shared>>
      %dma_start3A_168 = arith.constant 0 : i32
      %dma_start3A_169 = tpu.memref_slice %arg12[%add3A_18, %dma_start3A_168] : memref<10112x128xf32, #tpu.memory_space<vmem_shared>> -> memref<128x128xf32, #tpu.memory_space<vmem_shared>>
      tpu.enqueue_dma source(%arg21 : memref<128x128xf32, #tpu.memory_space<vmem>>) target(%dma_start3A_169 : memref<128x128xf32, #tpu.memory_space<vmem_shared>>) target_semaphore(%run_scoped3A_165 : memref<!tpu.dma_semaphore, #tpu.memory_space<semaphore_mem>>)
      %dma_wait3A_170 = arith.constant 0 : i32
      %dma_wait3A_171 = tpu.memref_slice %arg12[%add3A_18, %dma_wait3A_170] : memref<10112x128xf32, #tpu.memory_space<vmem_shared>> -> memref<128x128xf32, #tpu.memory_space<vmem_shared>>
      %dma_wait3A_172 = arith.constant 0 : i32
      %dma_wait3A_173 = tpu.memref_slice %arg12[%add3A_18, %dma_wait3A_172] : memref<10112x128xf32, #tpu.memory_space<vmem_shared>> -> memref<128x128xf32, #tpu.memory_space<vmem_shared>>
      tpu.wait_dma2 semaphore(%run_scoped3A_165 : memref<!tpu.dma_semaphore, #tpu.memory_space<semaphore_mem>>) src(%arg21 : memref<128x128xf32, #tpu.memory_space<vmem>>) dst(%dma_wait3A_173 : memref<128x128xf32, #tpu.memory_space<vmem_shared>>)
      tpu.yield
    }) : () -> ()
    %add3A_19 = arith.constant 256 : i32
    %add3A_20 = arith.addi %mul3A_16, %add3A_19 : i32
    "tpu.region"() ({
      %run_scoped3A_165 = tpu.sem_alloc : memref<!tpu.dma_semaphore, #tpu.memory_space<semaphore_mem>>
      %dma_start3A_166 = arith.constant 0 : i32
      %dma_start3A_167 = tpu.memref_slice %arg12[%add3A_20, %dma_start3A_166] : memref<10112x128xf32, #tpu.memory_space<vmem_shared>> -> memref<128x128xf32, #tpu.memory_space<vmem_shared>>
      %dma_start3A_168 = arith.constant 0 : i32
      %dma_start3A_169 = tpu.memref_slice %arg12[%add3A_20, %dma_start3A_168] : memref<10112x128xf32, #tpu.memory_space<vmem_shared>> -> memref<128x128xf32, #tpu.memory_space<vmem_shared>>
      tpu.enqueue_dma source(%arg21 : memref<128x128xf32, #tpu.memory_space<vmem>>) target(%dma_start3A_169 : memref<128x128xf32, #tpu.memory_space<vmem_shared>>) target_semaphore(%run_scoped3A_165 : memref<!tpu.dma_semaphore, #tpu.memory_space<semaphore_mem>>)
      %dma_wait3A_170 = arith.constant 0 : i32
      %dma_wait3A_171 = tpu.memref_slice %arg12[%add3A_20, %dma_wait3A_170] : memref<10112x128xf32, #tpu.memory_space<vmem_shared>> -> memref<128x128xf32, #tpu.memory_space<vmem_shared>>
      %dma_wait3A_172 = arith.constant 0 : i32
      %dma_wait3A_173 = tpu.memref_slice %arg12[%add3A_20, %dma_wait3A_172] : memref<10112x128xf32, #tpu.memory_space<vmem_shared>> -> memref<128x128xf32, #tpu.memory_space<vmem_shared>>
      tpu.wait_dma2 semaphore(%run_scoped3A_165 : memref<!tpu.dma_semaphore, #tpu.memory_space<semaphore_mem>>) src(%arg21 : memref<128x128xf32, #tpu.memory_space<vmem>>) dst(%dma_wait3A_173 : memref<128x128xf32, #tpu.memory_space<vmem_shared>>)
      tpu.yield
    }) : () -> ()
    %add3A_21 = arith.constant 384 : i32
    %add3A_22 = arith.addi %mul3A_16, %add3A_21 : i32
    "tpu.region"() ({
      %run_scoped3A_165 = tpu.sem_alloc : memref<!tpu.dma_semaphore, #tpu.memory_space<semaphore_mem>>
      %dma_start3A_166 = arith.constant 0 : i32
      %dma_start3A_167 = tpu.memref_slice %arg12[%add3A_22, %dma_start3A_166] : memref<10112x128xf32, #tpu.memory_space<vmem_shared>> -> memref<128x128xf32, #tpu.memory_space<vmem_shared>>
      %dma_start3A_168 = arith.constant 0 : i32
      %dma_start3A_169 = tpu.memref_slice %arg12[%add3A_22, %dma_start3A_168] : memref<10112x128xf32, #tpu.memory_space<vmem_shared>> -> memref<128x128xf32, #tpu.memory_space<vmem_shared>>
      tpu.enqueue_dma source(%arg21 : memref<128x128xf32, #tpu.memory_space<vmem>>) target(%dma_start3A_169 : memref<128x128xf32, #tpu.memory_space<vmem_shared>>) target_semaphore(%run_scoped3A_165 : memref<!tpu.dma_semaphore, #tpu.memory_space<semaphore_mem>>)
      %dma_wait3A_170 = arith.constant 0 : i32
      %dma_wait3A_171 = tpu.memref_slice %arg12[%add3A_22, %dma_wait3A_170] : memref<10112x128xf32, #tpu.memory_space<vmem_shared>> -> memref<128x128xf32, #tpu.memory_space<vmem_shared>>
      %dma_wait3A_172 = arith.constant 0 : i32
      %dma_wait3A_173 = tpu.memref_slice %arg12[%add3A_22, %dma_wait3A_172] : memref<10112x128xf32, #tpu.memory_space<vmem_shared>> -> memref<128x128xf32, #tpu.memory_space<vmem_shared>>
      tpu.wait_dma2 semaphore(%run_scoped3A_165 : memref<!tpu.dma_semaphore, #tpu.memory_space<semaphore_mem>>) src(%arg21 : memref<128x128xf32, #tpu.memory_space<vmem>>) dst(%dma_wait3A_173 : memref<128x128xf32, #tpu.memory_space<vmem_shared>>)
      tpu.yield
    }) : () -> ()
    %add3A_23 = arith.constant 512 : i32
    %add3A_24 = arith.addi %mul3A_16, %add3A_23 : i32
    "tpu.region"() ({
      %run_scoped3A_165 = tpu.sem_alloc : memref<!tpu.dma_semaphore, #tpu.memory_space<semaphore_mem>>
      %dma_start3A_166 = arith.constant 0 : i32
      %dma_start3A_167 = arith.constant 0 : i32
      %dma_start3A_168 = tpu.memref_slice %arg21[%dma_start3A_166, %dma_start3A_167] : memref<128x128xf32, #tpu.memory_space<vmem>> -> memref<120x128xf32, #tpu.memory_space<vmem>>
      %dma_start3A_169 = arith.constant 0 : i32
      %dma_start3A_170 = tpu.memref_slice %arg12[%add3A_24, %dma_start3A_169] : memref<10112x128xf32, #tpu.memory_space<vmem_shared>> -> memref<120x128xf32, #tpu.memory_space<vmem_shared>>
      %dma_start3A_171 = arith.constant 0 : i32
      %dma_start3A_172 = tpu.memref_slice %arg12[%add3A_24, %dma_start3A_171] : memref<10112x128xf32, #tpu.memory_space<vmem_shared>> -> memref<120x128xf32, #tpu.memory_space<vmem_shared>>
      %dma_start3A_173 = arith.constant 0 : i32
      %dma_start3A_174 = arith.constant 0 : i32
      %dma_start3A_175 = tpu.memref_slice %arg21[%dma_start3A_173, %dma_start3A_174] : memref<128x128xf32, #tpu.memory_space<vmem>> -> memref<120x128xf32, #tpu.memory_space<vmem>>
      tpu.enqueue_dma source(%dma_start3A_175 : memref<120x128xf32, #tpu.memory_space<vmem>>) target(%dma_start3A_172 : memref<120x128xf32, #tpu.memory_space<vmem_shared>>) target_semaphore(%run_scoped3A_165 : memref<!tpu.dma_semaphore, #tpu.memory_space<semaphore_mem>>)
      %dma_wait3A_176 = arith.constant 0 : i32
      %dma_wait3A_177 = arith.constant 0 : i32
      %dma_wait3A_178 = tpu.memref_slice %arg21[%dma_wait3A_176, %dma_wait3A_177] : memref<128x128xf32, #tpu.memory_space<vmem>> -> memref<120x128xf32, #tpu.memory_space<vmem>>
      %dma_wait3A_179 = arith.constant 0 : i32
      %dma_wait3A_180 = tpu.memref_slice %arg12[%add3A_24, %dma_wait3A_179] : memref<10112x128xf32, #tpu.memory_space<vmem_shared>> -> memref<120x128xf32, #tpu.memory_space<vmem_shared>>
      %dma_wait3A_181 = arith.constant 0 : i32
      %dma_wait3A_182 = tpu.memref_slice %arg12[%add3A_24, %dma_wait3A_181] : memref<10112x128xf32, #tpu.memory_space<vmem_shared>> -> memref<120x128xf32, #tpu.memory_space<vmem_shared>>
      %dma_wait3A_183 = arith.constant 0 : i32
      %dma_wait3A_184 = arith.constant 0 : i32
      %dma_wait3A_185 = tpu.memref_slice %arg21[%dma_wait3A_183, %dma_wait3A_184] : memref<128x128xf32, #tpu.memory_space<vmem>> -> memref<120x128xf32, #tpu.memory_space<vmem>>
      tpu.wait_dma2 semaphore(%run_scoped3A_165 : memref<!tpu.dma_semaphore, #tpu.memory_space<semaphore_mem>>) src(%dma_wait3A_185 : memref<120x128xf32, #tpu.memory_space<vmem>>) dst(%dma_wait3A_182 : memref<120x128xf32, #tpu.memory_space<vmem_shared>>)
      tpu.yield
    }) : () -> ()
    %get3A = arith.constant 0 : index
    %get3A_25 = tpu.vector_load %arg23[%get3A] {strides = array<i32>} : memref<16xf32, #tpu.memory_space<vmem>>, vector<16xf32>,
    %get3A_26 = arith.constant 0 : index
    %get3A_27 = tpu.vector_load %arg24[%get3A_26] {strides = array<i32>} : memref<16xi32, #tpu.memory_space<vmem>>, vector<16xi32>,
    %barrier3A = arith.constant 0 : index
    tpu.barrier barrier_id(%barrier3A)
    %run_scoped3A = arith.constant 0 : i32
    %run_scoped3A_28 = arith.constant 0 : i32
    "tpu.region"() ({
      %run_scoped3A_165 = tpu.sem_alloc : memref<!tpu.dma_semaphore, #tpu.memory_space<semaphore_mem>>
      %dma_start3A_166 = arith.constant 0 : i32
      %dma_start3A_167 = arith.constant 0 : i32
      %dma_start3A_168 = tpu.memref_slice %arg13[%run_scoped3A_28, %dma_start3A_166, %dma_start3A_167] : memref<2x8x128xi32, #tpu.memory_space<vmem>> -> memref<1x8x128xi32, #tpu.memory_space<vmem>>
      %dma_start3A_169 = tpu.memref_squeeze %dma_start3A_168 : memref<1x8x128xi32, #tpu.memory_space<vmem>> -> memref<8x128xi32, #tpu.memory_space<vmem>>
      %dma_start3A_170 = arith.constant 0 : i32
      %dma_start3A_171 = arith.constant 0 : i32
      %dma_start3A_172 = tpu.memref_slice %arg5[%add3A, %run_scoped3A, %dma_start3A_170, %dma_start3A_171] : memref<32x10x8x128xi32, #tpu.memory_space<hbm>> -> memref<1x1x8x128xi32, #tpu.memory_space<hbm>>
      %dma_start3A_173 = tpu.memref_squeeze %dma_start3A_172 : memref<1x1x8x128xi32, #tpu.memory_space<hbm>> -> memref<8x128xi32, #tpu.memory_space<hbm>>
      %dma_start3A_174 = arith.constant 0 : i32
      %dma_start3A_175 = arith.constant 0 : i32
      %dma_start3A_176 = tpu.memref_slice %arg13[%run_scoped3A_28, %dma_start3A_174, %dma_start3A_175] : memref<2x8x128xi32, #tpu.memory_space<vmem>> -> memref<1x8x128xi32, #tpu.memory_space<vmem>>
      %dma_start3A_177 = tpu.memref_squeeze %dma_start3A_176 : memref<1x8x128xi32, #tpu.memory_space<vmem>> -> memref<8x128xi32, #tpu.memory_space<vmem>>
      %dma_start3A_178 = arith.constant 0 : i32
      %dma_start3A_179 = arith.constant 0 : i32
      %dma_start3A_180 = tpu.memref_slice %arg5[%add3A, %run_scoped3A, %dma_start3A_178, %dma_start3A_179] : memref<32x10x8x128xi32, #tpu.memory_space<hbm>> -> memref<1x1x8x128xi32, #tpu.memory_space<hbm>>
      %dma_start3A_181 = tpu.memref_squeeze %dma_start3A_180 : memref<1x1x8x128xi32, #tpu.memory_space<hbm>> -> memref<8x128xi32, #tpu.memory_space<hbm>>
      tpu.enqueue_dma source(%dma_start3A_181 : memref<8x128xi32, #tpu.memory_space<hbm>>) target(%dma_start3A_177 : memref<8x128xi32, #tpu.memory_space<vmem>>) target_semaphore(%run_scoped3A_165 : memref<!tpu.dma_semaphore, #tpu.memory_space<semaphore_mem>>)
      %dma_wait3A_182 = arith.constant 0 : i32
      %dma_wait3A_183 = arith.constant 0 : i32
      %dma_wait3A_184 = tpu.memref_slice %arg13[%run_scoped3A_28, %dma_wait3A_182, %dma_wait3A_183] : memref<2x8x128xi32, #tpu.memory_space<vmem>> -> memref<1x8x128xi32, #tpu.memory_space<vmem>>
      %dma_wait3A_185 = tpu.memref_squeeze %dma_wait3A_184 : memref<1x8x128xi32, #tpu.memory_space<vmem>> -> memref<8x128xi32, #tpu.memory_space<vmem>>
      %dma_wait3A_186 = arith.constant 0 : i32
      %dma_wait3A_187 = arith.constant 0 : i32
      %dma_wait3A_188 = tpu.memref_slice %arg5[%add3A, %run_scoped3A, %dma_wait3A_186, %dma_wait3A_187] : memref<32x10x8x128xi32, #tpu.memory_space<hbm>> -> memref<1x1x8x128xi32, #tpu.memory_space<hbm>>
      %dma_wait3A_189 = tpu.memref_squeeze %dma_wait3A_188 : memref<1x1x8x128xi32, #tpu.memory_space<hbm>> -> memref<8x128xi32, #tpu.memory_space<hbm>>
      %dma_wait3A_190 = arith.constant 0 : i32
      %dma_wait3A_191 = arith.constant 0 : i32
      %dma_wait3A_192 = tpu.memref_slice %arg13[%run_scoped3A_28, %dma_wait3A_190, %dma_wait3A_191] : memref<2x8x128xi32, #tpu.memory_space<vmem>> -> memref<1x8x128xi32, #tpu.memory_space<vmem>>
      %dma_wait3A_193 = tpu.memref_squeeze %dma_wait3A_192 : memref<1x8x128xi32, #tpu.memory_space<vmem>> -> memref<8x128xi32, #tpu.memory_space<vmem>>
      %dma_wait3A_194 = arith.constant 0 : i32
      %dma_wait3A_195 = arith.constant 0 : i32
      %dma_wait3A_196 = tpu.memref_slice %arg5[%add3A, %run_scoped3A, %dma_wait3A_194, %dma_wait3A_195] : memref<32x10x8x128xi32, #tpu.memory_space<hbm>> -> memref<1x1x8x128xi32, #tpu.memory_space<hbm>>
      %dma_wait3A_197 = tpu.memref_squeeze %dma_wait3A_196 : memref<1x1x8x128xi32, #tpu.memory_space<hbm>> -> memref<8x128xi32, #tpu.memory_space<hbm>>
      tpu.wait_dma2 semaphore(%run_scoped3A_165 : memref<!tpu.dma_semaphore, #tpu.memory_space<semaphore_mem>>) src(%dma_wait3A_197 : memref<8x128xi32, #tpu.memory_space<hbm>>) dst(%dma_wait3A_193 : memref<8x128xi32, #tpu.memory_space<vmem>>)
      tpu.yield
    }) : () -> ()
    %run_scoped3A_29 = arith.constant 0 : i32
    %run_scoped3A_30 = arith.constant 0 : i32
    "tpu.region"() ({
      %run_scoped3A_165 = tpu.sem_alloc : memref<!tpu.dma_semaphore, #tpu.memory_space<semaphore_mem>>
      %dma_start3A_166 = arith.constant 0 : i32
      %dma_start3A_167 = arith.constant 0 : i32
      %dma_start3A_168 = tpu.memref_slice %arg14[%run_scoped3A_30, %dma_start3A_166, %dma_start3A_167] : memref<2x8x128xi32, #tpu.memory_space<vmem>> -> memref<1x8x128xi32, #tpu.memory_space<vmem>>
      %dma_start3A_169 = tpu.memref_squeeze %dma_start3A_168 : memref<1x8x128xi32, #tpu.memory_space<vmem>> -> memref<8x128xi32, #tpu.memory_space<vmem>>
      %dma_start3A_170 = arith.constant 0 : i32
      %dma_start3A_171 = arith.constant 0 : i32
      %dma_start3A_172 = tpu.memref_slice %arg6[%add3A, %run_scoped3A_29, %dma_start3A_170, %dma_start3A_171] : memref<32x10x8x128xi32, #tpu.memory_space<hbm>> -> memref<1x1x8x128xi32, #tpu.memory_space<hbm>>
      %dma_start3A_173 = tpu.memref_squeeze %dma_start3A_172 : memref<1x1x8x128xi32, #tpu.memory_space<hbm>> -> memref<8x128xi32, #tpu.memory_space<hbm>>
      %dma_start3A_174 = arith.constant 0 : i32
      %dma_start3A_175 = arith.constant 0 : i32
      %dma_start3A_176 = tpu.memref_slice %arg14[%run_scoped3A_30, %dma_start3A_174, %dma_start3A_175] : memref<2x8x128xi32, #tpu.memory_space<vmem>> -> memref<1x8x128xi32, #tpu.memory_space<vmem>>
      %dma_start3A_177 = tpu.memref_squeeze %dma_start3A_176 : memref<1x8x128xi32, #tpu.memory_space<vmem>> -> memref<8x128xi32, #tpu.memory_space<vmem>>
      %dma_start3A_178 = arith.constant 0 : i32
      %dma_start3A_179 = arith.constant 0 : i32
      %dma_start3A_180 = tpu.memref_slice %arg6[%add3A, %run_scoped3A_29, %dma_start3A_178, %dma_start3A_179] : memref<32x10x8x128xi32, #tpu.memory_space<hbm>> -> memref<1x1x8x128xi32, #tpu.memory_space<hbm>>
      %dma_start3A_181 = tpu.memref_squeeze %dma_start3A_180 : memref<1x1x8x128xi32, #tpu.memory_space<hbm>> -> memref<8x128xi32, #tpu.memory_space<hbm>>
      tpu.enqueue_dma source(%dma_start3A_181 : memref<8x128xi32, #tpu.memory_space<hbm>>) target(%dma_start3A_177 : memref<8x128xi32, #tpu.memory_space<vmem>>) target_semaphore(%run_scoped3A_165 : memref<!tpu.dma_semaphore, #tpu.memory_space<semaphore_mem>>)
      %dma_wait3A_182 = arith.constant 0 : i32
      %dma_wait3A_183 = arith.constant 0 : i32
      %dma_wait3A_184 = tpu.memref_slice %arg14[%run_scoped3A_30, %dma_wait3A_182, %dma_wait3A_183] : memref<2x8x128xi32, #tpu.memory_space<vmem>> -> memref<1x8x128xi32, #tpu.memory_space<vmem>>
      %dma_wait3A_185 = tpu.memref_squeeze %dma_wait3A_184 : memref<1x8x128xi32, #tpu.memory_space<vmem>> -> memref<8x128xi32, #tpu.memory_space<vmem>>
      %dma_wait3A_186 = arith.constant 0 : i32
      %dma_wait3A_187 = arith.constant 0 : i32
      %dma_wait3A_188 = tpu.memref_slice %arg6[%add3A, %run_scoped3A_29, %dma_wait3A_186, %dma_wait3A_187] : memref<32x10x8x128xi32, #tpu.memory_space<hbm>> -> memref<1x1x8x128xi32, #tpu.memory_space<hbm>>
      %dma_wait3A_189 = tpu.memref_squeeze %dma_wait3A_188 : memref<1x1x8x128xi32, #tpu.memory_space<hbm>> -> memref<8x128xi32, #tpu.memory_space<hbm>>
      %dma_wait3A_190 = arith.constant 0 : i32
      %dma_wait3A_191 = arith.constant 0 : i32
      %dma_wait3A_192 = tpu.memref_slice %arg14[%run_scoped3A_30, %dma_wait3A_190, %dma_wait3A_191] : memref<2x8x128xi32, #tpu.memory_space<vmem>> -> memref<1x8x128xi32, #tpu.memory_space<vmem>>
      %dma_wait3A_193 = tpu.memref_squeeze %dma_wait3A_192 : memref<1x8x128xi32, #tpu.memory_space<vmem>> -> memref<8x128xi32, #tpu.memory_space<vmem>>
      %dma_wait3A_194 = arith.constant 0 : i32
      %dma_wait3A_195 = arith.constant 0 : i32
      %dma_wait3A_196 = tpu.memref_slice %arg6[%add3A, %run_scoped3A_29, %dma_wait3A_194, %dma_wait3A_195] : memref<32x10x8x128xi32, #tpu.memory_space<hbm>> -> memref<1x1x8x128xi32, #tpu.memory_space<hbm>>
      %dma_wait3A_197 = tpu.memref_squeeze %dma_wait3A_196 : memref<1x1x8x128xi32, #tpu.memory_space<hbm>> -> memref<8x128xi32, #tpu.memory_space<hbm>>
      tpu.wait_dma2 semaphore(%run_scoped3A_165 : memref<!tpu.dma_semaphore, #tpu.memory_space<semaphore_mem>>) src(%dma_wait3A_197 : memref<8x128xi32, #tpu.memory_space<hbm>>) dst(%dma_wait3A_193 : memref<8x128xi32, #tpu.memory_space<vmem>>)
      tpu.yield
    }) : () -> ()
    %run_scoped3A_31 = arith.constant 0 : i32
    %run_scoped3A_32 = arith.constant 0 : i32
    "tpu.region"() ({
      %run_scoped3A_165 = tpu.sem_alloc : memref<!tpu.dma_semaphore, #tpu.memory_space<semaphore_mem>>
      %dma_start3A_166 = arith.constant 0 : i32
      %dma_start3A_167 = arith.constant 0 : i32
      %dma_start3A_168 = tpu.memref_slice %arg15[%run_scoped3A_32, %dma_start3A_166, %dma_start3A_167] : memref<2x8x128xi32, #tpu.memory_space<vmem>> -> memref<1x8x128xi32, #tpu.memory_space<vmem>>
      %dma_start3A_169 = tpu.memref_squeeze %dma_start3A_168 : memref<1x8x128xi32, #tpu.memory_space<vmem>> -> memref<8x128xi32, #tpu.memory_space<vmem>>
      %dma_start3A_170 = arith.constant 0 : i32
      %dma_start3A_171 = arith.constant 0 : i32
      %dma_start3A_172 = tpu.memref_slice %arg7[%add3A, %run_scoped3A_31, %dma_start3A_170, %dma_start3A_171] : memref<32x10x8x128xi32, #tpu.memory_space<hbm>> -> memref<1x1x8x128xi32, #tpu.memory_space<hbm>>
      %dma_start3A_173 = tpu.memref_squeeze %dma_start3A_172 : memref<1x1x8x128xi32, #tpu.memory_space<hbm>> -> memref<8x128xi32, #tpu.memory_space<hbm>>
      %dma_start3A_174 = arith.constant 0 : i32
      %dma_start3A_175 = arith.constant 0 : i32
      %dma_start3A_176 = tpu.memref_slice %arg15[%run_scoped3A_32, %dma_start3A_174, %dma_start3A_175] : memref<2x8x128xi32, #tpu.memory_space<vmem>> -> memref<1x8x128xi32, #tpu.memory_space<vmem>>
      %dma_start3A_177 = tpu.memref_squeeze %dma_start3A_176 : memref<1x8x128xi32, #tpu.memory_space<vmem>> -> memref<8x128xi32, #tpu.memory_space<vmem>>
      %dma_start3A_178 = arith.constant 0 : i32
      %dma_start3A_179 = arith.constant 0 : i32
      %dma_start3A_180 = tpu.memref_slice %arg7[%add3A, %run_scoped3A_31, %dma_start3A_178, %dma_start3A_179] : memref<32x10x8x128xi32, #tpu.memory_space<hbm>> -> memref<1x1x8x128xi32, #tpu.memory_space<hbm>>
      %dma_start3A_181 = tpu.memref_squeeze %dma_start3A_180 : memref<1x1x8x128xi32, #tpu.memory_space<hbm>> -> memref<8x128xi32, #tpu.memory_space<hbm>>
      tpu.enqueue_dma source(%dma_start3A_181 : memref<8x128xi32, #tpu.memory_space<hbm>>) target(%dma_start3A_177 : memref<8x128xi32, #tpu.memory_space<vmem>>) target_semaphore(%run_scoped3A_165 : memref<!tpu.dma_semaphore, #tpu.memory_space<semaphore_mem>>)
      %dma_wait3A_182 = arith.constant 0 : i32
      %dma_wait3A_183 = arith.constant 0 : i32
      %dma_wait3A_184 = tpu.memref_slice %arg15[%run_scoped3A_32, %dma_wait3A_182, %dma_wait3A_183] : memref<2x8x128xi32, #tpu.memory_space<vmem>> -> memref<1x8x128xi32, #tpu.memory_space<vmem>>
      %dma_wait3A_185 = tpu.memref_squeeze %dma_wait3A_184 : memref<1x8x128xi32, #tpu.memory_space<vmem>> -> memref<8x128xi32, #tpu.memory_space<vmem>>
      %dma_wait3A_186 = arith.constant 0 : i32
      %dma_wait3A_187 = arith.constant 0 : i32
      %dma_wait3A_188 = tpu.memref_slice %arg7[%add3A, %run_scoped3A_31, %dma_wait3A_186, %dma_wait3A_187] : memref<32x10x8x128xi32, #tpu.memory_space<hbm>> -> memref<1x1x8x128xi32, #tpu.memory_space<hbm>>
      %dma_wait3A_189 = tpu.memref_squeeze %dma_wait3A_188 : memref<1x1x8x128xi32, #tpu.memory_space<hbm>> -> memref<8x128xi32, #tpu.memory_space<hbm>>
      %dma_wait3A_190 = arith.constant 0 : i32
      %dma_wait3A_191 = arith.constant 0 : i32
      %dma_wait3A_192 = tpu.memref_slice %arg15[%run_scoped3A_32, %dma_wait3A_190, %dma_wait3A_191] : memref<2x8x128xi32, #tpu.memory_space<vmem>> -> memref<1x8x128xi32, #tpu.memory_space<vmem>>
      %dma_wait3A_193 = tpu.memref_squeeze %dma_wait3A_192 : memref<1x8x128xi32, #tpu.memory_space<vmem>> -> memref<8x128xi32, #tpu.memory_space<vmem>>
      %dma_wait3A_194 = arith.constant 0 : i32
      %dma_wait3A_195 = arith.constant 0 : i32
      %dma_wait3A_196 = tpu.memref_slice %arg7[%add3A, %run_scoped3A_31, %dma_wait3A_194, %dma_wait3A_195] : memref<32x10x8x128xi32, #tpu.memory_space<hbm>> -> memref<1x1x8x128xi32, #tpu.memory_space<hbm>>
      %dma_wait3A_197 = tpu.memref_squeeze %dma_wait3A_196 : memref<1x1x8x128xi32, #tpu.memory_space<hbm>> -> memref<8x128xi32, #tpu.memory_space<hbm>>
      tpu.wait_dma2 semaphore(%run_scoped3A_165 : memref<!tpu.dma_semaphore, #tpu.memory_space<semaphore_mem>>) src(%dma_wait3A_197 : memref<8x128xi32, #tpu.memory_space<hbm>>) dst(%dma_wait3A_193 : memref<8x128xi32, #tpu.memory_space<vmem>>)
      tpu.yield
    }) : () -> ()
    %dma_start3A = arith.constant 1 : i32
    %dma_start3A_33 = arith.constant 1 : i32
    %dma_start3A_34 = arith.constant 0 : i32
    %dma_start3A_35 = arith.constant 0 : i32
    %dma_start3A_36 = tpu.memref_slice %arg13[%dma_start3A_33, %dma_start3A_34, %dma_start3A_35] : memref<2x8x128xi32, #tpu.memory_space<vmem>> -> memref<1x8x128xi32, #tpu.memory_space<vmem>>
    %dma_start3A_37 = tpu.memref_squeeze %dma_start3A_36 : memref<1x8x128xi32, #tpu.memory_space<vmem>> -> memref<8x128xi32, #tpu.memory_space<vmem>>
    %dma_start3A_38 = arith.constant 0 : i32
    %dma_start3A_39 = arith.constant 0 : i32
    %dma_start3A_40 = tpu.memref_slice %arg5[%add3A, %dma_start3A, %dma_start3A_38, %dma_start3A_39] : memref<32x10x8x128xi32, #tpu.memory_space<hbm>> -> memref<1x1x8x128xi32, #tpu.memory_space<hbm>>
    %dma_start3A_41 = tpu.memref_squeeze %dma_start3A_40 : memref<1x1x8x128xi32, #tpu.memory_space<hbm>> -> memref<8x128xi32, #tpu.memory_space<hbm>>
    %dma_start3A_42 = arith.constant 0 : i32
    %dma_start3A_43 = arith.constant 0 : i32
    %dma_start3A_44 = tpu.memref_slice %arg13[%dma_start3A_33, %dma_start3A_42, %dma_start3A_43] : memref<2x8x128xi32, #tpu.memory_space<vmem>> -> memref<1x8x128xi32, #tpu.memory_space<vmem>>
    %dma_start3A_45 = tpu.memref_squeeze %dma_start3A_44 : memref<1x8x128xi32, #tpu.memory_space<vmem>> -> memref<8x128xi32, #tpu.memory_space<vmem>>
    %dma_start3A_46 = arith.constant 0 : i32
    %dma_start3A_47 = arith.constant 0 : i32
    %dma_start3A_48 = tpu.memref_slice %arg5[%add3A, %dma_start3A, %dma_start3A_46, %dma_start3A_47] : memref<32x10x8x128xi32, #tpu.memory_space<hbm>> -> memref<1x1x8x128xi32, #tpu.memory_space<hbm>>
    %dma_start3A_49 = tpu.memref_squeeze %dma_start3A_48 : memref<1x1x8x128xi32, #tpu.memory_space<hbm>> -> memref<8x128xi32, #tpu.memory_space<hbm>>
    tpu.enqueue_dma source(%dma_start3A_49 : memref<8x128xi32, #tpu.memory_space<hbm>>) target(%dma_start3A_45 : memref<8x128xi32, #tpu.memory_space<vmem>>) target_semaphore(%arg31 : memref<!tpu.dma_semaphore, #tpu.memory_space<semaphore_mem>>)
    %dma_start3A_50 = arith.constant 1 : i32
    %dma_start3A_51 = arith.constant 1 : i32
    %dma_start3A_52 = arith.constant 0 : i32
    %dma_start3A_53 = arith.constant 0 : i32
    %dma_start3A_54 = tpu.memref_slice %arg14[%dma_start3A_51, %dma_start3A_52, %dma_start3A_53] : memref<2x8x128xi32, #tpu.memory_space<vmem>> -> memref<1x8x128xi32, #tpu.memory_space<vmem>>
    %dma_start3A_55 = tpu.memref_squeeze %dma_start3A_54 : memref<1x8x128xi32, #tpu.memory_space<vmem>> -> memref<8x128xi32, #tpu.memory_space<vmem>>
    %dma_start3A_56 = arith.constant 0 : i32
    %dma_start3A_57 = arith.constant 0 : i32
    %dma_start3A_58 = tpu.memref_slice %arg6[%add3A, %dma_start3A_50, %dma_start3A_56, %dma_start3A_57] : memref<32x10x8x128xi32, #tpu.memory_space<hbm>> -> memref<1x1x8x128xi32, #tpu.memory_space<hbm>>
    %dma_start3A_59 = tpu.memref_squeeze %dma_start3A_58 : memref<1x1x8x128xi32, #tpu.memory_space<hbm>> -> memref<8x128xi32, #tpu.memory_space<hbm>>
    %dma_start3A_60 = arith.constant 0 : i32
    %dma_start3A_61 = arith.constant 0 : i32
    %dma_start3A_62 = tpu.memref_slice %arg14[%dma_start3A_51, %dma_start3A_60, %dma_start3A_61] : memref<2x8x128xi32, #tpu.memory_space<vmem>> -> memref<1x8x128xi32, #tpu.memory_space<vmem>>
    %dma_start3A_63 = tpu.memref_squeeze %dma_start3A_62 : memref<1x8x128xi32, #tpu.memory_space<vmem>> -> memref<8x128xi32, #tpu.memory_space<vmem>>
    %dma_start3A_64 = arith.constant 0 : i32
    %dma_start3A_65 = arith.constant 0 : i32
    %dma_start3A_66 = tpu.memref_slice %arg6[%add3A, %dma_start3A_50, %dma_start3A_64, %dma_start3A_65] : memref<32x10x8x128xi32, #tpu.memory_space<hbm>> -> memref<1x1x8x128xi32, #tpu.memory_space<hbm>>
    %dma_start3A_67 = tpu.memref_squeeze %dma_start3A_66 : memref<1x1x8x128xi32, #tpu.memory_space<hbm>> -> memref<8x128xi32, #tpu.memory_space<hbm>>
    tpu.enqueue_dma source(%dma_start3A_67 : memref<8x128xi32, #tpu.memory_space<hbm>>) target(%dma_start3A_63 : memref<8x128xi32, #tpu.memory_space<vmem>>) target_semaphore(%arg31 : memref<!tpu.dma_semaphore, #tpu.memory_space<semaphore_mem>>)
    %dma_start3A_68 = arith.constant 1 : i32
    %dma_start3A_69 = arith.constant 1 : i32
    %dma_start3A_70 = arith.constant 0 : i32
    %dma_start3A_71 = arith.constant 0 : i32
    %dma_start3A_72 = tpu.memref_slice %arg15[%dma_start3A_69, %dma_start3A_70, %dma_start3A_71] : memref<2x8x128xi32, #tpu.memory_space<vmem>> -> memref<1x8x128xi32, #tpu.memory_space<vmem>>
    %dma_start3A_73 = tpu.memref_squeeze %dma_start3A_72 : memref<1x8x128xi32, #tpu.memory_space<vmem>> -> memref<8x128xi32, #tpu.memory_space<vmem>>
    %dma_start3A_74 = arith.constant 0 : i32
    %dma_start3A_75 = arith.constant 0 : i32
    %dma_start3A_76 = tpu.memref_slice %arg7[%add3A, %dma_start3A_68, %dma_start3A_74, %dma_start3A_75] : memref<32x10x8x128xi32, #tpu.memory_space<hbm>> -> memref<1x1x8x128xi32, #tpu.memory_space<hbm>>
    %dma_start3A_77 = tpu.memref_squeeze %dma_start3A_76 : memref<1x1x8x128xi32, #tpu.memory_space<hbm>> -> memref<8x128xi32, #tpu.memory_space<hbm>>
    %dma_start3A_78 = arith.constant 0 : i32
    %dma_start3A_79 = arith.constant 0 : i32
    %dma_start3A_80 = tpu.memref_slice %arg15[%dma_start3A_69, %dma_start3A_78, %dma_start3A_79] : memref<2x8x128xi32, #tpu.memory_space<vmem>> -> memref<1x8x128xi32, #tpu.memory_space<vmem>>
    %dma_start3A_81 = tpu.memref_squeeze %dma_start3A_80 : memref<1x8x128xi32, #tpu.memory_space<vmem>> -> memref<8x128xi32, #tpu.memory_space<vmem>>
    %dma_start3A_82 = arith.constant 0 : i32
    %dma_start3A_83 = arith.constant 0 : i32
    %dma_start3A_84 = tpu.memref_slice %arg7[%add3A, %dma_start3A_68, %dma_start3A_82, %dma_start3A_83] : memref<32x10x8x128xi32, #tpu.memory_space<hbm>> -> memref<1x1x8x128xi32, #tpu.memory_space<hbm>>
    %dma_start3A_85 = tpu.memref_squeeze %dma_start3A_84 : memref<1x1x8x128xi32, #tpu.memory_space<hbm>> -> memref<8x128xi32, #tpu.memory_space<hbm>>
    tpu.enqueue_dma source(%dma_start3A_85 : memref<8x128xi32, #tpu.memory_space<hbm>>) target(%dma_start3A_81 : memref<8x128xi32, #tpu.memory_space<vmem>>) target_semaphore(%arg31 : memref<!tpu.dma_semaphore, #tpu.memory_space<semaphore_mem>>)
    %dma_start3A_86 = arith.constant 0 : i32
    %dma_start3A_87 = arith.constant 0 : i32
    %dma_start3A_88 = arith.constant 0 : i32
    %dma_start3A_89 = tpu.memref_slice %arg13[%dma_start3A_86, %dma_start3A_87, %dma_start3A_88] : memref<2x8x128xi32, #tpu.memory_space<vmem>> -> memref<1x1x128xi32, #tpu.memory_space<vmem>>
    %dma_start3A_90 = tpu.memref_squeeze %dma_start3A_89 : memref<1x1x128xi32, #tpu.memory_space<vmem>> -> memref<128xi32, #tpu.memory_space<vmem>>
    %dma_start3A_91 = arith.constant 0 : i32
    %dma_start3A_92 = tpu.memref_slice %arg3[%dma_start3A_91] : memref<10112xf32, #tpu.memory_space<hbm>> -> memref<10112xf32, #tpu.memory_space<hbm>>
    tpu.enqueue_indirect_dma source(%dma_start3A_92 : memref<10112xf32, #tpu.memory_space<hbm>>) target(%arg16 : memref<128xf32, #tpu.memory_space<vmem>>) offsets(%dma_start3A_90 : memref<128xi32, #tpu.memory_space<vmem>>) semaphore(%arg27 : memref<!tpu.dma_semaphore, #tpu.memory_space<semaphore_mem>>)
    %dma_start3A_93 = arith.constant 0 : i32
    %dma_start3A_94 = arith.constant 0 : i32
    %dma_start3A_95 = arith.constant 0 : i32
    %dma_start3A_96 = tpu.memref_slice %arg14[%dma_start3A_93, %dma_start3A_94, %dma_start3A_95] : memref<2x8x128xi32, #tpu.memory_space<vmem>> -> memref<1x1x128xi32, #tpu.memory_space<vmem>>
    %dma_start3A_97 = tpu.memref_squeeze %dma_start3A_96 : memref<1x1x128xi32, #tpu.memory_space<vmem>> -> memref<128xi32, #tpu.memory_space<vmem>>
    %dma_start3A_98 = arith.constant 0 : i32
    %dma_start3A_99 = tpu.memref_slice %arg4[%dma_start3A_98] : memref<10112xf32, #tpu.memory_space<hbm>> -> memref<10112xf32, #tpu.memory_space<hbm>>
    tpu.enqueue_indirect_dma source(%dma_start3A_99 : memref<10112xf32, #tpu.memory_space<hbm>>) target(%arg17 : memref<128xf32, #tpu.memory_space<vmem>>) offsets(%dma_start3A_97 : memref<128xi32, #tpu.memory_space<vmem>>) semaphore(%arg27 : memref<!tpu.dma_semaphore, #tpu.memory_space<semaphore_mem>>)
    %dma_start3A_100 = arith.constant 0 : i32
    %dma_start3A_101 = arith.constant 0 : i32
    %dma_start3A_102 = arith.constant 0 : i32
    %dma_start3A_103 = arith.constant 0 : i32
    %dma_start3A_104 = tpu.memref_slice %arg21[%dma_start3A_102, %dma_start3A_103] : memref<128x128xf32, #tpu.memory_space<vmem>> -> memref<32x128xf32, #tpu.memory_space<vmem>>
    %dma_start3A_105 = arith.constant 0 : i32
    %dma_start3A_106 = tpu.memref_slice %arg13[%dma_start3A_100, %dma_start3A_101, %dma_start3A_105] : memref<2x8x128xi32, #tpu.memory_space<vmem>> -> memref<1x1x32xi32, #tpu.memory_space<vmem>>
    %dma_start3A_107 = tpu.memref_squeeze %dma_start3A_106 : memref<1x1x32xi32, #tpu.memory_space<vmem>> -> memref<32xi32, #tpu.memory_space<vmem>>
    %dma_start3A_108 = arith.constant 0 : i32
    %dma_start3A_109 = arith.constant 0 : i32
    %dma_start3A_110 = tpu.memref_slice %arg2[%dma_start3A_108, %dma_start3A_109] : memref<10000x128xf32, #tpu.memory_space<hbm>> -> memref<10000x128xf32, #tpu.memory_space<hbm>>
    tpu.enqueue_indirect_dma source(%dma_start3A_110 : memref<10000x128xf32, #tpu.memory_space<hbm>>) target(%dma_start3A_104 : memref<32x128xf32, #tpu.memory_space<vmem>>) offsets(%dma_start3A_107 : memref<32xi32, #tpu.memory_space<vmem>>) semaphore(%arg25 : memref<!tpu.dma_semaphore, #tpu.memory_space<semaphore_mem>>)
    %dma_start3A_111 = arith.constant 0 : i32
    %dma_start3A_112 = arith.constant 0 : i32
    %dma_start3A_113 = arith.constant 32 : i32
    %dma_start3A_114 = arith.constant 0 : i32
    %dma_start3A_115 = tpu.memref_slice %arg21[%dma_start3A_113, %dma_start3A_114] : memref<128x128xf32, #tpu.memory_space<vmem>> -> memref<32x128xf32, #tpu.memory_space<vmem>>
    %dma_start3A_116 = arith.constant 32 : i32
    %dma_start3A_117 = tpu.memref_slice %arg13[%dma_start3A_111, %dma_start3A_112, %dma_start3A_116] : memref<2x8x128xi32, #tpu.memory_space<vmem>> -> memref<1x1x32xi32, #tpu.memory_space<vmem>>
    %dma_start3A_118 = tpu.memref_squeeze %dma_start3A_117 : memref<1x1x32xi32, #tpu.memory_space<vmem>> -> memref<32xi32, #tpu.memory_space<vmem>>
    %dma_start3A_119 = arith.constant 0 : i32
    %dma_start3A_120 = arith.constant 0 : i32
    %dma_start3A_121 = tpu.memref_slice %arg2[%dma_start3A_119, %dma_start3A_120] : memref<10000x128xf32, #tpu.memory_space<hbm>> -> memref<10000x128xf32, #tpu.memory_space<hbm>>
    tpu.enqueue_indirect_dma source(%dma_start3A_121 : memref<10000x128xf32, #tpu.memory_space<hbm>>) target(%dma_start3A_115 : memref<32x128xf32, #tpu.memory_space<vmem>>) offsets(%dma_start3A_118 : memref<32xi32, #tpu.memory_space<vmem>>) semaphore(%arg25 : memref<!tpu.dma_semaphore, #tpu.memory_space<semaphore_mem>>)
    %dma_start3A_122 = arith.constant 0 : i32
    %dma_start3A_123 = arith.constant 0 : i32
    %dma_start3A_124 = arith.constant 64 : i32
    %dma_start3A_125 = arith.constant 0 : i32
    %dma_start3A_126 = tpu.memref_slice %arg21[%dma_start3A_124, %dma_start3A_125] : memref<128x128xf32, #tpu.memory_space<vmem>> -> memref<32x128xf32, #tpu.memory_space<vmem>>
    %dma_start3A_127 = arith.constant 64 : i32
    %dma_start3A_128 = tpu.memref_slice %arg13[%dma_start3A_122, %dma_start3A_123, %dma_start3A_127] : memref<2x8x128xi32, #tpu.memory_space<vmem>> -> memref<1x1x32xi32, #tpu.memory_space<vmem>>
    %dma_start3A_129 = tpu.memref_squeeze %dma_start3A_128 : memref<1x1x32xi32, #tpu.memory_space<vmem>> -> memref<32xi32, #tpu.memory_space<vmem>>
    %dma_start3A_130 = arith.constant 0 : i32
    %dma_start3A_131 = arith.constant 0 : i32
    %dma_start3A_132 = tpu.memref_slice %arg2[%dma_start3A_130, %dma_start3A_131] : memref<10000x128xf32, #tpu.memory_space<hbm>> -> memref<10000x128xf32, #tpu.memory_space<hbm>>
    tpu.enqueue_indirect_dma source(%dma_start3A_132 : memref<10000x128xf32, #tpu.memory_space<hbm>>) target(%dma_start3A_126 : memref<32x128xf32, #tpu.memory_space<vmem>>) offsets(%dma_start3A_129 : memref<32xi32, #tpu.memory_space<vmem>>) semaphore(%arg25 : memref<!tpu.dma_semaphore, #tpu.memory_space<semaphore_mem>>)
    %dma_start3A_133 = arith.constant 0 : i32
    %dma_start3A_134 = arith.constant 0 : i32
    %dma_start3A_135 = arith.constant 96 : i32
    %dma_start3A_136 = arith.constant 0 : i32
    %dma_start3A_137 = tpu.memref_slice %arg21[%dma_start3A_135, %dma_start3A_136] : memref<128x128xf32, #tpu.memory_space<vmem>> -> memref<32x128xf32, #tpu.memory_space<vmem>>
    %dma_start3A_138 = arith.constant 96 : i32
    %dma_start3A_139 = tpu.memref_slice %arg13[%dma_start3A_133, %dma_start3A_134, %dma_start3A_138] : memref<2x8x128xi32, #tpu.memory_space<vmem>> -> memref<1x1x32xi32, #tpu.memory_space<vmem>>
    %dma_start3A_140 = tpu.memref_squeeze %dma_start3A_139 : memref<1x1x32xi32, #tpu.memory_space<vmem>> -> memref<32xi32, #tpu.memory_space<vmem>>
    %dma_start3A_141 = arith.constant 0 : i32
    %dma_start3A_142 = arith.constant 0 : i32
    %dma_start3A_143 = tpu.memref_slice %arg2[%dma_start3A_141, %dma_start3A_142] : memref<10000x128xf32, #tpu.memory_space<hbm>> -> memref<10000x128xf32, #tpu.memory_space<hbm>>
    tpu.enqueue_indirect_dma source(%dma_start3A_143 : memref<10000x128xf32, #tpu.memory_space<hbm>>) target(%dma_start3A_137 : memref<32x128xf32, #tpu.memory_space<vmem>>) offsets(%dma_start3A_140 : memref<32xi32, #tpu.memory_space<vmem>>) semaphore(%arg25 : memref<!tpu.dma_semaphore, #tpu.memory_space<semaphore_mem>>)
    %scan3A_144 = arith.constant 0 : i32
    %scan3A_145 = arith.constant 0 : i32
    %scan3A_146 = arith.constant 40 : i32
    %scan3A_147 = arith.addi %scan3A_145, %scan3A_146 : i32
    %scan3A_148 = arith.constant 1 : i32
    %scan3A_149 = scf.for %scan3A_165 = %scan3A_145 to %scan3A_147 step %scan3A_148 iter_args(%scan3A_166 = %scan3A_144) -> (i32)  : i32 {
      %mul3A_167 = arith.constant 2 : i32
      %mul3A_168 = arith.muli %mul3A_167, %scan3A_165 : i32
      %add3A_169 = arith.constant 1 : i32
      %add3A_170 = arith.addi %mul3A_168, %add3A_169 : i32
      %gt3A = arith.constant 0 : i32
      %gt3A_171 = arith.cmpi sgt, %scan3A_165, %gt3A : i32
      %convert_element_type3A = arith.extui %gt3A_171 : i1 to i32
      %cond3A = arith.constant 0 : i32
      %cond3A_172 = arith.cmpi ne, %convert_element_type3A, %cond3A : i32
      scf.if %cond3A_172 {
        %dma_wait3A_691 = arith.constant 0 : i32
        %dma_wait3A_692 = arith.constant 0 : i32
        %dma_wait3A_693 = tpu.memref_slice %arg12[%dma_wait3A_691, %dma_wait3A_692] : memref<10112x128xf32, #tpu.memory_space<vmem_shared>> -> memref<128x128xf32, #tpu.memory_space<vmem_shared>>
        %dma_wait3A_694 = arith.constant 0 : i32
        %dma_wait3A_695 = arith.constant 0 : i32
        %dma_wait3A_696 = tpu.memref_slice %arg12[%dma_wait3A_694, %dma_wait3A_695] : memref<10112x128xf32, #tpu.memory_space<vmem_shared>> -> memref<128x128xf32, #tpu.memory_space<vmem_shared>>
        tpu.wait_dma2 semaphore(%arg30 : memref<!tpu.dma_semaphore, #tpu.memory_space<semaphore_mem>>) src(%arg22 : memref<128x128xf32, #tpu.memory_space<vmem>>) dst(%dma_wait3A_696 : memref<128x128xf32, #tpu.memory_space<vmem_shared>>)
      } else {
      }
      %jit3A = arith.constant 4 : i32
      %eq3A = arith.constant 0 : i32
      %eq3A_173 = arith.cmpi eq, %jit3A, %eq3A : i32
      %jit3A_174 = arith.constant 1 : i32
      %select_n3A = arith.select %eq3A_173, %jit3A_174, %jit3A : i32
      %rem3A = arith.remsi %scan3A_165, %select_n3A : i32
      %ne3A = arith.constant 0 : i32
      %ne3A_175 = arith.cmpi ne, %rem3A, %ne3A : i32
      %lt3A = arith.constant 0 : i32
      %lt3A_176 = arith.cmpi slt, %rem3A, %lt3A : i32
      %lt3A_177 = arith.constant 0 : i32
      %lt3A_178 = arith.cmpi slt, %select_n3A, %lt3A_177 : i32
      %ne3A_179 = arith.xori %lt3A_176, %lt3A_178 : i1
      %and3A = arith.andi %ne3A_179, %ne3A_175 : i1
      %add3A_180 = arith.addi %rem3A, %select_n3A : i32
      %select_n3A_181 = arith.select %and3A, %add3A_180, %rem3A : i32
      %eq3A_182 = arith.constant 0 : i32
      %eq3A_183 = arith.cmpi eq, %select_n3A_181, %eq3A_182 : i32
      %gt3A_184 = arith.constant 0 : i32
      %gt3A_185 = arith.cmpi sgt, %scan3A_165, %gt3A_184 : i32
      %and3A_186 = arith.andi %eq3A_183, %gt3A_185 : i1
      %jit3A_187 = arith.constant 4 : i32
      %div3A = arith.divsi %scan3A_165, %jit3A_187 : i32
      %sign3A = arith.constant 0 : i32
      %sign3A_188 = arith.cmpi sgt, %scan3A_165, %sign3A : i32
      %sign3A_189 = arith.extui %sign3A_188 : i1 to i32
      %sign3A_190 = arith.constant 0 : i32
      %sign3A_191 = arith.cmpi slt, %scan3A_165, %sign3A_190 : i32
      %sign3A_192 = arith.extui %sign3A_191 : i1 to i32
      %sign3A_193 = arith.subi %sign3A_189, %sign3A_192 : i32
      %sign3A_194 = arith.constant 0 : i32
      %sign3A_195 = arith.cmpi sgt, %jit3A_187, %sign3A_194 : i32
      %sign3A_196 = arith.extui %sign3A_195 : i1 to i32
      %sign3A_197 = arith.constant 0 : i32
      %sign3A_198 = arith.cmpi slt, %jit3A_187, %sign3A_197 : i32
      %sign3A_199 = arith.extui %sign3A_198 : i1 to i32
      %sign3A_200 = arith.subi %sign3A_196, %sign3A_199 : i32
      %ne3A_201 = arith.cmpi ne, %sign3A_193, %sign3A_200 : i32
      %rem3A_202 = arith.remsi %scan3A_165, %jit3A_187 : i32
      %ne3A_203 = arith.constant 0 : i32
      %ne3A_204 = arith.cmpi ne, %rem3A_202, %ne3A_203 : i32
      %and3A_205 = arith.andi %ne3A_201, %ne3A_204 : i1
      %sub3A = arith.constant 1 : i32
      %sub3A_206 = arith.subi %div3A, %sub3A : i32
      %select_n3A_207 = arith.select %and3A_205, %sub3A_206, %div3A : i32
      %add3A_208 = arith.constant 1 : i32
      %add3A_209 = arith.addi %select_n3A_207, %add3A_208 : i32
      %le3A = arith.constant 9 : i32
      %le3A_210 = arith.cmpi sle, %add3A_209, %le3A : i32
      %and3A_211 = arith.andi %and3A_186, %le3A_210 : i1
      %convert_element_type3A_212 = arith.extui %and3A_211 : i1 to i32
      %cond3A_213 = arith.constant 0 : i32
      %cond3A_214 = arith.cmpi ne, %convert_element_type3A_212, %cond3A_213 : i32
      scf.if %cond3A_214 {
        %jit3A_691 = arith.constant 4 : i32
        %div3A_692 = arith.divsi %scan3A_165, %jit3A_691 : i32
        %sign3A_693 = arith.constant 0 : i32
        %sign3A_694 = arith.cmpi sgt, %scan3A_165, %sign3A_693 : i32
        %sign3A_695 = arith.extui %sign3A_694 : i1 to i32
        %sign3A_696 = arith.constant 0 : i32
        %sign3A_697 = arith.cmpi slt, %scan3A_165, %sign3A_696 : i32
        %sign3A_698 = arith.extui %sign3A_697 : i1 to i32
        %sign3A_699 = arith.subi %sign3A_695, %sign3A_698 : i32
        %sign3A_700 = arith.constant 0 : i32
        %sign3A_701 = arith.cmpi sgt, %jit3A_691, %sign3A_700 : i32
        %sign3A_702 = arith.extui %sign3A_701 : i1 to i32
        %sign3A_703 = arith.constant 0 : i32
        %sign3A_704 = arith.cmpi slt, %jit3A_691, %sign3A_703 : i32
        %sign3A_705 = arith.extui %sign3A_704 : i1 to i32
        %sign3A_706 = arith.subi %sign3A_702, %sign3A_705 : i32
        %ne3A_707 = arith.cmpi ne, %sign3A_699, %sign3A_706 : i32
        %rem3A_708 = arith.remsi %scan3A_165, %jit3A_691 : i32
        %ne3A_709 = arith.constant 0 : i32
        %ne3A_710 = arith.cmpi ne, %rem3A_708, %ne3A_709 : i32
        %and3A_711 = arith.andi %ne3A_707, %ne3A_710 : i1
        %sub3A_712 = arith.constant 1 : i32
        %sub3A_713 = arith.subi %div3A_692, %sub3A_712 : i32
        %select_n3A_714 = arith.select %and3A_711, %sub3A_713, %div3A_692 : i32
        %add3A_715 = arith.constant 1 : i32
        %add3A_716 = arith.addi %select_n3A_714, %add3A_715 : i32
        %jit3A_717 = arith.constant 2 : i32
        %eq3A_718 = arith.constant 0 : i32
        %eq3A_719 = arith.cmpi eq, %jit3A_717, %eq3A_718 : i32
        %jit3A_720 = arith.constant 1 : i32
        %select_n3A_721 = arith.select %eq3A_719, %jit3A_720, %jit3A_717 : i32
        %rem3A_722 = arith.remsi %add3A_716, %select_n3A_721 : i32
        %ne3A_723 = arith.constant 0 : i32
        %ne3A_724 = arith.cmpi ne, %rem3A_722, %ne3A_723 : i32
        %lt3A_725 = arith.constant 0 : i32
        %lt3A_726 = arith.cmpi slt, %rem3A_722, %lt3A_725 : i32
        %lt3A_727 = arith.constant 0 : i32
        %lt3A_728 = arith.cmpi slt, %select_n3A_721, %lt3A_727 : i32
        %ne3A_729 = arith.xori %lt3A_726, %lt3A_728 : i1
        %and3A_730 = arith.andi %ne3A_729, %ne3A_724 : i1
        %add3A_731 = arith.addi %rem3A_722, %select_n3A_721 : i32
        %select_n3A_732 = arith.select %and3A_730, %add3A_731, %rem3A_722 : i32
        %dma_start3A_733 = arith.constant 0 : i32
        %dma_start3A_734 = arith.constant 0 : i32
        %dma_start3A_735 = tpu.memref_slice %arg13[%select_n3A_732, %dma_start3A_733, %dma_start3A_734] : memref<2x8x128xi32, #tpu.memory_space<vmem>> -> memref<1x8x128xi32, #tpu.memory_space<vmem>>
        %dma_start3A_736 = tpu.memref_squeeze %dma_start3A_735 : memref<1x8x128xi32, #tpu.memory_space<vmem>> -> memref<8x128xi32, #tpu.memory_space<vmem>>
        %dma_start3A_737 = arith.constant 0 : i32
        %dma_start3A_738 = arith.constant 0 : i32
        %dma_start3A_739 = tpu.memref_slice %arg5[%add3A, %add3A_716, %dma_start3A_737, %dma_start3A_738] : memref<32x10x8x128xi32, #tpu.memory_space<hbm>> -> memref<1x1x8x128xi32, #tpu.memory_space<hbm>>
        %dma_start3A_740 = tpu.memref_squeeze %dma_start3A_739 : memref<1x1x8x128xi32, #tpu.memory_space<hbm>> -> memref<8x128xi32, #tpu.memory_space<hbm>>
        %dma_start3A_741 = arith.constant 0 : i32
        %dma_start3A_742 = arith.constant 0 : i32
        %dma_start3A_743 = tpu.memref_slice %arg13[%select_n3A_732, %dma_start3A_741, %dma_start3A_742] : memref<2x8x128xi32, #tpu.memory_space<vmem>> -> memref<1x8x128xi32, #tpu.memory_space<vmem>>
        %dma_start3A_744 = tpu.memref_squeeze %dma_start3A_743 : memref<1x8x128xi32, #tpu.memory_space<vmem>> -> memref<8x128xi32, #tpu.memory_space<vmem>>
        %dma_start3A_745 = arith.constant 0 : i32
        %dma_start3A_746 = arith.constant 0 : i32
        %dma_start3A_747 = tpu.memref_slice %arg5[%add3A, %add3A_716, %dma_start3A_745, %dma_start3A_746] : memref<32x10x8x128xi32, #tpu.memory_space<hbm>> -> memref<1x1x8x128xi32, #tpu.memory_space<hbm>>
        %dma_start3A_748 = tpu.memref_squeeze %dma_start3A_747 : memref<1x1x8x128xi32, #tpu.memory_space<hbm>> -> memref<8x128xi32, #tpu.memory_space<hbm>>
        tpu.enqueue_dma source(%dma_start3A_748 : memref<8x128xi32, #tpu.memory_space<hbm>>) target(%dma_start3A_744 : memref<8x128xi32, #tpu.memory_space<vmem>>) target_semaphore(%arg31 : memref<!tpu.dma_semaphore, #tpu.memory_space<semaphore_mem>>)
        %dma_start3A_749 = arith.constant 0 : i32
        %dma_start3A_750 = arith.constant 0 : i32
        %dma_start3A_751 = tpu.memref_slice %arg14[%select_n3A_732, %dma_start3A_749, %dma_start3A_750] : memref<2x8x128xi32, #tpu.memory_space<vmem>> -> memref<1x8x128xi32, #tpu.memory_space<vmem>>
        %dma_start3A_752 = tpu.memref_squeeze %dma_start3A_751 : memref<1x8x128xi32, #tpu.memory_space<vmem>> -> memref<8x128xi32, #tpu.memory_space<vmem>>
        %dma_start3A_753 = arith.constant 0 : i32
        %dma_start3A_754 = arith.constant 0 : i32
        %dma_start3A_755 = tpu.memref_slice %arg6[%add3A, %add3A_716, %dma_start3A_753, %dma_start3A_754] : memref<32x10x8x128xi32, #tpu.memory_space<hbm>> -> memref<1x1x8x128xi32, #tpu.memory_space<hbm>>
        %dma_start3A_756 = tpu.memref_squeeze %dma_start3A_755 : memref<1x1x8x128xi32, #tpu.memory_space<hbm>> -> memref<8x128xi32, #tpu.memory_space<hbm>>
        %dma_start3A_757 = arith.constant 0 : i32
        %dma_start3A_758 = arith.constant 0 : i32
        %dma_start3A_759 = tpu.memref_slice %arg14[%select_n3A_732, %dma_start3A_757, %dma_start3A_758] : memref<2x8x128xi32, #tpu.memory_space<vmem>> -> memref<1x8x128xi32, #tpu.memory_space<vmem>>
        %dma_start3A_760 = tpu.memref_squeeze %dma_start3A_759 : memref<1x8x128xi32, #tpu.memory_space<vmem>> -> memref<8x128xi32, #tpu.memory_space<vmem>>
        %dma_start3A_761 = arith.constant 0 : i32
        %dma_start3A_762 = arith.constant 0 : i32
        %dma_start3A_763 = tpu.memref_slice %arg6[%add3A, %add3A_716, %dma_start3A_761, %dma_start3A_762] : memref<32x10x8x128xi32, #tpu.memory_space<hbm>> -> memref<1x1x8x128xi32, #tpu.memory_space<hbm>>
        %dma_start3A_764 = tpu.memref_squeeze %dma_start3A_763 : memref<1x1x8x128xi32, #tpu.memory_space<hbm>> -> memref<8x128xi32, #tpu.memory_space<hbm>>
        tpu.enqueue_dma source(%dma_start3A_764 : memref<8x128xi32, #tpu.memory_space<hbm>>) target(%dma_start3A_760 : memref<8x128xi32, #tpu.memory_space<vmem>>) target_semaphore(%arg31 : memref<!tpu.dma_semaphore, #tpu.memory_space<semaphore_mem>>)
        %dma_start3A_765 = arith.constant 0 : i32
        %dma_start3A_766 = arith.constant 0 : i32
        %dma_start3A_767 = tpu.memref_slice %arg15[%select_n3A_732, %dma_start3A_765, %dma_start3A_766] : memref<2x8x128xi32, #tpu.memory_space<vmem>> -> memref<1x8x128xi32, #tpu.memory_space<vmem>>
        %dma_start3A_768 = tpu.memref_squeeze %dma_start3A_767 : memref<1x8x128xi32, #tpu.memory_space<vmem>> -> memref<8x128xi32, #tpu.memory_space<vmem>>
        %dma_start3A_769 = arith.constant 0 : i32
        %dma_start3A_770 = arith.constant 0 : i32
        %dma_start3A_771 = tpu.memref_slice %arg7[%add3A, %add3A_716, %dma_start3A_769, %dma_start3A_770] : memref<32x10x8x128xi32, #tpu.memory_space<hbm>> -> memref<1x1x8x128xi32, #tpu.memory_space<hbm>>
        %dma_start3A_772 = tpu.memref_squeeze %dma_start3A_771 : memref<1x1x8x128xi32, #tpu.memory_space<hbm>> -> memref<8x128xi32, #tpu.memory_space<hbm>>
        %dma_start3A_773 = arith.constant 0 : i32
        %dma_start3A_774 = arith.constant 0 : i32
        %dma_start3A_775 = tpu.memref_slice %arg15[%select_n3A_732, %dma_start3A_773, %dma_start3A_774] : memref<2x8x128xi32, #tpu.memory_space<vmem>> -> memref<1x8x128xi32, #tpu.memory_space<vmem>>
        %dma_start3A_776 = tpu.memref_squeeze %dma_start3A_775 : memref<1x8x128xi32, #tpu.memory_space<vmem>> -> memref<8x128xi32, #tpu.memory_space<vmem>>
        %dma_start3A_777 = arith.constant 0 : i32
        %dma_start3A_778 = arith.constant 0 : i32
        %dma_start3A_779 = tpu.memref_slice %arg7[%add3A, %add3A_716, %dma_start3A_777, %dma_start3A_778] : memref<32x10x8x128xi32, #tpu.memory_space<hbm>> -> memref<1x1x8x128xi32, #tpu.memory_space<hbm>>
        %dma_start3A_780 = tpu.memref_squeeze %dma_start3A_779 : memref<1x1x8x128xi32, #tpu.memory_space<hbm>> -> memref<8x128xi32, #tpu.memory_space<hbm>>
        tpu.enqueue_dma source(%dma_start3A_780 : memref<8x128xi32, #tpu.memory_space<hbm>>) target(%dma_start3A_776 : memref<8x128xi32, #tpu.memory_space<vmem>>) target_semaphore(%arg31 : memref<!tpu.dma_semaphore, #tpu.memory_space<semaphore_mem>>)
      } else {
      }
      %jit3A_215 = arith.constant 8 : i32
      %div3A_216 = arith.divsi %add3A_170, %jit3A_215 : i32
      %sign3A_217 = arith.constant 0 : i32
      %sign3A_218 = arith.cmpi sgt, %add3A_170, %sign3A_217 : i32
      %sign3A_219 = arith.extui %sign3A_218 : i1 to i32
      %sign3A_220 = arith.constant 0 : i32
      %sign3A_221 = arith.cmpi slt, %add3A_170, %sign3A_220 : i32
      %sign3A_222 = arith.extui %sign3A_221 : i1 to i32
      %sign3A_223 = arith.subi %sign3A_219, %sign3A_222 : i32
      %sign3A_224 = arith.constant 0 : i32
      %sign3A_225 = arith.cmpi sgt, %jit3A_215, %sign3A_224 : i32
      %sign3A_226 = arith.extui %sign3A_225 : i1 to i32
      %sign3A_227 = arith.constant 0 : i32
      %sign3A_228 = arith.cmpi slt, %jit3A_215, %sign3A_227 : i32
      %sign3A_229 = arith.extui %sign3A_228 : i1 to i32
      %sign3A_230 = arith.subi %sign3A_226, %sign3A_229 : i32
      %ne3A_231 = arith.cmpi ne, %sign3A_223, %sign3A_230 : i32
      %rem3A_232 = arith.remsi %add3A_170, %jit3A_215 : i32
      %ne3A_233 = arith.constant 0 : i32
      %ne3A_234 = arith.cmpi ne, %rem3A_232, %ne3A_233 : i32
      %and3A_235 = arith.andi %ne3A_231, %ne3A_234 : i1
      %sub3A_236 = arith.constant 1 : i32
      %sub3A_237 = arith.subi %div3A_216, %sub3A_236 : i32
      %select_n3A_238 = arith.select %and3A_235, %sub3A_237, %div3A_216 : i32
      %jit3A_239 = arith.constant 2 : i32
      %eq3A_240 = arith.constant 0 : i32
      %eq3A_241 = arith.cmpi eq, %jit3A_239, %eq3A_240 : i32
      %jit3A_242 = arith.constant 1 : i32
      %select_n3A_243 = arith.select %eq3A_241, %jit3A_242, %jit3A_239 : i32
      %rem3A_244 = arith.remsi %select_n3A_238, %select_n3A_243 : i32
      %ne3A_245 = arith.constant 0 : i32
      %ne3A_246 = arith.cmpi ne, %rem3A_244, %ne3A_245 : i32
      %lt3A_247 = arith.constant 0 : i32
      %lt3A_248 = arith.cmpi slt, %rem3A_244, %lt3A_247 : i32
      %lt3A_249 = arith.constant 0 : i32
      %lt3A_250 = arith.cmpi slt, %select_n3A_243, %lt3A_249 : i32
      %ne3A_251 = arith.xori %lt3A_248, %lt3A_250 : i1
      %and3A_252 = arith.andi %ne3A_251, %ne3A_246 : i1
      %add3A_253 = arith.addi %rem3A_244, %select_n3A_243 : i32
      %select_n3A_254 = arith.select %and3A_252, %add3A_253, %rem3A_244 : i32
      %jit3A_255 = arith.constant 8 : i32
      %eq3A_256 = arith.constant 0 : i32
      %eq3A_257 = arith.cmpi eq, %jit3A_255, %eq3A_256 : i32
      %jit3A_258 = arith.constant 1 : i32
      %select_n3A_259 = arith.select %eq3A_257, %jit3A_258, %jit3A_255 : i32
      %rem3A_260 = arith.remsi %add3A_170, %select_n3A_259 : i32
      %ne3A_261 = arith.constant 0 : i32
      %ne3A_262 = arith.cmpi ne, %rem3A_260, %ne3A_261 : i32
      %lt3A_263 = arith.constant 0 : i32
      %lt3A_264 = arith.cmpi slt, %rem3A_260, %lt3A_263 : i32
      %lt3A_265 = arith.constant 0 : i32
      %lt3A_266 = arith.cmpi slt, %select_n3A_259, %lt3A_265 : i32
      %ne3A_267 = arith.xori %lt3A_264, %lt3A_266 : i1
      %and3A_268 = arith.andi %ne3A_267, %ne3A_262 : i1
      %add3A_269 = arith.addi %rem3A_260, %select_n3A_259 : i32
      %select_n3A_270 = arith.select %and3A_268, %add3A_269, %rem3A_260 : i32
      %dma_start3A_271 = arith.constant 0 : i32
      %dma_start3A_272 = tpu.memref_slice %arg13[%select_n3A_254, %select_n3A_270, %dma_start3A_271] : memref<2x8x128xi32, #tpu.memory_space<vmem>> -> memref<1x1x128xi32, #tpu.memory_space<vmem>>
      %dma_start3A_273 = tpu.memref_squeeze %dma_start3A_272 : memref<1x1x128xi32, #tpu.memory_space<vmem>> -> memref<128xi32, #tpu.memory_space<vmem>>
      %dma_start3A_274 = arith.constant 0 : i32
      %dma_start3A_275 = tpu.memref_slice %arg3[%dma_start3A_274] : memref<10112xf32, #tpu.memory_space<hbm>> -> memref<10112xf32, #tpu.memory_space<hbm>>
      tpu.enqueue_indirect_dma source(%dma_start3A_275 : memref<10112xf32, #tpu.memory_space<hbm>>) target(%arg18 : memref<128xf32, #tpu.memory_space<vmem>>) offsets(%dma_start3A_273 : memref<128xi32, #tpu.memory_space<vmem>>) semaphore(%arg28 : memref<!tpu.dma_semaphore, #tpu.memory_space<semaphore_mem>>)
      %dma_start3A_276 = arith.constant 0 : i32
      %dma_start3A_277 = tpu.memref_slice %arg14[%select_n3A_254, %select_n3A_270, %dma_start3A_276] : memref<2x8x128xi32, #tpu.memory_space<vmem>> -> memref<1x1x128xi32, #tpu.memory_space<vmem>>
      %dma_start3A_278 = tpu.memref_squeeze %dma_start3A_277 : memref<1x1x128xi32, #tpu.memory_space<vmem>> -> memref<128xi32, #tpu.memory_space<vmem>>
      %dma_start3A_279 = arith.constant 0 : i32
      %dma_start3A_280 = tpu.memref_slice %arg4[%dma_start3A_279] : memref<10112xf32, #tpu.memory_space<hbm>> -> memref<10112xf32, #tpu.memory_space<hbm>>
      tpu.enqueue_indirect_dma source(%dma_start3A_280 : memref<10112xf32, #tpu.memory_space<hbm>>) target(%arg19 : memref<128xf32, #tpu.memory_space<vmem>>) offsets(%dma_start3A_278 : memref<128xi32, #tpu.memory_space<vmem>>) semaphore(%arg28 : memref<!tpu.dma_semaphore, #tpu.memory_space<semaphore_mem>>)
      %dma_start3A_281 = arith.constant 0 : i32
      %dma_start3A_282 = arith.constant 0 : i32
      %dma_start3A_283 = tpu.memref_slice %arg22[%dma_start3A_281, %dma_start3A_282] : memref<128x128xf32, #tpu.memory_space<vmem>> -> memref<32x128xf32, #tpu.memory_space<vmem>>
      %dma_start3A_284 = arith.constant 0 : i32
      %dma_start3A_285 = tpu.memref_slice %arg13[%select_n3A_254, %select_n3A_270, %dma_start3A_284] : memref<2x8x128xi32, #tpu.memory_space<vmem>> -> memref<1x1x32xi32, #tpu.memory_space<vmem>>
      %dma_start3A_286 = tpu.memref_squeeze %dma_start3A_285 : memref<1x1x32xi32, #tpu.memory_space<vmem>> -> memref<32xi32, #tpu.memory_space<vmem>>
      %dma_start3A_287 = arith.constant 0 : i32
      %dma_start3A_288 = arith.constant 0 : i32
      %dma_start3A_289 = tpu.memref_slice %arg2[%dma_start3A_287, %dma_start3A_288] : memref<10000x128xf32, #tpu.memory_space<hbm>> -> memref<10000x128xf32, #tpu.memory_space<hbm>>
      tpu.enqueue_indirect_dma source(%dma_start3A_289 : memref<10000x128xf32, #tpu.memory_space<hbm>>) target(%dma_start3A_283 : memref<32x128xf32, #tpu.memory_space<vmem>>) offsets(%dma_start3A_286 : memref<32xi32, #tpu.memory_space<vmem>>) semaphore(%arg26 : memref<!tpu.dma_semaphore, #tpu.memory_space<semaphore_mem>>)
      %dma_start3A_290 = arith.constant 32 : i32
      %dma_start3A_291 = arith.constant 0 : i32
      %dma_start3A_292 = tpu.memref_slice %arg22[%dma_start3A_290, %dma_start3A_291] : memref<128x128xf32, #tpu.memory_space<vmem>> -> memref<32x128xf32, #tpu.memory_space<vmem>>
      %dma_start3A_293 = arith.constant 32 : i32
      %dma_start3A_294 = tpu.memref_slice %arg13[%select_n3A_254, %select_n3A_270, %dma_start3A_293] : memref<2x8x128xi32, #tpu.memory_space<vmem>> -> memref<1x1x32xi32, #tpu.memory_space<vmem>>
      %dma_start3A_295 = tpu.memref_squeeze %dma_start3A_294 : memref<1x1x32xi32, #tpu.memory_space<vmem>> -> memref<32xi32, #tpu.memory_space<vmem>>
      %dma_start3A_296 = arith.constant 0 : i32
      %dma_start3A_297 = arith.constant 0 : i32
      %dma_start3A_298 = tpu.memref_slice %arg2[%dma_start3A_296, %dma_start3A_297] : memref<10000x128xf32, #tpu.memory_space<hbm>> -> memref<10000x128xf32, #tpu.memory_space<hbm>>
      tpu.enqueue_indirect_dma source(%dma_start3A_298 : memref<10000x128xf32, #tpu.memory_space<hbm>>) target(%dma_start3A_292 : memref<32x128xf32, #tpu.memory_space<vmem>>) offsets(%dma_start3A_295 : memref<32xi32, #tpu.memory_space<vmem>>) semaphore(%arg26 : memref<!tpu.dma_semaphore, #tpu.memory_space<semaphore_mem>>)
      %dma_start3A_299 = arith.constant 64 : i32
      %dma_start3A_300 = arith.constant 0 : i32
      %dma_start3A_301 = tpu.memref_slice %arg22[%dma_start3A_299, %dma_start3A_300] : memref<128x128xf32, #tpu.memory_space<vmem>> -> memref<32x128xf32, #tpu.memory_space<vmem>>
      %dma_start3A_302 = arith.constant 64 : i32
      %dma_start3A_303 = tpu.memref_slice %arg13[%select_n3A_254, %select_n3A_270, %dma_start3A_302] : memref<2x8x128xi32, #tpu.memory_space<vmem>> -> memref<1x1x32xi32, #tpu.memory_space<vmem>>
      %dma_start3A_304 = tpu.memref_squeeze %dma_start3A_303 : memref<1x1x32xi32, #tpu.memory_space<vmem>> -> memref<32xi32, #tpu.memory_space<vmem>>
      %dma_start3A_305 = arith.constant 0 : i32
      %dma_start3A_306 = arith.constant 0 : i32
      %dma_start3A_307 = tpu.memref_slice %arg2[%dma_start3A_305, %dma_start3A_306] : memref<10000x128xf32, #tpu.memory_space<hbm>> -> memref<10000x128xf32, #tpu.memory_space<hbm>>
      tpu.enqueue_indirect_dma source(%dma_start3A_307 : memref<10000x128xf32, #tpu.memory_space<hbm>>) target(%dma_start3A_301 : memref<32x128xf32, #tpu.memory_space<vmem>>) offsets(%dma_start3A_304 : memref<32xi32, #tpu.memory_space<vmem>>) semaphore(%arg26 : memref<!tpu.dma_semaphore, #tpu.memory_space<semaphore_mem>>)
      %dma_start3A_308 = arith.constant 96 : i32
      %dma_start3A_309 = arith.constant 0 : i32
      %dma_start3A_310 = tpu.memref_slice %arg22[%dma_start3A_308, %dma_start3A_309] : memref<128x128xf32, #tpu.memory_space<vmem>> -> memref<32x128xf32, #tpu.memory_space<vmem>>
      %dma_start3A_311 = arith.constant 96 : i32
      %dma_start3A_312 = tpu.memref_slice %arg13[%select_n3A_254, %select_n3A_270, %dma_start3A_311] : memref<2x8x128xi32, #tpu.memory_space<vmem>> -> memref<1x1x32xi32, #tpu.memory_space<vmem>>
      %dma_start3A_313 = tpu.memref_squeeze %dma_start3A_312 : memref<1x1x32xi32, #tpu.memory_space<vmem>> -> memref<32xi32, #tpu.memory_space<vmem>>
      %dma_start3A_314 = arith.constant 0 : i32
      %dma_start3A_315 = arith.constant 0 : i32
      %dma_start3A_316 = tpu.memref_slice %arg2[%dma_start3A_314, %dma_start3A_315] : memref<10000x128xf32, #tpu.memory_space<hbm>> -> memref<10000x128xf32, #tpu.memory_space<hbm>>
      tpu.enqueue_indirect_dma source(%dma_start3A_316 : memref<10000x128xf32, #tpu.memory_space<hbm>>) target(%dma_start3A_310 : memref<32x128xf32, #tpu.memory_space<vmem>>) offsets(%dma_start3A_313 : memref<32xi32, #tpu.memory_space<vmem>>) semaphore(%arg26 : memref<!tpu.dma_semaphore, #tpu.memory_space<semaphore_mem>>)
      %dma_wait3A_317 = arith.constant 0 : i32
      %dma_wait3A_318 = arith.constant 0 : i32
      %dma_wait3A_319 = arith.constant 0 : i32
      %dma_wait3A_320 = tpu.memref_slice %arg13[%dma_wait3A_317, %dma_wait3A_318, %dma_wait3A_319] : memref<2x8x128xi32, #tpu.memory_space<vmem>> -> memref<1x1x128xi32, #tpu.memory_space<vmem>>
      %dma_wait3A_321 = tpu.memref_squeeze %dma_wait3A_320 : memref<1x1x128xi32, #tpu.memory_space<vmem>> -> memref<128xi32, #tpu.memory_space<vmem>>
      %dma_wait3A_322 = arith.constant 0 : i32
      %dma_wait3A_323 = tpu.memref_slice %arg3[%dma_wait3A_322] : memref<10112xf32, #tpu.memory_space<hbm>> -> memref<10112xf32, #tpu.memory_space<hbm>>
      tpu.wait_indirect_dma semaphore(%arg27 : memref<!tpu.dma_semaphore, #tpu.memory_space<semaphore_mem>>) src(%dma_wait3A_323 : memref<10112xf32, #tpu.memory_space<hbm>>) dst(%arg16 : memref<128xf32, #tpu.memory_space<vmem>>)
      %dma_wait3A_324 = arith.constant 0 : i32
      %dma_wait3A_325 = arith.constant 0 : i32
      %dma_wait3A_326 = arith.constant 0 : i32
      %dma_wait3A_327 = tpu.memref_slice %arg14[%dma_wait3A_324, %dma_wait3A_325, %dma_wait3A_326] : memref<2x8x128xi32, #tpu.memory_space<vmem>> -> memref<1x1x128xi32, #tpu.memory_space<vmem>>
      %dma_wait3A_328 = tpu.memref_squeeze %dma_wait3A_327 : memref<1x1x128xi32, #tpu.memory_space<vmem>> -> memref<128xi32, #tpu.memory_space<vmem>>
      %dma_wait3A_329 = arith.constant 0 : i32
      %dma_wait3A_330 = tpu.memref_slice %arg4[%dma_wait3A_329] : memref<10112xf32, #tpu.memory_space<hbm>> -> memref<10112xf32, #tpu.memory_space<hbm>>
      tpu.wait_indirect_dma semaphore(%arg27 : memref<!tpu.dma_semaphore, #tpu.memory_space<semaphore_mem>>) src(%dma_wait3A_330 : memref<10112xf32, #tpu.memory_space<hbm>>) dst(%arg17 : memref<128xf32, #tpu.memory_space<vmem>>)
      %dma_wait3A_331 = arith.constant 0 : i32
      %dma_wait3A_332 = arith.constant 0 : i32
      %dma_wait3A_333 = arith.constant 0 : i32
      %dma_wait3A_334 = arith.constant 0 : i32
      %dma_wait3A_335 = tpu.memref_slice %arg21[%dma_wait3A_333, %dma_wait3A_334] : memref<128x128xf32, #tpu.memory_space<vmem>> -> memref<32x128xf32, #tpu.memory_space<vmem>>
      %dma_wait3A_336 = arith.constant 0 : i32
      %dma_wait3A_337 = tpu.memref_slice %arg13[%dma_wait3A_331, %dma_wait3A_332, %dma_wait3A_336] : memref<2x8x128xi32, #tpu.memory_space<vmem>> -> memref<1x1x32xi32, #tpu.memory_space<vmem>>
      %dma_wait3A_338 = tpu.memref_squeeze %dma_wait3A_337 : memref<1x1x32xi32, #tpu.memory_space<vmem>> -> memref<32xi32, #tpu.memory_space<vmem>>
      %dma_wait3A_339 = arith.constant 0 : i32
      %dma_wait3A_340 = arith.constant 0 : i32
      %dma_wait3A_341 = tpu.memref_slice %arg2[%dma_wait3A_339, %dma_wait3A_340] : memref<10000x128xf32, #tpu.memory_space<hbm>> -> memref<10000x128xf32, #tpu.memory_space<hbm>>
      tpu.wait_indirect_dma semaphore(%arg25 : memref<!tpu.dma_semaphore, #tpu.memory_space<semaphore_mem>>) src(%dma_wait3A_341 : memref<10000x128xf32, #tpu.memory_space<hbm>>) dst(%dma_wait3A_335 : memref<32x128xf32, #tpu.memory_space<vmem>>)
      %dma_wait3A_342 = arith.constant 0 : i32
      %dma_wait3A_343 = arith.constant 0 : i32
      %dma_wait3A_344 = arith.constant 32 : i32
      %dma_wait3A_345 = arith.constant 0 : i32
      %dma_wait3A_346 = tpu.memref_slice %arg21[%dma_wait3A_344, %dma_wait3A_345] : memref<128x128xf32, #tpu.memory_space<vmem>> -> memref<32x128xf32, #tpu.memory_space<vmem>>
      %dma_wait3A_347 = arith.constant 0 : i32
      %dma_wait3A_348 = tpu.memref_slice %arg13[%dma_wait3A_342, %dma_wait3A_343, %dma_wait3A_347] : memref<2x8x128xi32, #tpu.memory_space<vmem>> -> memref<1x1x32xi32, #tpu.memory_space<vmem>>
      %dma_wait3A_349 = tpu.memref_squeeze %dma_wait3A_348 : memref<1x1x32xi32, #tpu.memory_space<vmem>> -> memref<32xi32, #tpu.memory_space<vmem>>
      %dma_wait3A_350 = arith.constant 0 : i32
      %dma_wait3A_351 = arith.constant 0 : i32
      %dma_wait3A_352 = tpu.memref_slice %arg2[%dma_wait3A_350, %dma_wait3A_351] : memref<10000x128xf32, #tpu.memory_space<hbm>> -> memref<10000x128xf32, #tpu.memory_space<hbm>>
      tpu.wait_indirect_dma semaphore(%arg25 : memref<!tpu.dma_semaphore, #tpu.memory_space<semaphore_mem>>) src(%dma_wait3A_352 : memref<10000x128xf32, #tpu.memory_space<hbm>>) dst(%dma_wait3A_346 : memref<32x128xf32, #tpu.memory_space<vmem>>)
      %dma_wait3A_353 = arith.constant 0 : i32
      %dma_wait3A_354 = arith.constant 0 : i32
      %dma_wait3A_355 = arith.constant 64 : i32
      %dma_wait3A_356 = arith.constant 0 : i32
      %dma_wait3A_357 = tpu.memref_slice %arg21[%dma_wait3A_355, %dma_wait3A_356] : memref<128x128xf32, #tpu.memory_space<vmem>> -> memref<32x128xf32, #tpu.memory_space<vmem>>
      %dma_wait3A_358 = arith.constant 0 : i32
      %dma_wait3A_359 = tpu.memref_slice %arg13[%dma_wait3A_353, %dma_wait3A_354, %dma_wait3A_358] : memref<2x8x128xi32, #tpu.memory_space<vmem>> -> memref<1x1x32xi32, #tpu.memory_space<vmem>>
      %dma_wait3A_360 = tpu.memref_squeeze %dma_wait3A_359 : memref<1x1x32xi32, #tpu.memory_space<vmem>> -> memref<32xi32, #tpu.memory_space<vmem>>
      %dma_wait3A_361 = arith.constant 0 : i32
      %dma_wait3A_362 = arith.constant 0 : i32
      %dma_wait3A_363 = tpu.memref_slice %arg2[%dma_wait3A_361, %dma_wait3A_362] : memref<10000x128xf32, #tpu.memory_space<hbm>> -> memref<10000x128xf32, #tpu.memory_space<hbm>>
      tpu.wait_indirect_dma semaphore(%arg25 : memref<!tpu.dma_semaphore, #tpu.memory_space<semaphore_mem>>) src(%dma_wait3A_363 : memref<10000x128xf32, #tpu.memory_space<hbm>>) dst(%dma_wait3A_357 : memref<32x128xf32, #tpu.memory_space<vmem>>)
      %dma_wait3A_364 = arith.constant 0 : i32
      %dma_wait3A_365 = arith.constant 0 : i32
      %dma_wait3A_366 = arith.constant 96 : i32
      %dma_wait3A_367 = arith.constant 0 : i32
      %dma_wait3A_368 = tpu.memref_slice %arg21[%dma_wait3A_366, %dma_wait3A_367] : memref<128x128xf32, #tpu.memory_space<vmem>> -> memref<32x128xf32, #tpu.memory_space<vmem>>
      %dma_wait3A_369 = arith.constant 0 : i32
      %dma_wait3A_370 = tpu.memref_slice %arg13[%dma_wait3A_364, %dma_wait3A_365, %dma_wait3A_369] : memref<2x8x128xi32, #tpu.memory_space<vmem>> -> memref<1x1x32xi32, #tpu.memory_space<vmem>>
      %dma_wait3A_371 = tpu.memref_squeeze %dma_wait3A_370 : memref<1x1x32xi32, #tpu.memory_space<vmem>> -> memref<32xi32, #tpu.memory_space<vmem>>
      %dma_wait3A_372 = arith.constant 0 : i32
      %dma_wait3A_373 = arith.constant 0 : i32
      %dma_wait3A_374 = tpu.memref_slice %arg2[%dma_wait3A_372, %dma_wait3A_373] : memref<10000x128xf32, #tpu.memory_space<hbm>> -> memref<10000x128xf32, #tpu.memory_space<hbm>>
      tpu.wait_indirect_dma semaphore(%arg25 : memref<!tpu.dma_semaphore, #tpu.memory_space<semaphore_mem>>) src(%dma_wait3A_374 : memref<10000x128xf32, #tpu.memory_space<hbm>>) dst(%dma_wait3A_368 : memref<32x128xf32, #tpu.memory_space<vmem>>)
      %jit3A_375 = arith.constant 8 : i32
      %div3A_376 = arith.divsi %mul3A_168, %jit3A_375 : i32
      %sign3A_377 = arith.constant 0 : i32
      %sign3A_378 = arith.cmpi sgt, %mul3A_168, %sign3A_377 : i32
      %sign3A_379 = arith.extui %sign3A_378 : i1 to i32
      %sign3A_380 = arith.constant 0 : i32
      %sign3A_381 = arith.cmpi slt, %mul3A_168, %sign3A_380 : i32
      %sign3A_382 = arith.extui %sign3A_381 : i1 to i32
      %sign3A_383 = arith.subi %sign3A_379, %sign3A_382 : i32
      %sign3A_384 = arith.constant 0 : i32
      %sign3A_385 = arith.cmpi sgt, %jit3A_375, %sign3A_384 : i32
      %sign3A_386 = arith.extui %sign3A_385 : i1 to i32
      %sign3A_387 = arith.constant 0 : i32
      %sign3A_388 = arith.cmpi slt, %jit3A_375, %sign3A_387 : i32
      %sign3A_389 = arith.extui %sign3A_388 : i1 to i32
      %sign3A_390 = arith.subi %sign3A_386, %sign3A_389 : i32
      %ne3A_391 = arith.cmpi ne, %sign3A_383, %sign3A_390 : i32
      %rem3A_392 = arith.remsi %mul3A_168, %jit3A_375 : i32
      %ne3A_393 = arith.constant 0 : i32
      %ne3A_394 = arith.cmpi ne, %rem3A_392, %ne3A_393 : i32
      %and3A_395 = arith.andi %ne3A_391, %ne3A_394 : i1
      %sub3A_396 = arith.constant 1 : i32
      %sub3A_397 = arith.subi %div3A_376, %sub3A_396 : i32
      %select_n3A_398 = arith.select %and3A_395, %sub3A_397, %div3A_376 : i32
      %jit3A_399 = arith.constant 2 : i32
      %eq3A_400 = arith.constant 0 : i32
      %eq3A_401 = arith.cmpi eq, %jit3A_399, %eq3A_400 : i32
      %jit3A_402 = arith.constant 1 : i32
      %select_n3A_403 = arith.select %eq3A_401, %jit3A_402, %jit3A_399 : i32
      %rem3A_404 = arith.remsi %select_n3A_398, %select_n3A_403 : i32
      %ne3A_405 = arith.constant 0 : i32
      %ne3A_406 = arith.cmpi ne, %rem3A_404, %ne3A_405 : i32
      %lt3A_407 = arith.constant 0 : i32
      %lt3A_408 = arith.cmpi slt, %rem3A_404, %lt3A_407 : i32
      %lt3A_409 = arith.constant 0 : i32
      %lt3A_410 = arith.cmpi slt, %select_n3A_403, %lt3A_409 : i32
      %ne3A_411 = arith.xori %lt3A_408, %lt3A_410 : i1
      %and3A_412 = arith.andi %ne3A_411, %ne3A_406 : i1
      %add3A_413 = arith.addi %rem3A_404, %select_n3A_403 : i32
      %select_n3A_414 = arith.select %and3A_412, %add3A_413, %rem3A_404 : i32
      %jit3A_415 = arith.constant 8 : i32
      %eq3A_416 = arith.constant 0 : i32
      %eq3A_417 = arith.cmpi eq, %jit3A_415, %eq3A_416 : i32
      %jit3A_418 = arith.constant 1 : i32
      %select_n3A_419 = arith.select %eq3A_417, %jit3A_418, %jit3A_415 : i32
      %rem3A_420 = arith.remsi %mul3A_168, %select_n3A_419 : i32
      %ne3A_421 = arith.constant 0 : i32
      %ne3A_422 = arith.cmpi ne, %rem3A_420, %ne3A_421 : i32
      %lt3A_423 = arith.constant 0 : i32
      %lt3A_424 = arith.cmpi slt, %rem3A_420, %lt3A_423 : i32
      %lt3A_425 = arith.constant 0 : i32
      %lt3A_426 = arith.cmpi slt, %select_n3A_419, %lt3A_425 : i32
      %ne3A_427 = arith.xori %lt3A_424, %lt3A_426 : i1
      %and3A_428 = arith.andi %ne3A_427, %ne3A_422 : i1
      %add3A_429 = arith.addi %rem3A_420, %select_n3A_419 : i32
      %select_n3A_430 = arith.select %and3A_428, %add3A_429, %rem3A_420 : i32
      %scan3A_431 = arith.constant 0 : i32
      %scan3A_432 = arith.constant 0 : i32
      %scan3A_433 = arith.constant 8 : i32
      %scan3A_434 = arith.addi %scan3A_432, %scan3A_433 : i32
      %scan3A_435 = arith.constant 1 : i32
      %scan3A_436 = scf.for %scan3A_691 = %scan3A_432 to %scan3A_434 step %scan3A_435 iter_args(%scan3A_692 = %scan3A_431) -> (i32)  : i32 {
        %mul3A_693 = arith.constant 16 : i32
        %mul3A_694 = arith.muli %scan3A_691, %mul3A_693 : i32
        %get3A_695 = arith.index_cast %mul3A_694 : i32 to index
        %get3A_696 = tpu.vector_load %arg16[%get3A_695] {strides = array<i32>} : memref<128xf32, #tpu.memory_space<vmem>>, vector<16xf32>,
        %get3A_697 = arith.index_cast %mul3A_694 : i32 to index
        %get3A_698 = tpu.vector_load %arg17[%get3A_697] {strides = array<i32>} : memref<128xf32, #tpu.memory_space<vmem>>, vector<16xf32>,
        %get3A_699 = arith.index_cast %select_n3A_414 : i32 to index
        %get3A_700 = arith.index_cast %select_n3A_430 : i32 to index
        %get3A_701 = arith.index_cast %mul3A_694 : i32 to index
        %get3A_702 = tpu.vector_load %arg14[%get3A_699, %get3A_700, %get3A_701] {strides = array<i32>} : memref<2x8x128xi32, #tpu.memory_space<vmem>>, vector<16xi32>,
        %get3A_703 = arith.index_cast %select_n3A_414 : i32 to index
        %get3A_704 = arith.index_cast %select_n3A_430 : i32 to index
        %get3A_705 = arith.index_cast %mul3A_694 : i32 to index
        %get3A_706 = tpu.vector_load %arg15[%get3A_703, %get3A_704, %get3A_705] {strides = array<i32>} : memref<2x8x128xi32, #tpu.memory_space<vmem>>, vector<16xi32>,
        %add3A_707 = arith.addf %get3A_696, %get3A_698 : vector<16xf32>
        %lt3A_708 = arith.constant 0.000000e+00 : f32
        %lt3A_709 = vector.broadcast %lt3A_708 : f32 to vector<16xf32>
        %lt3A_710 = arith.cmpf olt, %add3A_707, %lt3A_709 : vector<16xf32>
        %mul3A_711 = arith.constant 2.000000e-01 : f32
        %mul3A_712 = vector.broadcast %mul3A_711 : f32 to vector<16xf32>
        %mul3A_713 = arith.mulf %mul3A_712, %add3A_707 : vector<16xf32>
        %select_n3A_714 = arith.select %lt3A_710, %mul3A_713, %add3A_707 : vector<16xi1>, vector<16xf32>
        %sub3A_715 = arith.subf %select_n3A_714, %get3A_25 : vector<16xf32>
        %exp3A = math.exp %sub3A_715 : vector<16xf32>
        %eq3A_716 = arith.cmpi eq, %get3A_706, %get3A_27 : vector<16xi32>
        %lt3A_717 = arith.constant 10000 : i32
        %lt3A_718 = vector.broadcast %lt3A_717 : i32 to vector<16xi32>
        %lt3A_719 = arith.cmpi slt, %get3A_702, %lt3A_718 : vector<16xi32>
        %and3A_720 = arith.andi %eq3A_716, %lt3A_719 : vector<16xi1>
        %jit3A_721 = arith.constant 0.000000e+00 : f32
        %broadcast_in_dim3A_722 = vector.broadcast %jit3A_721 : f32 to vector<16xf32>
        %select_n3A_723 = arith.select %and3A_720, %exp3A, %broadcast_in_dim3A_722 : vector<16xi1>, vector<16xf32>
        tpu.vector_store_idx %arg20[%get3A_702], %select_n3A_723 {add = true} : memref<10112xf32, #tpu.memory_space<vmem>>[vector<16xi32>], vector<16xf32>,
        %slice3A = vector.extract_strided_slice %select_n3A_723 {offsets = [0], sizes = [1], strides = [1]} : vector<16xf32> to vector<1xf32>
        %squeeze3A = vector.extract %slice3A[0] : f32 from vector<1xf32>
        %add3A_724 = arith.constant 0 : i32
        %add3A_725 = arith.addi %mul3A_694, %add3A_724 : i32
        %get3A_726 = arith.index_cast %add3A_725 : i32 to index
        %get3A_727 = arith.constant 0 : index
        %get3A_728 = tpu.vector_load %arg21[%get3A_726, %get3A_727] {strides = array<i32>} : memref<128x128xf32, #tpu.memory_space<vmem>>, vector<16xf32>,
        %mul3A_729 = vector.broadcast %squeeze3A : f32 to vector<16xf32>
        %mul3A_730 = arith.mulf %get3A_728, %mul3A_729 : vector<16xf32>
        %swap3A = arith.index_cast %add3A_725 : i32 to index
        %swap3A_731 = arith.constant 0 : index
        %swap3A_732 = tpu.vector_load %arg21[%swap3A, %swap3A_731] {strides = array<i32>} : memref<128x128xf32, #tpu.memory_space<vmem>>, vector<16xf32>,
        tpu.vector_store %arg21[%swap3A, %swap3A_731], %mul3A_730 {strides = array<i32>} : memref<128x128xf32, #tpu.memory_space<vmem>>, vector<16xf32>,
        %get3A_733 = arith.index_cast %add3A_725 : i32 to index
        %get3A_734 = arith.constant 16 : index
        %get3A_735 = tpu.vector_load %arg21[%get3A_733, %get3A_734] {strides = array<i32>} : memref<128x128xf32, #tpu.memory_space<vmem>>, vector<16xf32>,
        %mul3A_736 = vector.broadcast %squeeze3A : f32 to vector<16xf32>
        %mul3A_737 = arith.mulf %get3A_735, %mul3A_736 : vector<16xf32>
        %swap3A_738 = arith.index_cast %add3A_725 : i32 to index
        %swap3A_739 = arith.constant 16 : index
        %swap3A_740 = tpu.vector_load %arg21[%swap3A_738, %swap3A_739] {strides = array<i32>} : memref<128x128xf32, #tpu.memory_space<vmem>>, vector<16xf32>,
        tpu.vector_store %arg21[%swap3A_738, %swap3A_739], %mul3A_737 {strides = array<i32>} : memref<128x128xf32, #tpu.memory_space<vmem>>, vector<16xf32>,
        %get3A_741 = arith.index_cast %add3A_725 : i32 to index
        %get3A_742 = arith.constant 32 : index
        %get3A_743 = tpu.vector_load %arg21[%get3A_741, %get3A_742] {strides = array<i32>} : memref<128x128xf32, #tpu.memory_space<vmem>>, vector<16xf32>,
        %mul3A_744 = vector.broadcast %squeeze3A : f32 to vector<16xf32>
        %mul3A_745 = arith.mulf %get3A_743, %mul3A_744 : vector<16xf32>
        %swap3A_746 = arith.index_cast %add3A_725 : i32 to index
        %swap3A_747 = arith.constant 32 : index
        %swap3A_748 = tpu.vector_load %arg21[%swap3A_746, %swap3A_747] {strides = array<i32>} : memref<128x128xf32, #tpu.memory_space<vmem>>, vector<16xf32>,
        tpu.vector_store %arg21[%swap3A_746, %swap3A_747], %mul3A_745 {strides = array<i32>} : memref<128x128xf32, #tpu.memory_space<vmem>>, vector<16xf32>,
        %get3A_749 = arith.index_cast %add3A_725 : i32 to index
        %get3A_750 = arith.constant 48 : index
        %get3A_751 = tpu.vector_load %arg21[%get3A_749, %get3A_750] {strides = array<i32>} : memref<128x128xf32, #tpu.memory_space<vmem>>, vector<16xf32>,
        %mul3A_752 = vector.broadcast %squeeze3A : f32 to vector<16xf32>
        %mul3A_753 = arith.mulf %get3A_751, %mul3A_752 : vector<16xf32>
        %swap3A_754 = arith.index_cast %add3A_725 : i32 to index
        %swap3A_755 = arith.constant 48 : index
        %swap3A_756 = tpu.vector_load %arg21[%swap3A_754, %swap3A_755] {strides = array<i32>} : memref<128x128xf32, #tpu.memory_space<vmem>>, vector<16xf32>,
        tpu.vector_store %arg21[%swap3A_754, %swap3A_755], %mul3A_753 {strides = array<i32>} : memref<128x128xf32, #tpu.memory_space<vmem>>, vector<16xf32>,
        %get3A_757 = arith.index_cast %add3A_725 : i32 to index
        %get3A_758 = arith.constant 64 : index
        %get3A_759 = tpu.vector_load %arg21[%get3A_757, %get3A_758] {strides = array<i32>} : memref<128x128xf32, #tpu.memory_space<vmem>>, vector<16xf32>,
        %mul3A_760 = vector.broadcast %squeeze3A : f32 to vector<16xf32>
        %mul3A_761 = arith.mulf %get3A_759, %mul3A_760 : vector<16xf32>
        %swap3A_762 = arith.index_cast %add3A_725 : i32 to index
        %swap3A_763 = arith.constant 64 : index
        %swap3A_764 = tpu.vector_load %arg21[%swap3A_762, %swap3A_763] {strides = array<i32>} : memref<128x128xf32, #tpu.memory_space<vmem>>, vector<16xf32>,
        tpu.vector_store %arg21[%swap3A_762, %swap3A_763], %mul3A_761 {strides = array<i32>} : memref<128x128xf32, #tpu.memory_space<vmem>>, vector<16xf32>,
        %get3A_765 = arith.index_cast %add3A_725 : i32 to index
        %get3A_766 = arith.constant 80 : index
        %get3A_767 = tpu.vector_load %arg21[%get3A_765, %get3A_766] {strides = array<i32>} : memref<128x128xf32, #tpu.memory_space<vmem>>, vector<16xf32>,
        %mul3A_768 = vector.broadcast %squeeze3A : f32 to vector<16xf32>
        %mul3A_769 = arith.mulf %get3A_767, %mul3A_768 : vector<16xf32>
        %swap3A_770 = arith.index_cast %add3A_725 : i32 to index
        %swap3A_771 = arith.constant 80 : index
        %swap3A_772 = tpu.vector_load %arg21[%swap3A_770, %swap3A_771] {strides = array<i32>} : memref<128x128xf32, #tpu.memory_space<vmem>>, vector<16xf32>,
        tpu.vector_store %arg21[%swap3A_770, %swap3A_771], %mul3A_769 {strides = array<i32>} : memref<128x128xf32, #tpu.memory_space<vmem>>, vector<16xf32>,
        %get3A_773 = arith.index_cast %add3A_725 : i32 to index
        %get3A_774 = arith.constant 96 : index
        %get3A_775 = tpu.vector_load %arg21[%get3A_773, %get3A_774] {strides = array<i32>} : memref<128x128xf32, #tpu.memory_space<vmem>>, vector<16xf32>,
        %mul3A_776 = vector.broadcast %squeeze3A : f32 to vector<16xf32>
        %mul3A_777 = arith.mulf %get3A_775, %mul3A_776 : vector<16xf32>
        %swap3A_778 = arith.index_cast %add3A_725 : i32 to index
        %swap3A_779 = arith.constant 96 : index
        %swap3A_780 = tpu.vector_load %arg21[%swap3A_778, %swap3A_779] {strides = array<i32>} : memref<128x128xf32, #tpu.memory_space<vmem>>, vector<16xf32>,
        tpu.vector_store %arg21[%swap3A_778, %swap3A_779], %mul3A_777 {strides = array<i32>} : memref<128x128xf32, #tpu.memory_space<vmem>>, vector<16xf32>,
        %get3A_781 = arith.index_cast %add3A_725 : i32 to index
        %get3A_782 = arith.constant 112 : index
        %get3A_783 = tpu.vector_load %arg21[%get3A_781, %get3A_782] {strides = array<i32>} : memref<128x128xf32, #tpu.memory_space<vmem>>, vector<16xf32>,
        %mul3A_784 = vector.broadcast %squeeze3A : f32 to vector<16xf32>
        %mul3A_785 = arith.mulf %get3A_783, %mul3A_784 : vector<16xf32>
        %swap3A_786 = arith.index_cast %add3A_725 : i32 to index
        %swap3A_787 = arith.constant 112 : index
        %swap3A_788 = tpu.vector_load %arg21[%swap3A_786, %swap3A_787] {strides = array<i32>} : memref<128x128xf32, #tpu.memory_space<vmem>>, vector<16xf32>,
        tpu.vector_store %arg21[%swap3A_786, %swap3A_787], %mul3A_785 {strides = array<i32>} : memref<128x128xf32, #tpu.memory_space<vmem>>, vector<16xf32>,
        %slice3A_789 = vector.extract_strided_slice %select_n3A_723 {offsets = [1], sizes = [1], strides = [1]} : vector<16xf32> to vector<1xf32>
        %squeeze3A_790 = vector.extract %slice3A_789[0] : f32 from vector<1xf32>
        %add3A_791 = arith.constant 1 : i32
        %add3A_792 = arith.addi %mul3A_694, %add3A_791 : i32
        %get3A_793 = arith.index_cast %add3A_792 : i32 to index
        %get3A_794 = arith.constant 0 : index
        %get3A_795 = tpu.vector_load %arg21[%get3A_793, %get3A_794] {strides = array<i32>} : memref<128x128xf32, #tpu.memory_space<vmem>>, vector<16xf32>,
        %mul3A_796 = vector.broadcast %squeeze3A_790 : f32 to vector<16xf32>
        %mul3A_797 = arith.mulf %get3A_795, %mul3A_796 : vector<16xf32>
        %swap3A_798 = arith.index_cast %add3A_792 : i32 to index
        %swap3A_799 = arith.constant 0 : index
        %swap3A_800 = tpu.vector_load %arg21[%swap3A_798, %swap3A_799] {strides = array<i32>} : memref<128x128xf32, #tpu.memory_space<vmem>>, vector<16xf32>,
        tpu.vector_store %arg21[%swap3A_798, %swap3A_799], %mul3A_797 {strides = array<i32>} : memref<128x128xf32, #tpu.memory_space<vmem>>, vector<16xf32>,
        %get3A_801 = arith.index_cast %add3A_792 : i32 to index
        %get3A_802 = arith.constant 16 : index
        %get3A_803 = tpu.vector_load %arg21[%get3A_801, %get3A_802] {strides = array<i32>} : memref<128x128xf32, #tpu.memory_space<vmem>>, vector<16xf32>,
        %mul3A_804 = vector.broadcast %squeeze3A_790 : f32 to vector<16xf32>
        %mul3A_805 = arith.mulf %get3A_803, %mul3A_804 : vector<16xf32>
        %swap3A_806 = arith.index_cast %add3A_792 : i32 to index
        %swap3A_807 = arith.constant 16 : index
        %swap3A_808 = tpu.vector_load %arg21[%swap3A_806, %swap3A_807] {strides = array<i32>} : memref<128x128xf32, #tpu.memory_space<vmem>>, vector<16xf32>,
        tpu.vector_store %arg21[%swap3A_806, %swap3A_807], %mul3A_805 {strides = array<i32>} : memref<128x128xf32, #tpu.memory_space<vmem>>, vector<16xf32>,
        %get3A_809 = arith.index_cast %add3A_792 : i32 to index
        %get3A_810 = arith.constant 32 : index
        %get3A_811 = tpu.vector_load %arg21[%get3A_809, %get3A_810] {strides = array<i32>} : memref<128x128xf32, #tpu.memory_space<vmem>>, vector<16xf32>,
        %mul3A_812 = vector.broadcast %squeeze3A_790 : f32 to vector<16xf32>
        %mul3A_813 = arith.mulf %get3A_811, %mul3A_812 : vector<16xf32>
        %swap3A_814 = arith.index_cast %add3A_792 : i32 to index
        %swap3A_815 = arith.constant 32 : index
        %swap3A_816 = tpu.vector_load %arg21[%swap3A_814, %swap3A_815] {strides = array<i32>} : memref<128x128xf32, #tpu.memory_space<vmem>>, vector<16xf32>,
        tpu.vector_store %arg21[%swap3A_814, %swap3A_815], %mul3A_813 {strides = array<i32>} : memref<128x128xf32, #tpu.memory_space<vmem>>, vector<16xf32>,
        %get3A_817 = arith.index_cast %add3A_792 : i32 to index
        %get3A_818 = arith.constant 48 : index
        %get3A_819 = tpu.vector_load %arg21[%get3A_817, %get3A_818] {strides = array<i32>} : memref<128x128xf32, #tpu.memory_space<vmem>>, vector<16xf32>,
        %mul3A_820 = vector.broadcast %squeeze3A_790 : f32 to vector<16xf32>
        %mul3A_821 = arith.mulf %get3A_819, %mul3A_820 : vector<16xf32>
        %swap3A_822 = arith.index_cast %add3A_792 : i32 to index
        %swap3A_823 = arith.constant 48 : index
        %swap3A_824 = tpu.vector_load %arg21[%swap3A_822, %swap3A_823] {strides = array<i32>} : memref<128x128xf32, #tpu.memory_space<vmem>>, vector<16xf32>,
        tpu.vector_store %arg21[%swap3A_822, %swap3A_823], %mul3A_821 {strides = array<i32>} : memref<128x128xf32, #tpu.memory_space<vmem>>, vector<16xf32>,
        %get3A_825 = arith.index_cast %add3A_792 : i32 to index
        %get3A_826 = arith.constant 64 : index
        %get3A_827 = tpu.vector_load %arg21[%get3A_825, %get3A_826] {strides = array<i32>} : memref<128x128xf32, #tpu.memory_space<vmem>>, vector<16xf32>,
        %mul3A_828 = vector.broadcast %squeeze3A_790 : f32 to vector<16xf32>
        %mul3A_829 = arith.mulf %get3A_827, %mul3A_828 : vector<16xf32>
        %swap3A_830 = arith.index_cast %add3A_792 : i32 to index
        %swap3A_831 = arith.constant 64 : index
        %swap3A_832 = tpu.vector_load %arg21[%swap3A_830, %swap3A_831] {strides = array<i32>} : memref<128x128xf32, #tpu.memory_space<vmem>>, vector<16xf32>,
        tpu.vector_store %arg21[%swap3A_830, %swap3A_831], %mul3A_829 {strides = array<i32>} : memref<128x128xf32, #tpu.memory_space<vmem>>, vector<16xf32>,
        %get3A_833 = arith.index_cast %add3A_792 : i32 to index
        %get3A_834 = arith.constant 80 : index
        %get3A_835 = tpu.vector_load %arg21[%get3A_833, %get3A_834] {strides = array<i32>} : memref<128x128xf32, #tpu.memory_space<vmem>>, vector<16xf32>,
        %mul3A_836 = vector.broadcast %squeeze3A_790 : f32 to vector<16xf32>
        %mul3A_837 = arith.mulf %get3A_835, %mul3A_836 : vector<16xf32>
        %swap3A_838 = arith.index_cast %add3A_792 : i32 to index
        %swap3A_839 = arith.constant 80 : index
        %swap3A_840 = tpu.vector_load %arg21[%swap3A_838, %swap3A_839] {strides = array<i32>} : memref<128x128xf32, #tpu.memory_space<vmem>>, vector<16xf32>,
        tpu.vector_store %arg21[%swap3A_838, %swap3A_839], %mul3A_837 {strides = array<i32>} : memref<128x128xf32, #tpu.memory_space<vmem>>, vector<16xf32>,
        %get3A_841 = arith.index_cast %add3A_792 : i32 to index
        %get3A_842 = arith.constant 96 : index
        %get3A_843 = tpu.vector_load %arg21[%get3A_841, %get3A_842] {strides = array<i32>} : memref<128x128xf32, #tpu.memory_space<vmem>>, vector<16xf32>,
        %mul3A_844 = vector.broadcast %squeeze3A_790 : f32 to vector<16xf32>
        %mul3A_845 = arith.mulf %get3A_843, %mul3A_844 : vector<16xf32>
        %swap3A_846 = arith.index_cast %add3A_792 : i32 to index
        %swap3A_847 = arith.constant 96 : index
        %swap3A_848 = tpu.vector_load %arg21[%swap3A_846, %swap3A_847] {strides = array<i32>} : memref<128x128xf32, #tpu.memory_space<vmem>>, vector<16xf32>,
        tpu.vector_store %arg21[%swap3A_846, %swap3A_847], %mul3A_845 {strides = array<i32>} : memref<128x128xf32, #tpu.memory_space<vmem>>, vector<16xf32>,
        %get3A_849 = arith.index_cast %add3A_792 : i32 to index
        %get3A_850 = arith.constant 112 : index
        %get3A_851 = tpu.vector_load %arg21[%get3A_849, %get3A_850] {strides = array<i32>} : memref<128x128xf32, #tpu.memory_space<vmem>>, vector<16xf32>,
        %mul3A_852 = vector.broadcast %squeeze3A_790 : f32 to vector<16xf32>
        %mul3A_853 = arith.mulf %get3A_851, %mul3A_852 : vector<16xf32>
        %swap3A_854 = arith.index_cast %add3A_792 : i32 to index
        %swap3A_855 = arith.constant 112 : index
        %swap3A_856 = tpu.vector_load %arg21[%swap3A_854, %swap3A_855] {strides = array<i32>} : memref<128x128xf32, #tpu.memory_space<vmem>>, vector<16xf32>,
        tpu.vector_store %arg21[%swap3A_854, %swap3A_855], %mul3A_853 {strides = array<i32>} : memref<128x128xf32, #tpu.memory_space<vmem>>, vector<16xf32>,
        %slice3A_857 = vector.extract_strided_slice %select_n3A_723 {offsets = [2], sizes = [1], strides = [1]} : vector<16xf32> to vector<1xf32>
        %squeeze3A_858 = vector.extract %slice3A_857[0] : f32 from vector<1xf32>
        %add3A_859 = arith.constant 2 : i32
        %add3A_860 = arith.addi %mul3A_694, %add3A_859 : i32
        %get3A_861 = arith.index_cast %add3A_860 : i32 to index
        %get3A_862 = arith.constant 0 : index
        %get3A_863 = tpu.vector_load %arg21[%get3A_861, %get3A_862] {strides = array<i32>} : memref<128x128xf32, #tpu.memory_space<vmem>>, vector<16xf32>,
        %mul3A_864 = vector.broadcast %squeeze3A_858 : f32 to vector<16xf32>
        %mul3A_865 = arith.mulf %get3A_863, %mul3A_864 : vector<16xf32>
        %swap3A_866 = arith.index_cast %add3A_860 : i32 to index
        %swap3A_867 = arith.constant 0 : index
        %swap3A_868 = tpu.vector_load %arg21[%swap3A_866, %swap3A_867] {strides = array<i32>} : memref<128x128xf32, #tpu.memory_space<vmem>>, vector<16xf32>,
        tpu.vector_store %arg21[%swap3A_866, %swap3A_867], %mul3A_865 {strides = array<i32>} : memref<128x128xf32, #tpu.memory_space<vmem>>, vector<16xf32>,
        %get3A_869 = arith.index_cast %add3A_860 : i32 to index
        %get3A_870 = arith.constant 16 : index
        %get3A_871 = tpu.vector_load %arg21[%get3A_869, %get3A_870] {strides = array<i32>} : memref<128x128xf32, #tpu.memory_space<vmem>>, vector<16xf32>,
        %mul3A_872 = vector.broadcast %squeeze3A_858 : f32 to vector<16xf32>
        %mul3A_873 = arith.mulf %get3A_871, %mul3A_872 : vector<16xf32>
        %swap3A_874 = arith.index_cast %add3A_860 : i32 to index
        %swap3A_875 = arith.constant 16 : index
        %swap3A_876 = tpu.vector_load %arg21[%swap3A_874, %swap3A_875] {strides = array<i32>} : memref<128x128xf32, #tpu.memory_space<vmem>>, vector<16xf32>,
        tpu.vector_store %arg21[%swap3A_874, %swap3A_875], %mul3A_873 {strides = array<i32>} : memref<128x128xf32, #tpu.memory_space<vmem>>, vector<16xf32>,
        %get3A_877 = arith.index_cast %add3A_860 : i32 to index
        %get3A_878 = arith.constant 32 : index
        %get3A_879 = tpu.vector_load %arg21[%get3A_877, %get3A_878] {strides = array<i32>} : memref<128x128xf32, #tpu.memory_space<vmem>>, vector<16xf32>,
        %mul3A_880 = vector.broadcast %squeeze3A_858 : f32 to vector<16xf32>
        %mul3A_881 = arith.mulf %get3A_879, %mul3A_880 : vector<16xf32>
        %swap3A_882 = arith.index_cast %add3A_860 : i32 to index
        %swap3A_883 = arith.constant 32 : index
        %swap3A_884 = tpu.vector_load %arg21[%swap3A_882, %swap3A_883] {strides = array<i32>} : memref<128x128xf32, #tpu.memory_space<vmem>>, vector<16xf32>,
        tpu.vector_store %arg21[%swap3A_882, %swap3A_883], %mul3A_881 {strides = array<i32>} : memref<128x128xf32, #tpu.memory_space<vmem>>, vector<16xf32>,
        %get3A_885 = arith.index_cast %add3A_860 : i32 to index
        %get3A_886 = arith.constant 48 : index
        %get3A_887 = tpu.vector_load %arg21[%get3A_885, %get3A_886] {strides = array<i32>} : memref<128x128xf32, #tpu.memory_space<vmem>>, vector<16xf32>,
        %mul3A_888 = vector.broadcast %squeeze3A_858 : f32 to vector<16xf32>
        %mul3A_889 = arith.mulf %get3A_887, %mul3A_888 : vector<16xf32>
        %swap3A_890 = arith.index_cast %add3A_860 : i32 to index
        %swap3A_891 = arith.constant 48 : index
        %swap3A_892 = tpu.vector_load %arg21[%swap3A_890, %swap3A_891] {strides = array<i32>} : memref<128x128xf32, #tpu.memory_space<vmem>>, vector<16xf32>,
        tpu.vector_store %arg21[%swap3A_890, %swap3A_891], %mul3A_889 {strides = array<i32>} : memref<128x128xf32, #tpu.memory_space<vmem>>, vector<16xf32>,
        %get3A_893 = arith.index_cast %add3A_860 : i32 to index
        %get3A_894 = arith.constant 64 : index
        %get3A_895 = tpu.vector_load %arg21[%get3A_893, %get3A_894] {strides = array<i32>} : memref<128x128xf32, #tpu.memory_space<vmem>>, vector<16xf32>,
        %mul3A_896 = vector.broadcast %squeeze3A_858 : f32 to vector<16xf32>
        %mul3A_897 = arith.mulf %get3A_895, %mul3A_896 : vector<16xf32>
        %swap3A_898 = arith.index_cast %add3A_860 : i32 to index
        %swap3A_899 = arith.constant 64 : index
        %swap3A_900 = tpu.vector_load %arg21[%swap3A_898, %swap3A_899] {strides = array<i32>} : memref<128x128xf32, #tpu.memory_space<vmem>>, vector<16xf32>,
        tpu.vector_store %arg21[%swap3A_898, %swap3A_899], %mul3A_897 {strides = array<i32>} : memref<128x128xf32, #tpu.memory_space<vmem>>, vector<16xf32>,
        %get3A_901 = arith.index_cast %add3A_860 : i32 to index
        %get3A_902 = arith.constant 80 : index
        %get3A_903 = tpu.vector_load %arg21[%get3A_901, %get3A_902] {strides = array<i32>} : memref<128x128xf32, #tpu.memory_space<vmem>>, vector<16xf32>,
        %mul3A_904 = vector.broadcast %squeeze3A_858 : f32 to vector<16xf32>
        %mul3A_905 = arith.mulf %get3A_903, %mul3A_904 : vector<16xf32>
        %swap3A_906 = arith.index_cast %add3A_860 : i32 to index
        %swap3A_907 = arith.constant 80 : index
        %swap3A_908 = tpu.vector_load %arg21[%swap3A_906, %swap3A_907] {strides = array<i32>} : memref<128x128xf32, #tpu.memory_space<vmem>>, vector<16xf32>,
        tpu.vector_store %arg21[%swap3A_906, %swap3A_907], %mul3A_905 {strides = array<i32>} : memref<128x128xf32, #tpu.memory_space<vmem>>, vector<16xf32>,
        %get3A_909 = arith.index_cast %add3A_860 : i32 to index
        %get3A_910 = arith.constant 96 : index
        %get3A_911 = tpu.vector_load %arg21[%get3A_909, %get3A_910] {strides = array<i32>} : memref<128x128xf32, #tpu.memory_space<vmem>>, vector<16xf32>,
        %mul3A_912 = vector.broadcast %squeeze3A_858 : f32 to vector<16xf32>
        %mul3A_913 = arith.mulf %get3A_911, %mul3A_912 : vector<16xf32>
        %swap3A_914 = arith.index_cast %add3A_860 : i32 to index
        %swap3A_915 = arith.constant 96 : index
        %swap3A_916 = tpu.vector_load %arg21[%swap3A_914, %swap3A_915] {strides = array<i32>} : memref<128x128xf32, #tpu.memory_space<vmem>>, vector<16xf32>,
        tpu.vector_store %arg21[%swap3A_914, %swap3A_915], %mul3A_913 {strides = array<i32>} : memref<128x128xf32, #tpu.memory_space<vmem>>, vector<16xf32>,
        %get3A_917 = arith.index_cast %add3A_860 : i32 to index
        %get3A_918 = arith.constant 112 : index
        %get3A_919 = tpu.vector_load %arg21[%get3A_917, %get3A_918] {strides = array<i32>} : memref<128x128xf32, #tpu.memory_space<vmem>>, vector<16xf32>,
        %mul3A_920 = vector.broadcast %squeeze3A_858 : f32 to vector<16xf32>
        %mul3A_921 = arith.mulf %get3A_919, %mul3A_920 : vector<16xf32>
        %swap3A_922 = arith.index_cast %add3A_860 : i32 to index
        %swap3A_923 = arith.constant 112 : index
        %swap3A_924 = tpu.vector_load %arg21[%swap3A_922, %swap3A_923] {strides = array<i32>} : memref<128x128xf32, #tpu.memory_space<vmem>>, vector<16xf32>,
        tpu.vector_store %arg21[%swap3A_922, %swap3A_923], %mul3A_921 {strides = array<i32>} : memref<128x128xf32, #tpu.memory_space<vmem>>, vector<16xf32>,
        %slice3A_925 = vector.extract_strided_slice %select_n3A_723 {offsets = [3], sizes = [1], strides = [1]} : vector<16xf32> to vector<1xf32>
        %squeeze3A_926 = vector.extract %slice3A_925[0] : f32 from vector<1xf32>
        %add3A_927 = arith.constant 3 : i32
        %add3A_928 = arith.addi %mul3A_694, %add3A_927 : i32
        %get3A_929 = arith.index_cast %add3A_928 : i32 to index
        %get3A_930 = arith.constant 0 : index
        %get3A_931 = tpu.vector_load %arg21[%get3A_929, %get3A_930] {strides = array<i32>} : memref<128x128xf32, #tpu.memory_space<vmem>>, vector<16xf32>,
        %mul3A_932 = vector.broadcast %squeeze3A_926 : f32 to vector<16xf32>
        %mul3A_933 = arith.mulf %get3A_931, %mul3A_932 : vector<16xf32>
        %swap3A_934 = arith.index_cast %add3A_928 : i32 to index
        %swap3A_935 = arith.constant 0 : index
        %swap3A_936 = tpu.vector_load %arg21[%swap3A_934, %swap3A_935] {strides = array<i32>} : memref<128x128xf32, #tpu.memory_space<vmem>>, vector<16xf32>,
        tpu.vector_store %arg21[%swap3A_934, %swap3A_935], %mul3A_933 {strides = array<i32>} : memref<128x128xf32, #tpu.memory_space<vmem>>, vector<16xf32>,
        %get3A_937 = arith.index_cast %add3A_928 : i32 to index
        %get3A_938 = arith.constant 16 : index
        %get3A_939 = tpu.vector_load %arg21[%get3A_937, %get3A_938] {strides = array<i32>} : memref<128x128xf32, #tpu.memory_space<vmem>>, vector<16xf32>,
        %mul3A_940 = vector.broadcast %squeeze3A_926 : f32 to vector<16xf32>
        %mul3A_941 = arith.mulf %get3A_939, %mul3A_940 : vector<16xf32>
        %swap3A_942 = arith.index_cast %add3A_928 : i32 to index
        %swap3A_943 = arith.constant 16 : index
        %swap3A_944 = tpu.vector_load %arg21[%swap3A_942, %swap3A_943] {strides = array<i32>} : memref<128x128xf32, #tpu.memory_space<vmem>>, vector<16xf32>,
        tpu.vector_store %arg21[%swap3A_942, %swap3A_943], %mul3A_941 {strides = array<i32>} : memref<128x128xf32, #tpu.memory_space<vmem>>, vector<16xf32>,
        %get3A_945 = arith.index_cast %add3A_928 : i32 to index
        %get3A_946 = arith.constant 32 : index
        %get3A_947 = tpu.vector_load %arg21[%get3A_945, %get3A_946] {strides = array<i32>} : memref<128x128xf32, #tpu.memory_space<vmem>>, vector<16xf32>,
        %mul3A_948 = vector.broadcast %squeeze3A_926 : f32 to vector<16xf32>
        %mul3A_949 = arith.mulf %get3A_947, %mul3A_948 : vector<16xf32>
        %swap3A_950 = arith.index_cast %add3A_928 : i32 to index
        %swap3A_951 = arith.constant 32 : index
        %swap3A_952 = tpu.vector_load %arg21[%swap3A_950, %swap3A_951] {strides = array<i32>} : memref<128x128xf32, #tpu.memory_space<vmem>>, vector<16xf32>,
        tpu.vector_store %arg21[%swap3A_950, %swap3A_951], %mul3A_949 {strides = array<i32>} : memref<128x128xf32, #tpu.memory_space<vmem>>, vector<16xf32>,
        %get3A_953 = arith.index_cast %add3A_928 : i32 to index
        %get3A_954 = arith.constant 48 : index
        %get3A_955 = tpu.vector_load %arg21[%get3A_953, %get3A_954] {strides = array<i32>} : memref<128x128xf32, #tpu.memory_space<vmem>>, vector<16xf32>,
        %mul3A_956 = vector.broadcast %squeeze3A_926 : f32 to vector<16xf32>
        %mul3A_957 = arith.mulf %get3A_955, %mul3A_956 : vector<16xf32>
        %swap3A_958 = arith.index_cast %add3A_928 : i32 to index
        %swap3A_959 = arith.constant 48 : index
        %swap3A_960 = tpu.vector_load %arg21[%swap3A_958, %swap3A_959] {strides = array<i32>} : memref<128x128xf32, #tpu.memory_space<vmem>>, vector<16xf32>,
        tpu.vector_store %arg21[%swap3A_958, %swap3A_959], %mul3A_957 {strides = array<i32>} : memref<128x128xf32, #tpu.memory_space<vmem>>, vector<16xf32>,
        %get3A_961 = arith.index_cast %add3A_928 : i32 to index
        %get3A_962 = arith.constant 64 : index
        %get3A_963 = tpu.vector_load %arg21[%get3A_961, %get3A_962] {strides = array<i32>} : memref<128x128xf32, #tpu.memory_space<vmem>>, vector<16xf32>,
        %mul3A_964 = vector.broadcast %squeeze3A_926 : f32 to vector<16xf32>
        %mul3A_965 = arith.mulf %get3A_963, %mul3A_964 : vector<16xf32>
        %swap3A_966 = arith.index_cast %add3A_928 : i32 to index
        %swap3A_967 = arith.constant 64 : index
        %swap3A_968 = tpu.vector_load %arg21[%swap3A_966, %swap3A_967] {strides = array<i32>} : memref<128x128xf32, #tpu.memory_space<vmem>>, vector<16xf32>,
        tpu.vector_store %arg21[%swap3A_966, %swap3A_967], %mul3A_965 {strides = array<i32>} : memref<128x128xf32, #tpu.memory_space<vmem>>, vector<16xf32>,
        %get3A_969 = arith.index_cast %add3A_928 : i32 to index
        %get3A_970 = arith.constant 80 : index
        %get3A_971 = tpu.vector_load %arg21[%get3A_969, %get3A_970] {strides = array<i32>} : memref<128x128xf32, #tpu.memory_space<vmem>>, vector<16xf32>,
        %mul3A_972 = vector.broadcast %squeeze3A_926 : f32 to vector<16xf32>
        %mul3A_973 = arith.mulf %get3A_971, %mul3A_972 : vector<16xf32>
        %swap3A_974 = arith.index_cast %add3A_928 : i32 to index
        %swap3A_975 = arith.constant 80 : index
        %swap3A_976 = tpu.vector_load %arg21[%swap3A_974, %swap3A_975] {strides = array<i32>} : memref<128x128xf32, #tpu.memory_space<vmem>>, vector<16xf32>,
        tpu.vector_store %arg21[%swap3A_974, %swap3A_975], %mul3A_973 {strides = array<i32>} : memref<128x128xf32, #tpu.memory_space<vmem>>, vector<16xf32>,
        %get3A_977 = arith.index_cast %add3A_928 : i32 to index
        %get3A_978 = arith.constant 96 : index
        %get3A_979 = tpu.vector_load %arg21[%get3A_977, %get3A_978] {strides = array<i32>} : memref<128x128xf32, #tpu.memory_space<vmem>>, vector<16xf32>,
        %mul3A_980 = vector.broadcast %squeeze3A_926 : f32 to vector<16xf32>
        %mul3A_981 = arith.mulf %get3A_979, %mul3A_980 : vector<16xf32>
        %swap3A_982 = arith.index_cast %add3A_928 : i32 to index
        %swap3A_983 = arith.constant 96 : index
        %swap3A_984 = tpu.vector_load %arg21[%swap3A_982, %swap3A_983] {strides = array<i32>} : memref<128x128xf32, #tpu.memory_space<vmem>>, vector<16xf32>,
        tpu.vector_store %arg21[%swap3A_982, %swap3A_983], %mul3A_981 {strides = array<i32>} : memref<128x128xf32, #tpu.memory_space<vmem>>, vector<16xf32>,
        %get3A_985 = arith.index_cast %add3A_928 : i32 to index
        %get3A_986 = arith.constant 112 : index
        %get3A_987 = tpu.vector_load %arg21[%get3A_985, %get3A_986] {strides = array<i32>} : memref<128x128xf32, #tpu.memory_space<vmem>>, vector<16xf32>,
        %mul3A_988 = vector.broadcast %squeeze3A_926 : f32 to vector<16xf32>
        %mul3A_989 = arith.mulf %get3A_987, %mul3A_988 : vector<16xf32>
        %swap3A_990 = arith.index_cast %add3A_928 : i32 to index
        %swap3A_991 = arith.constant 112 : index
        %swap3A_992 = tpu.vector_load %arg21[%swap3A_990, %swap3A_991] {strides = array<i32>} : memref<128x128xf32, #tpu.memory_space<vmem>>, vector<16xf32>,
        tpu.vector_store %arg21[%swap3A_990, %swap3A_991], %mul3A_989 {strides = array<i32>} : memref<128x128xf32, #tpu.memory_space<vmem>>, vector<16xf32>,
        %slice3A_993 = vector.extract_strided_slice %select_n3A_723 {offsets = [4], sizes = [1], strides = [1]} : vector<16xf32> to vector<1xf32>
        %squeeze3A_994 = vector.extract %slice3A_993[0] : f32 from vector<1xf32>
        %add3A_995 = arith.constant 4 : i32
        %add3A_996 = arith.addi %mul3A_694, %add3A_995 : i32
        %get3A_997 = arith.index_cast %add3A_996 : i32 to index
        %get3A_998 = arith.constant 0 : index
        %get3A_999 = tpu.vector_load %arg21[%get3A_997, %get3A_998] {strides = array<i32>} : memref<128x128xf32, #tpu.memory_space<vmem>>, vector<16xf32>,
        %mul3A_1000 = vector.broadcast %squeeze3A_994 : f32 to vector<16xf32>
        %mul3A_1001 = arith.mulf %get3A_999, %mul3A_1000 : vector<16xf32>
        %swap3A_1002 = arith.index_cast %add3A_996 : i32 to index
        %swap3A_1003 = arith.constant 0 : index
        %swap3A_1004 = tpu.vector_load %arg21[%swap3A_1002, %swap3A_1003] {strides = array<i32>} : memref<128x128xf32, #tpu.memory_space<vmem>>, vector<16xf32>,
        tpu.vector_store %arg21[%swap3A_1002, %swap3A_1003], %mul3A_1001 {strides = array<i32>} : memref<128x128xf32, #tpu.memory_space<vmem>>, vector<16xf32>,
        %get3A_1005 = arith.index_cast %add3A_996 : i32 to index
        %get3A_1006 = arith.constant 16 : index
        %get3A_1007 = tpu.vector_load %arg21[%get3A_1005, %get3A_1006] {strides = array<i32>} : memref<128x128xf32, #tpu.memory_space<vmem>>, vector<16xf32>,
        %mul3A_1008 = vector.broadcast %squeeze3A_994 : f32 to vector<16xf32>
        %mul3A_1009 = arith.mulf %get3A_1007, %mul3A_1008 : vector<16xf32>
        %swap3A_1010 = arith.index_cast %add3A_996 : i32 to index
        %swap3A_1011 = arith.constant 16 : index
        %swap3A_1012 = tpu.vector_load %arg21[%swap3A_1010, %swap3A_1011] {strides = array<i32>} : memref<128x128xf32, #tpu.memory_space<vmem>>, vector<16xf32>,
        tpu.vector_store %arg21[%swap3A_1010, %swap3A_1011], %mul3A_1009 {strides = array<i32>} : memref<128x128xf32, #tpu.memory_space<vmem>>, vector<16xf32>,
        %get3A_1013 = arith.index_cast %add3A_996 : i32 to index
        %get3A_1014 = arith.constant 32 : index
        %get3A_1015 = tpu.vector_load %arg21[%get3A_1013, %get3A_1014] {strides = array<i32>} : memref<128x128xf32, #tpu.memory_space<vmem>>, vector<16xf32>,
        %mul3A_1016 = vector.broadcast %squeeze3A_994 : f32 to vector<16xf32>
        %mul3A_1017 = arith.mulf %get3A_1015, %mul3A_1016 : vector<16xf32>
        %swap3A_1018 = arith.index_cast %add3A_996 : i32 to index
        %swap3A_1019 = arith.constant 32 : index
        %swap3A_1020 = tpu.vector_load %arg21[%swap3A_1018, %swap3A_1019] {strides = array<i32>} : memref<128x128xf32, #tpu.memory_space<vmem>>, vector<16xf32>,
        tpu.vector_store %arg21[%swap3A_1018, %swap3A_1019], %mul3A_1017 {strides = array<i32>} : memref<128x128xf32, #tpu.memory_space<vmem>>, vector<16xf32>,
        %get3A_1021 = arith.index_cast %add3A_996 : i32 to index
        %get3A_1022 = arith.constant 48 : index
        %get3A_1023 = tpu.vector_load %arg21[%get3A_1021, %get3A_1022] {strides = array<i32>} : memref<128x128xf32, #tpu.memory_space<vmem>>, vector<16xf32>,
        %mul3A_1024 = vector.broadcast %squeeze3A_994 : f32 to vector<16xf32>
        %mul3A_1025 = arith.mulf %get3A_1023, %mul3A_1024 : vector<16xf32>
        %swap3A_1026 = arith.index_cast %add3A_996 : i32 to index
        %swap3A_1027 = arith.constant 48 : index
        %swap3A_1028 = tpu.vector_load %arg21[%swap3A_1026, %swap3A_1027] {strides = array<i32>} : memref<128x128xf32, #tpu.memory_space<vmem>>, vector<16xf32>,
        tpu.vector_store %arg21[%swap3A_1026, %swap3A_1027], %mul3A_1025 {strides = array<i32>} : memref<128x128xf32, #tpu.memory_space<vmem>>, vector<16xf32>,
        %get3A_1029 = arith.index_cast %add3A_996 : i32 to index
        %get3A_1030 = arith.constant 64 : index
        %get3A_1031 = tpu.vector_load %arg21[%get3A_1029, %get3A_1030] {strides = array<i32>} : memref<128x128xf32, #tpu.memory_space<vmem>>, vector<16xf32>,
        %mul3A_1032 = vector.broadcast %squeeze3A_994 : f32 to vector<16xf32>
        %mul3A_1033 = arith.mulf %get3A_1031, %mul3A_1032 : vector<16xf32>
        %swap3A_1034 = arith.index_cast %add3A_996 : i32 to index
        %swap3A_1035 = arith.constant 64 : index
        %swap3A_1036 = tpu.vector_load %arg21[%swap3A_1034, %swap3A_1035] {strides = array<i32>} : memref<128x128xf32, #tpu.memory_space<vmem>>, vector<16xf32>,
        tpu.vector_store %arg21[%swap3A_1034, %swap3A_1035], %mul3A_1033 {strides = array<i32>} : memref<128x128xf32, #tpu.memory_space<vmem>>, vector<16xf32>,
        %get3A_1037 = arith.index_cast %add3A_996 : i32 to index
        %get3A_1038 = arith.constant 80 : index
        %get3A_1039 = tpu.vector_load %arg21[%get3A_1037, %get3A_1038] {strides = array<i32>} : memref<128x128xf32, #tpu.memory_space<vmem>>, vector<16xf32>,
        %mul3A_1040 = vector.broadcast %squeeze3A_994 : f32 to vector<16xf32>
        %mul3A_1041 = arith.mulf %get3A_1039, %mul3A_1040 : vector<16xf32>
        %swap3A_1042 = arith.index_cast %add3A_996 : i32 to index
        %swap3A_1043 = arith.constant 80 : index
        %swap3A_1044 = tpu.vector_load %arg21[%swap3A_1042, %swap3A_1043] {strides = array<i32>} : memref<128x128xf32, #tpu.memory_space<vmem>>, vector<16xf32>,
        tpu.vector_store %arg21[%swap3A_1042, %swap3A_1043], %mul3A_1041 {strides = array<i32>} : memref<128x128xf32, #tpu.memory_space<vmem>>, vector<16xf32>,
        %get3A_1045 = arith.index_cast %add3A_996 : i32 to index
        %get3A_1046 = arith.constant 96 : index
        %get3A_1047 = tpu.vector_load %arg21[%get3A_1045, %get3A_1046] {strides = array<i32>} : memref<128x128xf32, #tpu.memory_space<vmem>>, vector<16xf32>,
        %mul3A_1048 = vector.broadcast %squeeze3A_994 : f32 to vector<16xf32>
        %mul3A_1049 = arith.mulf %get3A_1047, %mul3A_1048 : vector<16xf32>
        %swap3A_1050 = arith.index_cast %add3A_996 : i32 to index
        %swap3A_1051 = arith.constant 96 : index
        %swap3A_1052 = tpu.vector_load %arg21[%swap3A_1050, %swap3A_1051] {strides = array<i32>} : memref<128x128xf32, #tpu.memory_space<vmem>>, vector<16xf32>,
        tpu.vector_store %arg21[%swap3A_1050, %swap3A_1051], %mul3A_1049 {strides = array<i32>} : memref<128x128xf32, #tpu.memory_space<vmem>>, vector<16xf32>,
        %get3A_1053 = arith.index_cast %add3A_996 : i32 to index
        %get3A_1054 = arith.constant 112 : index
        %get3A_1055 = tpu.vector_load %arg21[%get3A_1053, %get3A_1054] {strides = array<i32>} : memref<128x128xf32, #tpu.memory_space<vmem>>, vector<16xf32>,
        %mul3A_1056 = vector.broadcast %squeeze3A_994 : f32 to vector<16xf32>
        %mul3A_1057 = arith.mulf %get3A_1055, %mul3A_1056 : vector<16xf32>
        %swap3A_1058 = arith.index_cast %add3A_996 : i32 to index
        %swap3A_1059 = arith.constant 112 : index
        %swap3A_1060 = tpu.vector_load %arg21[%swap3A_1058, %swap3A_1059] {strides = array<i32>} : memref<128x128xf32, #tpu.memory_space<vmem>>, vector<16xf32>,
        tpu.vector_store %arg21[%swap3A_1058, %swap3A_1059], %mul3A_1057 {strides = array<i32>} : memref<128x128xf32, #tpu.memory_space<vmem>>, vector<16xf32>,
        %slice3A_1061 = vector.extract_strided_slice %select_n3A_723 {offsets = [5], sizes = [1], strides = [1]} : vector<16xf32> to vector<1xf32>
        %squeeze3A_1062 = vector.extract %slice3A_1061[0] : f32 from vector<1xf32>
        %add3A_1063 = arith.constant 5 : i32
        %add3A_1064 = arith.addi %mul3A_694, %add3A_1063 : i32
        %get3A_1065 = arith.index_cast %add3A_1064 : i32 to index
        %get3A_1066 = arith.constant 0 : index
        %get3A_1067 = tpu.vector_load %arg21[%get3A_1065, %get3A_1066] {strides = array<i32>} : memref<128x128xf32, #tpu.memory_space<vmem>>, vector<16xf32>,
        %mul3A_1068 = vector.broadcast %squeeze3A_1062 : f32 to vector<16xf32>
        %mul3A_1069 = arith.mulf %get3A_1067, %mul3A_1068 : vector<16xf32>
        %swap3A_1070 = arith.index_cast %add3A_1064 : i32 to index
        %swap3A_1071 = arith.constant 0 : index
        %swap3A_1072 = tpu.vector_load %arg21[%swap3A_1070, %swap3A_1071] {strides = array<i32>} : memref<128x128xf32, #tpu.memory_space<vmem>>, vector<16xf32>,
        tpu.vector_store %arg21[%swap3A_1070, %swap3A_1071], %mul3A_1069 {strides = array<i32>} : memref<128x128xf32, #tpu.memory_space<vmem>>, vector<16xf32>,
        %get3A_1073 = arith.index_cast %add3A_1064 : i32 to index
        %get3A_1074 = arith.constant 16 : index
        %get3A_1075 = tpu.vector_load %arg21[%get3A_1073, %get3A_1074] {strides = array<i32>} : memref<128x128xf32, #tpu.memory_space<vmem>>, vector<16xf32>,
        %mul3A_1076 = vector.broadcast %squeeze3A_1062 : f32 to vector<16xf32>
        %mul3A_1077 = arith.mulf %get3A_1075, %mul3A_1076 : vector<16xf32>
        %swap3A_1078 = arith.index_cast %add3A_1064 : i32 to index
        %swap3A_1079 = arith.constant 16 : index
        %swap3A_1080 = tpu.vector_load %arg21[%swap3A_1078, %swap3A_1079] {strides = array<i32>} : memref<128x128xf32, #tpu.memory_space<vmem>>, vector<16xf32>,
        tpu.vector_store %arg21[%swap3A_1078, %swap3A_1079], %mul3A_1077 {strides = array<i32>} : memref<128x128xf32, #tpu.memory_space<vmem>>, vector<16xf32>,
        %get3A_1081 = arith.index_cast %add3A_1064 : i32 to index
        %get3A_1082 = arith.constant 32 : index
        %get3A_1083 = tpu.vector_load %arg21[%get3A_1081, %get3A_1082] {strides = array<i32>} : memref<128x128xf32, #tpu.memory_space<vmem>>, vector<16xf32>,
        %mul3A_1084 = vector.broadcast %squeeze3A_1062 : f32 to vector<16xf32>
        %mul3A_1085 = arith.mulf %get3A_1083, %mul3A_1084 : vector<16xf32>
        %swap3A_1086 = arith.index_cast %add3A_1064 : i32 to index
        %swap3A_1087 = arith.constant 32 : index
        %swap3A_1088 = tpu.vector_load %arg21[%swap3A_1086, %swap3A_1087] {strides = array<i32>} : memref<128x128xf32, #tpu.memory_space<vmem>>, vector<16xf32>,
        tpu.vector_store %arg21[%swap3A_1086, %swap3A_1087], %mul3A_1085 {strides = array<i32>} : memref<128x128xf32, #tpu.memory_space<vmem>>, vector<16xf32>,
        %get3A_1089 = arith.index_cast %add3A_1064 : i32 to index
        %get3A_1090 = arith.constant 48 : index
        %get3A_1091 = tpu.vector_load %arg21[%get3A_1089, %get3A_1090] {strides = array<i32>} : memref<128x128xf32, #tpu.memory_space<vmem>>, vector<16xf32>,
        %mul3A_1092 = vector.broadcast %squeeze3A_1062 : f32 to vector<16xf32>
        %mul3A_1093 = arith.mulf %get3A_1091, %mul3A_1092 : vector<16xf32>
        %swap3A_1094 = arith.index_cast %add3A_1064 : i32 to index
        %swap3A_1095 = arith.constant 48 : index
        %swap3A_1096 = tpu.vector_load %arg21[%swap3A_1094, %swap3A_1095] {strides = array<i32>} : memref<128x128xf32, #tpu.memory_space<vmem>>, vector<16xf32>,
        tpu.vector_store %arg21[%swap3A_1094, %swap3A_1095], %mul3A_1093 {strides = array<i32>} : memref<128x128xf32, #tpu.memory_space<vmem>>, vector<16xf32>,
        %get3A_1097 = arith.index_cast %add3A_1064 : i32 to index
        %get3A_1098 = arith.constant 64 : index
        %get3A_1099 = tpu.vector_load %arg21[%get3A_1097, %get3A_1098] {strides = array<i32>} : memref<128x128xf32, #tpu.memory_space<vmem>>, vector<16xf32>,
        %mul3A_1100 = vector.broadcast %squeeze3A_1062 : f32 to vector<16xf32>
        %mul3A_1101 = arith.mulf %get3A_1099, %mul3A_1100 : vector<16xf32>
        %swap3A_1102 = arith.index_cast %add3A_1064 : i32 to index
        %swap3A_1103 = arith.constant 64 : index
        %swap3A_1104 = tpu.vector_load %arg21[%swap3A_1102, %swap3A_1103] {strides = array<i32>} : memref<128x128xf32, #tpu.memory_space<vmem>>, vector<16xf32>,
        tpu.vector_store %arg21[%swap3A_1102, %swap3A_1103], %mul3A_1101 {strides = array<i32>} : memref<128x128xf32, #tpu.memory_space<vmem>>, vector<16xf32>,
        %get3A_1105 = arith.index_cast %add3A_1064 : i32 to index
        %get3A_1106 = arith.constant 80 : index
        %get3A_1107 = tpu.vector_load %arg21[%get3A_1105, %get3A_1106] {strides = array<i32>} : memref<128x128xf32, #tpu.memory_space<vmem>>, vector<16xf32>,
        %mul3A_1108 = vector.broadcast %squeeze3A_1062 : f32 to vector<16xf32>
        %mul3A_1109 = arith.mulf %get3A_1107, %mul3A_1108 : vector<16xf32>
        %swap3A_1110 = arith.index_cast %add3A_1064 : i32 to index
        %swap3A_1111 = arith.constant 80 : index
        %swap3A_1112 = tpu.vector_load %arg21[%swap3A_1110, %swap3A_1111] {strides = array<i32>} : memref<128x128xf32, #tpu.memory_space<vmem>>, vector<16xf32>,
        tpu.vector_store %arg21[%swap3A_1110, %swap3A_1111], %mul3A_1109 {strides = array<i32>} : memref<128x128xf32, #tpu.memory_space<vmem>>, vector<16xf32>,
        %get3A_1113 = arith.index_cast %add3A_1064 : i32 to index
        %get3A_1114 = arith.constant 96 : index
        %get3A_1115 = tpu.vector_load %arg21[%get3A_1113, %get3A_1114] {strides = array<i32>} : memref<128x128xf32, #tpu.memory_space<vmem>>, vector<16xf32>,
        %mul3A_1116 = vector.broadcast %squeeze3A_1062 : f32 to vector<16xf32>
        %mul3A_1117 = arith.mulf %get3A_1115, %mul3A_1116 : vector<16xf32>
        %swap3A_1118 = arith.index_cast %add3A_1064 : i32 to index
        %swap3A_1119 = arith.constant 96 : index
        %swap3A_1120 = tpu.vector_load %arg21[%swap3A_1118, %swap3A_1119] {strides = array<i32>} : memref<128x128xf32, #tpu.memory_space<vmem>>, vector<16xf32>,
        tpu.vector_store %arg21[%swap3A_1118, %swap3A_1119], %mul3A_1117 {strides = array<i32>} : memref<128x128xf32, #tpu.memory_space<vmem>>, vector<16xf32>,
        %get3A_1121 = arith.index_cast %add3A_1064 : i32 to index
        %get3A_1122 = arith.constant 112 : index
        %get3A_1123 = tpu.vector_load %arg21[%get3A_1121, %get3A_1122] {strides = array<i32>} : memref<128x128xf32, #tpu.memory_space<vmem>>, vector<16xf32>,
        %mul3A_1124 = vector.broadcast %squeeze3A_1062 : f32 to vector<16xf32>
        %mul3A_1125 = arith.mulf %get3A_1123, %mul3A_1124 : vector<16xf32>
        %swap3A_1126 = arith.index_cast %add3A_1064 : i32 to index
        %swap3A_1127 = arith.constant 112 : index
        %swap3A_1128 = tpu.vector_load %arg21[%swap3A_1126, %swap3A_1127] {strides = array<i32>} : memref<128x128xf32, #tpu.memory_space<vmem>>, vector<16xf32>,
        tpu.vector_store %arg21[%swap3A_1126, %swap3A_1127], %mul3A_1125 {strides = array<i32>} : memref<128x128xf32, #tpu.memory_space<vmem>>, vector<16xf32>,
        %slice3A_1129 = vector.extract_strided_slice %select_n3A_723 {offsets = [6], sizes = [1], strides = [1]} : vector<16xf32> to vector<1xf32>
        %squeeze3A_1130 = vector.extract %slice3A_1129[0] : f32 from vector<1xf32>
        %add3A_1131 = arith.constant 6 : i32
        %add3A_1132 = arith.addi %mul3A_694, %add3A_1131 : i32
        %get3A_1133 = arith.index_cast %add3A_1132 : i32 to index
        %get3A_1134 = arith.constant 0 : index
        %get3A_1135 = tpu.vector_load %arg21[%get3A_1133, %get3A_1134] {strides = array<i32>} : memref<128x128xf32, #tpu.memory_space<vmem>>, vector<16xf32>,
        %mul3A_1136 = vector.broadcast %squeeze3A_1130 : f32 to vector<16xf32>
        %mul3A_1137 = arith.mulf %get3A_1135, %mul3A_1136 : vector<16xf32>
        %swap3A_1138 = arith.index_cast %add3A_1132 : i32 to index
        %swap3A_1139 = arith.constant 0 : index
        %swap3A_1140 = tpu.vector_load %arg21[%swap3A_1138, %swap3A_1139] {strides = array<i32>} : memref<128x128xf32, #tpu.memory_space<vmem>>, vector<16xf32>,
        tpu.vector_store %arg21[%swap3A_1138, %swap3A_1139], %mul3A_1137 {strides = array<i32>} : memref<128x128xf32, #tpu.memory_space<vmem>>, vector<16xf32>,
        %get3A_1141 = arith.index_cast %add3A_1132 : i32 to index
        %get3A_1142 = arith.constant 16 : index
        %get3A_1143 = tpu.vector_load %arg21[%get3A_1141, %get3A_1142] {strides = array<i32>} : memref<128x128xf32, #tpu.memory_space<vmem>>, vector<16xf32>,
        %mul3A_1144 = vector.broadcast %squeeze3A_1130 : f32 to vector<16xf32>
        %mul3A_1145 = arith.mulf %get3A_1143, %mul3A_1144 : vector<16xf32>
        %swap3A_1146 = arith.index_cast %add3A_1132 : i32 to index
        %swap3A_1147 = arith.constant 16 : index
        %swap3A_1148 = tpu.vector_load %arg21[%swap3A_1146, %swap3A_1147] {strides = array<i32>} : memref<128x128xf32, #tpu.memory_space<vmem>>, vector<16xf32>,
        tpu.vector_store %arg21[%swap3A_1146, %swap3A_1147], %mul3A_1145 {strides = array<i32>} : memref<128x128xf32, #tpu.memory_space<vmem>>, vector<16xf32>,
        %get3A_1149 = arith.index_cast %add3A_1132 : i32 to index
        %get3A_1150 = arith.constant 32 : index
        %get3A_1151 = tpu.vector_load %arg21[%get3A_1149, %get3A_1150] {strides = array<i32>} : memref<128x128xf32, #tpu.memory_space<vmem>>, vector<16xf32>,
        %mul3A_1152 = vector.broadcast %squeeze3A_1130 : f32 to vector<16xf32>
        %mul3A_1153 = arith.mulf %get3A_1151, %mul3A_1152 : vector<16xf32>
        %swap3A_1154 = arith.index_cast %add3A_1132 : i32 to index
        %swap3A_1155 = arith.constant 32 : index
        %swap3A_1156 = tpu.vector_load %arg21[%swap3A_1154, %swap3A_1155] {strides = array<i32>} : memref<128x128xf32, #tpu.memory_space<vmem>>, vector<16xf32>,
        tpu.vector_store %arg21[%swap3A_1154, %swap3A_1155], %mul3A_1153 {strides = array<i32>} : memref<128x128xf32, #tpu.memory_space<vmem>>, vector<16xf32>,
        %get3A_1157 = arith.index_cast %add3A_1132 : i32 to index
        %get3A_1158 = arith.constant 48 : index
        %get3A_1159 = tpu.vector_load %arg21[%get3A_1157, %get3A_1158] {strides = array<i32>} : memref<128x128xf32, #tpu.memory_space<vmem>>, vector<16xf32>,
        %mul3A_1160 = vector.broadcast %squeeze3A_1130 : f32 to vector<16xf32>
        %mul3A_1161 = arith.mulf %get3A_1159, %mul3A_1160 : vector<16xf32>
        %swap3A_1162 = arith.index_cast %add3A_1132 : i32 to index
        %swap3A_1163 = arith.constant 48 : index
        %swap3A_1164 = tpu.vector_load %arg21[%swap3A_1162, %swap3A_1163] {strides = array<i32>} : memref<128x128xf32, #tpu.memory_space<vmem>>, vector<16xf32>,
        tpu.vector_store %arg21[%swap3A_1162, %swap3A_1163], %mul3A_1161 {strides = array<i32>} : memref<128x128xf32, #tpu.memory_space<vmem>>, vector<16xf32>,
        %get3A_1165 = arith.index_cast %add3A_1132 : i32 to index
        %get3A_1166 = arith.constant 64 : index
        %get3A_1167 = tpu.vector_load %arg21[%get3A_1165, %get3A_1166] {strides = array<i32>} : memref<128x128xf32, #tpu.memory_space<vmem>>, vector<16xf32>,
        %mul3A_1168 = vector.broadcast %squeeze3A_1130 : f32 to vector<16xf32>
        %mul3A_1169 = arith.mulf %get3A_1167, %mul3A_1168 : vector<16xf32>
        %swap3A_1170 = arith.index_cast %add3A_1132 : i32 to index
        %swap3A_1171 = arith.constant 64 : index
        %swap3A_1172 = tpu.vector_load %arg21[%swap3A_1170, %swap3A_1171] {strides = array<i32>} : memref<128x128xf32, #tpu.memory_space<vmem>>, vector<16xf32>,
        tpu.vector_store %arg21[%swap3A_1170, %swap3A_1171], %mul3A_1169 {strides = array<i32>} : memref<128x128xf32, #tpu.memory_space<vmem>>, vector<16xf32>,
        %get3A_1173 = arith.index_cast %add3A_1132 : i32 to index
        %get3A_1174 = arith.constant 80 : index
        %get3A_1175 = tpu.vector_load %arg21[%get3A_1173, %get3A_1174] {strides = array<i32>} : memref<128x128xf32, #tpu.memory_space<vmem>>, vector<16xf32>,
        %mul3A_1176 = vector.broadcast %squeeze3A_1130 : f32 to vector<16xf32>
        %mul3A_1177 = arith.mulf %get3A_1175, %mul3A_1176 : vector<16xf32>
        %swap3A_1178 = arith.index_cast %add3A_1132 : i32 to index
        %swap3A_1179 = arith.constant 80 : index
        %swap3A_1180 = tpu.vector_load %arg21[%swap3A_1178, %swap3A_1179] {strides = array<i32>} : memref<128x128xf32, #tpu.memory_space<vmem>>, vector<16xf32>,
        tpu.vector_store %arg21[%swap3A_1178, %swap3A_1179], %mul3A_1177 {strides = array<i32>} : memref<128x128xf32, #tpu.memory_space<vmem>>, vector<16xf32>,
        %get3A_1181 = arith.index_cast %add3A_1132 : i32 to index
        %get3A_1182 = arith.constant 96 : index
        %get3A_1183 = tpu.vector_load %arg21[%get3A_1181, %get3A_1182] {strides = array<i32>} : memref<128x128xf32, #tpu.memory_space<vmem>>, vector<16xf32>,
        %mul3A_1184 = vector.broadcast %squeeze3A_1130 : f32 to vector<16xf32>
        %mul3A_1185 = arith.mulf %get3A_1183, %mul3A_1184 : vector<16xf32>
        %swap3A_1186 = arith.index_cast %add3A_1132 : i32 to index
        %swap3A_1187 = arith.constant 96 : index
        %swap3A_1188 = tpu.vector_load %arg21[%swap3A_1186, %swap3A_1187] {strides = array<i32>} : memref<128x128xf32, #tpu.memory_space<vmem>>, vector<16xf32>,
        tpu.vector_store %arg21[%swap3A_1186, %swap3A_1187], %mul3A_1185 {strides = array<i32>} : memref<128x128xf32, #tpu.memory_space<vmem>>, vector<16xf32>,
        %get3A_1189 = arith.index_cast %add3A_1132 : i32 to index
        %get3A_1190 = arith.constant 112 : index
        %get3A_1191 = tpu.vector_load %arg21[%get3A_1189, %get3A_1190] {strides = array<i32>} : memref<128x128xf32, #tpu.memory_space<vmem>>, vector<16xf32>,
        %mul3A_1192 = vector.broadcast %squeeze3A_1130 : f32 to vector<16xf32>
        %mul3A_1193 = arith.mulf %get3A_1191, %mul3A_1192 : vector<16xf32>
        %swap3A_1194 = arith.index_cast %add3A_1132 : i32 to index
        %swap3A_1195 = arith.constant 112 : index
        %swap3A_1196 = tpu.vector_load %arg21[%swap3A_1194, %swap3A_1195] {strides = array<i32>} : memref<128x128xf32, #tpu.memory_space<vmem>>, vector<16xf32>,
        tpu.vector_store %arg21[%swap3A_1194, %swap3A_1195], %mul3A_1193 {strides = array<i32>} : memref<128x128xf32, #tpu.memory_space<vmem>>, vector<16xf32>,
        %slice3A_1197 = vector.extract_strided_slice %select_n3A_723 {offsets = [7], sizes = [1], strides = [1]} : vector<16xf32> to vector<1xf32>
        %squeeze3A_1198 = vector.extract %slice3A_1197[0] : f32 from vector<1xf32>
        %add3A_1199 = arith.constant 7 : i32
        %add3A_1200 = arith.addi %mul3A_694, %add3A_1199 : i32
        %get3A_1201 = arith.index_cast %add3A_1200 : i32 to index
        %get3A_1202 = arith.constant 0 : index
        %get3A_1203 = tpu.vector_load %arg21[%get3A_1201, %get3A_1202] {strides = array<i32>} : memref<128x128xf32, #tpu.memory_space<vmem>>, vector<16xf32>,
        %mul3A_1204 = vector.broadcast %squeeze3A_1198 : f32 to vector<16xf32>
        %mul3A_1205 = arith.mulf %get3A_1203, %mul3A_1204 : vector<16xf32>
        %swap3A_1206 = arith.index_cast %add3A_1200 : i32 to index
        %swap3A_1207 = arith.constant 0 : index
        %swap3A_1208 = tpu.vector_load %arg21[%swap3A_1206, %swap3A_1207] {strides = array<i32>} : memref<128x128xf32, #tpu.memory_space<vmem>>, vector<16xf32>,
        tpu.vector_store %arg21[%swap3A_1206, %swap3A_1207], %mul3A_1205 {strides = array<i32>} : memref<128x128xf32, #tpu.memory_space<vmem>>, vector<16xf32>,
        %get3A_1209 = arith.index_cast %add3A_1200 : i32 to index
        %get3A_1210 = arith.constant 16 : index
        %get3A_1211 = tpu.vector_load %arg21[%get3A_1209, %get3A_1210] {strides = array<i32>} : memref<128x128xf32, #tpu.memory_space<vmem>>, vector<16xf32>,
        %mul3A_1212 = vector.broadcast %squeeze3A_1198 : f32 to vector<16xf32>
        %mul3A_1213 = arith.mulf %get3A_1211, %mul3A_1212 : vector<16xf32>
        %swap3A_1214 = arith.index_cast %add3A_1200 : i32 to index
        %swap3A_1215 = arith.constant 16 : index
        %swap3A_1216 = tpu.vector_load %arg21[%swap3A_1214, %swap3A_1215] {strides = array<i32>} : memref<128x128xf32, #tpu.memory_space<vmem>>, vector<16xf32>,
        tpu.vector_store %arg21[%swap3A_1214, %swap3A_1215], %mul3A_1213 {strides = array<i32>} : memref<128x128xf32, #tpu.memory_space<vmem>>, vector<16xf32>,
        %get3A_1217 = arith.index_cast %add3A_1200 : i32 to index
        %get3A_1218 = arith.constant 32 : index
        %get3A_1219 = tpu.vector_load %arg21[%get3A_1217, %get3A_1218] {strides = array<i32>} : memref<128x128xf32, #tpu.memory_space<vmem>>, vector<16xf32>,
        %mul3A_1220 = vector.broadcast %squeeze3A_1198 : f32 to vector<16xf32>
        %mul3A_1221 = arith.mulf %get3A_1219, %mul3A_1220 : vector<16xf32>
        %swap3A_1222 = arith.index_cast %add3A_1200 : i32 to index
        %swap3A_1223 = arith.constant 32 : index
        %swap3A_1224 = tpu.vector_load %arg21[%swap3A_1222, %swap3A_1223] {strides = array<i32>} : memref<128x128xf32, #tpu.memory_space<vmem>>, vector<16xf32>,
        tpu.vector_store %arg21[%swap3A_1222, %swap3A_1223], %mul3A_1221 {strides = array<i32>} : memref<128x128xf32, #tpu.memory_space<vmem>>, vector<16xf32>,
        %get3A_1225 = arith.index_cast %add3A_1200 : i32 to index
        %get3A_1226 = arith.constant 48 : index
        %get3A_1227 = tpu.vector_load %arg21[%get3A_1225, %get3A_1226] {strides = array<i32>} : memref<128x128xf32, #tpu.memory_space<vmem>>, vector<16xf32>,
        %mul3A_1228 = vector.broadcast %squeeze3A_1198 : f32 to vector<16xf32>
        %mul3A_1229 = arith.mulf %get3A_1227, %mul3A_1228 : vector<16xf32>
        %swap3A_1230 = arith.index_cast %add3A_1200 : i32 to index
        %swap3A_1231 = arith.constant 48 : index
        %swap3A_1232 = tpu.vector_load %arg21[%swap3A_1230, %swap3A_1231] {strides = array<i32>} : memref<128x128xf32, #tpu.memory_space<vmem>>, vector<16xf32>,
        tpu.vector_store %arg21[%swap3A_1230, %swap3A_1231], %mul3A_1229 {strides = array<i32>} : memref<128x128xf32, #tpu.memory_space<vmem>>, vector<16xf32>,
        %get3A_1233 = arith.index_cast %add3A_1200 : i32 to index
        %get3A_1234 = arith.constant 64 : index
        %get3A_1235 = tpu.vector_load %arg21[%get3A_1233, %get3A_1234] {strides = array<i32>} : memref<128x128xf32, #tpu.memory_space<vmem>>, vector<16xf32>,
        %mul3A_1236 = vector.broadcast %squeeze3A_1198 : f32 to vector<16xf32>
        %mul3A_1237 = arith.mulf %get3A_1235, %mul3A_1236 : vector<16xf32>
        %swap3A_1238 = arith.index_cast %add3A_1200 : i32 to index
        %swap3A_1239 = arith.constant 64 : index
        %swap3A_1240 = tpu.vector_load %arg21[%swap3A_1238, %swap3A_1239] {strides = array<i32>} : memref<128x128xf32, #tpu.memory_space<vmem>>, vector<16xf32>,
        tpu.vector_store %arg21[%swap3A_1238, %swap3A_1239], %mul3A_1237 {strides = array<i32>} : memref<128x128xf32, #tpu.memory_space<vmem>>, vector<16xf32>,
        %get3A_1241 = arith.index_cast %add3A_1200 : i32 to index
        %get3A_1242 = arith.constant 80 : index
        %get3A_1243 = tpu.vector_load %arg21[%get3A_1241, %get3A_1242] {strides = array<i32>} : memref<128x128xf32, #tpu.memory_space<vmem>>, vector<16xf32>,
        %mul3A_1244 = vector.broadcast %squeeze3A_1198 : f32 to vector<16xf32>
        %mul3A_1245 = arith.mulf %get3A_1243, %mul3A_1244 : vector<16xf32>
        %swap3A_1246 = arith.index_cast %add3A_1200 : i32 to index
        %swap3A_1247 = arith.constant 80 : index
        %swap3A_1248 = tpu.vector_load %arg21[%swap3A_1246, %swap3A_1247] {strides = array<i32>} : memref<128x128xf32, #tpu.memory_space<vmem>>, vector<16xf32>,
        tpu.vector_store %arg21[%swap3A_1246, %swap3A_1247], %mul3A_1245 {strides = array<i32>} : memref<128x128xf32, #tpu.memory_space<vmem>>, vector<16xf32>,
        %get3A_1249 = arith.index_cast %add3A_1200 : i32 to index
        %get3A_1250 = arith.constant 96 : index
        %get3A_1251 = tpu.vector_load %arg21[%get3A_1249, %get3A_1250] {strides = array<i32>} : memref<128x128xf32, #tpu.memory_space<vmem>>, vector<16xf32>,
        %mul3A_1252 = vector.broadcast %squeeze3A_1198 : f32 to vector<16xf32>
        %mul3A_1253 = arith.mulf %get3A_1251, %mul3A_1252 : vector<16xf32>
        %swap3A_1254 = arith.index_cast %add3A_1200 : i32 to index
        %swap3A_1255 = arith.constant 96 : index
        %swap3A_1256 = tpu.vector_load %arg21[%swap3A_1254, %swap3A_1255] {strides = array<i32>} : memref<128x128xf32, #tpu.memory_space<vmem>>, vector<16xf32>,
        tpu.vector_store %arg21[%swap3A_1254, %swap3A_1255], %mul3A_1253 {strides = array<i32>} : memref<128x128xf32, #tpu.memory_space<vmem>>, vector<16xf32>,
        %get3A_1257 = arith.index_cast %add3A_1200 : i32 to index
        %get3A_1258 = arith.constant 112 : index
        %get3A_1259 = tpu.vector_load %arg21[%get3A_1257, %get3A_1258] {strides = array<i32>} : memref<128x128xf32, #tpu.memory_space<vmem>>, vector<16xf32>,
        %mul3A_1260 = vector.broadcast %squeeze3A_1198 : f32 to vector<16xf32>
        %mul3A_1261 = arith.mulf %get3A_1259, %mul3A_1260 : vector<16xf32>
        %swap3A_1262 = arith.index_cast %add3A_1200 : i32 to index
        %swap3A_1263 = arith.constant 112 : index
        %swap3A_1264 = tpu.vector_load %arg21[%swap3A_1262, %swap3A_1263] {strides = array<i32>} : memref<128x128xf32, #tpu.memory_space<vmem>>, vector<16xf32>,
        tpu.vector_store %arg21[%swap3A_1262, %swap3A_1263], %mul3A_1261 {strides = array<i32>} : memref<128x128xf32, #tpu.memory_space<vmem>>, vector<16xf32>,
        %slice3A_1265 = vector.extract_strided_slice %select_n3A_723 {offsets = [8], sizes = [1], strides = [1]} : vector<16xf32> to vector<1xf32>
        %squeeze3A_1266 = vector.extract %slice3A_1265[0] : f32 from vector<1xf32>
        %add3A_1267 = arith.constant 8 : i32
        %add3A_1268 = arith.addi %mul3A_694, %add3A_1267 : i32
        %get3A_1269 = arith.index_cast %add3A_1268 : i32 to index
        %get3A_1270 = arith.constant 0 : index
        %get3A_1271 = tpu.vector_load %arg21[%get3A_1269, %get3A_1270] {strides = array<i32>} : memref<128x128xf32, #tpu.memory_space<vmem>>, vector<16xf32>,
        %mul3A_1272 = vector.broadcast %squeeze3A_1266 : f32 to vector<16xf32>
        %mul3A_1273 = arith.mulf %get3A_1271, %mul3A_1272 : vector<16xf32>
        %swap3A_1274 = arith.index_cast %add3A_1268 : i32 to index
        %swap3A_1275 = arith.constant 0 : index
        %swap3A_1276 = tpu.vector_load %arg21[%swap3A_1274, %swap3A_1275] {strides = array<i32>} : memref<128x128xf32, #tpu.memory_space<vmem>>, vector<16xf32>,
        tpu.vector_store %arg21[%swap3A_1274, %swap3A_1275], %mul3A_1273 {strides = array<i32>} : memref<128x128xf32, #tpu.memory_space<vmem>>, vector<16xf32>,
        %get3A_1277 = arith.index_cast %add3A_1268 : i32 to index
        %get3A_1278 = arith.constant 16 : index
        %get3A_1279 = tpu.vector_load %arg21[%get3A_1277, %get3A_1278] {strides = array<i32>} : memref<128x128xf32, #tpu.memory_space<vmem>>, vector<16xf32>,
        %mul3A_1280 = vector.broadcast %squeeze3A_1266 : f32 to vector<16xf32>
        %mul3A_1281 = arith.mulf %get3A_1279, %mul3A_1280 : vector<16xf32>
        %swap3A_1282 = arith.index_cast %add3A_1268 : i32 to index
        %swap3A_1283 = arith.constant 16 : index
        %swap3A_1284 = tpu.vector_load %arg21[%swap3A_1282, %swap3A_1283] {strides = array<i32>} : memref<128x128xf32, #tpu.memory_space<vmem>>, vector<16xf32>,
        tpu.vector_store %arg21[%swap3A_1282, %swap3A_1283], %mul3A_1281 {strides = array<i32>} : memref<128x128xf32, #tpu.memory_space<vmem>>, vector<16xf32>,
        %get3A_1285 = arith.index_cast %add3A_1268 : i32 to index
        %get3A_1286 = arith.constant 32 : index
        %get3A_1287 = tpu.vector_load %arg21[%get3A_1285, %get3A_1286] {strides = array<i32>} : memref<128x128xf32, #tpu.memory_space<vmem>>, vector<16xf32>,
        %mul3A_1288 = vector.broadcast %squeeze3A_1266 : f32 to vector<16xf32>
        %mul3A_1289 = arith.mulf %get3A_1287, %mul3A_1288 : vector<16xf32>
        %swap3A_1290 = arith.index_cast %add3A_1268 : i32 to index
        %swap3A_1291 = arith.constant 32 : index
        %swap3A_1292 = tpu.vector_load %arg21[%swap3A_1290, %swap3A_1291] {strides = array<i32>} : memref<128x128xf32, #tpu.memory_space<vmem>>, vector<16xf32>,
        tpu.vector_store %arg21[%swap3A_1290, %swap3A_1291], %mul3A_1289 {strides = array<i32>} : memref<128x128xf32, #tpu.memory_space<vmem>>, vector<16xf32>,
        %get3A_1293 = arith.index_cast %add3A_1268 : i32 to index
        %get3A_1294 = arith.constant 48 : index
        %get3A_1295 = tpu.vector_load %arg21[%get3A_1293, %get3A_1294] {strides = array<i32>} : memref<128x128xf32, #tpu.memory_space<vmem>>, vector<16xf32>,
        %mul3A_1296 = vector.broadcast %squeeze3A_1266 : f32 to vector<16xf32>
        %mul3A_1297 = arith.mulf %get3A_1295, %mul3A_1296 : vector<16xf32>
        %swap3A_1298 = arith.index_cast %add3A_1268 : i32 to index
        %swap3A_1299 = arith.constant 48 : index
        %swap3A_1300 = tpu.vector_load %arg21[%swap3A_1298, %swap3A_1299] {strides = array<i32>} : memref<128x128xf32, #tpu.memory_space<vmem>>, vector<16xf32>,
        tpu.vector_store %arg21[%swap3A_1298, %swap3A_1299], %mul3A_1297 {strides = array<i32>} : memref<128x128xf32, #tpu.memory_space<vmem>>, vector<16xf32>,
        %get3A_1301 = arith.index_cast %add3A_1268 : i32 to index
        %get3A_1302 = arith.constant 64 : index
        %get3A_1303 = tpu.vector_load %arg21[%get3A_1301, %get3A_1302] {strides = array<i32>} : memref<128x128xf32, #tpu.memory_space<vmem>>, vector<16xf32>,
        %mul3A_1304 = vector.broadcast %squeeze3A_1266 : f32 to vector<16xf32>
        %mul3A_1305 = arith.mulf %get3A_1303, %mul3A_1304 : vector<16xf32>
        %swap3A_1306 = arith.index_cast %add3A_1268 : i32 to index
        %swap3A_1307 = arith.constant 64 : index
        %swap3A_1308 = tpu.vector_load %arg21[%swap3A_1306, %swap3A_1307] {strides = array<i32>} : memref<128x128xf32, #tpu.memory_space<vmem>>, vector<16xf32>,
        tpu.vector_store %arg21[%swap3A_1306, %swap3A_1307], %mul3A_1305 {strides = array<i32>} : memref<128x128xf32, #tpu.memory_space<vmem>>, vector<16xf32>,
        %get3A_1309 = arith.index_cast %add3A_1268 : i32 to index
        %get3A_1310 = arith.constant 80 : index
        %get3A_1311 = tpu.vector_load %arg21[%get3A_1309, %get3A_1310] {strides = array<i32>} : memref<128x128xf32, #tpu.memory_space<vmem>>, vector<16xf32>,
        %mul3A_1312 = vector.broadcast %squeeze3A_1266 : f32 to vector<16xf32>
        %mul3A_1313 = arith.mulf %get3A_1311, %mul3A_1312 : vector<16xf32>
        %swap3A_1314 = arith.index_cast %add3A_1268 : i32 to index
        %swap3A_1315 = arith.constant 80 : index
        %swap3A_1316 = tpu.vector_load %arg21[%swap3A_1314, %swap3A_1315] {strides = array<i32>} : memref<128x128xf32, #tpu.memory_space<vmem>>, vector<16xf32>,
        tpu.vector_store %arg21[%swap3A_1314, %swap3A_1315], %mul3A_1313 {strides = array<i32>} : memref<128x128xf32, #tpu.memory_space<vmem>>, vector<16xf32>,
        %get3A_1317 = arith.index_cast %add3A_1268 : i32 to index
        %get3A_1318 = arith.constant 96 : index
        %get3A_1319 = tpu.vector_load %arg21[%get3A_1317, %get3A_1318] {strides = array<i32>} : memref<128x128xf32, #tpu.memory_space<vmem>>, vector<16xf32>,
        %mul3A_1320 = vector.broadcast %squeeze3A_1266 : f32 to vector<16xf32>
        %mul3A_1321 = arith.mulf %get3A_1319, %mul3A_1320 : vector<16xf32>
        %swap3A_1322 = arith.index_cast %add3A_1268 : i32 to index
        %swap3A_1323 = arith.constant 96 : index
        %swap3A_1324 = tpu.vector_load %arg21[%swap3A_1322, %swap3A_1323] {strides = array<i32>} : memref<128x128xf32, #tpu.memory_space<vmem>>, vector<16xf32>,
        tpu.vector_store %arg21[%swap3A_1322, %swap3A_1323], %mul3A_1321 {strides = array<i32>} : memref<128x128xf32, #tpu.memory_space<vmem>>, vector<16xf32>,
        %get3A_1325 = arith.index_cast %add3A_1268 : i32 to index
        %get3A_1326 = arith.constant 112 : index
        %get3A_1327 = tpu.vector_load %arg21[%get3A_1325, %get3A_1326] {strides = array<i32>} : memref<128x128xf32, #tpu.memory_space<vmem>>, vector<16xf32>,
        %mul3A_1328 = vector.broadcast %squeeze3A_1266 : f32 to vector<16xf32>
        %mul3A_1329 = arith.mulf %get3A_1327, %mul3A_1328 : vector<16xf32>
        %swap3A_1330 = arith.index_cast %add3A_1268 : i32 to index
        %swap3A_1331 = arith.constant 112 : index
        %swap3A_1332 = tpu.vector_load %arg21[%swap3A_1330, %swap3A_1331] {strides = array<i32>} : memref<128x128xf32, #tpu.memory_space<vmem>>, vector<16xf32>,
        tpu.vector_store %arg21[%swap3A_1330, %swap3A_1331], %mul3A_1329 {strides = array<i32>} : memref<128x128xf32, #tpu.memory_space<vmem>>, vector<16xf32>,
        %slice3A_1333 = vector.extract_strided_slice %select_n3A_723 {offsets = [9], sizes = [1], strides = [1]} : vector<16xf32> to vector<1xf32>
        %squeeze3A_1334 = vector.extract %slice3A_1333[0] : f32 from vector<1xf32>
        %add3A_1335 = arith.constant 9 : i32
        %add3A_1336 = arith.addi %mul3A_694, %add3A_1335 : i32
        %get3A_1337 = arith.index_cast %add3A_1336 : i32 to index
        %get3A_1338 = arith.constant 0 : index
        %get3A_1339 = tpu.vector_load %arg21[%get3A_1337, %get3A_1338] {strides = array<i32>} : memref<128x128xf32, #tpu.memory_space<vmem>>, vector<16xf32>,
        %mul3A_1340 = vector.broadcast %squeeze3A_1334 : f32 to vector<16xf32>
        %mul3A_1341 = arith.mulf %get3A_1339, %mul3A_1340 : vector<16xf32>
        %swap3A_1342 = arith.index_cast %add3A_1336 : i32 to index
        %swap3A_1343 = arith.constant 0 : index
        %swap3A_1344 = tpu.vector_load %arg21[%swap3A_1342, %swap3A_1343] {strides = array<i32>} : memref<128x128xf32, #tpu.memory_space<vmem>>, vector<16xf32>,
        tpu.vector_store %arg21[%swap3A_1342, %swap3A_1343], %mul3A_1341 {strides = array<i32>} : memref<128x128xf32, #tpu.memory_space<vmem>>, vector<16xf32>,
        %get3A_1345 = arith.index_cast %add3A_1336 : i32 to index
        %get3A_1346 = arith.constant 16 : index
        %get3A_1347 = tpu.vector_load %arg21[%get3A_1345, %get3A_1346] {strides = array<i32>} : memref<128x128xf32, #tpu.memory_space<vmem>>, vector<16xf32>,
        %mul3A_1348 = vector.broadcast %squeeze3A_1334 : f32 to vector<16xf32>
        %mul3A_1349 = arith.mulf %get3A_1347, %mul3A_1348 : vector<16xf32>
        %swap3A_1350 = arith.index_cast %add3A_1336 : i32 to index
        %swap3A_1351 = arith.constant 16 : index
        %swap3A_1352 = tpu.vector_load %arg21[%swap3A_1350, %swap3A_1351] {strides = array<i32>} : memref<128x128xf32, #tpu.memory_space<vmem>>, vector<16xf32>,
        tpu.vector_store %arg21[%swap3A_1350, %swap3A_1351], %mul3A_1349 {strides = array<i32>} : memref<128x128xf32, #tpu.memory_space<vmem>>, vector<16xf32>,
        %get3A_1353 = arith.index_cast %add3A_1336 : i32 to index
        %get3A_1354 = arith.constant 32 : index
        %get3A_1355 = tpu.vector_load %arg21[%get3A_1353, %get3A_1354] {strides = array<i32>} : memref<128x128xf32, #tpu.memory_space<vmem>>, vector<16xf32>,
        %mul3A_1356 = vector.broadcast %squeeze3A_1334 : f32 to vector<16xf32>
        %mul3A_1357 = arith.mulf %get3A_1355, %mul3A_1356 : vector<16xf32>
        %swap3A_1358 = arith.index_cast %add3A_1336 : i32 to index
        %swap3A_1359 = arith.constant 32 : index
        %swap3A_1360 = tpu.vector_load %arg21[%swap3A_1358, %swap3A_1359] {strides = array<i32>} : memref<128x128xf32, #tpu.memory_space<vmem>>, vector<16xf32>,
        tpu.vector_store %arg21[%swap3A_1358, %swap3A_1359], %mul3A_1357 {strides = array<i32>} : memref<128x128xf32, #tpu.memory_space<vmem>>, vector<16xf32>,
        %get3A_1361 = arith.index_cast %add3A_1336 : i32 to index
        %get3A_1362 = arith.constant 48 : index
        %get3A_1363 = tpu.vector_load %arg21[%get3A_1361, %get3A_1362] {strides = array<i32>} : memref<128x128xf32, #tpu.memory_space<vmem>>, vector<16xf32>,
        %mul3A_1364 = vector.broadcast %squeeze3A_1334 : f32 to vector<16xf32>
        %mul3A_1365 = arith.mulf %get3A_1363, %mul3A_1364 : vector<16xf32>
        %swap3A_1366 = arith.index_cast %add3A_1336 : i32 to index
        %swap3A_1367 = arith.constant 48 : index
        %swap3A_1368 = tpu.vector_load %arg21[%swap3A_1366, %swap3A_1367] {strides = array<i32>} : memref<128x128xf32, #tpu.memory_space<vmem>>, vector<16xf32>,
        tpu.vector_store %arg21[%swap3A_1366, %swap3A_1367], %mul3A_1365 {strides = array<i32>} : memref<128x128xf32, #tpu.memory_space<vmem>>, vector<16xf32>,
        %get3A_1369 = arith.index_cast %add3A_1336 : i32 to index
        %get3A_1370 = arith.constant 64 : index
        %get3A_1371 = tpu.vector_load %arg21[%get3A_1369, %get3A_1370] {strides = array<i32>} : memref<128x128xf32, #tpu.memory_space<vmem>>, vector<16xf32>,
        %mul3A_1372 = vector.broadcast %squeeze3A_1334 : f32 to vector<16xf32>
        %mul3A_1373 = arith.mulf %get3A_1371, %mul3A_1372 : vector<16xf32>
        %swap3A_1374 = arith.index_cast %add3A_1336 : i32 to index
        %swap3A_1375 = arith.constant 64 : index
        %swap3A_1376 = tpu.vector_load %arg21[%swap3A_1374, %swap3A_1375] {strides = array<i32>} : memref<128x128xf32, #tpu.memory_space<vmem>>, vector<16xf32>,
        tpu.vector_store %arg21[%swap3A_1374, %swap3A_1375], %mul3A_1373 {strides = array<i32>} : memref<128x128xf32, #tpu.memory_space<vmem>>, vector<16xf32>,
        %get3A_1377 = arith.index_cast %add3A_1336 : i32 to index
        %get3A_1378 = arith.constant 80 : index
        %get3A_1379 = tpu.vector_load %arg21[%get3A_1377, %get3A_1378] {strides = array<i32>} : memref<128x128xf32, #tpu.memory_space<vmem>>, vector<16xf32>,
        %mul3A_1380 = vector.broadcast %squeeze3A_1334 : f32 to vector<16xf32>
        %mul3A_1381 = arith.mulf %get3A_1379, %mul3A_1380 : vector<16xf32>
        %swap3A_1382 = arith.index_cast %add3A_1336 : i32 to index
        %swap3A_1383 = arith.constant 80 : index
        %swap3A_1384 = tpu.vector_load %arg21[%swap3A_1382, %swap3A_1383] {strides = array<i32>} : memref<128x128xf32, #tpu.memory_space<vmem>>, vector<16xf32>,
        tpu.vector_store %arg21[%swap3A_1382, %swap3A_1383], %mul3A_1381 {strides = array<i32>} : memref<128x128xf32, #tpu.memory_space<vmem>>, vector<16xf32>,
        %get3A_1385 = arith.index_cast %add3A_1336 : i32 to index
        %get3A_1386 = arith.constant 96 : index
        %get3A_1387 = tpu.vector_load %arg21[%get3A_1385, %get3A_1386] {strides = array<i32>} : memref<128x128xf32, #tpu.memory_space<vmem>>, vector<16xf32>,
        %mul3A_1388 = vector.broadcast %squeeze3A_1334 : f32 to vector<16xf32>
        %mul3A_1389 = arith.mulf %get3A_1387, %mul3A_1388 : vector<16xf32>
        %swap3A_1390 = arith.index_cast %add3A_1336 : i32 to index
        %swap3A_1391 = arith.constant 96 : index
        %swap3A_1392 = tpu.vector_load %arg21[%swap3A_1390, %swap3A_1391] {strides = array<i32>} : memref<128x128xf32, #tpu.memory_space<vmem>>, vector<16xf32>,
        tpu.vector_store %arg21[%swap3A_1390, %swap3A_1391], %mul3A_1389 {strides = array<i32>} : memref<128x128xf32, #tpu.memory_space<vmem>>, vector<16xf32>,
        %get3A_1393 = arith.index_cast %add3A_1336 : i32 to index
        %get3A_1394 = arith.constant 112 : index
        %get3A_1395 = tpu.vector_load %arg21[%get3A_1393, %get3A_1394] {strides = array<i32>} : memref<128x128xf32, #tpu.memory_space<vmem>>, vector<16xf32>,
        %mul3A_1396 = vector.broadcast %squeeze3A_1334 : f32 to vector<16xf32>
        %mul3A_1397 = arith.mulf %get3A_1395, %mul3A_1396 : vector<16xf32>
        %swap3A_1398 = arith.index_cast %add3A_1336 : i32 to index
        %swap3A_1399 = arith.constant 112 : index
        %swap3A_1400 = tpu.vector_load %arg21[%swap3A_1398, %swap3A_1399] {strides = array<i32>} : memref<128x128xf32, #tpu.memory_space<vmem>>, vector<16xf32>,
        tpu.vector_store %arg21[%swap3A_1398, %swap3A_1399], %mul3A_1397 {strides = array<i32>} : memref<128x128xf32, #tpu.memory_space<vmem>>, vector<16xf32>,
        %slice3A_1401 = vector.extract_strided_slice %select_n3A_723 {offsets = [10], sizes = [1], strides = [1]} : vector<16xf32> to vector<1xf32>
        %squeeze3A_1402 = vector.extract %slice3A_1401[0] : f32 from vector<1xf32>
        %add3A_1403 = arith.constant 10 : i32
        %add3A_1404 = arith.addi %mul3A_694, %add3A_1403 : i32
        %get3A_1405 = arith.index_cast %add3A_1404 : i32 to index
        %get3A_1406 = arith.constant 0 : index
        %get3A_1407 = tpu.vector_load %arg21[%get3A_1405, %get3A_1406] {strides = array<i32>} : memref<128x128xf32, #tpu.memory_space<vmem>>, vector<16xf32>,
        %mul3A_1408 = vector.broadcast %squeeze3A_1402 : f32 to vector<16xf32>
        %mul3A_1409 = arith.mulf %get3A_1407, %mul3A_1408 : vector<16xf32>
        %swap3A_1410 = arith.index_cast %add3A_1404 : i32 to index
        %swap3A_1411 = arith.constant 0 : index
        %swap3A_1412 = tpu.vector_load %arg21[%swap3A_1410, %swap3A_1411] {strides = array<i32>} : memref<128x128xf32, #tpu.memory_space<vmem>>, vector<16xf32>,
        tpu.vector_store %arg21[%swap3A_1410, %swap3A_1411], %mul3A_1409 {strides = array<i32>} : memref<128x128xf32, #tpu.memory_space<vmem>>, vector<16xf32>,
        %get3A_1413 = arith.index_cast %add3A_1404 : i32 to index
        %get3A_1414 = arith.constant 16 : index
        %get3A_1415 = tpu.vector_load %arg21[%get3A_1413, %get3A_1414] {strides = array<i32>} : memref<128x128xf32, #tpu.memory_space<vmem>>, vector<16xf32>,
        %mul3A_1416 = vector.broadcast %squeeze3A_1402 : f32 to vector<16xf32>
        %mul3A_1417 = arith.mulf %get3A_1415, %mul3A_1416 : vector<16xf32>
        %swap3A_1418 = arith.index_cast %add3A_1404 : i32 to index
        %swap3A_1419 = arith.constant 16 : index
        %swap3A_1420 = tpu.vector_load %arg21[%swap3A_1418, %swap3A_1419] {strides = array<i32>} : memref<128x128xf32, #tpu.memory_space<vmem>>, vector<16xf32>,
        tpu.vector_store %arg21[%swap3A_1418, %swap3A_1419], %mul3A_1417 {strides = array<i32>} : memref<128x128xf32, #tpu.memory_space<vmem>>, vector<16xf32>,
        %get3A_1421 = arith.index_cast %add3A_1404 : i32 to index
        %get3A_1422 = arith.constant 32 : index
        %get3A_1423 = tpu.vector_load %arg21[%get3A_1421, %get3A_1422] {strides = array<i32>} : memref<128x128xf32, #tpu.memory_space<vmem>>, vector<16xf32>,
        %mul3A_1424 = vector.broadcast %squeeze3A_1402 : f32 to vector<16xf32>
        %mul3A_1425 = arith.mulf %get3A_1423, %mul3A_1424 : vector<16xf32>
        %swap3A_1426 = arith.index_cast %add3A_1404 : i32 to index
        %swap3A_1427 = arith.constant 32 : index
        %swap3A_1428 = tpu.vector_load %arg21[%swap3A_1426, %swap3A_1427] {strides = array<i32>} : memref<128x128xf32, #tpu.memory_space<vmem>>, vector<16xf32>,
        tpu.vector_store %arg21[%swap3A_1426, %swap3A_1427], %mul3A_1425 {strides = array<i32>} : memref<128x128xf32, #tpu.memory_space<vmem>>, vector<16xf32>,
        %get3A_1429 = arith.index_cast %add3A_1404 : i32 to index
        %get3A_1430 = arith.constant 48 : index
        %get3A_1431 = tpu.vector_load %arg21[%get3A_1429, %get3A_1430] {strides = array<i32>} : memref<128x128xf32, #tpu.memory_space<vmem>>, vector<16xf32>,
        %mul3A_1432 = vector.broadcast %squeeze3A_1402 : f32 to vector<16xf32>
        %mul3A_1433 = arith.mulf %get3A_1431, %mul3A_1432 : vector<16xf32>
        %swap3A_1434 = arith.index_cast %add3A_1404 : i32 to index
        %swap3A_1435 = arith.constant 48 : index
        %swap3A_1436 = tpu.vector_load %arg21[%swap3A_1434, %swap3A_1435] {strides = array<i32>} : memref<128x128xf32, #tpu.memory_space<vmem>>, vector<16xf32>,
        tpu.vector_store %arg21[%swap3A_1434, %swap3A_1435], %mul3A_1433 {strides = array<i32>} : memref<128x128xf32, #tpu.memory_space<vmem>>, vector<16xf32>,
        %get3A_1437 = arith.index_cast %add3A_1404 : i32 to index
        %get3A_1438 = arith.constant 64 : index
        %get3A_1439 = tpu.vector_load %arg21[%get3A_1437, %get3A_1438] {strides = array<i32>} : memref<128x128xf32, #tpu.memory_space<vmem>>, vector<16xf32>,
        %mul3A_1440 = vector.broadcast %squeeze3A_1402 : f32 to vector<16xf32>
        %mul3A_1441 = arith.mulf %get3A_1439, %mul3A_1440 : vector<16xf32>
        %swap3A_1442 = arith.index_cast %add3A_1404 : i32 to index
        %swap3A_1443 = arith.constant 64 : index
        %swap3A_1444 = tpu.vector_load %arg21[%swap3A_1442, %swap3A_1443] {strides = array<i32>} : memref<128x128xf32, #tpu.memory_space<vmem>>, vector<16xf32>,
        tpu.vector_store %arg21[%swap3A_1442, %swap3A_1443], %mul3A_1441 {strides = array<i32>} : memref<128x128xf32, #tpu.memory_space<vmem>>, vector<16xf32>,
        %get3A_1445 = arith.index_cast %add3A_1404 : i32 to index
        %get3A_1446 = arith.constant 80 : index
        %get3A_1447 = tpu.vector_load %arg21[%get3A_1445, %get3A_1446] {strides = array<i32>} : memref<128x128xf32, #tpu.memory_space<vmem>>, vector<16xf32>,
        %mul3A_1448 = vector.broadcast %squeeze3A_1402 : f32 to vector<16xf32>
        %mul3A_1449 = arith.mulf %get3A_1447, %mul3A_1448 : vector<16xf32>
        %swap3A_1450 = arith.index_cast %add3A_1404 : i32 to index
        %swap3A_1451 = arith.constant 80 : index
        %swap3A_1452 = tpu.vector_load %arg21[%swap3A_1450, %swap3A_1451] {strides = array<i32>} : memref<128x128xf32, #tpu.memory_space<vmem>>, vector<16xf32>,
        tpu.vector_store %arg21[%swap3A_1450, %swap3A_1451], %mul3A_1449 {strides = array<i32>} : memref<128x128xf32, #tpu.memory_space<vmem>>, vector<16xf32>,
        %get3A_1453 = arith.index_cast %add3A_1404 : i32 to index
        %get3A_1454 = arith.constant 96 : index
        %get3A_1455 = tpu.vector_load %arg21[%get3A_1453, %get3A_1454] {strides = array<i32>} : memref<128x128xf32, #tpu.memory_space<vmem>>, vector<16xf32>,
        %mul3A_1456 = vector.broadcast %squeeze3A_1402 : f32 to vector<16xf32>
        %mul3A_1457 = arith.mulf %get3A_1455, %mul3A_1456 : vector<16xf32>
        %swap3A_1458 = arith.index_cast %add3A_1404 : i32 to index
        %swap3A_1459 = arith.constant 96 : index
        %swap3A_1460 = tpu.vector_load %arg21[%swap3A_1458, %swap3A_1459] {strides = array<i32>} : memref<128x128xf32, #tpu.memory_space<vmem>>, vector<16xf32>,
        tpu.vector_store %arg21[%swap3A_1458, %swap3A_1459], %mul3A_1457 {strides = array<i32>} : memref<128x128xf32, #tpu.memory_space<vmem>>, vector<16xf32>,
        %get3A_1461 = arith.index_cast %add3A_1404 : i32 to index
        %get3A_1462 = arith.constant 112 : index
        %get3A_1463 = tpu.vector_load %arg21[%get3A_1461, %get3A_1462] {strides = array<i32>} : memref<128x128xf32, #tpu.memory_space<vmem>>, vector<16xf32>,
        %mul3A_1464 = vector.broadcast %squeeze3A_1402 : f32 to vector<16xf32>
        %mul3A_1465 = arith.mulf %get3A_1463, %mul3A_1464 : vector<16xf32>
        %swap3A_1466 = arith.index_cast %add3A_1404 : i32 to index
        %swap3A_1467 = arith.constant 112 : index
        %swap3A_1468 = tpu.vector_load %arg21[%swap3A_1466, %swap3A_1467] {strides = array<i32>} : memref<128x128xf32, #tpu.memory_space<vmem>>, vector<16xf32>,
        tpu.vector_store %arg21[%swap3A_1466, %swap3A_1467], %mul3A_1465 {strides = array<i32>} : memref<128x128xf32, #tpu.memory_space<vmem>>, vector<16xf32>,
        %slice3A_1469 = vector.extract_strided_slice %select_n3A_723 {offsets = [11], sizes = [1], strides = [1]} : vector<16xf32> to vector<1xf32>
        %squeeze3A_1470 = vector.extract %slice3A_1469[0] : f32 from vector<1xf32>
        %add3A_1471 = arith.constant 11 : i32
        %add3A_1472 = arith.addi %mul3A_694, %add3A_1471 : i32
        %get3A_1473 = arith.index_cast %add3A_1472 : i32 to index
        %get3A_1474 = arith.constant 0 : index
        %get3A_1475 = tpu.vector_load %arg21[%get3A_1473, %get3A_1474] {strides = array<i32>} : memref<128x128xf32, #tpu.memory_space<vmem>>, vector<16xf32>,
        %mul3A_1476 = vector.broadcast %squeeze3A_1470 : f32 to vector<16xf32>
        %mul3A_1477 = arith.mulf %get3A_1475, %mul3A_1476 : vector<16xf32>
        %swap3A_1478 = arith.index_cast %add3A_1472 : i32 to index
        %swap3A_1479 = arith.constant 0 : index
        %swap3A_1480 = tpu.vector_load %arg21[%swap3A_1478, %swap3A_1479] {strides = array<i32>} : memref<128x128xf32, #tpu.memory_space<vmem>>, vector<16xf32>,
        tpu.vector_store %arg21[%swap3A_1478, %swap3A_1479], %mul3A_1477 {strides = array<i32>} : memref<128x128xf32, #tpu.memory_space<vmem>>, vector<16xf32>,
        %get3A_1481 = arith.index_cast %add3A_1472 : i32 to index
        %get3A_1482 = arith.constant 16 : index
        %get3A_1483 = tpu.vector_load %arg21[%get3A_1481, %get3A_1482] {strides = array<i32>} : memref<128x128xf32, #tpu.memory_space<vmem>>, vector<16xf32>,
        %mul3A_1484 = vector.broadcast %squeeze3A_1470 : f32 to vector<16xf32>
        %mul3A_1485 = arith.mulf %get3A_1483, %mul3A_1484 : vector<16xf32>
        %swap3A_1486 = arith.index_cast %add3A_1472 : i32 to index
        %swap3A_1487 = arith.constant 16 : index
        %swap3A_1488 = tpu.vector_load %arg21[%swap3A_1486, %swap3A_1487] {strides = array<i32>} : memref<128x128xf32, #tpu.memory_space<vmem>>, vector<16xf32>,
        tpu.vector_store %arg21[%swap3A_1486, %swap3A_1487], %mul3A_1485 {strides = array<i32>} : memref<128x128xf32, #tpu.memory_space<vmem>>, vector<16xf32>,
        %get3A_1489 = arith.index_cast %add3A_1472 : i32 to index
        %get3A_1490 = arith.constant 32 : index
        %get3A_1491 = tpu.vector_load %arg21[%get3A_1489, %get3A_1490] {strides = array<i32>} : memref<128x128xf32, #tpu.memory_space<vmem>>, vector<16xf32>,
        %mul3A_1492 = vector.broadcast %squeeze3A_1470 : f32 to vector<16xf32>
        %mul3A_1493 = arith.mulf %get3A_1491, %mul3A_1492 : vector<16xf32>
        %swap3A_1494 = arith.index_cast %add3A_1472 : i32 to index
        %swap3A_1495 = arith.constant 32 : index
        %swap3A_1496 = tpu.vector_load %arg21[%swap3A_1494, %swap3A_1495] {strides = array<i32>} : memref<128x128xf32, #tpu.memory_space<vmem>>, vector<16xf32>,
        tpu.vector_store %arg21[%swap3A_1494, %swap3A_1495], %mul3A_1493 {strides = array<i32>} : memref<128x128xf32, #tpu.memory_space<vmem>>, vector<16xf32>,
        %get3A_1497 = arith.index_cast %add3A_1472 : i32 to index
        %get3A_1498 = arith.constant 48 : index
        %get3A_1499 = tpu.vector_load %arg21[%get3A_1497, %get3A_1498] {strides = array<i32>} : memref<128x128xf32, #tpu.memory_space<vmem>>, vector<16xf32>,
        %mul3A_1500 = vector.broadcast %squeeze3A_1470 : f32 to vector<16xf32>
        %mul3A_1501 = arith.mulf %get3A_1499, %mul3A_1500 : vector<16xf32>
        %swap3A_1502 = arith.index_cast %add3A_1472 : i32 to index
        %swap3A_1503 = arith.constant 48 : index
        %swap3A_1504 = tpu.vector_load %arg21[%swap3A_1502, %swap3A_1503] {strides = array<i32>} : memref<128x128xf32, #tpu.memory_space<vmem>>, vector<16xf32>,
        tpu.vector_store %arg21[%swap3A_1502, %swap3A_1503], %mul3A_1501 {strides = array<i32>} : memref<128x128xf32, #tpu.memory_space<vmem>>, vector<16xf32>,
        %get3A_1505 = arith.index_cast %add3A_1472 : i32 to index
        %get3A_1506 = arith.constant 64 : index
        %get3A_1507 = tpu.vector_load %arg21[%get3A_1505, %get3A_1506] {strides = array<i32>} : memref<128x128xf32, #tpu.memory_space<vmem>>, vector<16xf32>,
        %mul3A_1508 = vector.broadcast %squeeze3A_1470 : f32 to vector<16xf32>
        %mul3A_1509 = arith.mulf %get3A_1507, %mul3A_1508 : vector<16xf32>
        %swap3A_1510 = arith.index_cast %add3A_1472 : i32 to index
        %swap3A_1511 = arith.constant 64 : index
        %swap3A_1512 = tpu.vector_load %arg21[%swap3A_1510, %swap3A_1511] {strides = array<i32>} : memref<128x128xf32, #tpu.memory_space<vmem>>, vector<16xf32>,
        tpu.vector_store %arg21[%swap3A_1510, %swap3A_1511], %mul3A_1509 {strides = array<i32>} : memref<128x128xf32, #tpu.memory_space<vmem>>, vector<16xf32>,
        %get3A_1513 = arith.index_cast %add3A_1472 : i32 to index
        %get3A_1514 = arith.constant 80 : index
        %get3A_1515 = tpu.vector_load %arg21[%get3A_1513, %get3A_1514] {strides = array<i32>} : memref<128x128xf32, #tpu.memory_space<vmem>>, vector<16xf32>,
        %mul3A_1516 = vector.broadcast %squeeze3A_1470 : f32 to vector<16xf32>
        %mul3A_1517 = arith.mulf %get3A_1515, %mul3A_1516 : vector<16xf32>
        %swap3A_1518 = arith.index_cast %add3A_1472 : i32 to index
        %swap3A_1519 = arith.constant 80 : index
        %swap3A_1520 = tpu.vector_load %arg21[%swap3A_1518, %swap3A_1519] {strides = array<i32>} : memref<128x128xf32, #tpu.memory_space<vmem>>, vector<16xf32>,
        tpu.vector_store %arg21[%swap3A_1518, %swap3A_1519], %mul3A_1517 {strides = array<i32>} : memref<128x128xf32, #tpu.memory_space<vmem>>, vector<16xf32>,
        %get3A_1521 = arith.index_cast %add3A_1472 : i32 to index
        %get3A_1522 = arith.constant 96 : index
        %get3A_1523 = tpu.vector_load %arg21[%get3A_1521, %get3A_1522] {strides = array<i32>} : memref<128x128xf32, #tpu.memory_space<vmem>>, vector<16xf32>,
        %mul3A_1524 = vector.broadcast %squeeze3A_1470 : f32 to vector<16xf32>
        %mul3A_1525 = arith.mulf %get3A_1523, %mul3A_1524 : vector<16xf32>
        %swap3A_1526 = arith.index_cast %add3A_1472 : i32 to index
        %swap3A_1527 = arith.constant 96 : index
        %swap3A_1528 = tpu.vector_load %arg21[%swap3A_1526, %swap3A_1527] {strides = array<i32>} : memref<128x128xf32, #tpu.memory_space<vmem>>, vector<16xf32>,
        tpu.vector_store %arg21[%swap3A_1526, %swap3A_1527], %mul3A_1525 {strides = array<i32>} : memref<128x128xf32, #tpu.memory_space<vmem>>, vector<16xf32>,
        %get3A_1529 = arith.index_cast %add3A_1472 : i32 to index
        %get3A_1530 = arith.constant 112 : index
        %get3A_1531 = tpu.vector_load %arg21[%get3A_1529, %get3A_1530] {strides = array<i32>} : memref<128x128xf32, #tpu.memory_space<vmem>>, vector<16xf32>,
        %mul3A_1532 = vector.broadcast %squeeze3A_1470 : f32 to vector<16xf32>
        %mul3A_1533 = arith.mulf %get3A_1531, %mul3A_1532 : vector<16xf32>
        %swap3A_1534 = arith.index_cast %add3A_1472 : i32 to index
        %swap3A_1535 = arith.constant 112 : index
        %swap3A_1536 = tpu.vector_load %arg21[%swap3A_1534, %swap3A_1535] {strides = array<i32>} : memref<128x128xf32, #tpu.memory_space<vmem>>, vector<16xf32>,
        tpu.vector_store %arg21[%swap3A_1534, %swap3A_1535], %mul3A_1533 {strides = array<i32>} : memref<128x128xf32, #tpu.memory_space<vmem>>, vector<16xf32>,
        %slice3A_1537 = vector.extract_strided_slice %select_n3A_723 {offsets = [12], sizes = [1], strides = [1]} : vector<16xf32> to vector<1xf32>
        %squeeze3A_1538 = vector.extract %slice3A_1537[0] : f32 from vector<1xf32>
        %add3A_1539 = arith.constant 12 : i32
        %add3A_1540 = arith.addi %mul3A_694, %add3A_1539 : i32
        %get3A_1541 = arith.index_cast %add3A_1540 : i32 to index
        %get3A_1542 = arith.constant 0 : index
        %get3A_1543 = tpu.vector_load %arg21[%get3A_1541, %get3A_1542] {strides = array<i32>} : memref<128x128xf32, #tpu.memory_space<vmem>>, vector<16xf32>,
        %mul3A_1544 = vector.broadcast %squeeze3A_1538 : f32 to vector<16xf32>
        %mul3A_1545 = arith.mulf %get3A_1543, %mul3A_1544 : vector<16xf32>
        %swap3A_1546 = arith.index_cast %add3A_1540 : i32 to index
        %swap3A_1547 = arith.constant 0 : index
        %swap3A_1548 = tpu.vector_load %arg21[%swap3A_1546, %swap3A_1547] {strides = array<i32>} : memref<128x128xf32, #tpu.memory_space<vmem>>, vector<16xf32>,
        tpu.vector_store %arg21[%swap3A_1546, %swap3A_1547], %mul3A_1545 {strides = array<i32>} : memref<128x128xf32, #tpu.memory_space<vmem>>, vector<16xf32>,
        %get3A_1549 = arith.index_cast %add3A_1540 : i32 to index
        %get3A_1550 = arith.constant 16 : index
        %get3A_1551 = tpu.vector_load %arg21[%get3A_1549, %get3A_1550] {strides = array<i32>} : memref<128x128xf32, #tpu.memory_space<vmem>>, vector<16xf32>,
        %mul3A_1552 = vector.broadcast %squeeze3A_1538 : f32 to vector<16xf32>
        %mul3A_1553 = arith.mulf %get3A_1551, %mul3A_1552 : vector<16xf32>
        %swap3A_1554 = arith.index_cast %add3A_1540 : i32 to index
        %swap3A_1555 = arith.constant 16 : index
        %swap3A_1556 = tpu.vector_load %arg21[%swap3A_1554, %swap3A_1555] {strides = array<i32>} : memref<128x128xf32, #tpu.memory_space<vmem>>, vector<16xf32>,
        tpu.vector_store %arg21[%swap3A_1554, %swap3A_1555], %mul3A_1553 {strides = array<i32>} : memref<128x128xf32, #tpu.memory_space<vmem>>, vector<16xf32>,
        %get3A_1557 = arith.index_cast %add3A_1540 : i32 to index
        %get3A_1558 = arith.constant 32 : index
        %get3A_1559 = tpu.vector_load %arg21[%get3A_1557, %get3A_1558] {strides = array<i32>} : memref<128x128xf32, #tpu.memory_space<vmem>>, vector<16xf32>,
        %mul3A_1560 = vector.broadcast %squeeze3A_1538 : f32 to vector<16xf32>
        %mul3A_1561 = arith.mulf %get3A_1559, %mul3A_1560 : vector<16xf32>
        %swap3A_1562 = arith.index_cast %add3A_1540 : i32 to index
        %swap3A_1563 = arith.constant 32 : index
        %swap3A_1564 = tpu.vector_load %arg21[%swap3A_1562, %swap3A_1563] {strides = array<i32>} : memref<128x128xf32, #tpu.memory_space<vmem>>, vector<16xf32>,
        tpu.vector_store %arg21[%swap3A_1562, %swap3A_1563], %mul3A_1561 {strides = array<i32>} : memref<128x128xf32, #tpu.memory_space<vmem>>, vector<16xf32>,
        %get3A_1565 = arith.index_cast %add3A_1540 : i32 to index
        %get3A_1566 = arith.constant 48 : index
        %get3A_1567 = tpu.vector_load %arg21[%get3A_1565, %get3A_1566] {strides = array<i32>} : memref<128x128xf32, #tpu.memory_space<vmem>>, vector<16xf32>,
        %mul3A_1568 = vector.broadcast %squeeze3A_1538 : f32 to vector<16xf32>
        %mul3A_1569 = arith.mulf %get3A_1567, %mul3A_1568 : vector<16xf32>
        %swap3A_1570 = arith.index_cast %add3A_1540 : i32 to index
        %swap3A_1571 = arith.constant 48 : index
        %swap3A_1572 = tpu.vector_load %arg21[%swap3A_1570, %swap3A_1571] {strides = array<i32>} : memref<128x128xf32, #tpu.memory_space<vmem>>, vector<16xf32>,
        tpu.vector_store %arg21[%swap3A_1570, %swap3A_1571], %mul3A_1569 {strides = array<i32>} : memref<128x128xf32, #tpu.memory_space<vmem>>, vector<16xf32>,
        %get3A_1573 = arith.index_cast %add3A_1540 : i32 to index
        %get3A_1574 = arith.constant 64 : index
        %get3A_1575 = tpu.vector_load %arg21[%get3A_1573, %get3A_1574] {strides = array<i32>} : memref<128x128xf32, #tpu.memory_space<vmem>>, vector<16xf32>,
        %mul3A_1576 = vector.broadcast %squeeze3A_1538 : f32 to vector<16xf32>
        %mul3A_1577 = arith.mulf %get3A_1575, %mul3A_1576 : vector<16xf32>
        %swap3A_1578 = arith.index_cast %add3A_1540 : i32 to index
        %swap3A_1579 = arith.constant 64 : index
        %swap3A_1580 = tpu.vector_load %arg21[%swap3A_1578, %swap3A_1579] {strides = array<i32>} : memref<128x128xf32, #tpu.memory_space<vmem>>, vector<16xf32>,
        tpu.vector_store %arg21[%swap3A_1578, %swap3A_1579], %mul3A_1577 {strides = array<i32>} : memref<128x128xf32, #tpu.memory_space<vmem>>, vector<16xf32>,
        %get3A_1581 = arith.index_cast %add3A_1540 : i32 to index
        %get3A_1582 = arith.constant 80 : index
        %get3A_1583 = tpu.vector_load %arg21[%get3A_1581, %get3A_1582] {strides = array<i32>} : memref<128x128xf32, #tpu.memory_space<vmem>>, vector<16xf32>,
        %mul3A_1584 = vector.broadcast %squeeze3A_1538 : f32 to vector<16xf32>
        %mul3A_1585 = arith.mulf %get3A_1583, %mul3A_1584 : vector<16xf32>
        %swap3A_1586 = arith.index_cast %add3A_1540 : i32 to index
        %swap3A_1587 = arith.constant 80 : index
        %swap3A_1588 = tpu.vector_load %arg21[%swap3A_1586, %swap3A_1587] {strides = array<i32>} : memref<128x128xf32, #tpu.memory_space<vmem>>, vector<16xf32>,
        tpu.vector_store %arg21[%swap3A_1586, %swap3A_1587], %mul3A_1585 {strides = array<i32>} : memref<128x128xf32, #tpu.memory_space<vmem>>, vector<16xf32>,
        %get3A_1589 = arith.index_cast %add3A_1540 : i32 to index
        %get3A_1590 = arith.constant 96 : index
        %get3A_1591 = tpu.vector_load %arg21[%get3A_1589, %get3A_1590] {strides = array<i32>} : memref<128x128xf32, #tpu.memory_space<vmem>>, vector<16xf32>,
        %mul3A_1592 = vector.broadcast %squeeze3A_1538 : f32 to vector<16xf32>
        %mul3A_1593 = arith.mulf %get3A_1591, %mul3A_1592 : vector<16xf32>
        %swap3A_1594 = arith.index_cast %add3A_1540 : i32 to index
        %swap3A_1595 = arith.constant 96 : index
        %swap3A_1596 = tpu.vector_load %arg21[%swap3A_1594, %swap3A_1595] {strides = array<i32>} : memref<128x128xf32, #tpu.memory_space<vmem>>, vector<16xf32>,
        tpu.vector_store %arg21[%swap3A_1594, %swap3A_1595], %mul3A_1593 {strides = array<i32>} : memref<128x128xf32, #tpu.memory_space<vmem>>, vector<16xf32>,
        %get3A_1597 = arith.index_cast %add3A_1540 : i32 to index
        %get3A_1598 = arith.constant 112 : index
        %get3A_1599 = tpu.vector_load %arg21[%get3A_1597, %get3A_1598] {strides = array<i32>} : memref<128x128xf32, #tpu.memory_space<vmem>>, vector<16xf32>,
        %mul3A_1600 = vector.broadcast %squeeze3A_1538 : f32 to vector<16xf32>
        %mul3A_1601 = arith.mulf %get3A_1599, %mul3A_1600 : vector<16xf32>
        %swap3A_1602 = arith.index_cast %add3A_1540 : i32 to index
        %swap3A_1603 = arith.constant 112 : index
        %swap3A_1604 = tpu.vector_load %arg21[%swap3A_1602, %swap3A_1603] {strides = array<i32>} : memref<128x128xf32, #tpu.memory_space<vmem>>, vector<16xf32>,
        tpu.vector_store %arg21[%swap3A_1602, %swap3A_1603], %mul3A_1601 {strides = array<i32>} : memref<128x128xf32, #tpu.memory_space<vmem>>, vector<16xf32>,
        %slice3A_1605 = vector.extract_strided_slice %select_n3A_723 {offsets = [13], sizes = [1], strides = [1]} : vector<16xf32> to vector<1xf32>
        %squeeze3A_1606 = vector.extract %slice3A_1605[0] : f32 from vector<1xf32>
        %add3A_1607 = arith.constant 13 : i32
        %add3A_1608 = arith.addi %mul3A_694, %add3A_1607 : i32
        %get3A_1609 = arith.index_cast %add3A_1608 : i32 to index
        %get3A_1610 = arith.constant 0 : index
        %get3A_1611 = tpu.vector_load %arg21[%get3A_1609, %get3A_1610] {strides = array<i32>} : memref<128x128xf32, #tpu.memory_space<vmem>>, vector<16xf32>,
        %mul3A_1612 = vector.broadcast %squeeze3A_1606 : f32 to vector<16xf32>
        %mul3A_1613 = arith.mulf %get3A_1611, %mul3A_1612 : vector<16xf32>
        %swap3A_1614 = arith.index_cast %add3A_1608 : i32 to index
        %swap3A_1615 = arith.constant 0 : index
        %swap3A_1616 = tpu.vector_load %arg21[%swap3A_1614, %swap3A_1615] {strides = array<i32>} : memref<128x128xf32, #tpu.memory_space<vmem>>, vector<16xf32>,
        tpu.vector_store %arg21[%swap3A_1614, %swap3A_1615], %mul3A_1613 {strides = array<i32>} : memref<128x128xf32, #tpu.memory_space<vmem>>, vector<16xf32>,
        %get3A_1617 = arith.index_cast %add3A_1608 : i32 to index
        %get3A_1618 = arith.constant 16 : index
        %get3A_1619 = tpu.vector_load %arg21[%get3A_1617, %get3A_1618] {strides = array<i32>} : memref<128x128xf32, #tpu.memory_space<vmem>>, vector<16xf32>,
        %mul3A_1620 = vector.broadcast %squeeze3A_1606 : f32 to vector<16xf32>
        %mul3A_1621 = arith.mulf %get3A_1619, %mul3A_1620 : vector<16xf32>
        %swap3A_1622 = arith.index_cast %add3A_1608 : i32 to index
        %swap3A_1623 = arith.constant 16 : index
        %swap3A_1624 = tpu.vector_load %arg21[%swap3A_1622, %swap3A_1623] {strides = array<i32>} : memref<128x128xf32, #tpu.memory_space<vmem>>, vector<16xf32>,
        tpu.vector_store %arg21[%swap3A_1622, %swap3A_1623], %mul3A_1621 {strides = array<i32>} : memref<128x128xf32, #tpu.memory_space<vmem>>, vector<16xf32>,
        %get3A_1625 = arith.index_cast %add3A_1608 : i32 to index
        %get3A_1626 = arith.constant 32 : index
        %get3A_1627 = tpu.vector_load %arg21[%get3A_1625, %get3A_1626] {strides = array<i32>} : memref<128x128xf32, #tpu.memory_space<vmem>>, vector<16xf32>,
        %mul3A_1628 = vector.broadcast %squeeze3A_1606 : f32 to vector<16xf32>
        %mul3A_1629 = arith.mulf %get3A_1627, %mul3A_1628 : vector<16xf32>
        %swap3A_1630 = arith.index_cast %add3A_1608 : i32 to index
        %swap3A_1631 = arith.constant 32 : index
        %swap3A_1632 = tpu.vector_load %arg21[%swap3A_1630, %swap3A_1631] {strides = array<i32>} : memref<128x128xf32, #tpu.memory_space<vmem>>, vector<16xf32>,
        tpu.vector_store %arg21[%swap3A_1630, %swap3A_1631], %mul3A_1629 {strides = array<i32>} : memref<128x128xf32, #tpu.memory_space<vmem>>, vector<16xf32>,
        %get3A_1633 = arith.index_cast %add3A_1608 : i32 to index
        %get3A_1634 = arith.constant 48 : index
        %get3A_1635 = tpu.vector_load %arg21[%get3A_1633, %get3A_1634] {strides = array<i32>} : memref<128x128xf32, #tpu.memory_space<vmem>>, vector<16xf32>,
        %mul3A_1636 = vector.broadcast %squeeze3A_1606 : f32 to vector<16xf32>
        %mul3A_1637 = arith.mulf %get3A_1635, %mul3A_1636 : vector<16xf32>
        %swap3A_1638 = arith.index_cast %add3A_1608 : i32 to index
        %swap3A_1639 = arith.constant 48 : index
        %swap3A_1640 = tpu.vector_load %arg21[%swap3A_1638, %swap3A_1639] {strides = array<i32>} : memref<128x128xf32, #tpu.memory_space<vmem>>, vector<16xf32>,
        tpu.vector_store %arg21[%swap3A_1638, %swap3A_1639], %mul3A_1637 {strides = array<i32>} : memref<128x128xf32, #tpu.memory_space<vmem>>, vector<16xf32>,
        %get3A_1641 = arith.index_cast %add3A_1608 : i32 to index
        %get3A_1642 = arith.constant 64 : index
        %get3A_1643 = tpu.vector_load %arg21[%get3A_1641, %get3A_1642] {strides = array<i32>} : memref<128x128xf32, #tpu.memory_space<vmem>>, vector<16xf32>,
        %mul3A_1644 = vector.broadcast %squeeze3A_1606 : f32 to vector<16xf32>
        %mul3A_1645 = arith.mulf %get3A_1643, %mul3A_1644 : vector<16xf32>
        %swap3A_1646 = arith.index_cast %add3A_1608 : i32 to index
        %swap3A_1647 = arith.constant 64 : index
        %swap3A_1648 = tpu.vector_load %arg21[%swap3A_1646, %swap3A_1647] {strides = array<i32>} : memref<128x128xf32, #tpu.memory_space<vmem>>, vector<16xf32>,
        tpu.vector_store %arg21[%swap3A_1646, %swap3A_1647], %mul3A_1645 {strides = array<i32>} : memref<128x128xf32, #tpu.memory_space<vmem>>, vector<16xf32>,
        %get3A_1649 = arith.index_cast %add3A_1608 : i32 to index
        %get3A_1650 = arith.constant 80 : index
        %get3A_1651 = tpu.vector_load %arg21[%get3A_1649, %get3A_1650] {strides = array<i32>} : memref<128x128xf32, #tpu.memory_space<vmem>>, vector<16xf32>,
        %mul3A_1652 = vector.broadcast %squeeze3A_1606 : f32 to vector<16xf32>
        %mul3A_1653 = arith.mulf %get3A_1651, %mul3A_1652 : vector<16xf32>
        %swap3A_1654 = arith.index_cast %add3A_1608 : i32 to index
        %swap3A_1655 = arith.constant 80 : index
        %swap3A_1656 = tpu.vector_load %arg21[%swap3A_1654, %swap3A_1655] {strides = array<i32>} : memref<128x128xf32, #tpu.memory_space<vmem>>, vector<16xf32>,
        tpu.vector_store %arg21[%swap3A_1654, %swap3A_1655], %mul3A_1653 {strides = array<i32>} : memref<128x128xf32, #tpu.memory_space<vmem>>, vector<16xf32>,
        %get3A_1657 = arith.index_cast %add3A_1608 : i32 to index
        %get3A_1658 = arith.constant 96 : index
        %get3A_1659 = tpu.vector_load %arg21[%get3A_1657, %get3A_1658] {strides = array<i32>} : memref<128x128xf32, #tpu.memory_space<vmem>>, vector<16xf32>,
        %mul3A_1660 = vector.broadcast %squeeze3A_1606 : f32 to vector<16xf32>
        %mul3A_1661 = arith.mulf %get3A_1659, %mul3A_1660 : vector<16xf32>
        %swap3A_1662 = arith.index_cast %add3A_1608 : i32 to index
        %swap3A_1663 = arith.constant 96 : index
        %swap3A_1664 = tpu.vector_load %arg21[%swap3A_1662, %swap3A_1663] {strides = array<i32>} : memref<128x128xf32, #tpu.memory_space<vmem>>, vector<16xf32>,
        tpu.vector_store %arg21[%swap3A_1662, %swap3A_1663], %mul3A_1661 {strides = array<i32>} : memref<128x128xf32, #tpu.memory_space<vmem>>, vector<16xf32>,
        %get3A_1665 = arith.index_cast %add3A_1608 : i32 to index
        %get3A_1666 = arith.constant 112 : index
        %get3A_1667 = tpu.vector_load %arg21[%get3A_1665, %get3A_1666] {strides = array<i32>} : memref<128x128xf32, #tpu.memory_space<vmem>>, vector<16xf32>,
        %mul3A_1668 = vector.broadcast %squeeze3A_1606 : f32 to vector<16xf32>
        %mul3A_1669 = arith.mulf %get3A_1667, %mul3A_1668 : vector<16xf32>
        %swap3A_1670 = arith.index_cast %add3A_1608 : i32 to index
        %swap3A_1671 = arith.constant 112 : index
        %swap3A_1672 = tpu.vector_load %arg21[%swap3A_1670, %swap3A_1671] {strides = array<i32>} : memref<128x128xf32, #tpu.memory_space<vmem>>, vector<16xf32>,
        tpu.vector_store %arg21[%swap3A_1670, %swap3A_1671], %mul3A_1669 {strides = array<i32>} : memref<128x128xf32, #tpu.memory_space<vmem>>, vector<16xf32>,
        %slice3A_1673 = vector.extract_strided_slice %select_n3A_723 {offsets = [14], sizes = [1], strides = [1]} : vector<16xf32> to vector<1xf32>
        %squeeze3A_1674 = vector.extract %slice3A_1673[0] : f32 from vector<1xf32>
        %add3A_1675 = arith.constant 14 : i32
        %add3A_1676 = arith.addi %mul3A_694, %add3A_1675 : i32
        %get3A_1677 = arith.index_cast %add3A_1676 : i32 to index
        %get3A_1678 = arith.constant 0 : index
        %get3A_1679 = tpu.vector_load %arg21[%get3A_1677, %get3A_1678] {strides = array<i32>} : memref<128x128xf32, #tpu.memory_space<vmem>>, vector<16xf32>,
        %mul3A_1680 = vector.broadcast %squeeze3A_1674 : f32 to vector<16xf32>
        %mul3A_1681 = arith.mulf %get3A_1679, %mul3A_1680 : vector<16xf32>
        %swap3A_1682 = arith.index_cast %add3A_1676 : i32 to index
        %swap3A_1683 = arith.constant 0 : index
        %swap3A_1684 = tpu.vector_load %arg21[%swap3A_1682, %swap3A_1683] {strides = array<i32>} : memref<128x128xf32, #tpu.memory_space<vmem>>, vector<16xf32>,
        tpu.vector_store %arg21[%swap3A_1682, %swap3A_1683], %mul3A_1681 {strides = array<i32>} : memref<128x128xf32, #tpu.memory_space<vmem>>, vector<16xf32>,
        %get3A_1685 = arith.index_cast %add3A_1676 : i32 to index
        %get3A_1686 = arith.constant 16 : index
        %get3A_1687 = tpu.vector_load %arg21[%get3A_1685, %get3A_1686] {strides = array<i32>} : memref<128x128xf32, #tpu.memory_space<vmem>>, vector<16xf32>,
        %mul3A_1688 = vector.broadcast %squeeze3A_1674 : f32 to vector<16xf32>
        %mul3A_1689 = arith.mulf %get3A_1687, %mul3A_1688 : vector<16xf32>
        %swap3A_1690 = arith.index_cast %add3A_1676 : i32 to index
        %swap3A_1691 = arith.constant 16 : index
        %swap3A_1692 = tpu.vector_load %arg21[%swap3A_1690, %swap3A_1691] {strides = array<i32>} : memref<128x128xf32, #tpu.memory_space<vmem>>, vector<16xf32>,
        tpu.vector_store %arg21[%swap3A_1690, %swap3A_1691], %mul3A_1689 {strides = array<i32>} : memref<128x128xf32, #tpu.memory_space<vmem>>, vector<16xf32>,
        %get3A_1693 = arith.index_cast %add3A_1676 : i32 to index
        %get3A_1694 = arith.constant 32 : index
        %get3A_1695 = tpu.vector_load %arg21[%get3A_1693, %get3A_1694] {strides = array<i32>} : memref<128x128xf32, #tpu.memory_space<vmem>>, vector<16xf32>,
        %mul3A_1696 = vector.broadcast %squeeze3A_1674 : f32 to vector<16xf32>
        %mul3A_1697 = arith.mulf %get3A_1695, %mul3A_1696 : vector<16xf32>
        %swap3A_1698 = arith.index_cast %add3A_1676 : i32 to index
        %swap3A_1699 = arith.constant 32 : index
        %swap3A_1700 = tpu.vector_load %arg21[%swap3A_1698, %swap3A_1699] {strides = array<i32>} : memref<128x128xf32, #tpu.memory_space<vmem>>, vector<16xf32>,
        tpu.vector_store %arg21[%swap3A_1698, %swap3A_1699], %mul3A_1697 {strides = array<i32>} : memref<128x128xf32, #tpu.memory_space<vmem>>, vector<16xf32>,
        %get3A_1701 = arith.index_cast %add3A_1676 : i32 to index
        %get3A_1702 = arith.constant 48 : index
        %get3A_1703 = tpu.vector_load %arg21[%get3A_1701, %get3A_1702] {strides = array<i32>} : memref<128x128xf32, #tpu.memory_space<vmem>>, vector<16xf32>,
        %mul3A_1704 = vector.broadcast %squeeze3A_1674 : f32 to vector<16xf32>
        %mul3A_1705 = arith.mulf %get3A_1703, %mul3A_1704 : vector<16xf32>
        %swap3A_1706 = arith.index_cast %add3A_1676 : i32 to index
        %swap3A_1707 = arith.constant 48 : index
        %swap3A_1708 = tpu.vector_load %arg21[%swap3A_1706, %swap3A_1707] {strides = array<i32>} : memref<128x128xf32, #tpu.memory_space<vmem>>, vector<16xf32>,
        tpu.vector_store %arg21[%swap3A_1706, %swap3A_1707], %mul3A_1705 {strides = array<i32>} : memref<128x128xf32, #tpu.memory_space<vmem>>, vector<16xf32>,
        %get3A_1709 = arith.index_cast %add3A_1676 : i32 to index
        %get3A_1710 = arith.constant 64 : index
        %get3A_1711 = tpu.vector_load %arg21[%get3A_1709, %get3A_1710] {strides = array<i32>} : memref<128x128xf32, #tpu.memory_space<vmem>>, vector<16xf32>,
        %mul3A_1712 = vector.broadcast %squeeze3A_1674 : f32 to vector<16xf32>
        %mul3A_1713 = arith.mulf %get3A_1711, %mul3A_1712 : vector<16xf32>
        %swap3A_1714 = arith.index_cast %add3A_1676 : i32 to index
        %swap3A_1715 = arith.constant 64 : index
        %swap3A_1716 = tpu.vector_load %arg21[%swap3A_1714, %swap3A_1715] {strides = array<i32>} : memref<128x128xf32, #tpu.memory_space<vmem>>, vector<16xf32>,
        tpu.vector_store %arg21[%swap3A_1714, %swap3A_1715], %mul3A_1713 {strides = array<i32>} : memref<128x128xf32, #tpu.memory_space<vmem>>, vector<16xf32>,
        %get3A_1717 = arith.index_cast %add3A_1676 : i32 to index
        %get3A_1718 = arith.constant 80 : index
        %get3A_1719 = tpu.vector_load %arg21[%get3A_1717, %get3A_1718] {strides = array<i32>} : memref<128x128xf32, #tpu.memory_space<vmem>>, vector<16xf32>,
        %mul3A_1720 = vector.broadcast %squeeze3A_1674 : f32 to vector<16xf32>
        %mul3A_1721 = arith.mulf %get3A_1719, %mul3A_1720 : vector<16xf32>
        %swap3A_1722 = arith.index_cast %add3A_1676 : i32 to index
        %swap3A_1723 = arith.constant 80 : index
        %swap3A_1724 = tpu.vector_load %arg21[%swap3A_1722, %swap3A_1723] {strides = array<i32>} : memref<128x128xf32, #tpu.memory_space<vmem>>, vector<16xf32>,
        tpu.vector_store %arg21[%swap3A_1722, %swap3A_1723], %mul3A_1721 {strides = array<i32>} : memref<128x128xf32, #tpu.memory_space<vmem>>, vector<16xf32>,
        %get3A_1725 = arith.index_cast %add3A_1676 : i32 to index
        %get3A_1726 = arith.constant 96 : index
        %get3A_1727 = tpu.vector_load %arg21[%get3A_1725, %get3A_1726] {strides = array<i32>} : memref<128x128xf32, #tpu.memory_space<vmem>>, vector<16xf32>,
        %mul3A_1728 = vector.broadcast %squeeze3A_1674 : f32 to vector<16xf32>
        %mul3A_1729 = arith.mulf %get3A_1727, %mul3A_1728 : vector<16xf32>
        %swap3A_1730 = arith.index_cast %add3A_1676 : i32 to index
        %swap3A_1731 = arith.constant 96 : index
        %swap3A_1732 = tpu.vector_load %arg21[%swap3A_1730, %swap3A_1731] {strides = array<i32>} : memref<128x128xf32, #tpu.memory_space<vmem>>, vector<16xf32>,
        tpu.vector_store %arg21[%swap3A_1730, %swap3A_1731], %mul3A_1729 {strides = array<i32>} : memref<128x128xf32, #tpu.memory_space<vmem>>, vector<16xf32>,
        %get3A_1733 = arith.index_cast %add3A_1676 : i32 to index
        %get3A_1734 = arith.constant 112 : index
        %get3A_1735 = tpu.vector_load %arg21[%get3A_1733, %get3A_1734] {strides = array<i32>} : memref<128x128xf32, #tpu.memory_space<vmem>>, vector<16xf32>,
        %mul3A_1736 = vector.broadcast %squeeze3A_1674 : f32 to vector<16xf32>
        %mul3A_1737 = arith.mulf %get3A_1735, %mul3A_1736 : vector<16xf32>
        %swap3A_1738 = arith.index_cast %add3A_1676 : i32 to index
        %swap3A_1739 = arith.constant 112 : index
        %swap3A_1740 = tpu.vector_load %arg21[%swap3A_1738, %swap3A_1739] {strides = array<i32>} : memref<128x128xf32, #tpu.memory_space<vmem>>, vector<16xf32>,
        tpu.vector_store %arg21[%swap3A_1738, %swap3A_1739], %mul3A_1737 {strides = array<i32>} : memref<128x128xf32, #tpu.memory_space<vmem>>, vector<16xf32>,
        %slice3A_1741 = vector.extract_strided_slice %select_n3A_723 {offsets = [15], sizes = [1], strides = [1]} : vector<16xf32> to vector<1xf32>
        %squeeze3A_1742 = vector.extract %slice3A_1741[0] : f32 from vector<1xf32>
        %add3A_1743 = arith.constant 15 : i32
        %add3A_1744 = arith.addi %mul3A_694, %add3A_1743 : i32
        %get3A_1745 = arith.index_cast %add3A_1744 : i32 to index
        %get3A_1746 = arith.constant 0 : index
        %get3A_1747 = tpu.vector_load %arg21[%get3A_1745, %get3A_1746] {strides = array<i32>} : memref<128x128xf32, #tpu.memory_space<vmem>>, vector<16xf32>,
        %mul3A_1748 = vector.broadcast %squeeze3A_1742 : f32 to vector<16xf32>
        %mul3A_1749 = arith.mulf %get3A_1747, %mul3A_1748 : vector<16xf32>
        %swap3A_1750 = arith.index_cast %add3A_1744 : i32 to index
        %swap3A_1751 = arith.constant 0 : index
        %swap3A_1752 = tpu.vector_load %arg21[%swap3A_1750, %swap3A_1751] {strides = array<i32>} : memref<128x128xf32, #tpu.memory_space<vmem>>, vector<16xf32>,
        tpu.vector_store %arg21[%swap3A_1750, %swap3A_1751], %mul3A_1749 {strides = array<i32>} : memref<128x128xf32, #tpu.memory_space<vmem>>, vector<16xf32>,
        %get3A_1753 = arith.index_cast %add3A_1744 : i32 to index
        %get3A_1754 = arith.constant 16 : index
        %get3A_1755 = tpu.vector_load %arg21[%get3A_1753, %get3A_1754] {strides = array<i32>} : memref<128x128xf32, #tpu.memory_space<vmem>>, vector<16xf32>,
        %mul3A_1756 = vector.broadcast %squeeze3A_1742 : f32 to vector<16xf32>
        %mul3A_1757 = arith.mulf %get3A_1755, %mul3A_1756 : vector<16xf32>
        %swap3A_1758 = arith.index_cast %add3A_1744 : i32 to index
        %swap3A_1759 = arith.constant 16 : index
        %swap3A_1760 = tpu.vector_load %arg21[%swap3A_1758, %swap3A_1759] {strides = array<i32>} : memref<128x128xf32, #tpu.memory_space<vmem>>, vector<16xf32>,
        tpu.vector_store %arg21[%swap3A_1758, %swap3A_1759], %mul3A_1757 {strides = array<i32>} : memref<128x128xf32, #tpu.memory_space<vmem>>, vector<16xf32>,
        %get3A_1761 = arith.index_cast %add3A_1744 : i32 to index
        %get3A_1762 = arith.constant 32 : index
        %get3A_1763 = tpu.vector_load %arg21[%get3A_1761, %get3A_1762] {strides = array<i32>} : memref<128x128xf32, #tpu.memory_space<vmem>>, vector<16xf32>,
        %mul3A_1764 = vector.broadcast %squeeze3A_1742 : f32 to vector<16xf32>
        %mul3A_1765 = arith.mulf %get3A_1763, %mul3A_1764 : vector<16xf32>
        %swap3A_1766 = arith.index_cast %add3A_1744 : i32 to index
        %swap3A_1767 = arith.constant 32 : index
        %swap3A_1768 = tpu.vector_load %arg21[%swap3A_1766, %swap3A_1767] {strides = array<i32>} : memref<128x128xf32, #tpu.memory_space<vmem>>, vector<16xf32>,
        tpu.vector_store %arg21[%swap3A_1766, %swap3A_1767], %mul3A_1765 {strides = array<i32>} : memref<128x128xf32, #tpu.memory_space<vmem>>, vector<16xf32>,
        %get3A_1769 = arith.index_cast %add3A_1744 : i32 to index
        %get3A_1770 = arith.constant 48 : index
        %get3A_1771 = tpu.vector_load %arg21[%get3A_1769, %get3A_1770] {strides = array<i32>} : memref<128x128xf32, #tpu.memory_space<vmem>>, vector<16xf32>,
        %mul3A_1772 = vector.broadcast %squeeze3A_1742 : f32 to vector<16xf32>
        %mul3A_1773 = arith.mulf %get3A_1771, %mul3A_1772 : vector<16xf32>
        %swap3A_1774 = arith.index_cast %add3A_1744 : i32 to index
        %swap3A_1775 = arith.constant 48 : index
        %swap3A_1776 = tpu.vector_load %arg21[%swap3A_1774, %swap3A_1775] {strides = array<i32>} : memref<128x128xf32, #tpu.memory_space<vmem>>, vector<16xf32>,
        tpu.vector_store %arg21[%swap3A_1774, %swap3A_1775], %mul3A_1773 {strides = array<i32>} : memref<128x128xf32, #tpu.memory_space<vmem>>, vector<16xf32>,
        %get3A_1777 = arith.index_cast %add3A_1744 : i32 to index
        %get3A_1778 = arith.constant 64 : index
        %get3A_1779 = tpu.vector_load %arg21[%get3A_1777, %get3A_1778] {strides = array<i32>} : memref<128x128xf32, #tpu.memory_space<vmem>>, vector<16xf32>,
        %mul3A_1780 = vector.broadcast %squeeze3A_1742 : f32 to vector<16xf32>
        %mul3A_1781 = arith.mulf %get3A_1779, %mul3A_1780 : vector<16xf32>
        %swap3A_1782 = arith.index_cast %add3A_1744 : i32 to index
        %swap3A_1783 = arith.constant 64 : index
        %swap3A_1784 = tpu.vector_load %arg21[%swap3A_1782, %swap3A_1783] {strides = array<i32>} : memref<128x128xf32, #tpu.memory_space<vmem>>, vector<16xf32>,
        tpu.vector_store %arg21[%swap3A_1782, %swap3A_1783], %mul3A_1781 {strides = array<i32>} : memref<128x128xf32, #tpu.memory_space<vmem>>, vector<16xf32>,
        %get3A_1785 = arith.index_cast %add3A_1744 : i32 to index
        %get3A_1786 = arith.constant 80 : index
        %get3A_1787 = tpu.vector_load %arg21[%get3A_1785, %get3A_1786] {strides = array<i32>} : memref<128x128xf32, #tpu.memory_space<vmem>>, vector<16xf32>,
        %mul3A_1788 = vector.broadcast %squeeze3A_1742 : f32 to vector<16xf32>
        %mul3A_1789 = arith.mulf %get3A_1787, %mul3A_1788 : vector<16xf32>
        %swap3A_1790 = arith.index_cast %add3A_1744 : i32 to index
        %swap3A_1791 = arith.constant 80 : index
        %swap3A_1792 = tpu.vector_load %arg21[%swap3A_1790, %swap3A_1791] {strides = array<i32>} : memref<128x128xf32, #tpu.memory_space<vmem>>, vector<16xf32>,
        tpu.vector_store %arg21[%swap3A_1790, %swap3A_1791], %mul3A_1789 {strides = array<i32>} : memref<128x128xf32, #tpu.memory_space<vmem>>, vector<16xf32>,
        %get3A_1793 = arith.index_cast %add3A_1744 : i32 to index
        %get3A_1794 = arith.constant 96 : index
        %get3A_1795 = tpu.vector_load %arg21[%get3A_1793, %get3A_1794] {strides = array<i32>} : memref<128x128xf32, #tpu.memory_space<vmem>>, vector<16xf32>,
        %mul3A_1796 = vector.broadcast %squeeze3A_1742 : f32 to vector<16xf32>
        %mul3A_1797 = arith.mulf %get3A_1795, %mul3A_1796 : vector<16xf32>
        %swap3A_1798 = arith.index_cast %add3A_1744 : i32 to index
        %swap3A_1799 = arith.constant 96 : index
        %swap3A_1800 = tpu.vector_load %arg21[%swap3A_1798, %swap3A_1799] {strides = array<i32>} : memref<128x128xf32, #tpu.memory_space<vmem>>, vector<16xf32>,
        tpu.vector_store %arg21[%swap3A_1798, %swap3A_1799], %mul3A_1797 {strides = array<i32>} : memref<128x128xf32, #tpu.memory_space<vmem>>, vector<16xf32>,
        %get3A_1801 = arith.index_cast %add3A_1744 : i32 to index
        %get3A_1802 = arith.constant 112 : index
        %get3A_1803 = tpu.vector_load %arg21[%get3A_1801, %get3A_1802] {strides = array<i32>} : memref<128x128xf32, #tpu.memory_space<vmem>>, vector<16xf32>,
        %mul3A_1804 = vector.broadcast %squeeze3A_1742 : f32 to vector<16xf32>
        %mul3A_1805 = arith.mulf %get3A_1803, %mul3A_1804 : vector<16xf32>
        %swap3A_1806 = arith.index_cast %add3A_1744 : i32 to index
        %swap3A_1807 = arith.constant 112 : index
        %swap3A_1808 = tpu.vector_load %arg21[%swap3A_1806, %swap3A_1807] {strides = array<i32>} : memref<128x128xf32, #tpu.memory_space<vmem>>, vector<16xf32>,
        tpu.vector_store %arg21[%swap3A_1806, %swap3A_1807], %mul3A_1805 {strides = array<i32>} : memref<128x128xf32, #tpu.memory_space<vmem>>, vector<16xf32>,
        %scan3A_1809 = arith.constant 0 : i32
        scf.yield %scan3A_1809 : i32
      }
      %scan3A_437 = arith.constant 8 : i32
      %jit3A_438 = arith.constant 8 : i32
      %div3A_439 = arith.divsi %mul3A_168, %jit3A_438 : i32
      %sign3A_440 = arith.constant 0 : i32
      %sign3A_441 = arith.cmpi sgt, %mul3A_168, %sign3A_440 : i32
      %sign3A_442 = arith.extui %sign3A_441 : i1 to i32
      %sign3A_443 = arith.constant 0 : i32
      %sign3A_444 = arith.cmpi slt, %mul3A_168, %sign3A_443 : i32
      %sign3A_445 = arith.extui %sign3A_444 : i1 to i32
      %sign3A_446 = arith.subi %sign3A_442, %sign3A_445 : i32
      %sign3A_447 = arith.constant 0 : i32
      %sign3A_448 = arith.cmpi sgt, %jit3A_438, %sign3A_447 : i32
      %sign3A_449 = arith.extui %sign3A_448 : i1 to i32
      %sign3A_450 = arith.constant 0 : i32
      %sign3A_451 = arith.cmpi slt, %jit3A_438, %sign3A_450 : i32
      %sign3A_452 = arith.extui %sign3A_451 : i1 to i32
      %sign3A_453 = arith.subi %sign3A_449, %sign3A_452 : i32
      %ne3A_454 = arith.cmpi ne, %sign3A_446, %sign3A_453 : i32
      %rem3A_455 = arith.remsi %mul3A_168, %jit3A_438 : i32
      %ne3A_456 = arith.constant 0 : i32
      %ne3A_457 = arith.cmpi ne, %rem3A_455, %ne3A_456 : i32
      %and3A_458 = arith.andi %ne3A_454, %ne3A_457 : i1
      %sub3A_459 = arith.constant 1 : i32
      %sub3A_460 = arith.subi %div3A_439, %sub3A_459 : i32
      %select_n3A_461 = arith.select %and3A_458, %sub3A_460, %div3A_439 : i32
      %jit3A_462 = arith.constant 2 : i32
      %eq3A_463 = arith.constant 0 : i32
      %eq3A_464 = arith.cmpi eq, %jit3A_462, %eq3A_463 : i32
      %jit3A_465 = arith.constant 1 : i32
      %select_n3A_466 = arith.select %eq3A_464, %jit3A_465, %jit3A_462 : i32
      %rem3A_467 = arith.remsi %select_n3A_461, %select_n3A_466 : i32
      %ne3A_468 = arith.constant 0 : i32
      %ne3A_469 = arith.cmpi ne, %rem3A_467, %ne3A_468 : i32
      %lt3A_470 = arith.constant 0 : i32
      %lt3A_471 = arith.cmpi slt, %rem3A_467, %lt3A_470 : i32
      %lt3A_472 = arith.constant 0 : i32
      %lt3A_473 = arith.cmpi slt, %select_n3A_466, %lt3A_472 : i32
      %ne3A_474 = arith.xori %lt3A_471, %lt3A_473 : i1
      %and3A_475 = arith.andi %ne3A_474, %ne3A_469 : i1
      %add3A_476 = arith.addi %rem3A_467, %select_n3A_466 : i32
      %select_n3A_477 = arith.select %and3A_475, %add3A_476, %rem3A_467 : i32
      %jit3A_478 = arith.constant 8 : i32
      %eq3A_479 = arith.constant 0 : i32
      %eq3A_480 = arith.cmpi eq, %jit3A_478, %eq3A_479 : i32
      %jit3A_481 = arith.constant 1 : i32
      %select_n3A_482 = arith.select %eq3A_480, %jit3A_481, %jit3A_478 : i32
      %rem3A_483 = arith.remsi %mul3A_168, %select_n3A_482 : i32
      %ne3A_484 = arith.constant 0 : i32
      %ne3A_485 = arith.cmpi ne, %rem3A_483, %ne3A_484 : i32
      %lt3A_486 = arith.constant 0 : i32
      %lt3A_487 = arith.cmpi slt, %rem3A_483, %lt3A_486 : i32
      %lt3A_488 = arith.constant 0 : i32
      %lt3A_489 = arith.cmpi slt, %select_n3A_482, %lt3A_488 : i32
      %ne3A_490 = arith.xori %lt3A_487, %lt3A_489 : i1
      %and3A_491 = arith.andi %ne3A_490, %ne3A_485 : i1
      %add3A_492 = arith.addi %rem3A_483, %select_n3A_482 : i32
      %select_n3A_493 = arith.select %and3A_491, %add3A_492, %rem3A_483 : i32
      %dma_start3A_494 = arith.constant 0 : i32
      %dma_start3A_495 = tpu.memref_slice %arg14[%select_n3A_477, %select_n3A_493, %dma_start3A_494] : memref<2x8x128xi32, #tpu.memory_space<vmem>> -> memref<1x1x128xi32, #tpu.memory_space<vmem>>
      %dma_start3A_496 = tpu.memref_squeeze %dma_start3A_495 : memref<1x1x128xi32, #tpu.memory_space<vmem>> -> memref<128xi32, #tpu.memory_space<vmem>>
      %dma_start3A_497 = arith.constant 0 : i32
      %dma_start3A_498 = arith.constant 0 : i32
      %dma_start3A_499 = tpu.memref_slice %arg12[%dma_start3A_497, %dma_start3A_498] : memref<10112x128xf32, #tpu.memory_space<vmem_shared>> -> memref<10112x128xf32, #tpu.memory_space<vmem_shared>>
      tpu.enqueue_indirect_dma source(%arg21 : memref<128x128xf32, #tpu.memory_space<vmem>>) target(%dma_start3A_499 : memref<10112x128xf32, #tpu.memory_space<vmem_shared>>) offsets(%dma_start3A_496 : memref<128xi32, #tpu.memory_space<vmem>>) semaphore(%arg29 : memref<!tpu.dma_semaphore, #tpu.memory_space<semaphore_mem>>) {add = true}
      %add3A_500 = arith.constant 2 : i32
      %add3A_501 = arith.addi %mul3A_168, %add3A_500 : i32
      %lt3A_502 = arith.constant 80 : i32
      %lt3A_503 = arith.cmpi slt, %add3A_501, %lt3A_502 : i32
      %convert_element_type3A_504 = arith.extui %lt3A_503 : i1 to i32
      %cond3A_505 = arith.constant 0 : i32
      %cond3A_506 = arith.cmpi ne, %convert_element_type3A_504, %cond3A_505 : i32
      scf.if %cond3A_506 {
        %add3A_691 = arith.constant 2 : i32
        %add3A_692 = arith.addi %mul3A_168, %add3A_691 : i32
        %jit3A_693 = arith.constant 8 : i32
        %eq3A_694 = arith.constant 0 : i32
        %eq3A_695 = arith.cmpi eq, %jit3A_693, %eq3A_694 : i32
        %jit3A_696 = arith.constant 1 : i32
        %select_n3A_697 = arith.select %eq3A_695, %jit3A_696, %jit3A_693 : i32
        %rem3A_698 = arith.remsi %add3A_692, %select_n3A_697 : i32
        %ne3A_699 = arith.constant 0 : i32
        %ne3A_700 = arith.cmpi ne, %rem3A_698, %ne3A_699 : i32
        %lt3A_701 = arith.constant 0 : i32
        %lt3A_702 = arith.cmpi slt, %rem3A_698, %lt3A_701 : i32
        %lt3A_703 = arith.constant 0 : i32
        %lt3A_704 = arith.cmpi slt, %select_n3A_697, %lt3A_703 : i32
        %ne3A_705 = arith.xori %lt3A_702, %lt3A_704 : i1
        %and3A_706 = arith.andi %ne3A_705, %ne3A_700 : i1
        %add3A_707 = arith.addi %rem3A_698, %select_n3A_697 : i32
        %select_n3A_708 = arith.select %and3A_706, %add3A_707, %rem3A_698 : i32
        %eq3A_709 = arith.constant 0 : i32
        %eq3A_710 = arith.cmpi eq, %select_n3A_708, %eq3A_709 : i32
        %convert_element_type3A_711 = arith.extui %eq3A_710 : i1 to i32
        %cond3A_712 = arith.constant 0 : i32
        %cond3A_713 = arith.cmpi ne, %convert_element_type3A_711, %cond3A_712 : i32
        scf.if %cond3A_713 {
          %dma_wait3A_824 = arith.constant 0 : i32
          %dma_wait3A_825 = arith.constant 0 : i32
          %dma_wait3A_826 = arith.constant 0 : i32
          %dma_wait3A_827 = arith.constant 0 : i32
          %dma_wait3A_828 = tpu.memref_slice %arg13[%dma_wait3A_825, %dma_wait3A_826, %dma_wait3A_827] : memref<2x8x128xi32, #tpu.memory_space<vmem>> -> memref<1x8x128xi32, #tpu.memory_space<vmem>>
          %dma_wait3A_829 = tpu.memref_squeeze %dma_wait3A_828 : memref<1x8x128xi32, #tpu.memory_space<vmem>> -> memref<8x128xi32, #tpu.memory_space<vmem>>
          %dma_wait3A_830 = arith.constant 0 : i32
          %dma_wait3A_831 = arith.constant 0 : i32
          %dma_wait3A_832 = tpu.memref_slice %arg5[%add3A, %dma_wait3A_824, %dma_wait3A_830, %dma_wait3A_831] : memref<32x10x8x128xi32, #tpu.memory_space<hbm>> -> memref<1x1x8x128xi32, #tpu.memory_space<hbm>>
          %dma_wait3A_833 = tpu.memref_squeeze %dma_wait3A_832 : memref<1x1x8x128xi32, #tpu.memory_space<hbm>> -> memref<8x128xi32, #tpu.memory_space<hbm>>
          %dma_wait3A_834 = arith.constant 0 : i32
          %dma_wait3A_835 = arith.constant 0 : i32
          %dma_wait3A_836 = tpu.memref_slice %arg13[%dma_wait3A_825, %dma_wait3A_834, %dma_wait3A_835] : memref<2x8x128xi32, #tpu.memory_space<vmem>> -> memref<1x8x128xi32, #tpu.memory_space<vmem>>
          %dma_wait3A_837 = tpu.memref_squeeze %dma_wait3A_836 : memref<1x8x128xi32, #tpu.memory_space<vmem>> -> memref<8x128xi32, #tpu.memory_space<vmem>>
          %dma_wait3A_838 = arith.constant 0 : i32
          %dma_wait3A_839 = arith.constant 0 : i32
          %dma_wait3A_840 = tpu.memref_slice %arg5[%add3A, %dma_wait3A_824, %dma_wait3A_838, %dma_wait3A_839] : memref<32x10x8x128xi32, #tpu.memory_space<hbm>> -> memref<1x1x8x128xi32, #tpu.memory_space<hbm>>
          %dma_wait3A_841 = tpu.memref_squeeze %dma_wait3A_840 : memref<1x1x8x128xi32, #tpu.memory_space<hbm>> -> memref<8x128xi32, #tpu.memory_space<hbm>>
          tpu.wait_dma2 semaphore(%arg31 : memref<!tpu.dma_semaphore, #tpu.memory_space<semaphore_mem>>) src(%dma_wait3A_841 : memref<8x128xi32, #tpu.memory_space<hbm>>) dst(%dma_wait3A_837 : memref<8x128xi32, #tpu.memory_space<vmem>>)
          %dma_wait3A_842 = arith.constant 0 : i32
          %dma_wait3A_843 = arith.constant 0 : i32
          %dma_wait3A_844 = arith.constant 0 : i32
          %dma_wait3A_845 = arith.constant 0 : i32
          %dma_wait3A_846 = tpu.memref_slice %arg14[%dma_wait3A_843, %dma_wait3A_844, %dma_wait3A_845] : memref<2x8x128xi32, #tpu.memory_space<vmem>> -> memref<1x8x128xi32, #tpu.memory_space<vmem>>
          %dma_wait3A_847 = tpu.memref_squeeze %dma_wait3A_846 : memref<1x8x128xi32, #tpu.memory_space<vmem>> -> memref<8x128xi32, #tpu.memory_space<vmem>>
          %dma_wait3A_848 = arith.constant 0 : i32
          %dma_wait3A_849 = arith.constant 0 : i32
          %dma_wait3A_850 = tpu.memref_slice %arg6[%add3A, %dma_wait3A_842, %dma_wait3A_848, %dma_wait3A_849] : memref<32x10x8x128xi32, #tpu.memory_space<hbm>> -> memref<1x1x8x128xi32, #tpu.memory_space<hbm>>
          %dma_wait3A_851 = tpu.memref_squeeze %dma_wait3A_850 : memref<1x1x8x128xi32, #tpu.memory_space<hbm>> -> memref<8x128xi32, #tpu.memory_space<hbm>>
          %dma_wait3A_852 = arith.constant 0 : i32
          %dma_wait3A_853 = arith.constant 0 : i32
          %dma_wait3A_854 = tpu.memref_slice %arg14[%dma_wait3A_843, %dma_wait3A_852, %dma_wait3A_853] : memref<2x8x128xi32, #tpu.memory_space<vmem>> -> memref<1x8x128xi32, #tpu.memory_space<vmem>>
          %dma_wait3A_855 = tpu.memref_squeeze %dma_wait3A_854 : memref<1x8x128xi32, #tpu.memory_space<vmem>> -> memref<8x128xi32, #tpu.memory_space<vmem>>
          %dma_wait3A_856 = arith.constant 0 : i32
          %dma_wait3A_857 = arith.constant 0 : i32
          %dma_wait3A_858 = tpu.memref_slice %arg6[%add3A, %dma_wait3A_842, %dma_wait3A_856, %dma_wait3A_857] : memref<32x10x8x128xi32, #tpu.memory_space<hbm>> -> memref<1x1x8x128xi32, #tpu.memory_space<hbm>>
          %dma_wait3A_859 = tpu.memref_squeeze %dma_wait3A_858 : memref<1x1x8x128xi32, #tpu.memory_space<hbm>> -> memref<8x128xi32, #tpu.memory_space<hbm>>
          tpu.wait_dma2 semaphore(%arg31 : memref<!tpu.dma_semaphore, #tpu.memory_space<semaphore_mem>>) src(%dma_wait3A_859 : memref<8x128xi32, #tpu.memory_space<hbm>>) dst(%dma_wait3A_855 : memref<8x128xi32, #tpu.memory_space<vmem>>)
          %dma_wait3A_860 = arith.constant 0 : i32
          %dma_wait3A_861 = arith.constant 0 : i32
          %dma_wait3A_862 = arith.constant 0 : i32
          %dma_wait3A_863 = arith.constant 0 : i32
          %dma_wait3A_864 = tpu.memref_slice %arg15[%dma_wait3A_861, %dma_wait3A_862, %dma_wait3A_863] : memref<2x8x128xi32, #tpu.memory_space<vmem>> -> memref<1x8x128xi32, #tpu.memory_space<vmem>>
          %dma_wait3A_865 = tpu.memref_squeeze %dma_wait3A_864 : memref<1x8x128xi32, #tpu.memory_space<vmem>> -> memref<8x128xi32, #tpu.memory_space<vmem>>
          %dma_wait3A_866 = arith.constant 0 : i32
          %dma_wait3A_867 = arith.constant 0 : i32
          %dma_wait3A_868 = tpu.memref_slice %arg7[%add3A, %dma_wait3A_860, %dma_wait3A_866, %dma_wait3A_867] : memref<32x10x8x128xi32, #tpu.memory_space<hbm>> -> memref<1x1x8x128xi32, #tpu.memory_space<hbm>>
          %dma_wait3A_869 = tpu.memref_squeeze %dma_wait3A_868 : memref<1x1x8x128xi32, #tpu.memory_space<hbm>> -> memref<8x128xi32, #tpu.memory_space<hbm>>
          %dma_wait3A_870 = arith.constant 0 : i32
          %dma_wait3A_871 = arith.constant 0 : i32
          %dma_wait3A_872 = tpu.memref_slice %arg15[%dma_wait3A_861, %dma_wait3A_870, %dma_wait3A_871] : memref<2x8x128xi32, #tpu.memory_space<vmem>> -> memref<1x8x128xi32, #tpu.memory_space<vmem>>
          %dma_wait3A_873 = tpu.memref_squeeze %dma_wait3A_872 : memref<1x8x128xi32, #tpu.memory_space<vmem>> -> memref<8x128xi32, #tpu.memory_space<vmem>>
          %dma_wait3A_874 = arith.constant 0 : i32
          %dma_wait3A_875 = arith.constant 0 : i32
          %dma_wait3A_876 = tpu.memref_slice %arg7[%add3A, %dma_wait3A_860, %dma_wait3A_874, %dma_wait3A_875] : memref<32x10x8x128xi32, #tpu.memory_space<hbm>> -> memref<1x1x8x128xi32, #tpu.memory_space<hbm>>
          %dma_wait3A_877 = tpu.memref_squeeze %dma_wait3A_876 : memref<1x1x8x128xi32, #tpu.memory_space<hbm>> -> memref<8x128xi32, #tpu.memory_space<hbm>>
          tpu.wait_dma2 semaphore(%arg31 : memref<!tpu.dma_semaphore, #tpu.memory_space<semaphore_mem>>) src(%dma_wait3A_877 : memref<8x128xi32, #tpu.memory_space<hbm>>) dst(%dma_wait3A_873 : memref<8x128xi32, #tpu.memory_space<vmem>>)
        } else {
        }
        %dma_wait3A_714 = arith.constant 0 : i32
        %dma_wait3A_715 = arith.constant 0 : i32
        %dma_wait3A_716 = tpu.memref_slice %arg12[%dma_wait3A_714, %dma_wait3A_715] : memref<10112x128xf32, #tpu.memory_space<vmem_shared>> -> memref<128x128xf32, #tpu.memory_space<vmem_shared>>
        %dma_wait3A_717 = arith.constant 0 : i32
        %dma_wait3A_718 = arith.constant 0 : i32
        %dma_wait3A_719 = tpu.memref_slice %arg12[%dma_wait3A_717, %dma_wait3A_718] : memref<10112x128xf32, #tpu.memory_space<vmem_shared>> -> memref<128x128xf32, #tpu.memory_space<vmem_shared>>
        tpu.wait_dma2 semaphore(%arg29 : memref<!tpu.dma_semaphore, #tpu.memory_space<semaphore_mem>>) src(%arg21 : memref<128x128xf32, #tpu.memory_space<vmem>>) dst(%dma_wait3A_719 : memref<128x128xf32, #tpu.memory_space<vmem_shared>>)
        %add3A_720 = arith.constant 2 : i32
        %add3A_721 = arith.addi %mul3A_168, %add3A_720 : i32
        %jit3A_722 = arith.constant 8 : i32
        %div3A_723 = arith.divsi %add3A_721, %jit3A_722 : i32
        %sign3A_724 = arith.constant 0 : i32
        %sign3A_725 = arith.cmpi sgt, %add3A_721, %sign3A_724 : i32
        %sign3A_726 = arith.extui %sign3A_725 : i1 to i32
        %sign3A_727 = arith.constant 0 : i32
        %sign3A_728 = arith.cmpi slt, %add3A_721, %sign3A_727 : i32
        %sign3A_729 = arith.extui %sign3A_728 : i1 to i32
        %sign3A_730 = arith.subi %sign3A_726, %sign3A_729 : i32
        %sign3A_731 = arith.constant 0 : i32
        %sign3A_732 = arith.cmpi sgt, %jit3A_722, %sign3A_731 : i32
        %sign3A_733 = arith.extui %sign3A_732 : i1 to i32
        %sign3A_734 = arith.constant 0 : i32
        %sign3A_735 = arith.cmpi slt, %jit3A_722, %sign3A_734 : i32
        %sign3A_736 = arith.extui %sign3A_735 : i1 to i32
        %sign3A_737 = arith.subi %sign3A_733, %sign3A_736 : i32
        %ne3A_738 = arith.cmpi ne, %sign3A_730, %sign3A_737 : i32
        %rem3A_739 = arith.remsi %add3A_721, %jit3A_722 : i32
        %ne3A_740 = arith.constant 0 : i32
        %ne3A_741 = arith.cmpi ne, %rem3A_739, %ne3A_740 : i32
        %and3A_742 = arith.andi %ne3A_738, %ne3A_741 : i1
        %sub3A_743 = arith.constant 1 : i32
        %sub3A_744 = arith.subi %div3A_723, %sub3A_743 : i32
        %select_n3A_745 = arith.select %and3A_742, %sub3A_744, %div3A_723 : i32
        %jit3A_746 = arith.constant 2 : i32
        %eq3A_747 = arith.constant 0 : i32
        %eq3A_748 = arith.cmpi eq, %jit3A_746, %eq3A_747 : i32
        %jit3A_749 = arith.constant 1 : i32
        %select_n3A_750 = arith.select %eq3A_748, %jit3A_749, %jit3A_746 : i32
        %rem3A_751 = arith.remsi %select_n3A_745, %select_n3A_750 : i32
        %ne3A_752 = arith.constant 0 : i32
        %ne3A_753 = arith.cmpi ne, %rem3A_751, %ne3A_752 : i32
        %lt3A_754 = arith.constant 0 : i32
        %lt3A_755 = arith.cmpi slt, %rem3A_751, %lt3A_754 : i32
        %lt3A_756 = arith.constant 0 : i32
        %lt3A_757 = arith.cmpi slt, %select_n3A_750, %lt3A_756 : i32
        %ne3A_758 = arith.xori %lt3A_755, %lt3A_757 : i1
        %and3A_759 = arith.andi %ne3A_758, %ne3A_753 : i1
        %add3A_760 = arith.addi %rem3A_751, %select_n3A_750 : i32
        %select_n3A_761 = arith.select %and3A_759, %add3A_760, %rem3A_751 : i32
        %jit3A_762 = arith.constant 8 : i32
        %eq3A_763 = arith.constant 0 : i32
        %eq3A_764 = arith.cmpi eq, %jit3A_762, %eq3A_763 : i32
        %jit3A_765 = arith.constant 1 : i32
        %select_n3A_766 = arith.select %eq3A_764, %jit3A_765, %jit3A_762 : i32
        %rem3A_767 = arith.remsi %add3A_721, %select_n3A_766 : i32
        %ne3A_768 = arith.constant 0 : i32
        %ne3A_769 = arith.cmpi ne, %rem3A_767, %ne3A_768 : i32
        %lt3A_770 = arith.constant 0 : i32
        %lt3A_771 = arith.cmpi slt, %rem3A_767, %lt3A_770 : i32
        %lt3A_772 = arith.constant 0 : i32
        %lt3A_773 = arith.cmpi slt, %select_n3A_766, %lt3A_772 : i32
        %ne3A_774 = arith.xori %lt3A_771, %lt3A_773 : i1
        %and3A_775 = arith.andi %ne3A_774, %ne3A_769 : i1
        %add3A_776 = arith.addi %rem3A_767, %select_n3A_766 : i32
        %select_n3A_777 = arith.select %and3A_775, %add3A_776, %rem3A_767 : i32
        %dma_start3A_778 = arith.constant 0 : i32
        %dma_start3A_779 = tpu.memref_slice %arg13[%select_n3A_761, %select_n3A_777, %dma_start3A_778] : memref<2x8x128xi32, #tpu.memory_space<vmem>> -> memref<1x1x128xi32, #tpu.memory_space<vmem>>
        %dma_start3A_780 = tpu.memref_squeeze %dma_start3A_779 : memref<1x1x128xi32, #tpu.memory_space<vmem>> -> memref<128xi32, #tpu.memory_space<vmem>>
        %dma_start3A_781 = arith.constant 0 : i32
        %dma_start3A_782 = tpu.memref_slice %arg3[%dma_start3A_781] : memref<10112xf32, #tpu.memory_space<hbm>> -> memref<10112xf32, #tpu.memory_space<hbm>>
        tpu.enqueue_indirect_dma source(%dma_start3A_782 : memref<10112xf32, #tpu.memory_space<hbm>>) target(%arg16 : memref<128xf32, #tpu.memory_space<vmem>>) offsets(%dma_start3A_780 : memref<128xi32, #tpu.memory_space<vmem>>) semaphore(%arg27 : memref<!tpu.dma_semaphore, #tpu.memory_space<semaphore_mem>>)
        %dma_start3A_783 = arith.constant 0 : i32
        %dma_start3A_784 = tpu.memref_slice %arg14[%select_n3A_761, %select_n3A_777, %dma_start3A_783] : memref<2x8x128xi32, #tpu.memory_space<vmem>> -> memref<1x1x128xi32, #tpu.memory_space<vmem>>
        %dma_start3A_785 = tpu.memref_squeeze %dma_start3A_784 : memref<1x1x128xi32, #tpu.memory_space<vmem>> -> memref<128xi32, #tpu.memory_space<vmem>>
        %dma_start3A_786 = arith.constant 0 : i32
        %dma_start3A_787 = tpu.memref_slice %arg4[%dma_start3A_786] : memref<10112xf32, #tpu.memory_space<hbm>> -> memref<10112xf32, #tpu.memory_space<hbm>>
        tpu.enqueue_indirect_dma source(%dma_start3A_787 : memref<10112xf32, #tpu.memory_space<hbm>>) target(%arg17 : memref<128xf32, #tpu.memory_space<vmem>>) offsets(%dma_start3A_785 : memref<128xi32, #tpu.memory_space<vmem>>) semaphore(%arg27 : memref<!tpu.dma_semaphore, #tpu.memory_space<semaphore_mem>>)
        %dma_start3A_788 = arith.constant 0 : i32
        %dma_start3A_789 = arith.constant 0 : i32
        %dma_start3A_790 = tpu.memref_slice %arg21[%dma_start3A_788, %dma_start3A_789] : memref<128x128xf32, #tpu.memory_space<vmem>> -> memref<32x128xf32, #tpu.memory_space<vmem>>
        %dma_start3A_791 = arith.constant 0 : i32
        %dma_start3A_792 = tpu.memref_slice %arg13[%select_n3A_761, %select_n3A_777, %dma_start3A_791] : memref<2x8x128xi32, #tpu.memory_space<vmem>> -> memref<1x1x32xi32, #tpu.memory_space<vmem>>
        %dma_start3A_793 = tpu.memref_squeeze %dma_start3A_792 : memref<1x1x32xi32, #tpu.memory_space<vmem>> -> memref<32xi32, #tpu.memory_space<vmem>>
        %dma_start3A_794 = arith.constant 0 : i32
        %dma_start3A_795 = arith.constant 0 : i32
        %dma_start3A_796 = tpu.memref_slice %arg2[%dma_start3A_794, %dma_start3A_795] : memref<10000x128xf32, #tpu.memory_space<hbm>> -> memref<10000x128xf32, #tpu.memory_space<hbm>>
        tpu.enqueue_indirect_dma source(%dma_start3A_796 : memref<10000x128xf32, #tpu.memory_space<hbm>>) target(%dma_start3A_790 : memref<32x128xf32, #tpu.memory_space<vmem>>) offsets(%dma_start3A_793 : memref<32xi32, #tpu.memory_space<vmem>>) semaphore(%arg25 : memref<!tpu.dma_semaphore, #tpu.memory_space<semaphore_mem>>)
        %dma_start3A_797 = arith.constant 32 : i32
        %dma_start3A_798 = arith.constant 0 : i32
        %dma_start3A_799 = tpu.memref_slice %arg21[%dma_start3A_797, %dma_start3A_798] : memref<128x128xf32, #tpu.memory_space<vmem>> -> memref<32x128xf32, #tpu.memory_space<vmem>>
        %dma_start3A_800 = arith.constant 32 : i32
        %dma_start3A_801 = tpu.memref_slice %arg13[%select_n3A_761, %select_n3A_777, %dma_start3A_800] : memref<2x8x128xi32, #tpu.memory_space<vmem>> -> memref<1x1x32xi32, #tpu.memory_space<vmem>>
        %dma_start3A_802 = tpu.memref_squeeze %dma_start3A_801 : memref<1x1x32xi32, #tpu.memory_space<vmem>> -> memref<32xi32, #tpu.memory_space<vmem>>
        %dma_start3A_803 = arith.constant 0 : i32
        %dma_start3A_804 = arith.constant 0 : i32
        %dma_start3A_805 = tpu.memref_slice %arg2[%dma_start3A_803, %dma_start3A_804] : memref<10000x128xf32, #tpu.memory_space<hbm>> -> memref<10000x128xf32, #tpu.memory_space<hbm>>
        tpu.enqueue_indirect_dma source(%dma_start3A_805 : memref<10000x128xf32, #tpu.memory_space<hbm>>) target(%dma_start3A_799 : memref<32x128xf32, #tpu.memory_space<vmem>>) offsets(%dma_start3A_802 : memref<32xi32, #tpu.memory_space<vmem>>) semaphore(%arg25 : memref<!tpu.dma_semaphore, #tpu.memory_space<semaphore_mem>>)
        %dma_start3A_806 = arith.constant 64 : i32
        %dma_start3A_807 = arith.constant 0 : i32
        %dma_start3A_808 = tpu.memref_slice %arg21[%dma_start3A_806, %dma_start3A_807] : memref<128x128xf32, #tpu.memory_space<vmem>> -> memref<32x128xf32, #tpu.memory_space<vmem>>
        %dma_start3A_809 = arith.constant 64 : i32
        %dma_start3A_810 = tpu.memref_slice %arg13[%select_n3A_761, %select_n3A_777, %dma_start3A_809] : memref<2x8x128xi32, #tpu.memory_space<vmem>> -> memref<1x1x32xi32, #tpu.memory_space<vmem>>
        %dma_start3A_811 = tpu.memref_squeeze %dma_start3A_810 : memref<1x1x32xi32, #tpu.memory_space<vmem>> -> memref<32xi32, #tpu.memory_space<vmem>>
        %dma_start3A_812 = arith.constant 0 : i32
        %dma_start3A_813 = arith.constant 0 : i32
        %dma_start3A_814 = tpu.memref_slice %arg2[%dma_start3A_812, %dma_start3A_813] : memref<10000x128xf32, #tpu.memory_space<hbm>> -> memref<10000x128xf32, #tpu.memory_space<hbm>>
        tpu.enqueue_indirect_dma source(%dma_start3A_814 : memref<10000x128xf32, #tpu.memory_space<hbm>>) target(%dma_start3A_808 : memref<32x128xf32, #tpu.memory_space<vmem>>) offsets(%dma_start3A_811 : memref<32xi32, #tpu.memory_space<vmem>>) semaphore(%arg25 : memref<!tpu.dma_semaphore, #tpu.memory_space<semaphore_mem>>)
        %dma_start3A_815 = arith.constant 96 : i32
        %dma_start3A_816 = arith.constant 0 : i32
        %dma_start3A_817 = tpu.memref_slice %arg21[%dma_start3A_815, %dma_start3A_816] : memref<128x128xf32, #tpu.memory_space<vmem>> -> memref<32x128xf32, #tpu.memory_space<vmem>>
        %dma_start3A_818 = arith.constant 96 : i32
        %dma_start3A_819 = tpu.memref_slice %arg13[%select_n3A_761, %select_n3A_777, %dma_start3A_818] : memref<2x8x128xi32, #tpu.memory_space<vmem>> -> memref<1x1x32xi32, #tpu.memory_space<vmem>>
        %dma_start3A_820 = tpu.memref_squeeze %dma_start3A_819 : memref<1x1x32xi32, #tpu.memory_space<vmem>> -> memref<32xi32, #tpu.memory_space<vmem>>
        %dma_start3A_821 = arith.constant 0 : i32
        %dma_start3A_822 = arith.constant 0 : i32
        %dma_start3A_823 = tpu.memref_slice %arg2[%dma_start3A_821, %dma_start3A_822] : memref<10000x128xf32, #tpu.memory_space<hbm>> -> memref<10000x128xf32, #tpu.memory_space<hbm>>
        tpu.enqueue_indirect_dma source(%dma_start3A_823 : memref<10000x128xf32, #tpu.memory_space<hbm>>) target(%dma_start3A_817 : memref<32x128xf32, #tpu.memory_space<vmem>>) offsets(%dma_start3A_820 : memref<32xi32, #tpu.memory_space<vmem>>) semaphore(%arg25 : memref<!tpu.dma_semaphore, #tpu.memory_space<semaphore_mem>>)
      } else {
      }
      %dma_wait3A_507 = arith.constant 0 : i32
      %dma_wait3A_508 = arith.constant 0 : i32
      %dma_wait3A_509 = arith.constant 0 : i32
      %dma_wait3A_510 = tpu.memref_slice %arg13[%dma_wait3A_507, %dma_wait3A_508, %dma_wait3A_509] : memref<2x8x128xi32, #tpu.memory_space<vmem>> -> memref<1x1x128xi32, #tpu.memory_space<vmem>>
      %dma_wait3A_511 = tpu.memref_squeeze %dma_wait3A_510 : memref<1x1x128xi32, #tpu.memory_space<vmem>> -> memref<128xi32, #tpu.memory_space<vmem>>
      %dma_wait3A_512 = arith.constant 0 : i32
      %dma_wait3A_513 = tpu.memref_slice %arg3[%dma_wait3A_512] : memref<10112xf32, #tpu.memory_space<hbm>> -> memref<10112xf32, #tpu.memory_space<hbm>>
      tpu.wait_indirect_dma semaphore(%arg28 : memref<!tpu.dma_semaphore, #tpu.memory_space<semaphore_mem>>) src(%dma_wait3A_513 : memref<10112xf32, #tpu.memory_space<hbm>>) dst(%arg18 : memref<128xf32, #tpu.memory_space<vmem>>)
      %dma_wait3A_514 = arith.constant 0 : i32
      %dma_wait3A_515 = arith.constant 0 : i32
      %dma_wait3A_516 = arith.constant 0 : i32
      %dma_wait3A_517 = tpu.memref_slice %arg14[%dma_wait3A_514, %dma_wait3A_515, %dma_wait3A_516] : memref<2x8x128xi32, #tpu.memory_space<vmem>> -> memref<1x1x128xi32, #tpu.memory_space<vmem>>
      %dma_wait3A_518 = tpu.memref_squeeze %dma_wait3A_517 : memref<1x1x128xi32, #tpu.memory_space<vmem>> -> memref<128xi32, #tpu.memory_space<vmem>>
      %dma_wait3A_519 = arith.constant 0 : i32
      %dma_wait3A_520 = tpu.memref_slice %arg4[%dma_wait3A_519] : memref<10112xf32, #tpu.memory_space<hbm>> -> memref<10112xf32, #tpu.memory_space<hbm>>
      tpu.wait_indirect_dma semaphore(%arg28 : memref<!tpu.dma_semaphore, #tpu.memory_space<semaphore_mem>>) src(%dma_wait3A_520 : memref<10112xf32, #tpu.memory_space<hbm>>) dst(%arg19 : memref<128xf32, #tpu.memory_space<vmem>>)
      %dma_wait3A_521 = arith.constant 0 : i32
      %dma_wait3A_522 = arith.constant 0 : i32
      %dma_wait3A_523 = arith.constant 0 : i32
      %dma_wait3A_524 = arith.constant 0 : i32
      %dma_wait3A_525 = tpu.memref_slice %arg22[%dma_wait3A_523, %dma_wait3A_524] : memref<128x128xf32, #tpu.memory_space<vmem>> -> memref<32x128xf32, #tpu.memory_space<vmem>>
      %dma_wait3A_526 = arith.constant 0 : i32
      %dma_wait3A_527 = tpu.memref_slice %arg13[%dma_wait3A_521, %dma_wait3A_522, %dma_wait3A_526] : memref<2x8x128xi32, #tpu.memory_space<vmem>> -> memref<1x1x32xi32, #tpu.memory_space<vmem>>
      %dma_wait3A_528 = tpu.memref_squeeze %dma_wait3A_527 : memref<1x1x32xi32, #tpu.memory_space<vmem>> -> memref<32xi32, #tpu.memory_space<vmem>>
      %dma_wait3A_529 = arith.constant 0 : i32
      %dma_wait3A_530 = arith.constant 0 : i32
      %dma_wait3A_531 = tpu.memref_slice %arg2[%dma_wait3A_529, %dma_wait3A_530] : memref<10000x128xf32, #tpu.memory_space<hbm>> -> memref<10000x128xf32, #tpu.memory_space<hbm>>
      tpu.wait_indirect_dma semaphore(%arg26 : memref<!tpu.dma_semaphore, #tpu.memory_space<semaphore_mem>>) src(%dma_wait3A_531 : memref<10000x128xf32, #tpu.memory_space<hbm>>) dst(%dma_wait3A_525 : memref<32x128xf32, #tpu.memory_space<vmem>>)
      %dma_wait3A_532 = arith.constant 0 : i32
      %dma_wait3A_533 = arith.constant 0 : i32
      %dma_wait3A_534 = arith.constant 32 : i32
      %dma_wait3A_535 = arith.constant 0 : i32
      %dma_wait3A_536 = tpu.memref_slice %arg22[%dma_wait3A_534, %dma_wait3A_535] : memref<128x128xf32, #tpu.memory_space<vmem>> -> memref<32x128xf32, #tpu.memory_space<vmem>>
      %dma_wait3A_537 = arith.constant 0 : i32
      %dma_wait3A_538 = tpu.memref_slice %arg13[%dma_wait3A_532, %dma_wait3A_533, %dma_wait3A_537] : memref<2x8x128xi32, #tpu.memory_space<vmem>> -> memref<1x1x32xi32, #tpu.memory_space<vmem>>
      %dma_wait3A_539 = tpu.memref_squeeze %dma_wait3A_538 : memref<1x1x32xi32, #tpu.memory_space<vmem>> -> memref<32xi32, #tpu.memory_space<vmem>>
      %dma_wait3A_540 = arith.constant 0 : i32
      %dma_wait3A_541 = arith.constant 0 : i32
      %dma_wait3A_542 = tpu.memref_slice %arg2[%dma_wait3A_540, %dma_wait3A_541] : memref<10000x128xf32, #tpu.memory_space<hbm>> -> memref<10000x128xf32, #tpu.memory_space<hbm>>
      tpu.wait_indirect_dma semaphore(%arg26 : memref<!tpu.dma_semaphore, #tpu.memory_space<semaphore_mem>>) src(%dma_wait3A_542 : memref<10000x128xf32, #tpu.memory_space<hbm>>) dst(%dma_wait3A_536 : memref<32x128xf32, #tpu.memory_space<vmem>>)
      %dma_wait3A_543 = arith.constant 0 : i32
      %dma_wait3A_544 = arith.constant 0 : i32
      %dma_wait3A_545 = arith.constant 64 : i32
      %dma_wait3A_546 = arith.constant 0 : i32
      %dma_wait3A_547 = tpu.memref_slice %arg22[%dma_wait3A_545, %dma_wait3A_546] : memref<128x128xf32, #tpu.memory_space<vmem>> -> memref<32x128xf32, #tpu.memory_space<vmem>>
      %dma_wait3A_548 = arith.constant 0 : i32
      %dma_wait3A_549 = tpu.memref_slice %arg13[%dma_wait3A_543, %dma_wait3A_544, %dma_wait3A_548] : memref<2x8x128xi32, #tpu.memory_space<vmem>> -> memref<1x1x32xi32, #tpu.memory_space<vmem>>
      %dma_wait3A_550 = tpu.memref_squeeze %dma_wait3A_549 : memref<1x1x32xi32, #tpu.memory_space<vmem>> -> memref<32xi32, #tpu.memory_space<vmem>>
      %dma_wait3A_551 = arith.constant 0 : i32
      %dma_wait3A_552 = arith.constant 0 : i32
      %dma_wait3A_553 = tpu.memref_slice %arg2[%dma_wait3A_551, %dma_wait3A_552] : memref<10000x128xf32, #tpu.memory_space<hbm>> -> memref<10000x128xf32, #tpu.memory_space<hbm>>
      tpu.wait_indirect_dma semaphore(%arg26 : memref<!tpu.dma_semaphore, #tpu.memory_space<semaphore_mem>>) src(%dma_wait3A_553 : memref<10000x128xf32, #tpu.memory_space<hbm>>) dst(%dma_wait3A_547 : memref<32x128xf32, #tpu.memory_space<vmem>>)
      %dma_wait3A_554 = arith.constant 0 : i32
      %dma_wait3A_555 = arith.constant 0 : i32
      %dma_wait3A_556 = arith.constant 96 : i32
      %dma_wait3A_557 = arith.constant 0 : i32
      %dma_wait3A_558 = tpu.memref_slice %arg22[%dma_wait3A_556, %dma_wait3A_557] : memref<128x128xf32, #tpu.memory_space<vmem>> -> memref<32x128xf32, #tpu.memory_space<vmem>>
      %dma_wait3A_559 = arith.constant 0 : i32
      %dma_wait3A_560 = tpu.memref_slice %arg13[%dma_wait3A_554, %dma_wait3A_555, %dma_wait3A_559] : memref<2x8x128xi32, #tpu.memory_space<vmem>> -> memref<1x1x32xi32, #tpu.memory_space<vmem>>
      %dma_wait3A_561 = tpu.memref_squeeze %dma_wait3A_560 : memref<1x1x32xi32, #tpu.memory_space<vmem>> -> memref<32xi32, #tpu.memory_space<vmem>>
      %dma_wait3A_562 = arith.constant 0 : i32
      %dma_wait3A_563 = arith.constant 0 : i32
      %dma_wait3A_564 = tpu.memref_slice %arg2[%dma_wait3A_562, %dma_wait3A_563] : memref<10000x128xf32, #tpu.memory_space<hbm>> -> memref<10000x128xf32, #tpu.memory_space<hbm>>
      tpu.wait_indirect_dma semaphore(%arg26 : memref<!tpu.dma_semaphore, #tpu.memory_space<semaphore_mem>>) src(%dma_wait3A_564 : memref<10000x128xf32, #tpu.memory_space<hbm>>) dst(%dma_wait3A_558 : memref<32x128xf32, #tpu.memory_space<vmem>>)
      %jit3A_565 = arith.constant 8 : i32
      %div3A_566 = arith.divsi %add3A_170, %jit3A_565 : i32
      %sign3A_567 = arith.constant 0 : i32
      %sign3A_568 = arith.cmpi sgt, %add3A_170, %sign3A_567 : i32
      %sign3A_569 = arith.extui %sign3A_568 : i1 to i32
      %sign3A_570 = arith.constant 0 : i32
      %sign3A_571 = arith.cmpi slt, %add3A_170, %sign3A_570 : i32
      %sign3A_572 = arith.extui %sign3A_571 : i1 to i32
      %sign3A_573 = arith.subi %sign3A_569, %sign3A_572 : i32
      %sign3A_574 = arith.constant 0 : i32
      %sign3A_575 = arith.cmpi sgt, %jit3A_565, %sign3A_574 : i32
      %sign3A_576 = arith.extui %sign3A_575 : i1 to i32
      %sign3A_577 = arith.constant 0 : i32
      %sign3A_578 = arith.cmpi slt, %jit3A_565, %sign3A_577 : i32
      %sign3A_579 = arith.extui %sign3A_578 : i1 to i32
      %sign3A_580 = arith.subi %sign3A_576, %sign3A_579 : i32
      %ne3A_581 = arith.cmpi ne, %sign3A_573, %sign3A_580 : i32
      %rem3A_582 = arith.remsi %add3A_170, %jit3A_565 : i32
      %ne3A_583 = arith.constant 0 : i32
      %ne3A_584 = arith.cmpi ne, %rem3A_582, %ne3A_583 : i32
      %and3A_585 = arith.andi %ne3A_581, %ne3A_584 : i1
      %sub3A_586 = arith.constant 1 : i32
      %sub3A_587 = arith.subi %div3A_566, %sub3A_586 : i32
      %select_n3A_588 = arith.select %and3A_585, %sub3A_587, %div3A_566 : i32
      %jit3A_589 = arith.constant 2 : i32
      %eq3A_590 = arith.constant 0 : i32
      %eq3A_591 = arith.cmpi eq, %jit3A_589, %eq3A_590 : i32
      %jit3A_592 = arith.constant 1 : i32
      %select_n3A_593 = arith.select %eq3A_591, %jit3A_592, %jit3A_589 : i32
      %rem3A_594 = arith.remsi %select_n3A_588, %select_n3A_593 : i32
      %ne3A_595 = arith.constant 0 : i32
      %ne3A_596 = arith.cmpi ne, %rem3A_594, %ne3A_595 : i32
      %lt3A_597 = arith.constant 0 : i32
      %lt3A_598 = arith.cmpi slt, %rem3A_594, %lt3A_597 : i32
      %lt3A_599 = arith.constant 0 : i32
      %lt3A_600 = arith.cmpi slt, %select_n3A_593, %lt3A_599 : i32
      %ne3A_601 = arith.xori %lt3A_598, %lt3A_600 : i1
      %and3A_602 = arith.andi %ne3A_601, %ne3A_596 : i1
      %add3A_603 = arith.addi %rem3A_594, %select_n3A_593 : i32
      %select_n3A_604 = arith.select %and3A_602, %add3A_603, %rem3A_594 : i32
      %jit3A_605 = arith.constant 8 : i32
      %eq3A_606 = arith.constant 0 : i32
      %eq3A_607 = arith.cmpi eq, %jit3A_605, %eq3A_606 : i32
      %jit3A_608 = arith.constant 1 : i32
      %select_n3A_609 = arith.select %eq3A_607, %jit3A_608, %jit3A_605 : i32
      %rem3A_610 = arith.remsi %add3A_170, %select_n3A_609 : i32
      %ne3A_611 = arith.constant 0 : i32
      %ne3A_612 = arith.cmpi ne, %rem3A_610, %ne3A_611 : i32
      %lt3A_613 = arith.constant 0 : i32
      %lt3A_614 = arith.cmpi slt, %rem3A_610, %lt3A_613 : i32
      %lt3A_615 = arith.constant 0 : i32
      %lt3A_616 = arith.cmpi slt, %select_n3A_609, %lt3A_615 : i32
      %ne3A_617 = arith.xori %lt3A_614, %lt3A_616 : i1
      %and3A_618 = arith.andi %ne3A_617, %ne3A_612 : i1
      %add3A_619 = arith.addi %rem3A_610, %select_n3A_609 : i32
      %select_n3A_620 = arith.select %and3A_618, %add3A_619, %rem3A_610 : i32
      %scan3A_621 = arith.constant 0 : i32
      %scan3A_622 = arith.constant 0 : i32
      %scan3A_623 = arith.constant 8 : i32
      %scan3A_624 = arith.addi %scan3A_622, %scan3A_623 : i32
      %scan3A_625 = arith.constant 1 : i32
      %scan3A_626 = scf.for %scan3A_691 = %scan3A_622 to %scan3A_624 step %scan3A_625 iter_args(%scan3A_692 = %scan3A_621) -> (i32)  : i32 {
        %mul3A_693 = arith.constant 16 : i32
        %mul3A_694 = arith.muli %scan3A_691, %mul3A_693 : i32
        %get3A_695 = arith.index_cast %mul3A_694 : i32 to index
        %get3A_696 = tpu.vector_load %arg18[%get3A_695] {strides = array<i32>} : memref<128xf32, #tpu.memory_space<vmem>>, vector<16xf32>,
        %get3A_697 = arith.index_cast %mul3A_694 : i32 to index
        %get3A_698 = tpu.vector_load %arg19[%get3A_697] {strides = array<i32>} : memref<128xf32, #tpu.memory_space<vmem>>, vector<16xf32>,
        %get3A_699 = arith.index_cast %select_n3A_604 : i32 to index
        %get3A_700 = arith.index_cast %select_n3A_620 : i32 to index
        %get3A_701 = arith.index_cast %mul3A_694 : i32 to index
        %get3A_702 = tpu.vector_load %arg14[%get3A_699, %get3A_700, %get3A_701] {strides = array<i32>} : memref<2x8x128xi32, #tpu.memory_space<vmem>>, vector<16xi32>,
        %get3A_703 = arith.index_cast %select_n3A_604 : i32 to index
        %get3A_704 = arith.index_cast %select_n3A_620 : i32 to index
        %get3A_705 = arith.index_cast %mul3A_694 : i32 to index
        %get3A_706 = tpu.vector_load %arg15[%get3A_703, %get3A_704, %get3A_705] {strides = array<i32>} : memref<2x8x128xi32, #tpu.memory_space<vmem>>, vector<16xi32>,
        %add3A_707 = arith.addf %get3A_696, %get3A_698 : vector<16xf32>
        %lt3A_708 = arith.constant 0.000000e+00 : f32
        %lt3A_709 = vector.broadcast %lt3A_708 : f32 to vector<16xf32>
        %lt3A_710 = arith.cmpf olt, %add3A_707, %lt3A_709 : vector<16xf32>
        %mul3A_711 = arith.constant 2.000000e-01 : f32
        %mul3A_712 = vector.broadcast %mul3A_711 : f32 to vector<16xf32>
        %mul3A_713 = arith.mulf %mul3A_712, %add3A_707 : vector<16xf32>
        %select_n3A_714 = arith.select %lt3A_710, %mul3A_713, %add3A_707 : vector<16xi1>, vector<16xf32>
        %sub3A_715 = arith.subf %select_n3A_714, %get3A_25 : vector<16xf32>
        %exp3A = math.exp %sub3A_715 : vector<16xf32>
        %eq3A_716 = arith.cmpi eq, %get3A_706, %get3A_27 : vector<16xi32>
        %lt3A_717 = arith.constant 10000 : i32
        %lt3A_718 = vector.broadcast %lt3A_717 : i32 to vector<16xi32>
        %lt3A_719 = arith.cmpi slt, %get3A_702, %lt3A_718 : vector<16xi32>
        %and3A_720 = arith.andi %eq3A_716, %lt3A_719 : vector<16xi1>
        %jit3A_721 = arith.constant 0.000000e+00 : f32
        %broadcast_in_dim3A_722 = vector.broadcast %jit3A_721 : f32 to vector<16xf32>
        %select_n3A_723 = arith.select %and3A_720, %exp3A, %broadcast_in_dim3A_722 : vector<16xi1>, vector<16xf32>
        tpu.vector_store_idx %arg20[%get3A_702], %select_n3A_723 {add = true} : memref<10112xf32, #tpu.memory_space<vmem>>[vector<16xi32>], vector<16xf32>,
        %slice3A = vector.extract_strided_slice %select_n3A_723 {offsets = [0], sizes = [1], strides = [1]} : vector<16xf32> to vector<1xf32>
        %squeeze3A = vector.extract %slice3A[0] : f32 from vector<1xf32>
        %add3A_724 = arith.constant 0 : i32
        %add3A_725 = arith.addi %mul3A_694, %add3A_724 : i32
        %get3A_726 = arith.index_cast %add3A_725 : i32 to index
        %get3A_727 = arith.constant 0 : index
        %get3A_728 = tpu.vector_load %arg22[%get3A_726, %get3A_727] {strides = array<i32>} : memref<128x128xf32, #tpu.memory_space<vmem>>, vector<16xf32>,
        %mul3A_729 = vector.broadcast %squeeze3A : f32 to vector<16xf32>
        %mul3A_730 = arith.mulf %get3A_728, %mul3A_729 : vector<16xf32>
        %swap3A = arith.index_cast %add3A_725 : i32 to index
        %swap3A_731 = arith.constant 0 : index
        %swap3A_732 = tpu.vector_load %arg22[%swap3A, %swap3A_731] {strides = array<i32>} : memref<128x128xf32, #tpu.memory_space<vmem>>, vector<16xf32>,
        tpu.vector_store %arg22[%swap3A, %swap3A_731], %mul3A_730 {strides = array<i32>} : memref<128x128xf32, #tpu.memory_space<vmem>>, vector<16xf32>,
        %get3A_733 = arith.index_cast %add3A_725 : i32 to index
        %get3A_734 = arith.constant 16 : index
        %get3A_735 = tpu.vector_load %arg22[%get3A_733, %get3A_734] {strides = array<i32>} : memref<128x128xf32, #tpu.memory_space<vmem>>, vector<16xf32>,
        %mul3A_736 = vector.broadcast %squeeze3A : f32 to vector<16xf32>
        %mul3A_737 = arith.mulf %get3A_735, %mul3A_736 : vector<16xf32>
        %swap3A_738 = arith.index_cast %add3A_725 : i32 to index
        %swap3A_739 = arith.constant 16 : index
        %swap3A_740 = tpu.vector_load %arg22[%swap3A_738, %swap3A_739] {strides = array<i32>} : memref<128x128xf32, #tpu.memory_space<vmem>>, vector<16xf32>,
        tpu.vector_store %arg22[%swap3A_738, %swap3A_739], %mul3A_737 {strides = array<i32>} : memref<128x128xf32, #tpu.memory_space<vmem>>, vector<16xf32>,
        %get3A_741 = arith.index_cast %add3A_725 : i32 to index
        %get3A_742 = arith.constant 32 : index
        %get3A_743 = tpu.vector_load %arg22[%get3A_741, %get3A_742] {strides = array<i32>} : memref<128x128xf32, #tpu.memory_space<vmem>>, vector<16xf32>,
        %mul3A_744 = vector.broadcast %squeeze3A : f32 to vector<16xf32>
        %mul3A_745 = arith.mulf %get3A_743, %mul3A_744 : vector<16xf32>
        %swap3A_746 = arith.index_cast %add3A_725 : i32 to index
        %swap3A_747 = arith.constant 32 : index
        %swap3A_748 = tpu.vector_load %arg22[%swap3A_746, %swap3A_747] {strides = array<i32>} : memref<128x128xf32, #tpu.memory_space<vmem>>, vector<16xf32>,
        tpu.vector_store %arg22[%swap3A_746, %swap3A_747], %mul3A_745 {strides = array<i32>} : memref<128x128xf32, #tpu.memory_space<vmem>>, vector<16xf32>,
        %get3A_749 = arith.index_cast %add3A_725 : i32 to index
        %get3A_750 = arith.constant 48 : index
        %get3A_751 = tpu.vector_load %arg22[%get3A_749, %get3A_750] {strides = array<i32>} : memref<128x128xf32, #tpu.memory_space<vmem>>, vector<16xf32>,
        %mul3A_752 = vector.broadcast %squeeze3A : f32 to vector<16xf32>
        %mul3A_753 = arith.mulf %get3A_751, %mul3A_752 : vector<16xf32>
        %swap3A_754 = arith.index_cast %add3A_725 : i32 to index
        %swap3A_755 = arith.constant 48 : index
        %swap3A_756 = tpu.vector_load %arg22[%swap3A_754, %swap3A_755] {strides = array<i32>} : memref<128x128xf32, #tpu.memory_space<vmem>>, vector<16xf32>,
        tpu.vector_store %arg22[%swap3A_754, %swap3A_755], %mul3A_753 {strides = array<i32>} : memref<128x128xf32, #tpu.memory_space<vmem>>, vector<16xf32>,
        %get3A_757 = arith.index_cast %add3A_725 : i32 to index
        %get3A_758 = arith.constant 64 : index
        %get3A_759 = tpu.vector_load %arg22[%get3A_757, %get3A_758] {strides = array<i32>} : memref<128x128xf32, #tpu.memory_space<vmem>>, vector<16xf32>,
        %mul3A_760 = vector.broadcast %squeeze3A : f32 to vector<16xf32>
        %mul3A_761 = arith.mulf %get3A_759, %mul3A_760 : vector<16xf32>
        %swap3A_762 = arith.index_cast %add3A_725 : i32 to index
        %swap3A_763 = arith.constant 64 : index
        %swap3A_764 = tpu.vector_load %arg22[%swap3A_762, %swap3A_763] {strides = array<i32>} : memref<128x128xf32, #tpu.memory_space<vmem>>, vector<16xf32>,
        tpu.vector_store %arg22[%swap3A_762, %swap3A_763], %mul3A_761 {strides = array<i32>} : memref<128x128xf32, #tpu.memory_space<vmem>>, vector<16xf32>,
        %get3A_765 = arith.index_cast %add3A_725 : i32 to index
        %get3A_766 = arith.constant 80 : index
        %get3A_767 = tpu.vector_load %arg22[%get3A_765, %get3A_766] {strides = array<i32>} : memref<128x128xf32, #tpu.memory_space<vmem>>, vector<16xf32>,
        %mul3A_768 = vector.broadcast %squeeze3A : f32 to vector<16xf32>
        %mul3A_769 = arith.mulf %get3A_767, %mul3A_768 : vector<16xf32>
        %swap3A_770 = arith.index_cast %add3A_725 : i32 to index
        %swap3A_771 = arith.constant 80 : index
        %swap3A_772 = tpu.vector_load %arg22[%swap3A_770, %swap3A_771] {strides = array<i32>} : memref<128x128xf32, #tpu.memory_space<vmem>>, vector<16xf32>,
        tpu.vector_store %arg22[%swap3A_770, %swap3A_771], %mul3A_769 {strides = array<i32>} : memref<128x128xf32, #tpu.memory_space<vmem>>, vector<16xf32>,
        %get3A_773 = arith.index_cast %add3A_725 : i32 to index
        %get3A_774 = arith.constant 96 : index
        %get3A_775 = tpu.vector_load %arg22[%get3A_773, %get3A_774] {strides = array<i32>} : memref<128x128xf32, #tpu.memory_space<vmem>>, vector<16xf32>,
        %mul3A_776 = vector.broadcast %squeeze3A : f32 to vector<16xf32>
        %mul3A_777 = arith.mulf %get3A_775, %mul3A_776 : vector<16xf32>
        %swap3A_778 = arith.index_cast %add3A_725 : i32 to index
        %swap3A_779 = arith.constant 96 : index
        %swap3A_780 = tpu.vector_load %arg22[%swap3A_778, %swap3A_779] {strides = array<i32>} : memref<128x128xf32, #tpu.memory_space<vmem>>, vector<16xf32>,
        tpu.vector_store %arg22[%swap3A_778, %swap3A_779], %mul3A_777 {strides = array<i32>} : memref<128x128xf32, #tpu.memory_space<vmem>>, vector<16xf32>,
        %get3A_781 = arith.index_cast %add3A_725 : i32 to index
        %get3A_782 = arith.constant 112 : index
        %get3A_783 = tpu.vector_load %arg22[%get3A_781, %get3A_782] {strides = array<i32>} : memref<128x128xf32, #tpu.memory_space<vmem>>, vector<16xf32>,
        %mul3A_784 = vector.broadcast %squeeze3A : f32 to vector<16xf32>
        %mul3A_785 = arith.mulf %get3A_783, %mul3A_784 : vector<16xf32>
        %swap3A_786 = arith.index_cast %add3A_725 : i32 to index
        %swap3A_787 = arith.constant 112 : index
        %swap3A_788 = tpu.vector_load %arg22[%swap3A_786, %swap3A_787] {strides = array<i32>} : memref<128x128xf32, #tpu.memory_space<vmem>>, vector<16xf32>,
        tpu.vector_store %arg22[%swap3A_786, %swap3A_787], %mul3A_785 {strides = array<i32>} : memref<128x128xf32, #tpu.memory_space<vmem>>, vector<16xf32>,
        %slice3A_789 = vector.extract_strided_slice %select_n3A_723 {offsets = [1], sizes = [1], strides = [1]} : vector<16xf32> to vector<1xf32>
        %squeeze3A_790 = vector.extract %slice3A_789[0] : f32 from vector<1xf32>
        %add3A_791 = arith.constant 1 : i32
        %add3A_792 = arith.addi %mul3A_694, %add3A_791 : i32
        %get3A_793 = arith.index_cast %add3A_792 : i32 to index
        %get3A_794 = arith.constant 0 : index
        %get3A_795 = tpu.vector_load %arg22[%get3A_793, %get3A_794] {strides = array<i32>} : memref<128x128xf32, #tpu.memory_space<vmem>>, vector<16xf32>,
        %mul3A_796 = vector.broadcast %squeeze3A_790 : f32 to vector<16xf32>
        %mul3A_797 = arith.mulf %get3A_795, %mul3A_796 : vector<16xf32>
        %swap3A_798 = arith.index_cast %add3A_792 : i32 to index
        %swap3A_799 = arith.constant 0 : index
        %swap3A_800 = tpu.vector_load %arg22[%swap3A_798, %swap3A_799] {strides = array<i32>} : memref<128x128xf32, #tpu.memory_space<vmem>>, vector<16xf32>,
        tpu.vector_store %arg22[%swap3A_798, %swap3A_799], %mul3A_797 {strides = array<i32>} : memref<128x128xf32, #tpu.memory_space<vmem>>, vector<16xf32>,
        %get3A_801 = arith.index_cast %add3A_792 : i32 to index
        %get3A_802 = arith.constant 16 : index
        %get3A_803 = tpu.vector_load %arg22[%get3A_801, %get3A_802] {strides = array<i32>} : memref<128x128xf32, #tpu.memory_space<vmem>>, vector<16xf32>,
        %mul3A_804 = vector.broadcast %squeeze3A_790 : f32 to vector<16xf32>
        %mul3A_805 = arith.mulf %get3A_803, %mul3A_804 : vector<16xf32>
        %swap3A_806 = arith.index_cast %add3A_792 : i32 to index
        %swap3A_807 = arith.constant 16 : index
        %swap3A_808 = tpu.vector_load %arg22[%swap3A_806, %swap3A_807] {strides = array<i32>} : memref<128x128xf32, #tpu.memory_space<vmem>>, vector<16xf32>,
        tpu.vector_store %arg22[%swap3A_806, %swap3A_807], %mul3A_805 {strides = array<i32>} : memref<128x128xf32, #tpu.memory_space<vmem>>, vector<16xf32>,
        %get3A_809 = arith.index_cast %add3A_792 : i32 to index
        %get3A_810 = arith.constant 32 : index
        %get3A_811 = tpu.vector_load %arg22[%get3A_809, %get3A_810] {strides = array<i32>} : memref<128x128xf32, #tpu.memory_space<vmem>>, vector<16xf32>,
        %mul3A_812 = vector.broadcast %squeeze3A_790 : f32 to vector<16xf32>
        %mul3A_813 = arith.mulf %get3A_811, %mul3A_812 : vector<16xf32>
        %swap3A_814 = arith.index_cast %add3A_792 : i32 to index
        %swap3A_815 = arith.constant 32 : index
        %swap3A_816 = tpu.vector_load %arg22[%swap3A_814, %swap3A_815] {strides = array<i32>} : memref<128x128xf32, #tpu.memory_space<vmem>>, vector<16xf32>,
        tpu.vector_store %arg22[%swap3A_814, %swap3A_815], %mul3A_813 {strides = array<i32>} : memref<128x128xf32, #tpu.memory_space<vmem>>, vector<16xf32>,
        %get3A_817 = arith.index_cast %add3A_792 : i32 to index
        %get3A_818 = arith.constant 48 : index
        %get3A_819 = tpu.vector_load %arg22[%get3A_817, %get3A_818] {strides = array<i32>} : memref<128x128xf32, #tpu.memory_space<vmem>>, vector<16xf32>,
        %mul3A_820 = vector.broadcast %squeeze3A_790 : f32 to vector<16xf32>
        %mul3A_821 = arith.mulf %get3A_819, %mul3A_820 : vector<16xf32>
        %swap3A_822 = arith.index_cast %add3A_792 : i32 to index
        %swap3A_823 = arith.constant 48 : index
        %swap3A_824 = tpu.vector_load %arg22[%swap3A_822, %swap3A_823] {strides = array<i32>} : memref<128x128xf32, #tpu.memory_space<vmem>>, vector<16xf32>,
        tpu.vector_store %arg22[%swap3A_822, %swap3A_823], %mul3A_821 {strides = array<i32>} : memref<128x128xf32, #tpu.memory_space<vmem>>, vector<16xf32>,
        %get3A_825 = arith.index_cast %add3A_792 : i32 to index
        %get3A_826 = arith.constant 64 : index
        %get3A_827 = tpu.vector_load %arg22[%get3A_825, %get3A_826] {strides = array<i32>} : memref<128x128xf32, #tpu.memory_space<vmem>>, vector<16xf32>,
        %mul3A_828 = vector.broadcast %squeeze3A_790 : f32 to vector<16xf32>
        %mul3A_829 = arith.mulf %get3A_827, %mul3A_828 : vector<16xf32>
        %swap3A_830 = arith.index_cast %add3A_792 : i32 to index
        %swap3A_831 = arith.constant 64 : index
        %swap3A_832 = tpu.vector_load %arg22[%swap3A_830, %swap3A_831] {strides = array<i32>} : memref<128x128xf32, #tpu.memory_space<vmem>>, vector<16xf32>,
        tpu.vector_store %arg22[%swap3A_830, %swap3A_831], %mul3A_829 {strides = array<i32>} : memref<128x128xf32, #tpu.memory_space<vmem>>, vector<16xf32>,
        %get3A_833 = arith.index_cast %add3A_792 : i32 to index
        %get3A_834 = arith.constant 80 : index
        %get3A_835 = tpu.vector_load %arg22[%get3A_833, %get3A_834] {strides = array<i32>} : memref<128x128xf32, #tpu.memory_space<vmem>>, vector<16xf32>,
        %mul3A_836 = vector.broadcast %squeeze3A_790 : f32 to vector<16xf32>
        %mul3A_837 = arith.mulf %get3A_835, %mul3A_836 : vector<16xf32>
        %swap3A_838 = arith.index_cast %add3A_792 : i32 to index
        %swap3A_839 = arith.constant 80 : index
        %swap3A_840 = tpu.vector_load %arg22[%swap3A_838, %swap3A_839] {strides = array<i32>} : memref<128x128xf32, #tpu.memory_space<vmem>>, vector<16xf32>,
        tpu.vector_store %arg22[%swap3A_838, %swap3A_839], %mul3A_837 {strides = array<i32>} : memref<128x128xf32, #tpu.memory_space<vmem>>, vector<16xf32>,
        %get3A_841 = arith.index_cast %add3A_792 : i32 to index
        %get3A_842 = arith.constant 96 : index
        %get3A_843 = tpu.vector_load %arg22[%get3A_841, %get3A_842] {strides = array<i32>} : memref<128x128xf32, #tpu.memory_space<vmem>>, vector<16xf32>,
        %mul3A_844 = vector.broadcast %squeeze3A_790 : f32 to vector<16xf32>
        %mul3A_845 = arith.mulf %get3A_843, %mul3A_844 : vector<16xf32>
        %swap3A_846 = arith.index_cast %add3A_792 : i32 to index
        %swap3A_847 = arith.constant 96 : index
        %swap3A_848 = tpu.vector_load %arg22[%swap3A_846, %swap3A_847] {strides = array<i32>} : memref<128x128xf32, #tpu.memory_space<vmem>>, vector<16xf32>,
        tpu.vector_store %arg22[%swap3A_846, %swap3A_847], %mul3A_845 {strides = array<i32>} : memref<128x128xf32, #tpu.memory_space<vmem>>, vector<16xf32>,
        %get3A_849 = arith.index_cast %add3A_792 : i32 to index
        %get3A_850 = arith.constant 112 : index
        %get3A_851 = tpu.vector_load %arg22[%get3A_849, %get3A_850] {strides = array<i32>} : memref<128x128xf32, #tpu.memory_space<vmem>>, vector<16xf32>,
        %mul3A_852 = vector.broadcast %squeeze3A_790 : f32 to vector<16xf32>
        %mul3A_853 = arith.mulf %get3A_851, %mul3A_852 : vector<16xf32>
        %swap3A_854 = arith.index_cast %add3A_792 : i32 to index
        %swap3A_855 = arith.constant 112 : index
        %swap3A_856 = tpu.vector_load %arg22[%swap3A_854, %swap3A_855] {strides = array<i32>} : memref<128x128xf32, #tpu.memory_space<vmem>>, vector<16xf32>,
        tpu.vector_store %arg22[%swap3A_854, %swap3A_855], %mul3A_853 {strides = array<i32>} : memref<128x128xf32, #tpu.memory_space<vmem>>, vector<16xf32>,
        %slice3A_857 = vector.extract_strided_slice %select_n3A_723 {offsets = [2], sizes = [1], strides = [1]} : vector<16xf32> to vector<1xf32>
        %squeeze3A_858 = vector.extract %slice3A_857[0] : f32 from vector<1xf32>
        %add3A_859 = arith.constant 2 : i32
        %add3A_860 = arith.addi %mul3A_694, %add3A_859 : i32
        %get3A_861 = arith.index_cast %add3A_860 : i32 to index
        %get3A_862 = arith.constant 0 : index
        %get3A_863 = tpu.vector_load %arg22[%get3A_861, %get3A_862] {strides = array<i32>} : memref<128x128xf32, #tpu.memory_space<vmem>>, vector<16xf32>,
        %mul3A_864 = vector.broadcast %squeeze3A_858 : f32 to vector<16xf32>
        %mul3A_865 = arith.mulf %get3A_863, %mul3A_864 : vector<16xf32>
        %swap3A_866 = arith.index_cast %add3A_860 : i32 to index
        %swap3A_867 = arith.constant 0 : index
        %swap3A_868 = tpu.vector_load %arg22[%swap3A_866, %swap3A_867] {strides = array<i32>} : memref<128x128xf32, #tpu.memory_space<vmem>>, vector<16xf32>,
        tpu.vector_store %arg22[%swap3A_866, %swap3A_867], %mul3A_865 {strides = array<i32>} : memref<128x128xf32, #tpu.memory_space<vmem>>, vector<16xf32>,
        %get3A_869 = arith.index_cast %add3A_860 : i32 to index
        %get3A_870 = arith.constant 16 : index
        %get3A_871 = tpu.vector_load %arg22[%get3A_869, %get3A_870] {strides = array<i32>} : memref<128x128xf32, #tpu.memory_space<vmem>>, vector<16xf32>,
        %mul3A_872 = vector.broadcast %squeeze3A_858 : f32 to vector<16xf32>
        %mul3A_873 = arith.mulf %get3A_871, %mul3A_872 : vector<16xf32>
        %swap3A_874 = arith.index_cast %add3A_860 : i32 to index
        %swap3A_875 = arith.constant 16 : index
        %swap3A_876 = tpu.vector_load %arg22[%swap3A_874, %swap3A_875] {strides = array<i32>} : memref<128x128xf32, #tpu.memory_space<vmem>>, vector<16xf32>,
        tpu.vector_store %arg22[%swap3A_874, %swap3A_875], %mul3A_873 {strides = array<i32>} : memref<128x128xf32, #tpu.memory_space<vmem>>, vector<16xf32>,
        %get3A_877 = arith.index_cast %add3A_860 : i32 to index
        %get3A_878 = arith.constant 32 : index
        %get3A_879 = tpu.vector_load %arg22[%get3A_877, %get3A_878] {strides = array<i32>} : memref<128x128xf32, #tpu.memory_space<vmem>>, vector<16xf32>,
        %mul3A_880 = vector.broadcast %squeeze3A_858 : f32 to vector<16xf32>
        %mul3A_881 = arith.mulf %get3A_879, %mul3A_880 : vector<16xf32>
        %swap3A_882 = arith.index_cast %add3A_860 : i32 to index
        %swap3A_883 = arith.constant 32 : index
        %swap3A_884 = tpu.vector_load %arg22[%swap3A_882, %swap3A_883] {strides = array<i32>} : memref<128x128xf32, #tpu.memory_space<vmem>>, vector<16xf32>,
        tpu.vector_store %arg22[%swap3A_882, %swap3A_883], %mul3A_881 {strides = array<i32>} : memref<128x128xf32, #tpu.memory_space<vmem>>, vector<16xf32>,
        %get3A_885 = arith.index_cast %add3A_860 : i32 to index
        %get3A_886 = arith.constant 48 : index
        %get3A_887 = tpu.vector_load %arg22[%get3A_885, %get3A_886] {strides = array<i32>} : memref<128x128xf32, #tpu.memory_space<vmem>>, vector<16xf32>,
        %mul3A_888 = vector.broadcast %squeeze3A_858 : f32 to vector<16xf32>
        %mul3A_889 = arith.mulf %get3A_887, %mul3A_888 : vector<16xf32>
        %swap3A_890 = arith.index_cast %add3A_860 : i32 to index
        %swap3A_891 = arith.constant 48 : index
        %swap3A_892 = tpu.vector_load %arg22[%swap3A_890, %swap3A_891] {strides = array<i32>} : memref<128x128xf32, #tpu.memory_space<vmem>>, vector<16xf32>,
        tpu.vector_store %arg22[%swap3A_890, %swap3A_891], %mul3A_889 {strides = array<i32>} : memref<128x128xf32, #tpu.memory_space<vmem>>, vector<16xf32>,
        %get3A_893 = arith.index_cast %add3A_860 : i32 to index
        %get3A_894 = arith.constant 64 : index
        %get3A_895 = tpu.vector_load %arg22[%get3A_893, %get3A_894] {strides = array<i32>} : memref<128x128xf32, #tpu.memory_space<vmem>>, vector<16xf32>,
        %mul3A_896 = vector.broadcast %squeeze3A_858 : f32 to vector<16xf32>
        %mul3A_897 = arith.mulf %get3A_895, %mul3A_896 : vector<16xf32>
        %swap3A_898 = arith.index_cast %add3A_860 : i32 to index
        %swap3A_899 = arith.constant 64 : index
        %swap3A_900 = tpu.vector_load %arg22[%swap3A_898, %swap3A_899] {strides = array<i32>} : memref<128x128xf32, #tpu.memory_space<vmem>>, vector<16xf32>,
        tpu.vector_store %arg22[%swap3A_898, %swap3A_899], %mul3A_897 {strides = array<i32>} : memref<128x128xf32, #tpu.memory_space<vmem>>, vector<16xf32>,
        %get3A_901 = arith.index_cast %add3A_860 : i32 to index
        %get3A_902 = arith.constant 80 : index
        %get3A_903 = tpu.vector_load %arg22[%get3A_901, %get3A_902] {strides = array<i32>} : memref<128x128xf32, #tpu.memory_space<vmem>>, vector<16xf32>,
        %mul3A_904 = vector.broadcast %squeeze3A_858 : f32 to vector<16xf32>
        %mul3A_905 = arith.mulf %get3A_903, %mul3A_904 : vector<16xf32>
        %swap3A_906 = arith.index_cast %add3A_860 : i32 to index
        %swap3A_907 = arith.constant 80 : index
        %swap3A_908 = tpu.vector_load %arg22[%swap3A_906, %swap3A_907] {strides = array<i32>} : memref<128x128xf32, #tpu.memory_space<vmem>>, vector<16xf32>,
        tpu.vector_store %arg22[%swap3A_906, %swap3A_907], %mul3A_905 {strides = array<i32>} : memref<128x128xf32, #tpu.memory_space<vmem>>, vector<16xf32>,
        %get3A_909 = arith.index_cast %add3A_860 : i32 to index
        %get3A_910 = arith.constant 96 : index
        %get3A_911 = tpu.vector_load %arg22[%get3A_909, %get3A_910] {strides = array<i32>} : memref<128x128xf32, #tpu.memory_space<vmem>>, vector<16xf32>,
        %mul3A_912 = vector.broadcast %squeeze3A_858 : f32 to vector<16xf32>
        %mul3A_913 = arith.mulf %get3A_911, %mul3A_912 : vector<16xf32>
        %swap3A_914 = arith.index_cast %add3A_860 : i32 to index
        %swap3A_915 = arith.constant 96 : index
        %swap3A_916 = tpu.vector_load %arg22[%swap3A_914, %swap3A_915] {strides = array<i32>} : memref<128x128xf32, #tpu.memory_space<vmem>>, vector<16xf32>,
        tpu.vector_store %arg22[%swap3A_914, %swap3A_915], %mul3A_913 {strides = array<i32>} : memref<128x128xf32, #tpu.memory_space<vmem>>, vector<16xf32>,
        %get3A_917 = arith.index_cast %add3A_860 : i32 to index
        %get3A_918 = arith.constant 112 : index
        %get3A_919 = tpu.vector_load %arg22[%get3A_917, %get3A_918] {strides = array<i32>} : memref<128x128xf32, #tpu.memory_space<vmem>>, vector<16xf32>,
        %mul3A_920 = vector.broadcast %squeeze3A_858 : f32 to vector<16xf32>
        %mul3A_921 = arith.mulf %get3A_919, %mul3A_920 : vector<16xf32>
        %swap3A_922 = arith.index_cast %add3A_860 : i32 to index
        %swap3A_923 = arith.constant 112 : index
        %swap3A_924 = tpu.vector_load %arg22[%swap3A_922, %swap3A_923] {strides = array<i32>} : memref<128x128xf32, #tpu.memory_space<vmem>>, vector<16xf32>,
        tpu.vector_store %arg22[%swap3A_922, %swap3A_923], %mul3A_921 {strides = array<i32>} : memref<128x128xf32, #tpu.memory_space<vmem>>, vector<16xf32>,
        %slice3A_925 = vector.extract_strided_slice %select_n3A_723 {offsets = [3], sizes = [1], strides = [1]} : vector<16xf32> to vector<1xf32>
        %squeeze3A_926 = vector.extract %slice3A_925[0] : f32 from vector<1xf32>
        %add3A_927 = arith.constant 3 : i32
        %add3A_928 = arith.addi %mul3A_694, %add3A_927 : i32
        %get3A_929 = arith.index_cast %add3A_928 : i32 to index
        %get3A_930 = arith.constant 0 : index
        %get3A_931 = tpu.vector_load %arg22[%get3A_929, %get3A_930] {strides = array<i32>} : memref<128x128xf32, #tpu.memory_space<vmem>>, vector<16xf32>,
        %mul3A_932 = vector.broadcast %squeeze3A_926 : f32 to vector<16xf32>
        %mul3A_933 = arith.mulf %get3A_931, %mul3A_932 : vector<16xf32>
        %swap3A_934 = arith.index_cast %add3A_928 : i32 to index
        %swap3A_935 = arith.constant 0 : index
        %swap3A_936 = tpu.vector_load %arg22[%swap3A_934, %swap3A_935] {strides = array<i32>} : memref<128x128xf32, #tpu.memory_space<vmem>>, vector<16xf32>,
        tpu.vector_store %arg22[%swap3A_934, %swap3A_935], %mul3A_933 {strides = array<i32>} : memref<128x128xf32, #tpu.memory_space<vmem>>, vector<16xf32>,
        %get3A_937 = arith.index_cast %add3A_928 : i32 to index
        %get3A_938 = arith.constant 16 : index
        %get3A_939 = tpu.vector_load %arg22[%get3A_937, %get3A_938] {strides = array<i32>} : memref<128x128xf32, #tpu.memory_space<vmem>>, vector<16xf32>,
        %mul3A_940 = vector.broadcast %squeeze3A_926 : f32 to vector<16xf32>
        %mul3A_941 = arith.mulf %get3A_939, %mul3A_940 : vector<16xf32>
        %swap3A_942 = arith.index_cast %add3A_928 : i32 to index
        %swap3A_943 = arith.constant 16 : index
        %swap3A_944 = tpu.vector_load %arg22[%swap3A_942, %swap3A_943] {strides = array<i32>} : memref<128x128xf32, #tpu.memory_space<vmem>>, vector<16xf32>,
        tpu.vector_store %arg22[%swap3A_942, %swap3A_943], %mul3A_941 {strides = array<i32>} : memref<128x128xf32, #tpu.memory_space<vmem>>, vector<16xf32>,
        %get3A_945 = arith.index_cast %add3A_928 : i32 to index
        %get3A_946 = arith.constant 32 : index
        %get3A_947 = tpu.vector_load %arg22[%get3A_945, %get3A_946] {strides = array<i32>} : memref<128x128xf32, #tpu.memory_space<vmem>>, vector<16xf32>,
        %mul3A_948 = vector.broadcast %squeeze3A_926 : f32 to vector<16xf32>
        %mul3A_949 = arith.mulf %get3A_947, %mul3A_948 : vector<16xf32>
        %swap3A_950 = arith.index_cast %add3A_928 : i32 to index
        %swap3A_951 = arith.constant 32 : index
        %swap3A_952 = tpu.vector_load %arg22[%swap3A_950, %swap3A_951] {strides = array<i32>} : memref<128x128xf32, #tpu.memory_space<vmem>>, vector<16xf32>,
        tpu.vector_store %arg22[%swap3A_950, %swap3A_951], %mul3A_949 {strides = array<i32>} : memref<128x128xf32, #tpu.memory_space<vmem>>, vector<16xf32>,
        %get3A_953 = arith.index_cast %add3A_928 : i32 to index
        %get3A_954 = arith.constant 48 : index
        %get3A_955 = tpu.vector_load %arg22[%get3A_953, %get3A_954] {strides = array<i32>} : memref<128x128xf32, #tpu.memory_space<vmem>>, vector<16xf32>,
        %mul3A_956 = vector.broadcast %squeeze3A_926 : f32 to vector<16xf32>
        %mul3A_957 = arith.mulf %get3A_955, %mul3A_956 : vector<16xf32>
        %swap3A_958 = arith.index_cast %add3A_928 : i32 to index
        %swap3A_959 = arith.constant 48 : index
        %swap3A_960 = tpu.vector_load %arg22[%swap3A_958, %swap3A_959] {strides = array<i32>} : memref<128x128xf32, #tpu.memory_space<vmem>>, vector<16xf32>,
        tpu.vector_store %arg22[%swap3A_958, %swap3A_959], %mul3A_957 {strides = array<i32>} : memref<128x128xf32, #tpu.memory_space<vmem>>, vector<16xf32>,
        %get3A_961 = arith.index_cast %add3A_928 : i32 to index
        %get3A_962 = arith.constant 64 : index
        %get3A_963 = tpu.vector_load %arg22[%get3A_961, %get3A_962] {strides = array<i32>} : memref<128x128xf32, #tpu.memory_space<vmem>>, vector<16xf32>,
        %mul3A_964 = vector.broadcast %squeeze3A_926 : f32 to vector<16xf32>
        %mul3A_965 = arith.mulf %get3A_963, %mul3A_964 : vector<16xf32>
        %swap3A_966 = arith.index_cast %add3A_928 : i32 to index
        %swap3A_967 = arith.constant 64 : index
        %swap3A_968 = tpu.vector_load %arg22[%swap3A_966, %swap3A_967] {strides = array<i32>} : memref<128x128xf32, #tpu.memory_space<vmem>>, vector<16xf32>,
        tpu.vector_store %arg22[%swap3A_966, %swap3A_967], %mul3A_965 {strides = array<i32>} : memref<128x128xf32, #tpu.memory_space<vmem>>, vector<16xf32>,
        %get3A_969 = arith.index_cast %add3A_928 : i32 to index
        %get3A_970 = arith.constant 80 : index
        %get3A_971 = tpu.vector_load %arg22[%get3A_969, %get3A_970] {strides = array<i32>} : memref<128x128xf32, #tpu.memory_space<vmem>>, vector<16xf32>,
        %mul3A_972 = vector.broadcast %squeeze3A_926 : f32 to vector<16xf32>
        %mul3A_973 = arith.mulf %get3A_971, %mul3A_972 : vector<16xf32>
        %swap3A_974 = arith.index_cast %add3A_928 : i32 to index
        %swap3A_975 = arith.constant 80 : index
        %swap3A_976 = tpu.vector_load %arg22[%swap3A_974, %swap3A_975] {strides = array<i32>} : memref<128x128xf32, #tpu.memory_space<vmem>>, vector<16xf32>,
        tpu.vector_store %arg22[%swap3A_974, %swap3A_975], %mul3A_973 {strides = array<i32>} : memref<128x128xf32, #tpu.memory_space<vmem>>, vector<16xf32>,
        %get3A_977 = arith.index_cast %add3A_928 : i32 to index
        %get3A_978 = arith.constant 96 : index
        %get3A_979 = tpu.vector_load %arg22[%get3A_977, %get3A_978] {strides = array<i32>} : memref<128x128xf32, #tpu.memory_space<vmem>>, vector<16xf32>,
        %mul3A_980 = vector.broadcast %squeeze3A_926 : f32 to vector<16xf32>
        %mul3A_981 = arith.mulf %get3A_979, %mul3A_980 : vector<16xf32>
        %swap3A_982 = arith.index_cast %add3A_928 : i32 to index
        %swap3A_983 = arith.constant 96 : index
        %swap3A_984 = tpu.vector_load %arg22[%swap3A_982, %swap3A_983] {strides = array<i32>} : memref<128x128xf32, #tpu.memory_space<vmem>>, vector<16xf32>,
        tpu.vector_store %arg22[%swap3A_982, %swap3A_983], %mul3A_981 {strides = array<i32>} : memref<128x128xf32, #tpu.memory_space<vmem>>, vector<16xf32>,
        %get3A_985 = arith.index_cast %add3A_928 : i32 to index
        %get3A_986 = arith.constant 112 : index
        %get3A_987 = tpu.vector_load %arg22[%get3A_985, %get3A_986] {strides = array<i32>} : memref<128x128xf32, #tpu.memory_space<vmem>>, vector<16xf32>,
        %mul3A_988 = vector.broadcast %squeeze3A_926 : f32 to vector<16xf32>
        %mul3A_989 = arith.mulf %get3A_987, %mul3A_988 : vector<16xf32>
        %swap3A_990 = arith.index_cast %add3A_928 : i32 to index
        %swap3A_991 = arith.constant 112 : index
        %swap3A_992 = tpu.vector_load %arg22[%swap3A_990, %swap3A_991] {strides = array<i32>} : memref<128x128xf32, #tpu.memory_space<vmem>>, vector<16xf32>,
        tpu.vector_store %arg22[%swap3A_990, %swap3A_991], %mul3A_989 {strides = array<i32>} : memref<128x128xf32, #tpu.memory_space<vmem>>, vector<16xf32>,
        %slice3A_993 = vector.extract_strided_slice %select_n3A_723 {offsets = [4], sizes = [1], strides = [1]} : vector<16xf32> to vector<1xf32>
        %squeeze3A_994 = vector.extract %slice3A_993[0] : f32 from vector<1xf32>
        %add3A_995 = arith.constant 4 : i32
        %add3A_996 = arith.addi %mul3A_694, %add3A_995 : i32
        %get3A_997 = arith.index_cast %add3A_996 : i32 to index
        %get3A_998 = arith.constant 0 : index
        %get3A_999 = tpu.vector_load %arg22[%get3A_997, %get3A_998] {strides = array<i32>} : memref<128x128xf32, #tpu.memory_space<vmem>>, vector<16xf32>,
        %mul3A_1000 = vector.broadcast %squeeze3A_994 : f32 to vector<16xf32>
        %mul3A_1001 = arith.mulf %get3A_999, %mul3A_1000 : vector<16xf32>
        %swap3A_1002 = arith.index_cast %add3A_996 : i32 to index
        %swap3A_1003 = arith.constant 0 : index
        %swap3A_1004 = tpu.vector_load %arg22[%swap3A_1002, %swap3A_1003] {strides = array<i32>} : memref<128x128xf32, #tpu.memory_space<vmem>>, vector<16xf32>,
        tpu.vector_store %arg22[%swap3A_1002, %swap3A_1003], %mul3A_1001 {strides = array<i32>} : memref<128x128xf32, #tpu.memory_space<vmem>>, vector<16xf32>,
        %get3A_1005 = arith.index_cast %add3A_996 : i32 to index
        %get3A_1006 = arith.constant 16 : index
        %get3A_1007 = tpu.vector_load %arg22[%get3A_1005, %get3A_1006] {strides = array<i32>} : memref<128x128xf32, #tpu.memory_space<vmem>>, vector<16xf32>,
        %mul3A_1008 = vector.broadcast %squeeze3A_994 : f32 to vector<16xf32>
        %mul3A_1009 = arith.mulf %get3A_1007, %mul3A_1008 : vector<16xf32>
        %swap3A_1010 = arith.index_cast %add3A_996 : i32 to index
        %swap3A_1011 = arith.constant 16 : index
        %swap3A_1012 = tpu.vector_load %arg22[%swap3A_1010, %swap3A_1011] {strides = array<i32>} : memref<128x128xf32, #tpu.memory_space<vmem>>, vector<16xf32>,
        tpu.vector_store %arg22[%swap3A_1010, %swap3A_1011], %mul3A_1009 {strides = array<i32>} : memref<128x128xf32, #tpu.memory_space<vmem>>, vector<16xf32>,
        %get3A_1013 = arith.index_cast %add3A_996 : i32 to index
        %get3A_1014 = arith.constant 32 : index
        %get3A_1015 = tpu.vector_load %arg22[%get3A_1013, %get3A_1014] {strides = array<i32>} : memref<128x128xf32, #tpu.memory_space<vmem>>, vector<16xf32>,
        %mul3A_1016 = vector.broadcast %squeeze3A_994 : f32 to vector<16xf32>
        %mul3A_1017 = arith.mulf %get3A_1015, %mul3A_1016 : vector<16xf32>
        %swap3A_1018 = arith.index_cast %add3A_996 : i32 to index
        %swap3A_1019 = arith.constant 32 : index
        %swap3A_1020 = tpu.vector_load %arg22[%swap3A_1018, %swap3A_1019] {strides = array<i32>} : memref<128x128xf32, #tpu.memory_space<vmem>>, vector<16xf32>,
        tpu.vector_store %arg22[%swap3A_1018, %swap3A_1019], %mul3A_1017 {strides = array<i32>} : memref<128x128xf32, #tpu.memory_space<vmem>>, vector<16xf32>,
        %get3A_1021 = arith.index_cast %add3A_996 : i32 to index
        %get3A_1022 = arith.constant 48 : index
        %get3A_1023 = tpu.vector_load %arg22[%get3A_1021, %get3A_1022] {strides = array<i32>} : memref<128x128xf32, #tpu.memory_space<vmem>>, vector<16xf32>,
        %mul3A_1024 = vector.broadcast %squeeze3A_994 : f32 to vector<16xf32>
        %mul3A_1025 = arith.mulf %get3A_1023, %mul3A_1024 : vector<16xf32>
        %swap3A_1026 = arith.index_cast %add3A_996 : i32 to index
        %swap3A_1027 = arith.constant 48 : index
        %swap3A_1028 = tpu.vector_load %arg22[%swap3A_1026, %swap3A_1027] {strides = array<i32>} : memref<128x128xf32, #tpu.memory_space<vmem>>, vector<16xf32>,
        tpu.vector_store %arg22[%swap3A_1026, %swap3A_1027], %mul3A_1025 {strides = array<i32>} : memref<128x128xf32, #tpu.memory_space<vmem>>, vector<16xf32>,
        %get3A_1029 = arith.index_cast %add3A_996 : i32 to index
        %get3A_1030 = arith.constant 64 : index
        %get3A_1031 = tpu.vector_load %arg22[%get3A_1029, %get3A_1030] {strides = array<i32>} : memref<128x128xf32, #tpu.memory_space<vmem>>, vector<16xf32>,
        %mul3A_1032 = vector.broadcast %squeeze3A_994 : f32 to vector<16xf32>
        %mul3A_1033 = arith.mulf %get3A_1031, %mul3A_1032 : vector<16xf32>
        %swap3A_1034 = arith.index_cast %add3A_996 : i32 to index
        %swap3A_1035 = arith.constant 64 : index
        %swap3A_1036 = tpu.vector_load %arg22[%swap3A_1034, %swap3A_1035] {strides = array<i32>} : memref<128x128xf32, #tpu.memory_space<vmem>>, vector<16xf32>,
        tpu.vector_store %arg22[%swap3A_1034, %swap3A_1035], %mul3A_1033 {strides = array<i32>} : memref<128x128xf32, #tpu.memory_space<vmem>>, vector<16xf32>,
        %get3A_1037 = arith.index_cast %add3A_996 : i32 to index
        %get3A_1038 = arith.constant 80 : index
        %get3A_1039 = tpu.vector_load %arg22[%get3A_1037, %get3A_1038] {strides = array<i32>} : memref<128x128xf32, #tpu.memory_space<vmem>>, vector<16xf32>,
        %mul3A_1040 = vector.broadcast %squeeze3A_994 : f32 to vector<16xf32>
        %mul3A_1041 = arith.mulf %get3A_1039, %mul3A_1040 : vector<16xf32>
        %swap3A_1042 = arith.index_cast %add3A_996 : i32 to index
        %swap3A_1043 = arith.constant 80 : index
        %swap3A_1044 = tpu.vector_load %arg22[%swap3A_1042, %swap3A_1043] {strides = array<i32>} : memref<128x128xf32, #tpu.memory_space<vmem>>, vector<16xf32>,
        tpu.vector_store %arg22[%swap3A_1042, %swap3A_1043], %mul3A_1041 {strides = array<i32>} : memref<128x128xf32, #tpu.memory_space<vmem>>, vector<16xf32>,
        %get3A_1045 = arith.index_cast %add3A_996 : i32 to index
        %get3A_1046 = arith.constant 96 : index
        %get3A_1047 = tpu.vector_load %arg22[%get3A_1045, %get3A_1046] {strides = array<i32>} : memref<128x128xf32, #tpu.memory_space<vmem>>, vector<16xf32>,
        %mul3A_1048 = vector.broadcast %squeeze3A_994 : f32 to vector<16xf32>
        %mul3A_1049 = arith.mulf %get3A_1047, %mul3A_1048 : vector<16xf32>
        %swap3A_1050 = arith.index_cast %add3A_996 : i32 to index
        %swap3A_1051 = arith.constant 96 : index
        %swap3A_1052 = tpu.vector_load %arg22[%swap3A_1050, %swap3A_1051] {strides = array<i32>} : memref<128x128xf32, #tpu.memory_space<vmem>>, vector<16xf32>,
        tpu.vector_store %arg22[%swap3A_1050, %swap3A_1051], %mul3A_1049 {strides = array<i32>} : memref<128x128xf32, #tpu.memory_space<vmem>>, vector<16xf32>,
        %get3A_1053 = arith.index_cast %add3A_996 : i32 to index
        %get3A_1054 = arith.constant 112 : index
        %get3A_1055 = tpu.vector_load %arg22[%get3A_1053, %get3A_1054] {strides = array<i32>} : memref<128x128xf32, #tpu.memory_space<vmem>>, vector<16xf32>,
        %mul3A_1056 = vector.broadcast %squeeze3A_994 : f32 to vector<16xf32>
        %mul3A_1057 = arith.mulf %get3A_1055, %mul3A_1056 : vector<16xf32>
        %swap3A_1058 = arith.index_cast %add3A_996 : i32 to index
        %swap3A_1059 = arith.constant 112 : index
        %swap3A_1060 = tpu.vector_load %arg22[%swap3A_1058, %swap3A_1059] {strides = array<i32>} : memref<128x128xf32, #tpu.memory_space<vmem>>, vector<16xf32>,
        tpu.vector_store %arg22[%swap3A_1058, %swap3A_1059], %mul3A_1057 {strides = array<i32>} : memref<128x128xf32, #tpu.memory_space<vmem>>, vector<16xf32>,
        %slice3A_1061 = vector.extract_strided_slice %select_n3A_723 {offsets = [5], sizes = [1], strides = [1]} : vector<16xf32> to vector<1xf32>
        %squeeze3A_1062 = vector.extract %slice3A_1061[0] : f32 from vector<1xf32>
        %add3A_1063 = arith.constant 5 : i32
        %add3A_1064 = arith.addi %mul3A_694, %add3A_1063 : i32
        %get3A_1065 = arith.index_cast %add3A_1064 : i32 to index
        %get3A_1066 = arith.constant 0 : index
        %get3A_1067 = tpu.vector_load %arg22[%get3A_1065, %get3A_1066] {strides = array<i32>} : memref<128x128xf32, #tpu.memory_space<vmem>>, vector<16xf32>,
        %mul3A_1068 = vector.broadcast %squeeze3A_1062 : f32 to vector<16xf32>
        %mul3A_1069 = arith.mulf %get3A_1067, %mul3A_1068 : vector<16xf32>
        %swap3A_1070 = arith.index_cast %add3A_1064 : i32 to index
        %swap3A_1071 = arith.constant 0 : index
        %swap3A_1072 = tpu.vector_load %arg22[%swap3A_1070, %swap3A_1071] {strides = array<i32>} : memref<128x128xf32, #tpu.memory_space<vmem>>, vector<16xf32>,
        tpu.vector_store %arg22[%swap3A_1070, %swap3A_1071], %mul3A_1069 {strides = array<i32>} : memref<128x128xf32, #tpu.memory_space<vmem>>, vector<16xf32>,
        %get3A_1073 = arith.index_cast %add3A_1064 : i32 to index
        %get3A_1074 = arith.constant 16 : index
        %get3A_1075 = tpu.vector_load %arg22[%get3A_1073, %get3A_1074] {strides = array<i32>} : memref<128x128xf32, #tpu.memory_space<vmem>>, vector<16xf32>,
        %mul3A_1076 = vector.broadcast %squeeze3A_1062 : f32 to vector<16xf32>
        %mul3A_1077 = arith.mulf %get3A_1075, %mul3A_1076 : vector<16xf32>
        %swap3A_1078 = arith.index_cast %add3A_1064 : i32 to index
        %swap3A_1079 = arith.constant 16 : index
        %swap3A_1080 = tpu.vector_load %arg22[%swap3A_1078, %swap3A_1079] {strides = array<i32>} : memref<128x128xf32, #tpu.memory_space<vmem>>, vector<16xf32>,
        tpu.vector_store %arg22[%swap3A_1078, %swap3A_1079], %mul3A_1077 {strides = array<i32>} : memref<128x128xf32, #tpu.memory_space<vmem>>, vector<16xf32>,
        %get3A_1081 = arith.index_cast %add3A_1064 : i32 to index
        %get3A_1082 = arith.constant 32 : index
        %get3A_1083 = tpu.vector_load %arg22[%get3A_1081, %get3A_1082] {strides = array<i32>} : memref<128x128xf32, #tpu.memory_space<vmem>>, vector<16xf32>,
        %mul3A_1084 = vector.broadcast %squeeze3A_1062 : f32 to vector<16xf32>
        %mul3A_1085 = arith.mulf %get3A_1083, %mul3A_1084 : vector<16xf32>
        %swap3A_1086 = arith.index_cast %add3A_1064 : i32 to index
        %swap3A_1087 = arith.constant 32 : index
        %swap3A_1088 = tpu.vector_load %arg22[%swap3A_1086, %swap3A_1087] {strides = array<i32>} : memref<128x128xf32, #tpu.memory_space<vmem>>, vector<16xf32>,
        tpu.vector_store %arg22[%swap3A_1086, %swap3A_1087], %mul3A_1085 {strides = array<i32>} : memref<128x128xf32, #tpu.memory_space<vmem>>, vector<16xf32>,
        %get3A_1089 = arith.index_cast %add3A_1064 : i32 to index
        %get3A_1090 = arith.constant 48 : index
        %get3A_1091 = tpu.vector_load %arg22[%get3A_1089, %get3A_1090] {strides = array<i32>} : memref<128x128xf32, #tpu.memory_space<vmem>>, vector<16xf32>,
        %mul3A_1092 = vector.broadcast %squeeze3A_1062 : f32 to vector<16xf32>
        %mul3A_1093 = arith.mulf %get3A_1091, %mul3A_1092 : vector<16xf32>
        %swap3A_1094 = arith.index_cast %add3A_1064 : i32 to index
        %swap3A_1095 = arith.constant 48 : index
        %swap3A_1096 = tpu.vector_load %arg22[%swap3A_1094, %swap3A_1095] {strides = array<i32>} : memref<128x128xf32, #tpu.memory_space<vmem>>, vector<16xf32>,
        tpu.vector_store %arg22[%swap3A_1094, %swap3A_1095], %mul3A_1093 {strides = array<i32>} : memref<128x128xf32, #tpu.memory_space<vmem>>, vector<16xf32>,
        %get3A_1097 = arith.index_cast %add3A_1064 : i32 to index
        %get3A_1098 = arith.constant 64 : index
        %get3A_1099 = tpu.vector_load %arg22[%get3A_1097, %get3A_1098] {strides = array<i32>} : memref<128x128xf32, #tpu.memory_space<vmem>>, vector<16xf32>,
        %mul3A_1100 = vector.broadcast %squeeze3A_1062 : f32 to vector<16xf32>
        %mul3A_1101 = arith.mulf %get3A_1099, %mul3A_1100 : vector<16xf32>
        %swap3A_1102 = arith.index_cast %add3A_1064 : i32 to index
        %swap3A_1103 = arith.constant 64 : index
        %swap3A_1104 = tpu.vector_load %arg22[%swap3A_1102, %swap3A_1103] {strides = array<i32>} : memref<128x128xf32, #tpu.memory_space<vmem>>, vector<16xf32>,
        tpu.vector_store %arg22[%swap3A_1102, %swap3A_1103], %mul3A_1101 {strides = array<i32>} : memref<128x128xf32, #tpu.memory_space<vmem>>, vector<16xf32>,
        %get3A_1105 = arith.index_cast %add3A_1064 : i32 to index
        %get3A_1106 = arith.constant 80 : index
        %get3A_1107 = tpu.vector_load %arg22[%get3A_1105, %get3A_1106] {strides = array<i32>} : memref<128x128xf32, #tpu.memory_space<vmem>>, vector<16xf32>,
        %mul3A_1108 = vector.broadcast %squeeze3A_1062 : f32 to vector<16xf32>
        %mul3A_1109 = arith.mulf %get3A_1107, %mul3A_1108 : vector<16xf32>
        %swap3A_1110 = arith.index_cast %add3A_1064 : i32 to index
        %swap3A_1111 = arith.constant 80 : index
        %swap3A_1112 = tpu.vector_load %arg22[%swap3A_1110, %swap3A_1111] {strides = array<i32>} : memref<128x128xf32, #tpu.memory_space<vmem>>, vector<16xf32>,
        tpu.vector_store %arg22[%swap3A_1110, %swap3A_1111], %mul3A_1109 {strides = array<i32>} : memref<128x128xf32, #tpu.memory_space<vmem>>, vector<16xf32>,
        %get3A_1113 = arith.index_cast %add3A_1064 : i32 to index
        %get3A_1114 = arith.constant 96 : index
        %get3A_1115 = tpu.vector_load %arg22[%get3A_1113, %get3A_1114] {strides = array<i32>} : memref<128x128xf32, #tpu.memory_space<vmem>>, vector<16xf32>,
        %mul3A_1116 = vector.broadcast %squeeze3A_1062 : f32 to vector<16xf32>
        %mul3A_1117 = arith.mulf %get3A_1115, %mul3A_1116 : vector<16xf32>
        %swap3A_1118 = arith.index_cast %add3A_1064 : i32 to index
        %swap3A_1119 = arith.constant 96 : index
        %swap3A_1120 = tpu.vector_load %arg22[%swap3A_1118, %swap3A_1119] {strides = array<i32>} : memref<128x128xf32, #tpu.memory_space<vmem>>, vector<16xf32>,
        tpu.vector_store %arg22[%swap3A_1118, %swap3A_1119], %mul3A_1117 {strides = array<i32>} : memref<128x128xf32, #tpu.memory_space<vmem>>, vector<16xf32>,
        %get3A_1121 = arith.index_cast %add3A_1064 : i32 to index
        %get3A_1122 = arith.constant 112 : index
        %get3A_1123 = tpu.vector_load %arg22[%get3A_1121, %get3A_1122] {strides = array<i32>} : memref<128x128xf32, #tpu.memory_space<vmem>>, vector<16xf32>,
        %mul3A_1124 = vector.broadcast %squeeze3A_1062 : f32 to vector<16xf32>
        %mul3A_1125 = arith.mulf %get3A_1123, %mul3A_1124 : vector<16xf32>
        %swap3A_1126 = arith.index_cast %add3A_1064 : i32 to index
        %swap3A_1127 = arith.constant 112 : index
        %swap3A_1128 = tpu.vector_load %arg22[%swap3A_1126, %swap3A_1127] {strides = array<i32>} : memref<128x128xf32, #tpu.memory_space<vmem>>, vector<16xf32>,
        tpu.vector_store %arg22[%swap3A_1126, %swap3A_1127], %mul3A_1125 {strides = array<i32>} : memref<128x128xf32, #tpu.memory_space<vmem>>, vector<16xf32>,
        %slice3A_1129 = vector.extract_strided_slice %select_n3A_723 {offsets = [6], sizes = [1], strides = [1]} : vector<16xf32> to vector<1xf32>
        %squeeze3A_1130 = vector.extract %slice3A_1129[0] : f32 from vector<1xf32>
        %add3A_1131 = arith.constant 6 : i32
        %add3A_1132 = arith.addi %mul3A_694, %add3A_1131 : i32
        %get3A_1133 = arith.index_cast %add3A_1132 : i32 to index
        %get3A_1134 = arith.constant 0 : index
        %get3A_1135 = tpu.vector_load %arg22[%get3A_1133, %get3A_1134] {strides = array<i32>} : memref<128x128xf32, #tpu.memory_space<vmem>>, vector<16xf32>,
        %mul3A_1136 = vector.broadcast %squeeze3A_1130 : f32 to vector<16xf32>
        %mul3A_1137 = arith.mulf %get3A_1135, %mul3A_1136 : vector<16xf32>
        %swap3A_1138 = arith.index_cast %add3A_1132 : i32 to index
        %swap3A_1139 = arith.constant 0 : index
        %swap3A_1140 = tpu.vector_load %arg22[%swap3A_1138, %swap3A_1139] {strides = array<i32>} : memref<128x128xf32, #tpu.memory_space<vmem>>, vector<16xf32>,
        tpu.vector_store %arg22[%swap3A_1138, %swap3A_1139], %mul3A_1137 {strides = array<i32>} : memref<128x128xf32, #tpu.memory_space<vmem>>, vector<16xf32>,
        %get3A_1141 = arith.index_cast %add3A_1132 : i32 to index
        %get3A_1142 = arith.constant 16 : index
        %get3A_1143 = tpu.vector_load %arg22[%get3A_1141, %get3A_1142] {strides = array<i32>} : memref<128x128xf32, #tpu.memory_space<vmem>>, vector<16xf32>,
        %mul3A_1144 = vector.broadcast %squeeze3A_1130 : f32 to vector<16xf32>
        %mul3A_1145 = arith.mulf %get3A_1143, %mul3A_1144 : vector<16xf32>
        %swap3A_1146 = arith.index_cast %add3A_1132 : i32 to index
        %swap3A_1147 = arith.constant 16 : index
        %swap3A_1148 = tpu.vector_load %arg22[%swap3A_1146, %swap3A_1147] {strides = array<i32>} : memref<128x128xf32, #tpu.memory_space<vmem>>, vector<16xf32>,
        tpu.vector_store %arg22[%swap3A_1146, %swap3A_1147], %mul3A_1145 {strides = array<i32>} : memref<128x128xf32, #tpu.memory_space<vmem>>, vector<16xf32>,
        %get3A_1149 = arith.index_cast %add3A_1132 : i32 to index
        %get3A_1150 = arith.constant 32 : index
        %get3A_1151 = tpu.vector_load %arg22[%get3A_1149, %get3A_1150] {strides = array<i32>} : memref<128x128xf32, #tpu.memory_space<vmem>>, vector<16xf32>,
        %mul3A_1152 = vector.broadcast %squeeze3A_1130 : f32 to vector<16xf32>
        %mul3A_1153 = arith.mulf %get3A_1151, %mul3A_1152 : vector<16xf32>
        %swap3A_1154 = arith.index_cast %add3A_1132 : i32 to index
        %swap3A_1155 = arith.constant 32 : index
        %swap3A_1156 = tpu.vector_load %arg22[%swap3A_1154, %swap3A_1155] {strides = array<i32>} : memref<128x128xf32, #tpu.memory_space<vmem>>, vector<16xf32>,
        tpu.vector_store %arg22[%swap3A_1154, %swap3A_1155], %mul3A_1153 {strides = array<i32>} : memref<128x128xf32, #tpu.memory_space<vmem>>, vector<16xf32>,
        %get3A_1157 = arith.index_cast %add3A_1132 : i32 to index
        %get3A_1158 = arith.constant 48 : index
        %get3A_1159 = tpu.vector_load %arg22[%get3A_1157, %get3A_1158] {strides = array<i32>} : memref<128x128xf32, #tpu.memory_space<vmem>>, vector<16xf32>,
        %mul3A_1160 = vector.broadcast %squeeze3A_1130 : f32 to vector<16xf32>
        %mul3A_1161 = arith.mulf %get3A_1159, %mul3A_1160 : vector<16xf32>
        %swap3A_1162 = arith.index_cast %add3A_1132 : i32 to index
        %swap3A_1163 = arith.constant 48 : index
        %swap3A_1164 = tpu.vector_load %arg22[%swap3A_1162, %swap3A_1163] {strides = array<i32>} : memref<128x128xf32, #tpu.memory_space<vmem>>, vector<16xf32>,
        tpu.vector_store %arg22[%swap3A_1162, %swap3A_1163], %mul3A_1161 {strides = array<i32>} : memref<128x128xf32, #tpu.memory_space<vmem>>, vector<16xf32>,
        %get3A_1165 = arith.index_cast %add3A_1132 : i32 to index
        %get3A_1166 = arith.constant 64 : index
        %get3A_1167 = tpu.vector_load %arg22[%get3A_1165, %get3A_1166] {strides = array<i32>} : memref<128x128xf32, #tpu.memory_space<vmem>>, vector<16xf32>,
        %mul3A_1168 = vector.broadcast %squeeze3A_1130 : f32 to vector<16xf32>
        %mul3A_1169 = arith.mulf %get3A_1167, %mul3A_1168 : vector<16xf32>
        %swap3A_1170 = arith.index_cast %add3A_1132 : i32 to index
        %swap3A_1171 = arith.constant 64 : index
        %swap3A_1172 = tpu.vector_load %arg22[%swap3A_1170, %swap3A_1171] {strides = array<i32>} : memref<128x128xf32, #tpu.memory_space<vmem>>, vector<16xf32>,
        tpu.vector_store %arg22[%swap3A_1170, %swap3A_1171], %mul3A_1169 {strides = array<i32>} : memref<128x128xf32, #tpu.memory_space<vmem>>, vector<16xf32>,
        %get3A_1173 = arith.index_cast %add3A_1132 : i32 to index
        %get3A_1174 = arith.constant 80 : index
        %get3A_1175 = tpu.vector_load %arg22[%get3A_1173, %get3A_1174] {strides = array<i32>} : memref<128x128xf32, #tpu.memory_space<vmem>>, vector<16xf32>,
        %mul3A_1176 = vector.broadcast %squeeze3A_1130 : f32 to vector<16xf32>
        %mul3A_1177 = arith.mulf %get3A_1175, %mul3A_1176 : vector<16xf32>
        %swap3A_1178 = arith.index_cast %add3A_1132 : i32 to index
        %swap3A_1179 = arith.constant 80 : index
        %swap3A_1180 = tpu.vector_load %arg22[%swap3A_1178, %swap3A_1179] {strides = array<i32>} : memref<128x128xf32, #tpu.memory_space<vmem>>, vector<16xf32>,
        tpu.vector_store %arg22[%swap3A_1178, %swap3A_1179], %mul3A_1177 {strides = array<i32>} : memref<128x128xf32, #tpu.memory_space<vmem>>, vector<16xf32>,
        %get3A_1181 = arith.index_cast %add3A_1132 : i32 to index
        %get3A_1182 = arith.constant 96 : index
        %get3A_1183 = tpu.vector_load %arg22[%get3A_1181, %get3A_1182] {strides = array<i32>} : memref<128x128xf32, #tpu.memory_space<vmem>>, vector<16xf32>,
        %mul3A_1184 = vector.broadcast %squeeze3A_1130 : f32 to vector<16xf32>
        %mul3A_1185 = arith.mulf %get3A_1183, %mul3A_1184 : vector<16xf32>
        %swap3A_1186 = arith.index_cast %add3A_1132 : i32 to index
        %swap3A_1187 = arith.constant 96 : index
        %swap3A_1188 = tpu.vector_load %arg22[%swap3A_1186, %swap3A_1187] {strides = array<i32>} : memref<128x128xf32, #tpu.memory_space<vmem>>, vector<16xf32>,
        tpu.vector_store %arg22[%swap3A_1186, %swap3A_1187], %mul3A_1185 {strides = array<i32>} : memref<128x128xf32, #tpu.memory_space<vmem>>, vector<16xf32>,
        %get3A_1189 = arith.index_cast %add3A_1132 : i32 to index
        %get3A_1190 = arith.constant 112 : index
        %get3A_1191 = tpu.vector_load %arg22[%get3A_1189, %get3A_1190] {strides = array<i32>} : memref<128x128xf32, #tpu.memory_space<vmem>>, vector<16xf32>,
        %mul3A_1192 = vector.broadcast %squeeze3A_1130 : f32 to vector<16xf32>
        %mul3A_1193 = arith.mulf %get3A_1191, %mul3A_1192 : vector<16xf32>
        %swap3A_1194 = arith.index_cast %add3A_1132 : i32 to index
        %swap3A_1195 = arith.constant 112 : index
        %swap3A_1196 = tpu.vector_load %arg22[%swap3A_1194, %swap3A_1195] {strides = array<i32>} : memref<128x128xf32, #tpu.memory_space<vmem>>, vector<16xf32>,
        tpu.vector_store %arg22[%swap3A_1194, %swap3A_1195], %mul3A_1193 {strides = array<i32>} : memref<128x128xf32, #tpu.memory_space<vmem>>, vector<16xf32>,
        %slice3A_1197 = vector.extract_strided_slice %select_n3A_723 {offsets = [7], sizes = [1], strides = [1]} : vector<16xf32> to vector<1xf32>
        %squeeze3A_1198 = vector.extract %slice3A_1197[0] : f32 from vector<1xf32>
        %add3A_1199 = arith.constant 7 : i32
        %add3A_1200 = arith.addi %mul3A_694, %add3A_1199 : i32
        %get3A_1201 = arith.index_cast %add3A_1200 : i32 to index
        %get3A_1202 = arith.constant 0 : index
        %get3A_1203 = tpu.vector_load %arg22[%get3A_1201, %get3A_1202] {strides = array<i32>} : memref<128x128xf32, #tpu.memory_space<vmem>>, vector<16xf32>,
        %mul3A_1204 = vector.broadcast %squeeze3A_1198 : f32 to vector<16xf32>
        %mul3A_1205 = arith.mulf %get3A_1203, %mul3A_1204 : vector<16xf32>
        %swap3A_1206 = arith.index_cast %add3A_1200 : i32 to index
        %swap3A_1207 = arith.constant 0 : index
        %swap3A_1208 = tpu.vector_load %arg22[%swap3A_1206, %swap3A_1207] {strides = array<i32>} : memref<128x128xf32, #tpu.memory_space<vmem>>, vector<16xf32>,
        tpu.vector_store %arg22[%swap3A_1206, %swap3A_1207], %mul3A_1205 {strides = array<i32>} : memref<128x128xf32, #tpu.memory_space<vmem>>, vector<16xf32>,
        %get3A_1209 = arith.index_cast %add3A_1200 : i32 to index
        %get3A_1210 = arith.constant 16 : index
        %get3A_1211 = tpu.vector_load %arg22[%get3A_1209, %get3A_1210] {strides = array<i32>} : memref<128x128xf32, #tpu.memory_space<vmem>>, vector<16xf32>,
        %mul3A_1212 = vector.broadcast %squeeze3A_1198 : f32 to vector<16xf32>
        %mul3A_1213 = arith.mulf %get3A_1211, %mul3A_1212 : vector<16xf32>
        %swap3A_1214 = arith.index_cast %add3A_1200 : i32 to index
        %swap3A_1215 = arith.constant 16 : index
        %swap3A_1216 = tpu.vector_load %arg22[%swap3A_1214, %swap3A_1215] {strides = array<i32>} : memref<128x128xf32, #tpu.memory_space<vmem>>, vector<16xf32>,
        tpu.vector_store %arg22[%swap3A_1214, %swap3A_1215], %mul3A_1213 {strides = array<i32>} : memref<128x128xf32, #tpu.memory_space<vmem>>, vector<16xf32>,
        %get3A_1217 = arith.index_cast %add3A_1200 : i32 to index
        %get3A_1218 = arith.constant 32 : index
        %get3A_1219 = tpu.vector_load %arg22[%get3A_1217, %get3A_1218] {strides = array<i32>} : memref<128x128xf32, #tpu.memory_space<vmem>>, vector<16xf32>,
        %mul3A_1220 = vector.broadcast %squeeze3A_1198 : f32 to vector<16xf32>
        %mul3A_1221 = arith.mulf %get3A_1219, %mul3A_1220 : vector<16xf32>
        %swap3A_1222 = arith.index_cast %add3A_1200 : i32 to index
        %swap3A_1223 = arith.constant 32 : index
        %swap3A_1224 = tpu.vector_load %arg22[%swap3A_1222, %swap3A_1223] {strides = array<i32>} : memref<128x128xf32, #tpu.memory_space<vmem>>, vector<16xf32>,
        tpu.vector_store %arg22[%swap3A_1222, %swap3A_1223], %mul3A_1221 {strides = array<i32>} : memref<128x128xf32, #tpu.memory_space<vmem>>, vector<16xf32>,
        %get3A_1225 = arith.index_cast %add3A_1200 : i32 to index
        %get3A_1226 = arith.constant 48 : index
        %get3A_1227 = tpu.vector_load %arg22[%get3A_1225, %get3A_1226] {strides = array<i32>} : memref<128x128xf32, #tpu.memory_space<vmem>>, vector<16xf32>,
        %mul3A_1228 = vector.broadcast %squeeze3A_1198 : f32 to vector<16xf32>
        %mul3A_1229 = arith.mulf %get3A_1227, %mul3A_1228 : vector<16xf32>
        %swap3A_1230 = arith.index_cast %add3A_1200 : i32 to index
        %swap3A_1231 = arith.constant 48 : index
        %swap3A_1232 = tpu.vector_load %arg22[%swap3A_1230, %swap3A_1231] {strides = array<i32>} : memref<128x128xf32, #tpu.memory_space<vmem>>, vector<16xf32>,
        tpu.vector_store %arg22[%swap3A_1230, %swap3A_1231], %mul3A_1229 {strides = array<i32>} : memref<128x128xf32, #tpu.memory_space<vmem>>, vector<16xf32>,
        %get3A_1233 = arith.index_cast %add3A_1200 : i32 to index
        %get3A_1234 = arith.constant 64 : index
        %get3A_1235 = tpu.vector_load %arg22[%get3A_1233, %get3A_1234] {strides = array<i32>} : memref<128x128xf32, #tpu.memory_space<vmem>>, vector<16xf32>,
        %mul3A_1236 = vector.broadcast %squeeze3A_1198 : f32 to vector<16xf32>
        %mul3A_1237 = arith.mulf %get3A_1235, %mul3A_1236 : vector<16xf32>
        %swap3A_1238 = arith.index_cast %add3A_1200 : i32 to index
        %swap3A_1239 = arith.constant 64 : index
        %swap3A_1240 = tpu.vector_load %arg22[%swap3A_1238, %swap3A_1239] {strides = array<i32>} : memref<128x128xf32, #tpu.memory_space<vmem>>, vector<16xf32>,
        tpu.vector_store %arg22[%swap3A_1238, %swap3A_1239], %mul3A_1237 {strides = array<i32>} : memref<128x128xf32, #tpu.memory_space<vmem>>, vector<16xf32>,
        %get3A_1241 = arith.index_cast %add3A_1200 : i32 to index
        %get3A_1242 = arith.constant 80 : index
        %get3A_1243 = tpu.vector_load %arg22[%get3A_1241, %get3A_1242] {strides = array<i32>} : memref<128x128xf32, #tpu.memory_space<vmem>>, vector<16xf32>,
        %mul3A_1244 = vector.broadcast %squeeze3A_1198 : f32 to vector<16xf32>
        %mul3A_1245 = arith.mulf %get3A_1243, %mul3A_1244 : vector<16xf32>
        %swap3A_1246 = arith.index_cast %add3A_1200 : i32 to index
        %swap3A_1247 = arith.constant 80 : index
        %swap3A_1248 = tpu.vector_load %arg22[%swap3A_1246, %swap3A_1247] {strides = array<i32>} : memref<128x128xf32, #tpu.memory_space<vmem>>, vector<16xf32>,
        tpu.vector_store %arg22[%swap3A_1246, %swap3A_1247], %mul3A_1245 {strides = array<i32>} : memref<128x128xf32, #tpu.memory_space<vmem>>, vector<16xf32>,
        %get3A_1249 = arith.index_cast %add3A_1200 : i32 to index
        %get3A_1250 = arith.constant 96 : index
        %get3A_1251 = tpu.vector_load %arg22[%get3A_1249, %get3A_1250] {strides = array<i32>} : memref<128x128xf32, #tpu.memory_space<vmem>>, vector<16xf32>,
        %mul3A_1252 = vector.broadcast %squeeze3A_1198 : f32 to vector<16xf32>
        %mul3A_1253 = arith.mulf %get3A_1251, %mul3A_1252 : vector<16xf32>
        %swap3A_1254 = arith.index_cast %add3A_1200 : i32 to index
        %swap3A_1255 = arith.constant 96 : index
        %swap3A_1256 = tpu.vector_load %arg22[%swap3A_1254, %swap3A_1255] {strides = array<i32>} : memref<128x128xf32, #tpu.memory_space<vmem>>, vector<16xf32>,
        tpu.vector_store %arg22[%swap3A_1254, %swap3A_1255], %mul3A_1253 {strides = array<i32>} : memref<128x128xf32, #tpu.memory_space<vmem>>, vector<16xf32>,
        %get3A_1257 = arith.index_cast %add3A_1200 : i32 to index
        %get3A_1258 = arith.constant 112 : index
        %get3A_1259 = tpu.vector_load %arg22[%get3A_1257, %get3A_1258] {strides = array<i32>} : memref<128x128xf32, #tpu.memory_space<vmem>>, vector<16xf32>,
        %mul3A_1260 = vector.broadcast %squeeze3A_1198 : f32 to vector<16xf32>
        %mul3A_1261 = arith.mulf %get3A_1259, %mul3A_1260 : vector<16xf32>
        %swap3A_1262 = arith.index_cast %add3A_1200 : i32 to index
        %swap3A_1263 = arith.constant 112 : index
        %swap3A_1264 = tpu.vector_load %arg22[%swap3A_1262, %swap3A_1263] {strides = array<i32>} : memref<128x128xf32, #tpu.memory_space<vmem>>, vector<16xf32>,
        tpu.vector_store %arg22[%swap3A_1262, %swap3A_1263], %mul3A_1261 {strides = array<i32>} : memref<128x128xf32, #tpu.memory_space<vmem>>, vector<16xf32>,
        %slice3A_1265 = vector.extract_strided_slice %select_n3A_723 {offsets = [8], sizes = [1], strides = [1]} : vector<16xf32> to vector<1xf32>
        %squeeze3A_1266 = vector.extract %slice3A_1265[0] : f32 from vector<1xf32>
        %add3A_1267 = arith.constant 8 : i32
        %add3A_1268 = arith.addi %mul3A_694, %add3A_1267 : i32
        %get3A_1269 = arith.index_cast %add3A_1268 : i32 to index
        %get3A_1270 = arith.constant 0 : index
        %get3A_1271 = tpu.vector_load %arg22[%get3A_1269, %get3A_1270] {strides = array<i32>} : memref<128x128xf32, #tpu.memory_space<vmem>>, vector<16xf32>,
        %mul3A_1272 = vector.broadcast %squeeze3A_1266 : f32 to vector<16xf32>
        %mul3A_1273 = arith.mulf %get3A_1271, %mul3A_1272 : vector<16xf32>
        %swap3A_1274 = arith.index_cast %add3A_1268 : i32 to index
        %swap3A_1275 = arith.constant 0 : index
        %swap3A_1276 = tpu.vector_load %arg22[%swap3A_1274, %swap3A_1275] {strides = array<i32>} : memref<128x128xf32, #tpu.memory_space<vmem>>, vector<16xf32>,
        tpu.vector_store %arg22[%swap3A_1274, %swap3A_1275], %mul3A_1273 {strides = array<i32>} : memref<128x128xf32, #tpu.memory_space<vmem>>, vector<16xf32>,
        %get3A_1277 = arith.index_cast %add3A_1268 : i32 to index
        %get3A_1278 = arith.constant 16 : index
        %get3A_1279 = tpu.vector_load %arg22[%get3A_1277, %get3A_1278] {strides = array<i32>} : memref<128x128xf32, #tpu.memory_space<vmem>>, vector<16xf32>,
        %mul3A_1280 = vector.broadcast %squeeze3A_1266 : f32 to vector<16xf32>
        %mul3A_1281 = arith.mulf %get3A_1279, %mul3A_1280 : vector<16xf32>
        %swap3A_1282 = arith.index_cast %add3A_1268 : i32 to index
        %swap3A_1283 = arith.constant 16 : index
        %swap3A_1284 = tpu.vector_load %arg22[%swap3A_1282, %swap3A_1283] {strides = array<i32>} : memref<128x128xf32, #tpu.memory_space<vmem>>, vector<16xf32>,
        tpu.vector_store %arg22[%swap3A_1282, %swap3A_1283], %mul3A_1281 {strides = array<i32>} : memref<128x128xf32, #tpu.memory_space<vmem>>, vector<16xf32>,
        %get3A_1285 = arith.index_cast %add3A_1268 : i32 to index
        %get3A_1286 = arith.constant 32 : index
        %get3A_1287 = tpu.vector_load %arg22[%get3A_1285, %get3A_1286] {strides = array<i32>} : memref<128x128xf32, #tpu.memory_space<vmem>>, vector<16xf32>,
        %mul3A_1288 = vector.broadcast %squeeze3A_1266 : f32 to vector<16xf32>
        %mul3A_1289 = arith.mulf %get3A_1287, %mul3A_1288 : vector<16xf32>
        %swap3A_1290 = arith.index_cast %add3A_1268 : i32 to index
        %swap3A_1291 = arith.constant 32 : index
        %swap3A_1292 = tpu.vector_load %arg22[%swap3A_1290, %swap3A_1291] {strides = array<i32>} : memref<128x128xf32, #tpu.memory_space<vmem>>, vector<16xf32>,
        tpu.vector_store %arg22[%swap3A_1290, %swap3A_1291], %mul3A_1289 {strides = array<i32>} : memref<128x128xf32, #tpu.memory_space<vmem>>, vector<16xf32>,
        %get3A_1293 = arith.index_cast %add3A_1268 : i32 to index
        %get3A_1294 = arith.constant 48 : index
        %get3A_1295 = tpu.vector_load %arg22[%get3A_1293, %get3A_1294] {strides = array<i32>} : memref<128x128xf32, #tpu.memory_space<vmem>>, vector<16xf32>,
        %mul3A_1296 = vector.broadcast %squeeze3A_1266 : f32 to vector<16xf32>
        %mul3A_1297 = arith.mulf %get3A_1295, %mul3A_1296 : vector<16xf32>
        %swap3A_1298 = arith.index_cast %add3A_1268 : i32 to index
        %swap3A_1299 = arith.constant 48 : index
        %swap3A_1300 = tpu.vector_load %arg22[%swap3A_1298, %swap3A_1299] {strides = array<i32>} : memref<128x128xf32, #tpu.memory_space<vmem>>, vector<16xf32>,
        tpu.vector_store %arg22[%swap3A_1298, %swap3A_1299], %mul3A_1297 {strides = array<i32>} : memref<128x128xf32, #tpu.memory_space<vmem>>, vector<16xf32>,
        %get3A_1301 = arith.index_cast %add3A_1268 : i32 to index
        %get3A_1302 = arith.constant 64 : index
        %get3A_1303 = tpu.vector_load %arg22[%get3A_1301, %get3A_1302] {strides = array<i32>} : memref<128x128xf32, #tpu.memory_space<vmem>>, vector<16xf32>,
        %mul3A_1304 = vector.broadcast %squeeze3A_1266 : f32 to vector<16xf32>
        %mul3A_1305 = arith.mulf %get3A_1303, %mul3A_1304 : vector<16xf32>
        %swap3A_1306 = arith.index_cast %add3A_1268 : i32 to index
        %swap3A_1307 = arith.constant 64 : index
        %swap3A_1308 = tpu.vector_load %arg22[%swap3A_1306, %swap3A_1307] {strides = array<i32>} : memref<128x128xf32, #tpu.memory_space<vmem>>, vector<16xf32>,
        tpu.vector_store %arg22[%swap3A_1306, %swap3A_1307], %mul3A_1305 {strides = array<i32>} : memref<128x128xf32, #tpu.memory_space<vmem>>, vector<16xf32>,
        %get3A_1309 = arith.index_cast %add3A_1268 : i32 to index
        %get3A_1310 = arith.constant 80 : index
        %get3A_1311 = tpu.vector_load %arg22[%get3A_1309, %get3A_1310] {strides = array<i32>} : memref<128x128xf32, #tpu.memory_space<vmem>>, vector<16xf32>,
        %mul3A_1312 = vector.broadcast %squeeze3A_1266 : f32 to vector<16xf32>
        %mul3A_1313 = arith.mulf %get3A_1311, %mul3A_1312 : vector<16xf32>
        %swap3A_1314 = arith.index_cast %add3A_1268 : i32 to index
        %swap3A_1315 = arith.constant 80 : index
        %swap3A_1316 = tpu.vector_load %arg22[%swap3A_1314, %swap3A_1315] {strides = array<i32>} : memref<128x128xf32, #tpu.memory_space<vmem>>, vector<16xf32>,
        tpu.vector_store %arg22[%swap3A_1314, %swap3A_1315], %mul3A_1313 {strides = array<i32>} : memref<128x128xf32, #tpu.memory_space<vmem>>, vector<16xf32>,
        %get3A_1317 = arith.index_cast %add3A_1268 : i32 to index
        %get3A_1318 = arith.constant 96 : index
        %get3A_1319 = tpu.vector_load %arg22[%get3A_1317, %get3A_1318] {strides = array<i32>} : memref<128x128xf32, #tpu.memory_space<vmem>>, vector<16xf32>,
        %mul3A_1320 = vector.broadcast %squeeze3A_1266 : f32 to vector<16xf32>
        %mul3A_1321 = arith.mulf %get3A_1319, %mul3A_1320 : vector<16xf32>
        %swap3A_1322 = arith.index_cast %add3A_1268 : i32 to index
        %swap3A_1323 = arith.constant 96 : index
        %swap3A_1324 = tpu.vector_load %arg22[%swap3A_1322, %swap3A_1323] {strides = array<i32>} : memref<128x128xf32, #tpu.memory_space<vmem>>, vector<16xf32>,
        tpu.vector_store %arg22[%swap3A_1322, %swap3A_1323], %mul3A_1321 {strides = array<i32>} : memref<128x128xf32, #tpu.memory_space<vmem>>, vector<16xf32>,
        %get3A_1325 = arith.index_cast %add3A_1268 : i32 to index
        %get3A_1326 = arith.constant 112 : index
        %get3A_1327 = tpu.vector_load %arg22[%get3A_1325, %get3A_1326] {strides = array<i32>} : memref<128x128xf32, #tpu.memory_space<vmem>>, vector<16xf32>,
        %mul3A_1328 = vector.broadcast %squeeze3A_1266 : f32 to vector<16xf32>
        %mul3A_1329 = arith.mulf %get3A_1327, %mul3A_1328 : vector<16xf32>
        %swap3A_1330 = arith.index_cast %add3A_1268 : i32 to index
        %swap3A_1331 = arith.constant 112 : index
        %swap3A_1332 = tpu.vector_load %arg22[%swap3A_1330, %swap3A_1331] {strides = array<i32>} : memref<128x128xf32, #tpu.memory_space<vmem>>, vector<16xf32>,
        tpu.vector_store %arg22[%swap3A_1330, %swap3A_1331], %mul3A_1329 {strides = array<i32>} : memref<128x128xf32, #tpu.memory_space<vmem>>, vector<16xf32>,
        %slice3A_1333 = vector.extract_strided_slice %select_n3A_723 {offsets = [9], sizes = [1], strides = [1]} : vector<16xf32> to vector<1xf32>
        %squeeze3A_1334 = vector.extract %slice3A_1333[0] : f32 from vector<1xf32>
        %add3A_1335 = arith.constant 9 : i32
        %add3A_1336 = arith.addi %mul3A_694, %add3A_1335 : i32
        %get3A_1337 = arith.index_cast %add3A_1336 : i32 to index
        %get3A_1338 = arith.constant 0 : index
        %get3A_1339 = tpu.vector_load %arg22[%get3A_1337, %get3A_1338] {strides = array<i32>} : memref<128x128xf32, #tpu.memory_space<vmem>>, vector<16xf32>,
        %mul3A_1340 = vector.broadcast %squeeze3A_1334 : f32 to vector<16xf32>
        %mul3A_1341 = arith.mulf %get3A_1339, %mul3A_1340 : vector<16xf32>
        %swap3A_1342 = arith.index_cast %add3A_1336 : i32 to index
        %swap3A_1343 = arith.constant 0 : index
        %swap3A_1344 = tpu.vector_load %arg22[%swap3A_1342, %swap3A_1343] {strides = array<i32>} : memref<128x128xf32, #tpu.memory_space<vmem>>, vector<16xf32>,
        tpu.vector_store %arg22[%swap3A_1342, %swap3A_1343], %mul3A_1341 {strides = array<i32>} : memref<128x128xf32, #tpu.memory_space<vmem>>, vector<16xf32>,
        %get3A_1345 = arith.index_cast %add3A_1336 : i32 to index
        %get3A_1346 = arith.constant 16 : index
        %get3A_1347 = tpu.vector_load %arg22[%get3A_1345, %get3A_1346] {strides = array<i32>} : memref<128x128xf32, #tpu.memory_space<vmem>>, vector<16xf32>,
        %mul3A_1348 = vector.broadcast %squeeze3A_1334 : f32 to vector<16xf32>
        %mul3A_1349 = arith.mulf %get3A_1347, %mul3A_1348 : vector<16xf32>
        %swap3A_1350 = arith.index_cast %add3A_1336 : i32 to index
        %swap3A_1351 = arith.constant 16 : index
        %swap3A_1352 = tpu.vector_load %arg22[%swap3A_1350, %swap3A_1351] {strides = array<i32>} : memref<128x128xf32, #tpu.memory_space<vmem>>, vector<16xf32>,
        tpu.vector_store %arg22[%swap3A_1350, %swap3A_1351], %mul3A_1349 {strides = array<i32>} : memref<128x128xf32, #tpu.memory_space<vmem>>, vector<16xf32>,
        %get3A_1353 = arith.index_cast %add3A_1336 : i32 to index
        %get3A_1354 = arith.constant 32 : index
        %get3A_1355 = tpu.vector_load %arg22[%get3A_1353, %get3A_1354] {strides = array<i32>} : memref<128x128xf32, #tpu.memory_space<vmem>>, vector<16xf32>,
        %mul3A_1356 = vector.broadcast %squeeze3A_1334 : f32 to vector<16xf32>
        %mul3A_1357 = arith.mulf %get3A_1355, %mul3A_1356 : vector<16xf32>
        %swap3A_1358 = arith.index_cast %add3A_1336 : i32 to index
        %swap3A_1359 = arith.constant 32 : index
        %swap3A_1360 = tpu.vector_load %arg22[%swap3A_1358, %swap3A_1359] {strides = array<i32>} : memref<128x128xf32, #tpu.memory_space<vmem>>, vector<16xf32>,
        tpu.vector_store %arg22[%swap3A_1358, %swap3A_1359], %mul3A_1357 {strides = array<i32>} : memref<128x128xf32, #tpu.memory_space<vmem>>, vector<16xf32>,
        %get3A_1361 = arith.index_cast %add3A_1336 : i32 to index
        %get3A_1362 = arith.constant 48 : index
        %get3A_1363 = tpu.vector_load %arg22[%get3A_1361, %get3A_1362] {strides = array<i32>} : memref<128x128xf32, #tpu.memory_space<vmem>>, vector<16xf32>,
        %mul3A_1364 = vector.broadcast %squeeze3A_1334 : f32 to vector<16xf32>
        %mul3A_1365 = arith.mulf %get3A_1363, %mul3A_1364 : vector<16xf32>
        %swap3A_1366 = arith.index_cast %add3A_1336 : i32 to index
        %swap3A_1367 = arith.constant 48 : index
        %swap3A_1368 = tpu.vector_load %arg22[%swap3A_1366, %swap3A_1367] {strides = array<i32>} : memref<128x128xf32, #tpu.memory_space<vmem>>, vector<16xf32>,
        tpu.vector_store %arg22[%swap3A_1366, %swap3A_1367], %mul3A_1365 {strides = array<i32>} : memref<128x128xf32, #tpu.memory_space<vmem>>, vector<16xf32>,
        %get3A_1369 = arith.index_cast %add3A_1336 : i32 to index
        %get3A_1370 = arith.constant 64 : index
        %get3A_1371 = tpu.vector_load %arg22[%get3A_1369, %get3A_1370] {strides = array<i32>} : memref<128x128xf32, #tpu.memory_space<vmem>>, vector<16xf32>,
        %mul3A_1372 = vector.broadcast %squeeze3A_1334 : f32 to vector<16xf32>
        %mul3A_1373 = arith.mulf %get3A_1371, %mul3A_1372 : vector<16xf32>
        %swap3A_1374 = arith.index_cast %add3A_1336 : i32 to index
        %swap3A_1375 = arith.constant 64 : index
        %swap3A_1376 = tpu.vector_load %arg22[%swap3A_1374, %swap3A_1375] {strides = array<i32>} : memref<128x128xf32, #tpu.memory_space<vmem>>, vector<16xf32>,
        tpu.vector_store %arg22[%swap3A_1374, %swap3A_1375], %mul3A_1373 {strides = array<i32>} : memref<128x128xf32, #tpu.memory_space<vmem>>, vector<16xf32>,
        %get3A_1377 = arith.index_cast %add3A_1336 : i32 to index
        %get3A_1378 = arith.constant 80 : index
        %get3A_1379 = tpu.vector_load %arg22[%get3A_1377, %get3A_1378] {strides = array<i32>} : memref<128x128xf32, #tpu.memory_space<vmem>>, vector<16xf32>,
        %mul3A_1380 = vector.broadcast %squeeze3A_1334 : f32 to vector<16xf32>
        %mul3A_1381 = arith.mulf %get3A_1379, %mul3A_1380 : vector<16xf32>
        %swap3A_1382 = arith.index_cast %add3A_1336 : i32 to index
        %swap3A_1383 = arith.constant 80 : index
        %swap3A_1384 = tpu.vector_load %arg22[%swap3A_1382, %swap3A_1383] {strides = array<i32>} : memref<128x128xf32, #tpu.memory_space<vmem>>, vector<16xf32>,
        tpu.vector_store %arg22[%swap3A_1382, %swap3A_1383], %mul3A_1381 {strides = array<i32>} : memref<128x128xf32, #tpu.memory_space<vmem>>, vector<16xf32>,
        %get3A_1385 = arith.index_cast %add3A_1336 : i32 to index
        %get3A_1386 = arith.constant 96 : index
        %get3A_1387 = tpu.vector_load %arg22[%get3A_1385, %get3A_1386] {strides = array<i32>} : memref<128x128xf32, #tpu.memory_space<vmem>>, vector<16xf32>,
        %mul3A_1388 = vector.broadcast %squeeze3A_1334 : f32 to vector<16xf32>
        %mul3A_1389 = arith.mulf %get3A_1387, %mul3A_1388 : vector<16xf32>
        %swap3A_1390 = arith.index_cast %add3A_1336 : i32 to index
        %swap3A_1391 = arith.constant 96 : index
        %swap3A_1392 = tpu.vector_load %arg22[%swap3A_1390, %swap3A_1391] {strides = array<i32>} : memref<128x128xf32, #tpu.memory_space<vmem>>, vector<16xf32>,
        tpu.vector_store %arg22[%swap3A_1390, %swap3A_1391], %mul3A_1389 {strides = array<i32>} : memref<128x128xf32, #tpu.memory_space<vmem>>, vector<16xf32>,
        %get3A_1393 = arith.index_cast %add3A_1336 : i32 to index
        %get3A_1394 = arith.constant 112 : index
        %get3A_1395 = tpu.vector_load %arg22[%get3A_1393, %get3A_1394] {strides = array<i32>} : memref<128x128xf32, #tpu.memory_space<vmem>>, vector<16xf32>,
        %mul3A_1396 = vector.broadcast %squeeze3A_1334 : f32 to vector<16xf32>
        %mul3A_1397 = arith.mulf %get3A_1395, %mul3A_1396 : vector<16xf32>
        %swap3A_1398 = arith.index_cast %add3A_1336 : i32 to index
        %swap3A_1399 = arith.constant 112 : index
        %swap3A_1400 = tpu.vector_load %arg22[%swap3A_1398, %swap3A_1399] {strides = array<i32>} : memref<128x128xf32, #tpu.memory_space<vmem>>, vector<16xf32>,
        tpu.vector_store %arg22[%swap3A_1398, %swap3A_1399], %mul3A_1397 {strides = array<i32>} : memref<128x128xf32, #tpu.memory_space<vmem>>, vector<16xf32>,
        %slice3A_1401 = vector.extract_strided_slice %select_n3A_723 {offsets = [10], sizes = [1], strides = [1]} : vector<16xf32> to vector<1xf32>
        %squeeze3A_1402 = vector.extract %slice3A_1401[0] : f32 from vector<1xf32>
        %add3A_1403 = arith.constant 10 : i32
        %add3A_1404 = arith.addi %mul3A_694, %add3A_1403 : i32
        %get3A_1405 = arith.index_cast %add3A_1404 : i32 to index
        %get3A_1406 = arith.constant 0 : index
        %get3A_1407 = tpu.vector_load %arg22[%get3A_1405, %get3A_1406] {strides = array<i32>} : memref<128x128xf32, #tpu.memory_space<vmem>>, vector<16xf32>,
        %mul3A_1408 = vector.broadcast %squeeze3A_1402 : f32 to vector<16xf32>
        %mul3A_1409 = arith.mulf %get3A_1407, %mul3A_1408 : vector<16xf32>
        %swap3A_1410 = arith.index_cast %add3A_1404 : i32 to index
        %swap3A_1411 = arith.constant 0 : index
        %swap3A_1412 = tpu.vector_load %arg22[%swap3A_1410, %swap3A_1411] {strides = array<i32>} : memref<128x128xf32, #tpu.memory_space<vmem>>, vector<16xf32>,
        tpu.vector_store %arg22[%swap3A_1410, %swap3A_1411], %mul3A_1409 {strides = array<i32>} : memref<128x128xf32, #tpu.memory_space<vmem>>, vector<16xf32>,
        %get3A_1413 = arith.index_cast %add3A_1404 : i32 to index
        %get3A_1414 = arith.constant 16 : index
        %get3A_1415 = tpu.vector_load %arg22[%get3A_1413, %get3A_1414] {strides = array<i32>} : memref<128x128xf32, #tpu.memory_space<vmem>>, vector<16xf32>,
        %mul3A_1416 = vector.broadcast %squeeze3A_1402 : f32 to vector<16xf32>
        %mul3A_1417 = arith.mulf %get3A_1415, %mul3A_1416 : vector<16xf32>
        %swap3A_1418 = arith.index_cast %add3A_1404 : i32 to index
        %swap3A_1419 = arith.constant 16 : index
        %swap3A_1420 = tpu.vector_load %arg22[%swap3A_1418, %swap3A_1419] {strides = array<i32>} : memref<128x128xf32, #tpu.memory_space<vmem>>, vector<16xf32>,
        tpu.vector_store %arg22[%swap3A_1418, %swap3A_1419], %mul3A_1417 {strides = array<i32>} : memref<128x128xf32, #tpu.memory_space<vmem>>, vector<16xf32>,
        %get3A_1421 = arith.index_cast %add3A_1404 : i32 to index
        %get3A_1422 = arith.constant 32 : index
        %get3A_1423 = tpu.vector_load %arg22[%get3A_1421, %get3A_1422] {strides = array<i32>} : memref<128x128xf32, #tpu.memory_space<vmem>>, vector<16xf32>,
        %mul3A_1424 = vector.broadcast %squeeze3A_1402 : f32 to vector<16xf32>
        %mul3A_1425 = arith.mulf %get3A_1423, %mul3A_1424 : vector<16xf32>
        %swap3A_1426 = arith.index_cast %add3A_1404 : i32 to index
        %swap3A_1427 = arith.constant 32 : index
        %swap3A_1428 = tpu.vector_load %arg22[%swap3A_1426, %swap3A_1427] {strides = array<i32>} : memref<128x128xf32, #tpu.memory_space<vmem>>, vector<16xf32>,
        tpu.vector_store %arg22[%swap3A_1426, %swap3A_1427], %mul3A_1425 {strides = array<i32>} : memref<128x128xf32, #tpu.memory_space<vmem>>, vector<16xf32>,
        %get3A_1429 = arith.index_cast %add3A_1404 : i32 to index
        %get3A_1430 = arith.constant 48 : index
        %get3A_1431 = tpu.vector_load %arg22[%get3A_1429, %get3A_1430] {strides = array<i32>} : memref<128x128xf32, #tpu.memory_space<vmem>>, vector<16xf32>,
        %mul3A_1432 = vector.broadcast %squeeze3A_1402 : f32 to vector<16xf32>
        %mul3A_1433 = arith.mulf %get3A_1431, %mul3A_1432 : vector<16xf32>
        %swap3A_1434 = arith.index_cast %add3A_1404 : i32 to index
        %swap3A_1435 = arith.constant 48 : index
        %swap3A_1436 = tpu.vector_load %arg22[%swap3A_1434, %swap3A_1435] {strides = array<i32>} : memref<128x128xf32, #tpu.memory_space<vmem>>, vector<16xf32>,
        tpu.vector_store %arg22[%swap3A_1434, %swap3A_1435], %mul3A_1433 {strides = array<i32>} : memref<128x128xf32, #tpu.memory_space<vmem>>, vector<16xf32>,
        %get3A_1437 = arith.index_cast %add3A_1404 : i32 to index
        %get3A_1438 = arith.constant 64 : index
        %get3A_1439 = tpu.vector_load %arg22[%get3A_1437, %get3A_1438] {strides = array<i32>} : memref<128x128xf32, #tpu.memory_space<vmem>>, vector<16xf32>,
        %mul3A_1440 = vector.broadcast %squeeze3A_1402 : f32 to vector<16xf32>
        %mul3A_1441 = arith.mulf %get3A_1439, %mul3A_1440 : vector<16xf32>
        %swap3A_1442 = arith.index_cast %add3A_1404 : i32 to index
        %swap3A_1443 = arith.constant 64 : index
        %swap3A_1444 = tpu.vector_load %arg22[%swap3A_1442, %swap3A_1443] {strides = array<i32>} : memref<128x128xf32, #tpu.memory_space<vmem>>, vector<16xf32>,
        tpu.vector_store %arg22[%swap3A_1442, %swap3A_1443], %mul3A_1441 {strides = array<i32>} : memref<128x128xf32, #tpu.memory_space<vmem>>, vector<16xf32>,
        %get3A_1445 = arith.index_cast %add3A_1404 : i32 to index
        %get3A_1446 = arith.constant 80 : index
        %get3A_1447 = tpu.vector_load %arg22[%get3A_1445, %get3A_1446] {strides = array<i32>} : memref<128x128xf32, #tpu.memory_space<vmem>>, vector<16xf32>,
        %mul3A_1448 = vector.broadcast %squeeze3A_1402 : f32 to vector<16xf32>
        %mul3A_1449 = arith.mulf %get3A_1447, %mul3A_1448 : vector<16xf32>
        %swap3A_1450 = arith.index_cast %add3A_1404 : i32 to index
        %swap3A_1451 = arith.constant 80 : index
        %swap3A_1452 = tpu.vector_load %arg22[%swap3A_1450, %swap3A_1451] {strides = array<i32>} : memref<128x128xf32, #tpu.memory_space<vmem>>, vector<16xf32>,
        tpu.vector_store %arg22[%swap3A_1450, %swap3A_1451], %mul3A_1449 {strides = array<i32>} : memref<128x128xf32, #tpu.memory_space<vmem>>, vector<16xf32>,
        %get3A_1453 = arith.index_cast %add3A_1404 : i32 to index
        %get3A_1454 = arith.constant 96 : index
        %get3A_1455 = tpu.vector_load %arg22[%get3A_1453, %get3A_1454] {strides = array<i32>} : memref<128x128xf32, #tpu.memory_space<vmem>>, vector<16xf32>,
        %mul3A_1456 = vector.broadcast %squeeze3A_1402 : f32 to vector<16xf32>
        %mul3A_1457 = arith.mulf %get3A_1455, %mul3A_1456 : vector<16xf32>
        %swap3A_1458 = arith.index_cast %add3A_1404 : i32 to index
        %swap3A_1459 = arith.constant 96 : index
        %swap3A_1460 = tpu.vector_load %arg22[%swap3A_1458, %swap3A_1459] {strides = array<i32>} : memref<128x128xf32, #tpu.memory_space<vmem>>, vector<16xf32>,
        tpu.vector_store %arg22[%swap3A_1458, %swap3A_1459], %mul3A_1457 {strides = array<i32>} : memref<128x128xf32, #tpu.memory_space<vmem>>, vector<16xf32>,
        %get3A_1461 = arith.index_cast %add3A_1404 : i32 to index
        %get3A_1462 = arith.constant 112 : index
        %get3A_1463 = tpu.vector_load %arg22[%get3A_1461, %get3A_1462] {strides = array<i32>} : memref<128x128xf32, #tpu.memory_space<vmem>>, vector<16xf32>,
        %mul3A_1464 = vector.broadcast %squeeze3A_1402 : f32 to vector<16xf32>
        %mul3A_1465 = arith.mulf %get3A_1463, %mul3A_1464 : vector<16xf32>
        %swap3A_1466 = arith.index_cast %add3A_1404 : i32 to index
        %swap3A_1467 = arith.constant 112 : index
        %swap3A_1468 = tpu.vector_load %arg22[%swap3A_1466, %swap3A_1467] {strides = array<i32>} : memref<128x128xf32, #tpu.memory_space<vmem>>, vector<16xf32>,
        tpu.vector_store %arg22[%swap3A_1466, %swap3A_1467], %mul3A_1465 {strides = array<i32>} : memref<128x128xf32, #tpu.memory_space<vmem>>, vector<16xf32>,
        %slice3A_1469 = vector.extract_strided_slice %select_n3A_723 {offsets = [11], sizes = [1], strides = [1]} : vector<16xf32> to vector<1xf32>
        %squeeze3A_1470 = vector.extract %slice3A_1469[0] : f32 from vector<1xf32>
        %add3A_1471 = arith.constant 11 : i32
        %add3A_1472 = arith.addi %mul3A_694, %add3A_1471 : i32
        %get3A_1473 = arith.index_cast %add3A_1472 : i32 to index
        %get3A_1474 = arith.constant 0 : index
        %get3A_1475 = tpu.vector_load %arg22[%get3A_1473, %get3A_1474] {strides = array<i32>} : memref<128x128xf32, #tpu.memory_space<vmem>>, vector<16xf32>,
        %mul3A_1476 = vector.broadcast %squeeze3A_1470 : f32 to vector<16xf32>
        %mul3A_1477 = arith.mulf %get3A_1475, %mul3A_1476 : vector<16xf32>
        %swap3A_1478 = arith.index_cast %add3A_1472 : i32 to index
        %swap3A_1479 = arith.constant 0 : index
        %swap3A_1480 = tpu.vector_load %arg22[%swap3A_1478, %swap3A_1479] {strides = array<i32>} : memref<128x128xf32, #tpu.memory_space<vmem>>, vector<16xf32>,
        tpu.vector_store %arg22[%swap3A_1478, %swap3A_1479], %mul3A_1477 {strides = array<i32>} : memref<128x128xf32, #tpu.memory_space<vmem>>, vector<16xf32>,
        %get3A_1481 = arith.index_cast %add3A_1472 : i32 to index
        %get3A_1482 = arith.constant 16 : index
        %get3A_1483 = tpu.vector_load %arg22[%get3A_1481, %get3A_1482] {strides = array<i32>} : memref<128x128xf32, #tpu.memory_space<vmem>>, vector<16xf32>,
        %mul3A_1484 = vector.broadcast %squeeze3A_1470 : f32 to vector<16xf32>
        %mul3A_1485 = arith.mulf %get3A_1483, %mul3A_1484 : vector<16xf32>
        %swap3A_1486 = arith.index_cast %add3A_1472 : i32 to index
        %swap3A_1487 = arith.constant 16 : index
        %swap3A_1488 = tpu.vector_load %arg22[%swap3A_1486, %swap3A_1487] {strides = array<i32>} : memref<128x128xf32, #tpu.memory_space<vmem>>, vector<16xf32>,
        tpu.vector_store %arg22[%swap3A_1486, %swap3A_1487], %mul3A_1485 {strides = array<i32>} : memref<128x128xf32, #tpu.memory_space<vmem>>, vector<16xf32>,
        %get3A_1489 = arith.index_cast %add3A_1472 : i32 to index
        %get3A_1490 = arith.constant 32 : index
        %get3A_1491 = tpu.vector_load %arg22[%get3A_1489, %get3A_1490] {strides = array<i32>} : memref<128x128xf32, #tpu.memory_space<vmem>>, vector<16xf32>,
        %mul3A_1492 = vector.broadcast %squeeze3A_1470 : f32 to vector<16xf32>
        %mul3A_1493 = arith.mulf %get3A_1491, %mul3A_1492 : vector<16xf32>
        %swap3A_1494 = arith.index_cast %add3A_1472 : i32 to index
        %swap3A_1495 = arith.constant 32 : index
        %swap3A_1496 = tpu.vector_load %arg22[%swap3A_1494, %swap3A_1495] {strides = array<i32>} : memref<128x128xf32, #tpu.memory_space<vmem>>, vector<16xf32>,
        tpu.vector_store %arg22[%swap3A_1494, %swap3A_1495], %mul3A_1493 {strides = array<i32>} : memref<128x128xf32, #tpu.memory_space<vmem>>, vector<16xf32>,
        %get3A_1497 = arith.index_cast %add3A_1472 : i32 to index
        %get3A_1498 = arith.constant 48 : index
        %get3A_1499 = tpu.vector_load %arg22[%get3A_1497, %get3A_1498] {strides = array<i32>} : memref<128x128xf32, #tpu.memory_space<vmem>>, vector<16xf32>,
        %mul3A_1500 = vector.broadcast %squeeze3A_1470 : f32 to vector<16xf32>
        %mul3A_1501 = arith.mulf %get3A_1499, %mul3A_1500 : vector<16xf32>
        %swap3A_1502 = arith.index_cast %add3A_1472 : i32 to index
        %swap3A_1503 = arith.constant 48 : index
        %swap3A_1504 = tpu.vector_load %arg22[%swap3A_1502, %swap3A_1503] {strides = array<i32>} : memref<128x128xf32, #tpu.memory_space<vmem>>, vector<16xf32>,
        tpu.vector_store %arg22[%swap3A_1502, %swap3A_1503], %mul3A_1501 {strides = array<i32>} : memref<128x128xf32, #tpu.memory_space<vmem>>, vector<16xf32>,
        %get3A_1505 = arith.index_cast %add3A_1472 : i32 to index
        %get3A_1506 = arith.constant 64 : index
        %get3A_1507 = tpu.vector_load %arg22[%get3A_1505, %get3A_1506] {strides = array<i32>} : memref<128x128xf32, #tpu.memory_space<vmem>>, vector<16xf32>,
        %mul3A_1508 = vector.broadcast %squeeze3A_1470 : f32 to vector<16xf32>
        %mul3A_1509 = arith.mulf %get3A_1507, %mul3A_1508 : vector<16xf32>
        %swap3A_1510 = arith.index_cast %add3A_1472 : i32 to index
        %swap3A_1511 = arith.constant 64 : index
        %swap3A_1512 = tpu.vector_load %arg22[%swap3A_1510, %swap3A_1511] {strides = array<i32>} : memref<128x128xf32, #tpu.memory_space<vmem>>, vector<16xf32>,
        tpu.vector_store %arg22[%swap3A_1510, %swap3A_1511], %mul3A_1509 {strides = array<i32>} : memref<128x128xf32, #tpu.memory_space<vmem>>, vector<16xf32>,
        %get3A_1513 = arith.index_cast %add3A_1472 : i32 to index
        %get3A_1514 = arith.constant 80 : index
        %get3A_1515 = tpu.vector_load %arg22[%get3A_1513, %get3A_1514] {strides = array<i32>} : memref<128x128xf32, #tpu.memory_space<vmem>>, vector<16xf32>,
        %mul3A_1516 = vector.broadcast %squeeze3A_1470 : f32 to vector<16xf32>
        %mul3A_1517 = arith.mulf %get3A_1515, %mul3A_1516 : vector<16xf32>
        %swap3A_1518 = arith.index_cast %add3A_1472 : i32 to index
        %swap3A_1519 = arith.constant 80 : index
        %swap3A_1520 = tpu.vector_load %arg22[%swap3A_1518, %swap3A_1519] {strides = array<i32>} : memref<128x128xf32, #tpu.memory_space<vmem>>, vector<16xf32>,
        tpu.vector_store %arg22[%swap3A_1518, %swap3A_1519], %mul3A_1517 {strides = array<i32>} : memref<128x128xf32, #tpu.memory_space<vmem>>, vector<16xf32>,
        %get3A_1521 = arith.index_cast %add3A_1472 : i32 to index
        %get3A_1522 = arith.constant 96 : index
        %get3A_1523 = tpu.vector_load %arg22[%get3A_1521, %get3A_1522] {strides = array<i32>} : memref<128x128xf32, #tpu.memory_space<vmem>>, vector<16xf32>,
        %mul3A_1524 = vector.broadcast %squeeze3A_1470 : f32 to vector<16xf32>
        %mul3A_1525 = arith.mulf %get3A_1523, %mul3A_1524 : vector<16xf32>
        %swap3A_1526 = arith.index_cast %add3A_1472 : i32 to index
        %swap3A_1527 = arith.constant 96 : index
        %swap3A_1528 = tpu.vector_load %arg22[%swap3A_1526, %swap3A_1527] {strides = array<i32>} : memref<128x128xf32, #tpu.memory_space<vmem>>, vector<16xf32>,
        tpu.vector_store %arg22[%swap3A_1526, %swap3A_1527], %mul3A_1525 {strides = array<i32>} : memref<128x128xf32, #tpu.memory_space<vmem>>, vector<16xf32>,
        %get3A_1529 = arith.index_cast %add3A_1472 : i32 to index
        %get3A_1530 = arith.constant 112 : index
        %get3A_1531 = tpu.vector_load %arg22[%get3A_1529, %get3A_1530] {strides = array<i32>} : memref<128x128xf32, #tpu.memory_space<vmem>>, vector<16xf32>,
        %mul3A_1532 = vector.broadcast %squeeze3A_1470 : f32 to vector<16xf32>
        %mul3A_1533 = arith.mulf %get3A_1531, %mul3A_1532 : vector<16xf32>
        %swap3A_1534 = arith.index_cast %add3A_1472 : i32 to index
        %swap3A_1535 = arith.constant 112 : index
        %swap3A_1536 = tpu.vector_load %arg22[%swap3A_1534, %swap3A_1535] {strides = array<i32>} : memref<128x128xf32, #tpu.memory_space<vmem>>, vector<16xf32>,
        tpu.vector_store %arg22[%swap3A_1534, %swap3A_1535], %mul3A_1533 {strides = array<i32>} : memref<128x128xf32, #tpu.memory_space<vmem>>, vector<16xf32>,
        %slice3A_1537 = vector.extract_strided_slice %select_n3A_723 {offsets = [12], sizes = [1], strides = [1]} : vector<16xf32> to vector<1xf32>
        %squeeze3A_1538 = vector.extract %slice3A_1537[0] : f32 from vector<1xf32>
        %add3A_1539 = arith.constant 12 : i32
        %add3A_1540 = arith.addi %mul3A_694, %add3A_1539 : i32
        %get3A_1541 = arith.index_cast %add3A_1540 : i32 to index
        %get3A_1542 = arith.constant 0 : index
        %get3A_1543 = tpu.vector_load %arg22[%get3A_1541, %get3A_1542] {strides = array<i32>} : memref<128x128xf32, #tpu.memory_space<vmem>>, vector<16xf32>,
        %mul3A_1544 = vector.broadcast %squeeze3A_1538 : f32 to vector<16xf32>
        %mul3A_1545 = arith.mulf %get3A_1543, %mul3A_1544 : vector<16xf32>
        %swap3A_1546 = arith.index_cast %add3A_1540 : i32 to index
        %swap3A_1547 = arith.constant 0 : index
        %swap3A_1548 = tpu.vector_load %arg22[%swap3A_1546, %swap3A_1547] {strides = array<i32>} : memref<128x128xf32, #tpu.memory_space<vmem>>, vector<16xf32>,
        tpu.vector_store %arg22[%swap3A_1546, %swap3A_1547], %mul3A_1545 {strides = array<i32>} : memref<128x128xf32, #tpu.memory_space<vmem>>, vector<16xf32>,
        %get3A_1549 = arith.index_cast %add3A_1540 : i32 to index
        %get3A_1550 = arith.constant 16 : index
        %get3A_1551 = tpu.vector_load %arg22[%get3A_1549, %get3A_1550] {strides = array<i32>} : memref<128x128xf32, #tpu.memory_space<vmem>>, vector<16xf32>,
        %mul3A_1552 = vector.broadcast %squeeze3A_1538 : f32 to vector<16xf32>
        %mul3A_1553 = arith.mulf %get3A_1551, %mul3A_1552 : vector<16xf32>
        %swap3A_1554 = arith.index_cast %add3A_1540 : i32 to index
        %swap3A_1555 = arith.constant 16 : index
        %swap3A_1556 = tpu.vector_load %arg22[%swap3A_1554, %swap3A_1555] {strides = array<i32>} : memref<128x128xf32, #tpu.memory_space<vmem>>, vector<16xf32>,
        tpu.vector_store %arg22[%swap3A_1554, %swap3A_1555], %mul3A_1553 {strides = array<i32>} : memref<128x128xf32, #tpu.memory_space<vmem>>, vector<16xf32>,
        %get3A_1557 = arith.index_cast %add3A_1540 : i32 to index
        %get3A_1558 = arith.constant 32 : index
        %get3A_1559 = tpu.vector_load %arg22[%get3A_1557, %get3A_1558] {strides = array<i32>} : memref<128x128xf32, #tpu.memory_space<vmem>>, vector<16xf32>,
        %mul3A_1560 = vector.broadcast %squeeze3A_1538 : f32 to vector<16xf32>
        %mul3A_1561 = arith.mulf %get3A_1559, %mul3A_1560 : vector<16xf32>
        %swap3A_1562 = arith.index_cast %add3A_1540 : i32 to index
        %swap3A_1563 = arith.constant 32 : index
        %swap3A_1564 = tpu.vector_load %arg22[%swap3A_1562, %swap3A_1563] {strides = array<i32>} : memref<128x128xf32, #tpu.memory_space<vmem>>, vector<16xf32>,
        tpu.vector_store %arg22[%swap3A_1562, %swap3A_1563], %mul3A_1561 {strides = array<i32>} : memref<128x128xf32, #tpu.memory_space<vmem>>, vector<16xf32>,
        %get3A_1565 = arith.index_cast %add3A_1540 : i32 to index
        %get3A_1566 = arith.constant 48 : index
        %get3A_1567 = tpu.vector_load %arg22[%get3A_1565, %get3A_1566] {strides = array<i32>} : memref<128x128xf32, #tpu.memory_space<vmem>>, vector<16xf32>,
        %mul3A_1568 = vector.broadcast %squeeze3A_1538 : f32 to vector<16xf32>
        %mul3A_1569 = arith.mulf %get3A_1567, %mul3A_1568 : vector<16xf32>
        %swap3A_1570 = arith.index_cast %add3A_1540 : i32 to index
        %swap3A_1571 = arith.constant 48 : index
        %swap3A_1572 = tpu.vector_load %arg22[%swap3A_1570, %swap3A_1571] {strides = array<i32>} : memref<128x128xf32, #tpu.memory_space<vmem>>, vector<16xf32>,
        tpu.vector_store %arg22[%swap3A_1570, %swap3A_1571], %mul3A_1569 {strides = array<i32>} : memref<128x128xf32, #tpu.memory_space<vmem>>, vector<16xf32>,
        %get3A_1573 = arith.index_cast %add3A_1540 : i32 to index
        %get3A_1574 = arith.constant 64 : index
        %get3A_1575 = tpu.vector_load %arg22[%get3A_1573, %get3A_1574] {strides = array<i32>} : memref<128x128xf32, #tpu.memory_space<vmem>>, vector<16xf32>,
        %mul3A_1576 = vector.broadcast %squeeze3A_1538 : f32 to vector<16xf32>
        %mul3A_1577 = arith.mulf %get3A_1575, %mul3A_1576 : vector<16xf32>
        %swap3A_1578 = arith.index_cast %add3A_1540 : i32 to index
        %swap3A_1579 = arith.constant 64 : index
        %swap3A_1580 = tpu.vector_load %arg22[%swap3A_1578, %swap3A_1579] {strides = array<i32>} : memref<128x128xf32, #tpu.memory_space<vmem>>, vector<16xf32>,
        tpu.vector_store %arg22[%swap3A_1578, %swap3A_1579], %mul3A_1577 {strides = array<i32>} : memref<128x128xf32, #tpu.memory_space<vmem>>, vector<16xf32>,
        %get3A_1581 = arith.index_cast %add3A_1540 : i32 to index
        %get3A_1582 = arith.constant 80 : index
        %get3A_1583 = tpu.vector_load %arg22[%get3A_1581, %get3A_1582] {strides = array<i32>} : memref<128x128xf32, #tpu.memory_space<vmem>>, vector<16xf32>,
        %mul3A_1584 = vector.broadcast %squeeze3A_1538 : f32 to vector<16xf32>
        %mul3A_1585 = arith.mulf %get3A_1583, %mul3A_1584 : vector<16xf32>
        %swap3A_1586 = arith.index_cast %add3A_1540 : i32 to index
        %swap3A_1587 = arith.constant 80 : index
        %swap3A_1588 = tpu.vector_load %arg22[%swap3A_1586, %swap3A_1587] {strides = array<i32>} : memref<128x128xf32, #tpu.memory_space<vmem>>, vector<16xf32>,
        tpu.vector_store %arg22[%swap3A_1586, %swap3A_1587], %mul3A_1585 {strides = array<i32>} : memref<128x128xf32, #tpu.memory_space<vmem>>, vector<16xf32>,
        %get3A_1589 = arith.index_cast %add3A_1540 : i32 to index
        %get3A_1590 = arith.constant 96 : index
        %get3A_1591 = tpu.vector_load %arg22[%get3A_1589, %get3A_1590] {strides = array<i32>} : memref<128x128xf32, #tpu.memory_space<vmem>>, vector<16xf32>,
        %mul3A_1592 = vector.broadcast %squeeze3A_1538 : f32 to vector<16xf32>
        %mul3A_1593 = arith.mulf %get3A_1591, %mul3A_1592 : vector<16xf32>
        %swap3A_1594 = arith.index_cast %add3A_1540 : i32 to index
        %swap3A_1595 = arith.constant 96 : index
        %swap3A_1596 = tpu.vector_load %arg22[%swap3A_1594, %swap3A_1595] {strides = array<i32>} : memref<128x128xf32, #tpu.memory_space<vmem>>, vector<16xf32>,
        tpu.vector_store %arg22[%swap3A_1594, %swap3A_1595], %mul3A_1593 {strides = array<i32>} : memref<128x128xf32, #tpu.memory_space<vmem>>, vector<16xf32>,
        %get3A_1597 = arith.index_cast %add3A_1540 : i32 to index
        %get3A_1598 = arith.constant 112 : index
        %get3A_1599 = tpu.vector_load %arg22[%get3A_1597, %get3A_1598] {strides = array<i32>} : memref<128x128xf32, #tpu.memory_space<vmem>>, vector<16xf32>,
        %mul3A_1600 = vector.broadcast %squeeze3A_1538 : f32 to vector<16xf32>
        %mul3A_1601 = arith.mulf %get3A_1599, %mul3A_1600 : vector<16xf32>
        %swap3A_1602 = arith.index_cast %add3A_1540 : i32 to index
        %swap3A_1603 = arith.constant 112 : index
        %swap3A_1604 = tpu.vector_load %arg22[%swap3A_1602, %swap3A_1603] {strides = array<i32>} : memref<128x128xf32, #tpu.memory_space<vmem>>, vector<16xf32>,
        tpu.vector_store %arg22[%swap3A_1602, %swap3A_1603], %mul3A_1601 {strides = array<i32>} : memref<128x128xf32, #tpu.memory_space<vmem>>, vector<16xf32>,
        %slice3A_1605 = vector.extract_strided_slice %select_n3A_723 {offsets = [13], sizes = [1], strides = [1]} : vector<16xf32> to vector<1xf32>
        %squeeze3A_1606 = vector.extract %slice3A_1605[0] : f32 from vector<1xf32>
        %add3A_1607 = arith.constant 13 : i32
        %add3A_1608 = arith.addi %mul3A_694, %add3A_1607 : i32
        %get3A_1609 = arith.index_cast %add3A_1608 : i32 to index
        %get3A_1610 = arith.constant 0 : index
        %get3A_1611 = tpu.vector_load %arg22[%get3A_1609, %get3A_1610] {strides = array<i32>} : memref<128x128xf32, #tpu.memory_space<vmem>>, vector<16xf32>,
        %mul3A_1612 = vector.broadcast %squeeze3A_1606 : f32 to vector<16xf32>
        %mul3A_1613 = arith.mulf %get3A_1611, %mul3A_1612 : vector<16xf32>
        %swap3A_1614 = arith.index_cast %add3A_1608 : i32 to index
        %swap3A_1615 = arith.constant 0 : index
        %swap3A_1616 = tpu.vector_load %arg22[%swap3A_1614, %swap3A_1615] {strides = array<i32>} : memref<128x128xf32, #tpu.memory_space<vmem>>, vector<16xf32>,
        tpu.vector_store %arg22[%swap3A_1614, %swap3A_1615], %mul3A_1613 {strides = array<i32>} : memref<128x128xf32, #tpu.memory_space<vmem>>, vector<16xf32>,
        %get3A_1617 = arith.index_cast %add3A_1608 : i32 to index
        %get3A_1618 = arith.constant 16 : index
        %get3A_1619 = tpu.vector_load %arg22[%get3A_1617, %get3A_1618] {strides = array<i32>} : memref<128x128xf32, #tpu.memory_space<vmem>>, vector<16xf32>,
        %mul3A_1620 = vector.broadcast %squeeze3A_1606 : f32 to vector<16xf32>
        %mul3A_1621 = arith.mulf %get3A_1619, %mul3A_1620 : vector<16xf32>
        %swap3A_1622 = arith.index_cast %add3A_1608 : i32 to index
        %swap3A_1623 = arith.constant 16 : index
        %swap3A_1624 = tpu.vector_load %arg22[%swap3A_1622, %swap3A_1623] {strides = array<i32>} : memref<128x128xf32, #tpu.memory_space<vmem>>, vector<16xf32>,
        tpu.vector_store %arg22[%swap3A_1622, %swap3A_1623], %mul3A_1621 {strides = array<i32>} : memref<128x128xf32, #tpu.memory_space<vmem>>, vector<16xf32>,
        %get3A_1625 = arith.index_cast %add3A_1608 : i32 to index
        %get3A_1626 = arith.constant 32 : index
        %get3A_1627 = tpu.vector_load %arg22[%get3A_1625, %get3A_1626] {strides = array<i32>} : memref<128x128xf32, #tpu.memory_space<vmem>>, vector<16xf32>,
        %mul3A_1628 = vector.broadcast %squeeze3A_1606 : f32 to vector<16xf32>
        %mul3A_1629 = arith.mulf %get3A_1627, %mul3A_1628 : vector<16xf32>
        %swap3A_1630 = arith.index_cast %add3A_1608 : i32 to index
        %swap3A_1631 = arith.constant 32 : index
        %swap3A_1632 = tpu.vector_load %arg22[%swap3A_1630, %swap3A_1631] {strides = array<i32>} : memref<128x128xf32, #tpu.memory_space<vmem>>, vector<16xf32>,
        tpu.vector_store %arg22[%swap3A_1630, %swap3A_1631], %mul3A_1629 {strides = array<i32>} : memref<128x128xf32, #tpu.memory_space<vmem>>, vector<16xf32>,
        %get3A_1633 = arith.index_cast %add3A_1608 : i32 to index
        %get3A_1634 = arith.constant 48 : index
        %get3A_1635 = tpu.vector_load %arg22[%get3A_1633, %get3A_1634] {strides = array<i32>} : memref<128x128xf32, #tpu.memory_space<vmem>>, vector<16xf32>,
        %mul3A_1636 = vector.broadcast %squeeze3A_1606 : f32 to vector<16xf32>
        %mul3A_1637 = arith.mulf %get3A_1635, %mul3A_1636 : vector<16xf32>
        %swap3A_1638 = arith.index_cast %add3A_1608 : i32 to index
        %swap3A_1639 = arith.constant 48 : index
        %swap3A_1640 = tpu.vector_load %arg22[%swap3A_1638, %swap3A_1639] {strides = array<i32>} : memref<128x128xf32, #tpu.memory_space<vmem>>, vector<16xf32>,
        tpu.vector_store %arg22[%swap3A_1638, %swap3A_1639], %mul3A_1637 {strides = array<i32>} : memref<128x128xf32, #tpu.memory_space<vmem>>, vector<16xf32>,
        %get3A_1641 = arith.index_cast %add3A_1608 : i32 to index
        %get3A_1642 = arith.constant 64 : index
        %get3A_1643 = tpu.vector_load %arg22[%get3A_1641, %get3A_1642] {strides = array<i32>} : memref<128x128xf32, #tpu.memory_space<vmem>>, vector<16xf32>,
        %mul3A_1644 = vector.broadcast %squeeze3A_1606 : f32 to vector<16xf32>
        %mul3A_1645 = arith.mulf %get3A_1643, %mul3A_1644 : vector<16xf32>
        %swap3A_1646 = arith.index_cast %add3A_1608 : i32 to index
        %swap3A_1647 = arith.constant 64 : index
        %swap3A_1648 = tpu.vector_load %arg22[%swap3A_1646, %swap3A_1647] {strides = array<i32>} : memref<128x128xf32, #tpu.memory_space<vmem>>, vector<16xf32>,
        tpu.vector_store %arg22[%swap3A_1646, %swap3A_1647], %mul3A_1645 {strides = array<i32>} : memref<128x128xf32, #tpu.memory_space<vmem>>, vector<16xf32>,
        %get3A_1649 = arith.index_cast %add3A_1608 : i32 to index
        %get3A_1650 = arith.constant 80 : index
        %get3A_1651 = tpu.vector_load %arg22[%get3A_1649, %get3A_1650] {strides = array<i32>} : memref<128x128xf32, #tpu.memory_space<vmem>>, vector<16xf32>,
        %mul3A_1652 = vector.broadcast %squeeze3A_1606 : f32 to vector<16xf32>
        %mul3A_1653 = arith.mulf %get3A_1651, %mul3A_1652 : vector<16xf32>
        %swap3A_1654 = arith.index_cast %add3A_1608 : i32 to index
        %swap3A_1655 = arith.constant 80 : index
        %swap3A_1656 = tpu.vector_load %arg22[%swap3A_1654, %swap3A_1655] {strides = array<i32>} : memref<128x128xf32, #tpu.memory_space<vmem>>, vector<16xf32>,
        tpu.vector_store %arg22[%swap3A_1654, %swap3A_1655], %mul3A_1653 {strides = array<i32>} : memref<128x128xf32, #tpu.memory_space<vmem>>, vector<16xf32>,
        %get3A_1657 = arith.index_cast %add3A_1608 : i32 to index
        %get3A_1658 = arith.constant 96 : index
        %get3A_1659 = tpu.vector_load %arg22[%get3A_1657, %get3A_1658] {strides = array<i32>} : memref<128x128xf32, #tpu.memory_space<vmem>>, vector<16xf32>,
        %mul3A_1660 = vector.broadcast %squeeze3A_1606 : f32 to vector<16xf32>
        %mul3A_1661 = arith.mulf %get3A_1659, %mul3A_1660 : vector<16xf32>
        %swap3A_1662 = arith.index_cast %add3A_1608 : i32 to index
        %swap3A_1663 = arith.constant 96 : index
        %swap3A_1664 = tpu.vector_load %arg22[%swap3A_1662, %swap3A_1663] {strides = array<i32>} : memref<128x128xf32, #tpu.memory_space<vmem>>, vector<16xf32>,
        tpu.vector_store %arg22[%swap3A_1662, %swap3A_1663], %mul3A_1661 {strides = array<i32>} : memref<128x128xf32, #tpu.memory_space<vmem>>, vector<16xf32>,
        %get3A_1665 = arith.index_cast %add3A_1608 : i32 to index
        %get3A_1666 = arith.constant 112 : index
        %get3A_1667 = tpu.vector_load %arg22[%get3A_1665, %get3A_1666] {strides = array<i32>} : memref<128x128xf32, #tpu.memory_space<vmem>>, vector<16xf32>,
        %mul3A_1668 = vector.broadcast %squeeze3A_1606 : f32 to vector<16xf32>
        %mul3A_1669 = arith.mulf %get3A_1667, %mul3A_1668 : vector<16xf32>
        %swap3A_1670 = arith.index_cast %add3A_1608 : i32 to index
        %swap3A_1671 = arith.constant 112 : index
        %swap3A_1672 = tpu.vector_load %arg22[%swap3A_1670, %swap3A_1671] {strides = array<i32>} : memref<128x128xf32, #tpu.memory_space<vmem>>, vector<16xf32>,
        tpu.vector_store %arg22[%swap3A_1670, %swap3A_1671], %mul3A_1669 {strides = array<i32>} : memref<128x128xf32, #tpu.memory_space<vmem>>, vector<16xf32>,
        %slice3A_1673 = vector.extract_strided_slice %select_n3A_723 {offsets = [14], sizes = [1], strides = [1]} : vector<16xf32> to vector<1xf32>
        %squeeze3A_1674 = vector.extract %slice3A_1673[0] : f32 from vector<1xf32>
        %add3A_1675 = arith.constant 14 : i32
        %add3A_1676 = arith.addi %mul3A_694, %add3A_1675 : i32
        %get3A_1677 = arith.index_cast %add3A_1676 : i32 to index
        %get3A_1678 = arith.constant 0 : index
        %get3A_1679 = tpu.vector_load %arg22[%get3A_1677, %get3A_1678] {strides = array<i32>} : memref<128x128xf32, #tpu.memory_space<vmem>>, vector<16xf32>,
        %mul3A_1680 = vector.broadcast %squeeze3A_1674 : f32 to vector<16xf32>
        %mul3A_1681 = arith.mulf %get3A_1679, %mul3A_1680 : vector<16xf32>
        %swap3A_1682 = arith.index_cast %add3A_1676 : i32 to index
        %swap3A_1683 = arith.constant 0 : index
        %swap3A_1684 = tpu.vector_load %arg22[%swap3A_1682, %swap3A_1683] {strides = array<i32>} : memref<128x128xf32, #tpu.memory_space<vmem>>, vector<16xf32>,
        tpu.vector_store %arg22[%swap3A_1682, %swap3A_1683], %mul3A_1681 {strides = array<i32>} : memref<128x128xf32, #tpu.memory_space<vmem>>, vector<16xf32>,
        %get3A_1685 = arith.index_cast %add3A_1676 : i32 to index
        %get3A_1686 = arith.constant 16 : index
        %get3A_1687 = tpu.vector_load %arg22[%get3A_1685, %get3A_1686] {strides = array<i32>} : memref<128x128xf32, #tpu.memory_space<vmem>>, vector<16xf32>,
        %mul3A_1688 = vector.broadcast %squeeze3A_1674 : f32 to vector<16xf32>
        %mul3A_1689 = arith.mulf %get3A_1687, %mul3A_1688 : vector<16xf32>
        %swap3A_1690 = arith.index_cast %add3A_1676 : i32 to index
        %swap3A_1691 = arith.constant 16 : index
        %swap3A_1692 = tpu.vector_load %arg22[%swap3A_1690, %swap3A_1691] {strides = array<i32>} : memref<128x128xf32, #tpu.memory_space<vmem>>, vector<16xf32>,
        tpu.vector_store %arg22[%swap3A_1690, %swap3A_1691], %mul3A_1689 {strides = array<i32>} : memref<128x128xf32, #tpu.memory_space<vmem>>, vector<16xf32>,
        %get3A_1693 = arith.index_cast %add3A_1676 : i32 to index
        %get3A_1694 = arith.constant 32 : index
        %get3A_1695 = tpu.vector_load %arg22[%get3A_1693, %get3A_1694] {strides = array<i32>} : memref<128x128xf32, #tpu.memory_space<vmem>>, vector<16xf32>,
        %mul3A_1696 = vector.broadcast %squeeze3A_1674 : f32 to vector<16xf32>
        %mul3A_1697 = arith.mulf %get3A_1695, %mul3A_1696 : vector<16xf32>
        %swap3A_1698 = arith.index_cast %add3A_1676 : i32 to index
        %swap3A_1699 = arith.constant 32 : index
        %swap3A_1700 = tpu.vector_load %arg22[%swap3A_1698, %swap3A_1699] {strides = array<i32>} : memref<128x128xf32, #tpu.memory_space<vmem>>, vector<16xf32>,
        tpu.vector_store %arg22[%swap3A_1698, %swap3A_1699], %mul3A_1697 {strides = array<i32>} : memref<128x128xf32, #tpu.memory_space<vmem>>, vector<16xf32>,
        %get3A_1701 = arith.index_cast %add3A_1676 : i32 to index
        %get3A_1702 = arith.constant 48 : index
        %get3A_1703 = tpu.vector_load %arg22[%get3A_1701, %get3A_1702] {strides = array<i32>} : memref<128x128xf32, #tpu.memory_space<vmem>>, vector<16xf32>,
        %mul3A_1704 = vector.broadcast %squeeze3A_1674 : f32 to vector<16xf32>
        %mul3A_1705 = arith.mulf %get3A_1703, %mul3A_1704 : vector<16xf32>
        %swap3A_1706 = arith.index_cast %add3A_1676 : i32 to index
        %swap3A_1707 = arith.constant 48 : index
        %swap3A_1708 = tpu.vector_load %arg22[%swap3A_1706, %swap3A_1707] {strides = array<i32>} : memref<128x128xf32, #tpu.memory_space<vmem>>, vector<16xf32>,
        tpu.vector_store %arg22[%swap3A_1706, %swap3A_1707], %mul3A_1705 {strides = array<i32>} : memref<128x128xf32, #tpu.memory_space<vmem>>, vector<16xf32>,
        %get3A_1709 = arith.index_cast %add3A_1676 : i32 to index
        %get3A_1710 = arith.constant 64 : index
        %get3A_1711 = tpu.vector_load %arg22[%get3A_1709, %get3A_1710] {strides = array<i32>} : memref<128x128xf32, #tpu.memory_space<vmem>>, vector<16xf32>,
        %mul3A_1712 = vector.broadcast %squeeze3A_1674 : f32 to vector<16xf32>
        %mul3A_1713 = arith.mulf %get3A_1711, %mul3A_1712 : vector<16xf32>
        %swap3A_1714 = arith.index_cast %add3A_1676 : i32 to index
        %swap3A_1715 = arith.constant 64 : index
        %swap3A_1716 = tpu.vector_load %arg22[%swap3A_1714, %swap3A_1715] {strides = array<i32>} : memref<128x128xf32, #tpu.memory_space<vmem>>, vector<16xf32>,
        tpu.vector_store %arg22[%swap3A_1714, %swap3A_1715], %mul3A_1713 {strides = array<i32>} : memref<128x128xf32, #tpu.memory_space<vmem>>, vector<16xf32>,
        %get3A_1717 = arith.index_cast %add3A_1676 : i32 to index
        %get3A_1718 = arith.constant 80 : index
        %get3A_1719 = tpu.vector_load %arg22[%get3A_1717, %get3A_1718] {strides = array<i32>} : memref<128x128xf32, #tpu.memory_space<vmem>>, vector<16xf32>,
        %mul3A_1720 = vector.broadcast %squeeze3A_1674 : f32 to vector<16xf32>
        %mul3A_1721 = arith.mulf %get3A_1719, %mul3A_1720 : vector<16xf32>
        %swap3A_1722 = arith.index_cast %add3A_1676 : i32 to index
        %swap3A_1723 = arith.constant 80 : index
        %swap3A_1724 = tpu.vector_load %arg22[%swap3A_1722, %swap3A_1723] {strides = array<i32>} : memref<128x128xf32, #tpu.memory_space<vmem>>, vector<16xf32>,
        tpu.vector_store %arg22[%swap3A_1722, %swap3A_1723], %mul3A_1721 {strides = array<i32>} : memref<128x128xf32, #tpu.memory_space<vmem>>, vector<16xf32>,
        %get3A_1725 = arith.index_cast %add3A_1676 : i32 to index
        %get3A_1726 = arith.constant 96 : index
        %get3A_1727 = tpu.vector_load %arg22[%get3A_1725, %get3A_1726] {strides = array<i32>} : memref<128x128xf32, #tpu.memory_space<vmem>>, vector<16xf32>,
        %mul3A_1728 = vector.broadcast %squeeze3A_1674 : f32 to vector<16xf32>
        %mul3A_1729 = arith.mulf %get3A_1727, %mul3A_1728 : vector<16xf32>
        %swap3A_1730 = arith.index_cast %add3A_1676 : i32 to index
        %swap3A_1731 = arith.constant 96 : index
        %swap3A_1732 = tpu.vector_load %arg22[%swap3A_1730, %swap3A_1731] {strides = array<i32>} : memref<128x128xf32, #tpu.memory_space<vmem>>, vector<16xf32>,
        tpu.vector_store %arg22[%swap3A_1730, %swap3A_1731], %mul3A_1729 {strides = array<i32>} : memref<128x128xf32, #tpu.memory_space<vmem>>, vector<16xf32>,
        %get3A_1733 = arith.index_cast %add3A_1676 : i32 to index
        %get3A_1734 = arith.constant 112 : index
        %get3A_1735 = tpu.vector_load %arg22[%get3A_1733, %get3A_1734] {strides = array<i32>} : memref<128x128xf32, #tpu.memory_space<vmem>>, vector<16xf32>,
        %mul3A_1736 = vector.broadcast %squeeze3A_1674 : f32 to vector<16xf32>
        %mul3A_1737 = arith.mulf %get3A_1735, %mul3A_1736 : vector<16xf32>
        %swap3A_1738 = arith.index_cast %add3A_1676 : i32 to index
        %swap3A_1739 = arith.constant 112 : index
        %swap3A_1740 = tpu.vector_load %arg22[%swap3A_1738, %swap3A_1739] {strides = array<i32>} : memref<128x128xf32, #tpu.memory_space<vmem>>, vector<16xf32>,
        tpu.vector_store %arg22[%swap3A_1738, %swap3A_1739], %mul3A_1737 {strides = array<i32>} : memref<128x128xf32, #tpu.memory_space<vmem>>, vector<16xf32>,
        %slice3A_1741 = vector.extract_strided_slice %select_n3A_723 {offsets = [15], sizes = [1], strides = [1]} : vector<16xf32> to vector<1xf32>
        %squeeze3A_1742 = vector.extract %slice3A_1741[0] : f32 from vector<1xf32>
        %add3A_1743 = arith.constant 15 : i32
        %add3A_1744 = arith.addi %mul3A_694, %add3A_1743 : i32
        %get3A_1745 = arith.index_cast %add3A_1744 : i32 to index
        %get3A_1746 = arith.constant 0 : index
        %get3A_1747 = tpu.vector_load %arg22[%get3A_1745, %get3A_1746] {strides = array<i32>} : memref<128x128xf32, #tpu.memory_space<vmem>>, vector<16xf32>,
        %mul3A_1748 = vector.broadcast %squeeze3A_1742 : f32 to vector<16xf32>
        %mul3A_1749 = arith.mulf %get3A_1747, %mul3A_1748 : vector<16xf32>
        %swap3A_1750 = arith.index_cast %add3A_1744 : i32 to index
        %swap3A_1751 = arith.constant 0 : index
        %swap3A_1752 = tpu.vector_load %arg22[%swap3A_1750, %swap3A_1751] {strides = array<i32>} : memref<128x128xf32, #tpu.memory_space<vmem>>, vector<16xf32>,
        tpu.vector_store %arg22[%swap3A_1750, %swap3A_1751], %mul3A_1749 {strides = array<i32>} : memref<128x128xf32, #tpu.memory_space<vmem>>, vector<16xf32>,
        %get3A_1753 = arith.index_cast %add3A_1744 : i32 to index
        %get3A_1754 = arith.constant 16 : index
        %get3A_1755 = tpu.vector_load %arg22[%get3A_1753, %get3A_1754] {strides = array<i32>} : memref<128x128xf32, #tpu.memory_space<vmem>>, vector<16xf32>,
        %mul3A_1756 = vector.broadcast %squeeze3A_1742 : f32 to vector<16xf32>
        %mul3A_1757 = arith.mulf %get3A_1755, %mul3A_1756 : vector<16xf32>
        %swap3A_1758 = arith.index_cast %add3A_1744 : i32 to index
        %swap3A_1759 = arith.constant 16 : index
        %swap3A_1760 = tpu.vector_load %arg22[%swap3A_1758, %swap3A_1759] {strides = array<i32>} : memref<128x128xf32, #tpu.memory_space<vmem>>, vector<16xf32>,
        tpu.vector_store %arg22[%swap3A_1758, %swap3A_1759], %mul3A_1757 {strides = array<i32>} : memref<128x128xf32, #tpu.memory_space<vmem>>, vector<16xf32>,
        %get3A_1761 = arith.index_cast %add3A_1744 : i32 to index
        %get3A_1762 = arith.constant 32 : index
        %get3A_1763 = tpu.vector_load %arg22[%get3A_1761, %get3A_1762] {strides = array<i32>} : memref<128x128xf32, #tpu.memory_space<vmem>>, vector<16xf32>,
        %mul3A_1764 = vector.broadcast %squeeze3A_1742 : f32 to vector<16xf32>
        %mul3A_1765 = arith.mulf %get3A_1763, %mul3A_1764 : vector<16xf32>
        %swap3A_1766 = arith.index_cast %add3A_1744 : i32 to index
        %swap3A_1767 = arith.constant 32 : index
        %swap3A_1768 = tpu.vector_load %arg22[%swap3A_1766, %swap3A_1767] {strides = array<i32>} : memref<128x128xf32, #tpu.memory_space<vmem>>, vector<16xf32>,
        tpu.vector_store %arg22[%swap3A_1766, %swap3A_1767], %mul3A_1765 {strides = array<i32>} : memref<128x128xf32, #tpu.memory_space<vmem>>, vector<16xf32>,
        %get3A_1769 = arith.index_cast %add3A_1744 : i32 to index
        %get3A_1770 = arith.constant 48 : index
        %get3A_1771 = tpu.vector_load %arg22[%get3A_1769, %get3A_1770] {strides = array<i32>} : memref<128x128xf32, #tpu.memory_space<vmem>>, vector<16xf32>,
        %mul3A_1772 = vector.broadcast %squeeze3A_1742 : f32 to vector<16xf32>
        %mul3A_1773 = arith.mulf %get3A_1771, %mul3A_1772 : vector<16xf32>
        %swap3A_1774 = arith.index_cast %add3A_1744 : i32 to index
        %swap3A_1775 = arith.constant 48 : index
        %swap3A_1776 = tpu.vector_load %arg22[%swap3A_1774, %swap3A_1775] {strides = array<i32>} : memref<128x128xf32, #tpu.memory_space<vmem>>, vector<16xf32>,
        tpu.vector_store %arg22[%swap3A_1774, %swap3A_1775], %mul3A_1773 {strides = array<i32>} : memref<128x128xf32, #tpu.memory_space<vmem>>, vector<16xf32>,
        %get3A_1777 = arith.index_cast %add3A_1744 : i32 to index
        %get3A_1778 = arith.constant 64 : index
        %get3A_1779 = tpu.vector_load %arg22[%get3A_1777, %get3A_1778] {strides = array<i32>} : memref<128x128xf32, #tpu.memory_space<vmem>>, vector<16xf32>,
        %mul3A_1780 = vector.broadcast %squeeze3A_1742 : f32 to vector<16xf32>
        %mul3A_1781 = arith.mulf %get3A_1779, %mul3A_1780 : vector<16xf32>
        %swap3A_1782 = arith.index_cast %add3A_1744 : i32 to index
        %swap3A_1783 = arith.constant 64 : index
        %swap3A_1784 = tpu.vector_load %arg22[%swap3A_1782, %swap3A_1783] {strides = array<i32>} : memref<128x128xf32, #tpu.memory_space<vmem>>, vector<16xf32>,
        tpu.vector_store %arg22[%swap3A_1782, %swap3A_1783], %mul3A_1781 {strides = array<i32>} : memref<128x128xf32, #tpu.memory_space<vmem>>, vector<16xf32>,
        %get3A_1785 = arith.index_cast %add3A_1744 : i32 to index
        %get3A_1786 = arith.constant 80 : index
        %get3A_1787 = tpu.vector_load %arg22[%get3A_1785, %get3A_1786] {strides = array<i32>} : memref<128x128xf32, #tpu.memory_space<vmem>>, vector<16xf32>,
        %mul3A_1788 = vector.broadcast %squeeze3A_1742 : f32 to vector<16xf32>
        %mul3A_1789 = arith.mulf %get3A_1787, %mul3A_1788 : vector<16xf32>
        %swap3A_1790 = arith.index_cast %add3A_1744 : i32 to index
        %swap3A_1791 = arith.constant 80 : index
        %swap3A_1792 = tpu.vector_load %arg22[%swap3A_1790, %swap3A_1791] {strides = array<i32>} : memref<128x128xf32, #tpu.memory_space<vmem>>, vector<16xf32>,
        tpu.vector_store %arg22[%swap3A_1790, %swap3A_1791], %mul3A_1789 {strides = array<i32>} : memref<128x128xf32, #tpu.memory_space<vmem>>, vector<16xf32>,
        %get3A_1793 = arith.index_cast %add3A_1744 : i32 to index
        %get3A_1794 = arith.constant 96 : index
        %get3A_1795 = tpu.vector_load %arg22[%get3A_1793, %get3A_1794] {strides = array<i32>} : memref<128x128xf32, #tpu.memory_space<vmem>>, vector<16xf32>,
        %mul3A_1796 = vector.broadcast %squeeze3A_1742 : f32 to vector<16xf32>
        %mul3A_1797 = arith.mulf %get3A_1795, %mul3A_1796 : vector<16xf32>
        %swap3A_1798 = arith.index_cast %add3A_1744 : i32 to index
        %swap3A_1799 = arith.constant 96 : index
        %swap3A_1800 = tpu.vector_load %arg22[%swap3A_1798, %swap3A_1799] {strides = array<i32>} : memref<128x128xf32, #tpu.memory_space<vmem>>, vector<16xf32>,
        tpu.vector_store %arg22[%swap3A_1798, %swap3A_1799], %mul3A_1797 {strides = array<i32>} : memref<128x128xf32, #tpu.memory_space<vmem>>, vector<16xf32>,
        %get3A_1801 = arith.index_cast %add3A_1744 : i32 to index
        %get3A_1802 = arith.constant 112 : index
        %get3A_1803 = tpu.vector_load %arg22[%get3A_1801, %get3A_1802] {strides = array<i32>} : memref<128x128xf32, #tpu.memory_space<vmem>>, vector<16xf32>,
        %mul3A_1804 = vector.broadcast %squeeze3A_1742 : f32 to vector<16xf32>
        %mul3A_1805 = arith.mulf %get3A_1803, %mul3A_1804 : vector<16xf32>
        %swap3A_1806 = arith.index_cast %add3A_1744 : i32 to index
        %swap3A_1807 = arith.constant 112 : index
        %swap3A_1808 = tpu.vector_load %arg22[%swap3A_1806, %swap3A_1807] {strides = array<i32>} : memref<128x128xf32, #tpu.memory_space<vmem>>, vector<16xf32>,
        tpu.vector_store %arg22[%swap3A_1806, %swap3A_1807], %mul3A_1805 {strides = array<i32>} : memref<128x128xf32, #tpu.memory_space<vmem>>, vector<16xf32>,
        %scan3A_1809 = arith.constant 0 : i32
        scf.yield %scan3A_1809 : i32
      }
      %scan3A_627 = arith.constant 8 : i32
      %jit3A_628 = arith.constant 8 : i32
      %div3A_629 = arith.divsi %add3A_170, %jit3A_628 : i32
      %sign3A_630 = arith.constant 0 : i32
      %sign3A_631 = arith.cmpi sgt, %add3A_170, %sign3A_630 : i32
      %sign3A_632 = arith.extui %sign3A_631 : i1 to i32
      %sign3A_633 = arith.constant 0 : i32
      %sign3A_634 = arith.cmpi slt, %add3A_170, %sign3A_633 : i32
      %sign3A_635 = arith.extui %sign3A_634 : i1 to i32
      %sign3A_636 = arith.subi %sign3A_632, %sign3A_635 : i32
      %sign3A_637 = arith.constant 0 : i32
      %sign3A_638 = arith.cmpi sgt, %jit3A_628, %sign3A_637 : i32
      %sign3A_639 = arith.extui %sign3A_638 : i1 to i32
      %sign3A_640 = arith.constant 0 : i32
      %sign3A_641 = arith.cmpi slt, %jit3A_628, %sign3A_640 : i32
      %sign3A_642 = arith.extui %sign3A_641 : i1 to i32
      %sign3A_643 = arith.subi %sign3A_639, %sign3A_642 : i32
      %ne3A_644 = arith.cmpi ne, %sign3A_636, %sign3A_643 : i32
      %rem3A_645 = arith.remsi %add3A_170, %jit3A_628 : i32
      %ne3A_646 = arith.constant 0 : i32
      %ne3A_647 = arith.cmpi ne, %rem3A_645, %ne3A_646 : i32
      %and3A_648 = arith.andi %ne3A_644, %ne3A_647 : i1
      %sub3A_649 = arith.constant 1 : i32
      %sub3A_650 = arith.subi %div3A_629, %sub3A_649 : i32
      %select_n3A_651 = arith.select %and3A_648, %sub3A_650, %div3A_629 : i32
      %jit3A_652 = arith.constant 2 : i32
      %eq3A_653 = arith.constant 0 : i32
      %eq3A_654 = arith.cmpi eq, %jit3A_652, %eq3A_653 : i32
      %jit3A_655 = arith.constant 1 : i32
      %select_n3A_656 = arith.select %eq3A_654, %jit3A_655, %jit3A_652 : i32
      %rem3A_657 = arith.remsi %select_n3A_651, %select_n3A_656 : i32
      %ne3A_658 = arith.constant 0 : i32
      %ne3A_659 = arith.cmpi ne, %rem3A_657, %ne3A_658 : i32
      %lt3A_660 = arith.constant 0 : i32
      %lt3A_661 = arith.cmpi slt, %rem3A_657, %lt3A_660 : i32
      %lt3A_662 = arith.constant 0 : i32
      %lt3A_663 = arith.cmpi slt, %select_n3A_656, %lt3A_662 : i32
      %ne3A_664 = arith.xori %lt3A_661, %lt3A_663 : i1
      %and3A_665 = arith.andi %ne3A_664, %ne3A_659 : i1
      %add3A_666 = arith.addi %rem3A_657, %select_n3A_656 : i32
      %select_n3A_667 = arith.select %and3A_665, %add3A_666, %rem3A_657 : i32
      %jit3A_668 = arith.constant 8 : i32
      %eq3A_669 = arith.constant 0 : i32
      %eq3A_670 = arith.cmpi eq, %jit3A_668, %eq3A_669 : i32
      %jit3A_671 = arith.constant 1 : i32
      %select_n3A_672 = arith.select %eq3A_670, %jit3A_671, %jit3A_668 : i32
      %rem3A_673 = arith.remsi %add3A_170, %select_n3A_672 : i32
      %ne3A_674 = arith.constant 0 : i32
      %ne3A_675 = arith.cmpi ne, %rem3A_673, %ne3A_674 : i32
      %lt3A_676 = arith.constant 0 : i32
      %lt3A_677 = arith.cmpi slt, %rem3A_673, %lt3A_676 : i32
      %lt3A_678 = arith.constant 0 : i32
      %lt3A_679 = arith.cmpi slt, %select_n3A_672, %lt3A_678 : i32
      %ne3A_680 = arith.xori %lt3A_677, %lt3A_679 : i1
      %and3A_681 = arith.andi %ne3A_680, %ne3A_675 : i1
      %add3A_682 = arith.addi %rem3A_673, %select_n3A_672 : i32
      %select_n3A_683 = arith.select %and3A_681, %add3A_682, %rem3A_673 : i32
      %dma_start3A_684 = arith.constant 0 : i32
      %dma_start3A_685 = tpu.memref_slice %arg14[%select_n3A_667, %select_n3A_683, %dma_start3A_684] : memref<2x8x128xi32, #tpu.memory_space<vmem>> -> memref<1x1x128xi32, #tpu.memory_space<vmem>>
      %dma_start3A_686 = tpu.memref_squeeze %dma_start3A_685 : memref<1x1x128xi32, #tpu.memory_space<vmem>> -> memref<128xi32, #tpu.memory_space<vmem>>
      %dma_start3A_687 = arith.constant 0 : i32
      %dma_start3A_688 = arith.constant 0 : i32
      %dma_start3A_689 = tpu.memref_slice %arg12[%dma_start3A_687, %dma_start3A_688] : memref<10112x128xf32, #tpu.memory_space<vmem_shared>> -> memref<10112x128xf32, #tpu.memory_space<vmem_shared>>
      tpu.enqueue_indirect_dma source(%arg22 : memref<128x128xf32, #tpu.memory_space<vmem>>) target(%dma_start3A_689 : memref<10112x128xf32, #tpu.memory_space<vmem_shared>>) offsets(%dma_start3A_686 : memref<128xi32, #tpu.memory_space<vmem>>) semaphore(%arg30 : memref<!tpu.dma_semaphore, #tpu.memory_space<semaphore_mem>>) {add = true}
      %scan3A_690 = arith.constant 0 : i32
      scf.yield %scan3A_690 : i32
    }
    %scan3A_150 = arith.constant 40 : i32
    %dma_wait3A = arith.constant 0 : i32
    %dma_wait3A_151 = arith.constant 0 : i32
    %dma_wait3A_152 = tpu.memref_slice %arg12[%dma_wait3A, %dma_wait3A_151] : memref<10112x128xf32, #tpu.memory_space<vmem_shared>> -> memref<128x128xf32, #tpu.memory_space<vmem_shared>>
    %dma_wait3A_153 = arith.constant 0 : i32
    %dma_wait3A_154 = arith.constant 0 : i32
    %dma_wait3A_155 = tpu.memref_slice %arg12[%dma_wait3A_153, %dma_wait3A_154] : memref<10112x128xf32, #tpu.memory_space<vmem_shared>> -> memref<128x128xf32, #tpu.memory_space<vmem_shared>>
    tpu.wait_dma2 semaphore(%arg29 : memref<!tpu.dma_semaphore, #tpu.memory_space<semaphore_mem>>) src(%arg21 : memref<128x128xf32, #tpu.memory_space<vmem>>) dst(%dma_wait3A_155 : memref<128x128xf32, #tpu.memory_space<vmem_shared>>)
    %dma_wait3A_156 = arith.constant 0 : i32
    %dma_wait3A_157 = arith.constant 0 : i32
    %dma_wait3A_158 = tpu.memref_slice %arg12[%dma_wait3A_156, %dma_wait3A_157] : memref<10112x128xf32, #tpu.memory_space<vmem_shared>> -> memref<128x128xf32, #tpu.memory_space<vmem_shared>>
    %dma_wait3A_159 = arith.constant 0 : i32
    %dma_wait3A_160 = arith.constant 0 : i32
    %dma_wait3A_161 = tpu.memref_slice %arg12[%dma_wait3A_159, %dma_wait3A_160] : memref<10112x128xf32, #tpu.memory_space<vmem_shared>> -> memref<128x128xf32, #tpu.memory_space<vmem_shared>>
    tpu.wait_dma2 semaphore(%arg30 : memref<!tpu.dma_semaphore, #tpu.memory_space<semaphore_mem>>) src(%arg22 : memref<128x128xf32, #tpu.memory_space<vmem>>) dst(%dma_wait3A_161 : memref<128x128xf32, #tpu.memory_space<vmem_shared>>)
    %mul3A_162 = arith.constant 10112 : i32
    %mul3A_163 = arith.muli %add3A, %mul3A_162 : i32
    "tpu.region"() ({
      %run_scoped3A_165 = tpu.sem_alloc : memref<!tpu.dma_semaphore, #tpu.memory_space<semaphore_mem>>
      %dma_start3A_166 = tpu.memref_slice %arg11[%mul3A_163] : memref<323584xf32, #tpu.memory_space<hbm>> -> memref<10112xf32, #tpu.memory_space<hbm>>
      %dma_start3A_167 = tpu.memref_slice %arg11[%mul3A_163] : memref<323584xf32, #tpu.memory_space<hbm>> -> memref<10112xf32, #tpu.memory_space<hbm>>
      tpu.enqueue_dma source(%arg20 : memref<10112xf32, #tpu.memory_space<vmem>>) target(%dma_start3A_167 : memref<10112xf32, #tpu.memory_space<hbm>>) target_semaphore(%run_scoped3A_165 : memref<!tpu.dma_semaphore, #tpu.memory_space<semaphore_mem>>)
      %dma_wait3A_168 = tpu.memref_slice %arg11[%mul3A_163] : memref<323584xf32, #tpu.memory_space<hbm>> -> memref<10112xf32, #tpu.memory_space<hbm>>
      %dma_wait3A_169 = tpu.memref_slice %arg11[%mul3A_163] : memref<323584xf32, #tpu.memory_space<hbm>> -> memref<10112xf32, #tpu.memory_space<hbm>>
      tpu.wait_dma2 semaphore(%run_scoped3A_165 : memref<!tpu.dma_semaphore, #tpu.memory_space<semaphore_mem>>) src(%arg20 : memref<10112xf32, #tpu.memory_space<vmem>>) dst(%dma_wait3A_169 : memref<10112xf32, #tpu.memory_space<hbm>>)
      tpu.yield
    }) : () -> ()
    %barrier3A_164 = arith.constant 0 : index
    tpu.barrier barrier_id(%barrier3A_164)
    "tpu.region"() ({
      %run_scoped3A_165 = tpu.sem_alloc : memref<!tpu.dma_semaphore, #tpu.memory_space<semaphore_mem>>
      %dma_start3A_166 = arith.constant 0 : i32
      %dma_start3A_167 = tpu.memref_slice %arg10[%arg0, %mul3A_16, %dma_start3A_166] : memref<2x10112x128xf32, #tpu.memory_space<hbm>> -> memref<1x632x128xf32, #tpu.memory_space<hbm>>
      %dma_start3A_168 = tpu.memref_squeeze %dma_start3A_167 : memref<1x632x128xf32, #tpu.memory_space<hbm>> -> memref<632x128xf32, #tpu.memory_space<hbm>>
      %dma_start3A_169 = arith.constant 0 : i32
      %dma_start3A_170 = tpu.memref_slice %arg12[%mul3A_16, %dma_start3A_169] : memref<10112x128xf32, #tpu.memory_space<vmem_shared>> -> memref<632x128xf32, #tpu.memory_space<vmem_shared>>
      tpu.enqueue_dma source(%dma_start3A_170 : memref<632x128xf32, #tpu.memory_space<vmem_shared>>) target(%dma_start3A_168 : memref<632x128xf32, #tpu.memory_space<hbm>>) target_semaphore(%run_scoped3A_165 : memref<!tpu.dma_semaphore, #tpu.memory_space<semaphore_mem>>)
      %dma_wait3A_171 = arith.constant 0 : i32
      %dma_wait3A_172 = tpu.memref_slice %arg10[%arg0, %mul3A_16, %dma_wait3A_171] : memref<2x10112x128xf32, #tpu.memory_space<hbm>> -> memref<1x632x128xf32, #tpu.memory_space<hbm>>
      %dma_wait3A_173 = tpu.memref_squeeze %dma_wait3A_172 : memref<1x632x128xf32, #tpu.memory_space<hbm>> -> memref<632x128xf32, #tpu.memory_space<hbm>>
      %dma_wait3A_174 = arith.constant 0 : i32
      %dma_wait3A_175 = tpu.memref_slice %arg12[%mul3A_16, %dma_wait3A_174] : memref<10112x128xf32, #tpu.memory_space<vmem_shared>> -> memref<632x128xf32, #tpu.memory_space<vmem_shared>>
      tpu.wait_dma2 semaphore(%run_scoped3A_165 : memref<!tpu.dma_semaphore, #tpu.memory_space<semaphore_mem>>) src(%dma_wait3A_175 : memref<632x128xf32, #tpu.memory_space<vmem_shared>>) dst(%dma_wait3A_173 : memref<632x128xf32, #tpu.memory_space<hbm>>)
      tpu.yield
    }) : () -> ()
    return
  }
}

module attributes {stable_mosaic.version = 14 : i64} {
  func.func @_phase_a_body(%arg0: memref<10000x128xf32, #tpu.memory_space<vmem>>, %arg1: memref<128x128xf32, #tpu.memory_space<vmem>>, %arg2: memref<128xf32, #tpu.memory_space<vmem>>, %arg3: memref<1x256xf32, #tpu.memory_space<vmem>>, %arg4: memref<1xf32, #tpu.memory_space<vmem>>, %arg5: memref<10000x128xf32, #tpu.memory_space<vmem>>, %arg6: memref<10112xf32, #tpu.memory_space<vmem>>, %arg7: memref<10112xf32, #tpu.memory_space<vmem>>, %arg8: memref<16xf32, #tpu.memory_space<vmem>>) attributes {dimension_semantics = [], scalar_prefetch = 0 : i64, scratch_operands = 0 : i64, tpu.core_type = #tpu.core_type<tc>} {
    %get3A = arith.constant 0 : index
    %get3A_0 = arith.constant 0 : index
    %get3A_1 = vector.load %arg0[%get3A, %get3A_0] : memref<10000x128xf32, #tpu.memory_space<vmem>>, vector<10000x128xf32>
    %get3A_2 = arith.constant 0 : index
    %get3A_3 = arith.constant 0 : index
    %get3A_4 = vector.load %arg1[%get3A_2, %get3A_3] : memref<128x128xf32, #tpu.memory_space<vmem>>, vector<128x128xf32>
    %dot_general3A = arith.constant dense<0.000000e+00> : vector<10000x128xf32>
    %dot_general3A_5 = tpu.matmul %get3A_1, %get3A_4, %dot_general3A {dimension_numbers = #tpu.dot_dimension_numbers<[1], [1], [0], [0], [0, 0, 1, 0], [], []>, transpose_lhs_hint = false} : vector<10000x128xf32>, vector<128x128xf32>, vector<10000x128xf32> -> vector<10000x128xf32>
    %get3A_6 = arith.constant 0 : index
    %get3A_7 = vector.load %arg2[%get3A_6] : memref<128xf32, #tpu.memory_space<vmem>>, vector<128xf32>
    %broadcast_in_dim3A = vector.shape_cast %get3A_7 : vector<128xf32> to vector<1x128xf32>
    %add3A = vector.broadcast %broadcast_in_dim3A : vector<1x128xf32> to vector<10000x128xf32>
    %add3A_8 = arith.addf %dot_general3A_5, %add3A : vector<10000x128xf32>
    %swap3A = arith.constant 0 : index
    %swap3A_9 = arith.constant 0 : index
    %swap3A_10 = vector.load %arg5[%swap3A, %swap3A_9] : memref<10000x128xf32, #tpu.memory_space<vmem>>, vector<10000x128xf32>
    tpu.vector_store %arg5[%swap3A, %swap3A_9], %add3A_8 {strides = array<i32>} : memref<10000x128xf32, #tpu.memory_space<vmem>>, vector<10000x128xf32>,
    %get3A_11 = arith.constant 0 : index
    %get3A_12 = arith.constant 0 : index
    %get3A_13 = vector.load %arg3[%get3A_11, %get3A_12] : memref<1x256xf32, #tpu.memory_space<vmem>>, vector<1x256xf32>
    %reshape3A = vector.shape_cast %get3A_13 : vector<1x256xf32> to vector<2x128xf32>
    %dot_general3A_14 = arith.constant dense<0.000000e+00> : vector<10000x2xf32>
    %dot_general3A_15 = tpu.matmul %add3A_8, %reshape3A, %dot_general3A_14 {dimension_numbers = #tpu.dot_dimension_numbers<[1], [1], [0], [0], [0, 0, 1, 0], [], []>, transpose_lhs_hint = false} : vector<10000x128xf32>, vector<2x128xf32>, vector<10000x2xf32> -> vector<10000x2xf32>
    %slice3A = vector.extract_strided_slice %dot_general3A_15 {offsets = [0, 0], sizes = [10000, 1], strides = [1, 1]} : vector<10000x2xf32> to vector<10000x1xf32>
    %squeeze3A = vector.shape_cast %slice3A : vector<10000x1xf32> to vector<10000xf32>
    %get3A_16 = arith.constant 0 : index
    %get3A_17 = vector.load %arg4[%get3A_16] : memref<1xf32, #tpu.memory_space<vmem>>, vector<1xf32>
    %get3A_18 = vector.extract %get3A_17[0] : f32 from vector<1xf32>
    %add3A_19 = vector.broadcast %get3A_18 : f32 to vector<10000xf32>
    %add3A_20 = arith.addf %squeeze3A, %add3A_19 : vector<10000xf32>
    %slice3A_21 = vector.extract_strided_slice %dot_general3A_15 {offsets = [0, 1], sizes = [10000, 1], strides = [1, 1]} : vector<10000x2xf32> to vector<10000x1xf32>
    %squeeze3A_22 = vector.shape_cast %slice3A_21 : vector<10000x1xf32> to vector<10000xf32>
    %broadcast_in_dim3A_23 = arith.constant 0.000000e+00 : f32
    %broadcast_in_dim3A_24 = vector.broadcast %broadcast_in_dim3A_23 : f32 to vector<112xf32>
    %concatenate3A = tpu.concatenate %add3A_20, %broadcast_in_dim3A_24 in 0 : vector<10000xf32>, vector<112xf32> -> vector<10112xf32>
    %swap3A_25 = arith.constant 0 : index
    %swap3A_26 = vector.load %arg6[%swap3A_25] : memref<10112xf32, #tpu.memory_space<vmem>>, vector<10112xf32>
    tpu.vector_store %arg6[%swap3A_25], %concatenate3A {strides = array<i32>} : memref<10112xf32, #tpu.memory_space<vmem>>, vector<10112xf32>,
    %concatenate3A_27 = tpu.concatenate %squeeze3A_22, %broadcast_in_dim3A_24 in 0 : vector<10000xf32>, vector<112xf32> -> vector<10112xf32>
    %swap3A_28 = arith.constant 0 : index
    %swap3A_29 = vector.load %arg7[%swap3A_28] : memref<10112xf32, #tpu.memory_space<vmem>>, vector<10112xf32>
    tpu.vector_store %arg7[%swap3A_28], %concatenate3A_27 {strides = array<i32>} : memref<10112xf32, #tpu.memory_space<vmem>>, vector<10112xf32>,
    %reduce_max3A = vector.shape_cast %add3A_20 : vector<10000xf32> to vector<1x10000xf32>
    %reduce_max3A_30 = arith.constant dense<0xFF800000> : vector<1xf32>
    %reduce_max3A_31 = vector.multi_reduction <maximumf>, %reduce_max3A, %reduce_max3A_30 [1] : vector<1x10000xf32> to vector<1xf32>
    %reduce_max3A_32 = vector.shape_cast %reduce_max3A_31 : vector<1xf32> to vector<1x1xf32>
    %reduce_max3A_33 = vector.extract %reduce_max3A_32[0, 0] : f32 from vector<1x1xf32>
    %reduce_max3A_34 = vector.shape_cast %squeeze3A_22 : vector<10000xf32> to vector<1x10000xf32>
    %reduce_max3A_35 = arith.constant dense<0xFF800000> : vector<1xf32>
    %reduce_max3A_36 = vector.multi_reduction <maximumf>, %reduce_max3A_34, %reduce_max3A_35 [1] : vector<1x10000xf32> to vector<1xf32>
    %reduce_max3A_37 = vector.shape_cast %reduce_max3A_36 : vector<1xf32> to vector<1x1xf32>
    %reduce_max3A_38 = vector.extract %reduce_max3A_37[0, 0] : f32 from vector<1x1xf32>
    %add3A_39 = arith.addf %reduce_max3A_33, %reduce_max3A_38 : f32
    %lt3A = arith.constant 0.000000e+00 : f32
    %lt3A_40 = arith.cmpf olt, %add3A_39, %lt3A : f32
    %mul3A = arith.constant 2.000000e-01 : f32
    %mul3A_41 = arith.mulf %mul3A, %add3A_39 : f32
    %select_n3A = arith.select %lt3A_40, %mul3A_41, %add3A_39 : f32
    %broadcast_in_dim3A_42 = vector.broadcast %select_n3A : f32 to vector<16xf32>
    %swap3A_43 = arith.constant 0 : index
    %swap3A_44 = vector.load %arg8[%swap3A_43] : memref<16xf32, #tpu.memory_space<vmem>>, vector<16xf32>
    tpu.vector_store %arg8[%swap3A_43], %broadcast_in_dim3A_42 {strides = array<i32>} : memref<16xf32, #tpu.memory_space<vmem>>, vector<16xf32>,
    return
  }
}

module attributes {stable_mosaic.version = 14 : i64} {
  func.func @_phase_c_body(%arg0: memref<2x10000x128xf32, #tpu.memory_space<vmem>>, %arg1: memref<32x10000xf32, #tpu.memory_space<vmem>>, %arg2: memref<10000x128xf32, #tpu.memory_space<vmem>>) attributes {dimension_semantics = [], scalar_prefetch = 0 : i64, scratch_operands = 0 : i64, tpu.core_type = #tpu.core_type<tc>} {
    %get3A = arith.constant 0 : index
    %get3A_0 = arith.constant 0 : index
    %get3A_1 = arith.constant 0 : index
    %get3A_2 = vector.load %arg0[%get3A, %get3A_0, %get3A_1] : memref<2x10000x128xf32, #tpu.memory_space<vmem>>, vector<1x10000x128xf32>
    %get3A_3 = vector.shape_cast %get3A_2 : vector<1x10000x128xf32> to vector<10000x128xf32>
    %get3A_4 = arith.constant 1 : index
    %get3A_5 = arith.constant 0 : index
    %get3A_6 = arith.constant 0 : index
    %get3A_7 = vector.load %arg0[%get3A_4, %get3A_5, %get3A_6] : memref<2x10000x128xf32, #tpu.memory_space<vmem>>, vector<1x10000x128xf32>
    %get3A_8 = vector.shape_cast %get3A_7 : vector<1x10000x128xf32> to vector<10000x128xf32>
    %add3A = arith.addf %get3A_3, %get3A_8 : vector<10000x128xf32>
    %get3A_9 = arith.constant 0 : index
    %get3A_10 = arith.constant 0 : index
    %get3A_11 = vector.load %arg1[%get3A_9, %get3A_10] : memref<32x10000xf32, #tpu.memory_space<vmem>>, vector<32x10000xf32>
    %reduce_sum3A = arith.constant dense<0.000000e+00> : vector<10000xf32>
    %reduce_sum3A_12 = vector.multi_reduction <add>, %get3A_11, %reduce_sum3A [0] : vector<32x10000xf32> to vector<10000xf32>
    %broadcast_in_dim3A = vector.shape_cast %reduce_sum3A_12 : vector<10000xf32> to vector<10000x1xf32>
    %add3A_13 = arith.constant 9.99999971E-10 : f32
    %add3A_14 = vector.broadcast %add3A_13 : f32 to vector<10000x1xf32>
    %add3A_15 = arith.addf %broadcast_in_dim3A, %add3A_14 : vector<10000x1xf32>
    %div3A = vector.broadcast %add3A_15 : vector<10000x1xf32> to vector<10000x128xf32>
    %div3A_16 = arith.divf %add3A, %div3A : vector<10000x128xf32>
    %swap3A = arith.constant 0 : index
    %swap3A_17 = arith.constant 0 : index
    %swap3A_18 = vector.load %arg2[%swap3A, %swap3A_17] : memref<10000x128xf32, #tpu.memory_space<vmem>>, vector<10000x128xf32>
    tpu.vector_store %arg2[%swap3A, %swap3A_17], %div3A_16 {strides = array<i32>} : memref<10000x128xf32, #tpu.memory_space<vmem>>, vector<10000x128xf32>,
    return
  }
}

</mosaic_0001>

<sc_bundles>
// kernel: _run.5.cloned.1.call-start
scs
__scs_entry_jumppad:
0x0: {  	(pc) =	sbr.rel $0x88, $3  }
0x1: {  	(tag) =	ssettag $0x0;
	lr =	simm.s32 $0x1  }
0x2: {  	[smem:$0x3F99] =	sst lr;
	_ =	strace $0xD0000000  }
0x3: {  	_ = 	snop  }
0x4: {  	_ = 	snop  }
0x5: {  	_ = 	snop  }
0x6: {  	_ = 	snop  }
0x7: {  	_ = 	snop  }
__scs_overlays_trampoline_lowered:
0x8: {  	[smem:$0x3FA8] =	sst s0  }
0x9: {  	[smem:$0x3FA9] =	sst s1  }
0xa: {  	[smem:$0x3FAA] =	sst s2  }
0xb: {  	[smem:$0x3FAB] =	sst s3  }
0xc: {  	[smem:$0x3FAC] =	sst s4  }
0xd: {  	[smem:$0x3FAD] =	sst s5  }
0xe: {  	[smem:$0x3FAE] =	sst s6  }
0xf: {  	[smem:$0x3FAF] =	sst s7  }
0x10: {  	[smem:$0x3FB0] =	sst s8  }
0x11: {  	[smem:$0x3FB1] =	sst s9;
	s0 =	simm.s32 @!p0 $0x0  }
0x12: {  	s1 =	sld [smem:$0x3F97];
	s0 =	simm.s32 @p0 $0x1  }
0x13: {  	[smem:$0x3FB2] =	sst s0;
	s0 =	simm.s32 @!p1 $0x0  }
0x14: {  	s2 =	sld [smem:$0x3F96];
	s0 =	simm.s32 @p1 $0x1  }
0x15: {  	[smem:$0x3FB3] =	sst s0;
	s0 =	simm.s32 @!p2 $0x0  }
0x16: {  	s3 =	sld [smem:$0x3FDB];
	s0 =	simm.s32 @p2 $0x1  }
0x17: {  	s4 =	simm.s32 $0x1BF5;
	[smem:$0x3FB5] =	sst s0  }
0x18: {  	s0 =	sld [smem:$0x3F98];
	_ =	swait.ge [sflag:s4], $0x0  }
0x19: {  	s7 =	sld [smem:$0x3F99]  }
0x1a: {  	s8 =	sadd.s32 $0xFFFFE003, lr  }
0x1b: {  	s9 =	sadd.s32 $0xFFFFFEF7, lr;
	s5 =	simm.s32 $0xFFFFFFFF;
	p2 =	slt.u32 s8, $0xFFFFF086  }
0x1c: {  	p1 =	slt.u32 s9, $0xF7A;
	s5 =	simm.s32 @!p2 $0x0  }
0x1d: {  	s5 =	simm.s32 @p1 $0x1;
	p0 =	seq.s32 s7, s2  }
0x1e: {  	s7 =	smul.u32 @!p0 $0xF7A, s2;
	p2 =	seq.s32 @!p0 s5, $0x0  }
0x1f: {  	s9 =	smul.u32 $0xF7A, s1;
	s8 =	simm.s32 @!p0 $0x1BF5;
	p2 =	por !p2, p0  }
0x20: {  	[sflag:s8] =	ssyncset.s32 @!p0 $0xFFFFF086;
	s6 =	sadd.s32 @!p0 s3, s7;
	s7 =	simm.s32 @!p0 $0x108  }
0x21: {  	s3 =	sadd.s32 s3, s9;
	s6 =	sadd.s32 @!p0 $0x88, s6;
	s7 =	simm.s32 @p2 $0x1082  }
0x22: {  	[simem:s7], [sflag:s8] =	dma.local @!p0 [hbm:s6], $0xF7A  }
0x23: {  	s9 =	sor.u32 $0xD0000000, s2;
	s6 =	simm.s32 $0x108;
	_ =	swait.ge @!p0 [sflag:s8], $0x0  }
0x24: {  	s3 =	sadd.s32 $0x88, s3;
	s6 =	simm.s32 @!p1 $0x1082;
	[sflag:s4] =	ssyncset.s32 $0xFFFFF086  }
0x25: {  	[simem:s6], [sflag:s4] =	dma.local [hbm:s3], $0xF7A  }
0x26: {  	[smem:$0x3F99] =	sst s1;
	(tag) =	ssettag s2;
	_ =	strace s9  }
0x27: {  	s1 =	sld [smem:$0x3FA9]  }
0x28: {  	s2 =	sld [smem:$0x3FAA]  }
0x29: {  	s4 =	sld [smem:$0x3FAC]  }
0x2a: {  	p0 =	seq.s32 s5, $0x0;
	s5 =	sld [smem:$0x3FAD]  }
0x2b: {  	s6 =	sld [smem:$0x3FAE]  }
0x2c: {  	s7 =	sld [smem:$0x3FAF]  }
0x2d: {  	s3 =	simm.s32 $0x108;
	s8 =	sld [smem:$0x3FB0]  }
0x2e: {  	s3 =	simm.s32 @!p0 $0x1082;
	s9 =	sld [smem:$0x3FB1]  }
0x2f: {  	lr =	sadd.s32 s0, s3;
	s0 =	sld [smem:$0x3FA8]  }
0x30: {  	s3 =	sld [smem:$0x3FAB]  }
0x31: {  	[smem:$0x3FB4] =	sst s10  }
0x32: {  	s10 =	sld [smem:$0x3FB2];
	_ =	sdelay $0x3  }
0x33: {  	p0 =	seq.s32 s10, $0x1;
	s10 =	sld [smem:$0x3FB4];
	_ =	sdelay $0x3  }
0x34: {  	[smem:$0x3FB4] =	sst s10  }
0x35: {  	s10 =	sld [smem:$0x3FB3];
	_ =	sdelay $0x3  }
0x36: {  	p1 =	seq.s32 s10, $0x1;
	s10 =	sld [smem:$0x3FB4];
	_ =	sdelay $0x3  }
0x37: {  	[smem:$0x3FB4] =	sst s10  }
0x38: {  	s10 =	sld [smem:$0x3FB5]  }
0x39: {  	_ = 	snop;
	(pc) =	sbr.ind lr, $3  }
0x3a: {  	_ = 	snop  }
0x3b: {  	_ = 	snop  }
0x3c: {  	p2 =	seq.s32 s10, $0x1;
	s10 =	sld [smem:$0x3FB4]  }
0x3d: {  	_ =	shalt  }
0x3e: {  	_ =	shalt  }
0x3f: {  	_ =	shalt  }
0x40: {  	_ =	shalt  }
0x41: {  	_ =	shalt  }
0x42: {  	_ =	shalt  }
0x43: {  	_ =	shalt  }
0x44: {  	_ =	shalt  }
0x45: {  	_ =	shalt  }
0x46: {  	_ =	shalt  }
0x47: {  	_ =	shalt  }
0x48: {  	_ =	shalt  }
0x49: {  	_ =	shalt  }
0x4a: {  	_ =	shalt  }
0x4b: {  	_ =	shalt  }
0x4c: {  	_ =	shalt  }
0x4d: {  	_ =	shalt  }
0x4e: {  	_ =	shalt  }
0x4f: {  	_ =	shalt  }
0x50: {  	_ =	shalt  }
0x51: {  	_ =	shalt  }
0x52: {  	_ =	shalt  }
0x53: {  	_ =	shalt  }
0x54: {  	_ =	shalt  }
0x55: {  	_ =	shalt  }
0x56: {  	_ =	shalt  }
0x57: {  	_ =	shalt  }
0x58: {  	_ =	shalt  }
0x59: {  	_ =	shalt  }
0x5a: {  	_ =	shalt  }
0x5b: {  	_ =	shalt  }
0x5c: {  	_ =	shalt  }
0x5d: {  	_ =	shalt  }
0x5e: {  	_ =	shalt  }
0x5f: {  	_ =	shalt  }
0x60: {  	_ =	shalt  }
0x61: {  	_ =	shalt  }
0x62: {  	_ =	shalt  }
0x63: {  	_ =	shalt  }
0x64: {  	_ =	shalt  }
0x65: {  	_ =	shalt  }
0x66: {  	_ =	shalt  }
0x67: {  	_ =	shalt  }
0x68: {  	_ =	shalt  }
0x69: {  	_ =	shalt  }
0x6a: {  	_ =	shalt  }
0x6b: {  	_ =	shalt  }
0x6c: {  	_ =	shalt  }
0x6d: {  	_ =	shalt  }
0x6e: {  	_ =	shalt  }
0x6f: {  	_ =	shalt  }
0x70: {  	_ =	shalt  }
0x71: {  	_ =	shalt  }
0x72: {  	_ =	shalt  }
0x73: {  	_ =	shalt  }
0x74: {  	_ =	shalt  }
0x75: {  	_ =	shalt  }
0x76: {  	_ =	shalt  }
0x77: {  	_ =	shalt  }
0x78: {  	_ =	shalt  }
0x79: {  	_ =	shalt  }
0x7a: {  	_ =	shalt  }
0x7b: {  	_ =	shalt  }
0x7c: {  	_ =	shalt  }
0x7d: {  	_ =	shalt  }
0x7e: {  	_ =	shalt  }
0x7f: {  	_ =	shalt  }
0x80: {  	_ =	shalt  }
0x81: {  	_ =	shalt  }
0x82: {  	_ =	shalt  }
0x83: {  	_ =	shalt  }
0x84: {  	_ =	shalt  }
0x85: {  	_ =	shalt  }
0x86: {  	_ =	shalt  }
0x87: {  	_ =	shalt  }
.Lfunc_end0:
.L_simem_size_0:
called_computation_lowered:
.L_overlay_start_0:
0x88: {  	s2 =	sld [smem:$0x3FD9]  }
0x89: {  	s3 =	sld [smem:$0x3FFE];
	_ =	sdelay $0x1  }
0x8a: {  	s1 =	srdreg.scid  }
0x8b: {  	s0 =	sand.u32 $0x1, s1  }
0x8c: {  	s17 =	sshll.u32 s0, $0xA;
	s2 =	sadd.s32 s3, s2  }
0x8d: {  	s2 =	sadd.s32 s2, s17  }
0x8e: {  	[smem:$0x3FC0] =	sst s2  }
0x8f: {  	_ = 	snop  }
0x90: {  	s2 =	sld [smem:$0x3FD0];
	(tm) =	ssettm $0x1  }
0x91: {  	s18 =	sld [smem:$0x3FFB];
	_ =	sdelay $0x3  }
0x92: {  	_ =	strace s18  }
0x93: {  	s3 =	sld [smem:$0x3FFC];
	_ =	sdelay $0x3  }
0x94: {  	_ =	strace s3  }
0x95: {  	s3 =	sld [smem:$0x3FFD];
	_ =	sdelay $0x3  }
0x96: {  	_ =	strace s3  }
0x97: {  	_ =	strace $0x8FFFFFFF  }
0x98: {  	s19 =	sld [smem:$0x3FDB];
	_ =	sdelay $0x1  }
0x99: {  	s4 =	simm.s32 $_scs_section_size  }
0x9a: {  	s5 =	simm.s32 $_size__tile_overlayer_lowered;
	s6 =	simm.s32 $_tile_overlayer_lowered  }
0x9b: {  	s22 =	simm.s32 $0x1BFF;
	s21 =	sshll.u32 s6, $0x1;
	s3 =	sadd.s32 s4, s19  }
0x9c: {  	s7 =	simm.s32 $0x0;
	s20 =	sshll.u32 s5, $0x1;
	s5 =	sadd.s32 s21, s3  }
0x9d: {  	[timem:s7], [sflag:s22] =	dma.local [hbm:s5], s20  }
0x9e: {  	_ =	swait.ge [sflag:s22], s20  }
0x9f: {  	s4 =	ssub.s32 $0x0, s20;
	[sflag:s22] =	ssyncset.done $0x0  }
0xa0: {  	[sflag:s22] =	ssyncadd.s32 s4;
	_ =	sdelay $0x1  }
0xa1: {  	s23 =	simm.s32 $0x1B8B  }
0xa2: {  	_ =	swait.ge [sflag:s23], $0x1  }
0xa3: {  	[sflag:s23] =	ssyncset.done $0x0  }
0xa4: {  	s25 =	simm.s32 $0x1B8E;
	s24 =	sld [smem:$0x3FFE];
	[sflag:s23] =	ssyncadd.s32 $0xFFFFFFFF  }
0xa5: {  	s26 =	simm.s32 $execute0_lowered;
	[smem:$0x3FD2] =	sst s25  }
0xa6: {  	s5 =	sshll.u32 s26, $0x1;
	_ =	strace $0x80000046;
	[dreg:$0x1] =	wrdreg $0xFFFFFFFF  }
0xa7: {  	s28 =	simm.s32 $_size_execute0_lowered;
	s3 =	sadd.s32 s3, s5;
	[dreg:$0x0] =	wrdreg $0x0  }
0xa8: {  	s5 =	sshll.u32 s28, $0x1;
	[dreg:$0x2] =	wrdreg s3  }
0xa9: {  	[dreg:$0x3] =	wrdreg s5  }
0xaa: {  	[dreg:$0x4] =	wrdreg $0xC0  }
0xab: {  	_ =	task [dreg:s7], $0x5FFFF  }
0xac: {  	[dreg:$0x1] =	wrdreg $0xFFFFFFFF  }
0xad: {  	[dreg:$0x0] =	wrdreg $0x60  }
0xae: {  	[dreg:$0x2] =	wrdreg s2  }
0xaf: {  	[dreg:$0x3] =	wrdreg s24  }
0xb0: {  	[dreg:$0x4] =	wrdreg $0x0  }
0xb1: {  	[dreg:$0x5] =	wrdreg $0x9  }
0xb2: {  	_ =	task.clear_ibuf [dreg:s7], $0x6FFFF;
	_ =	strace $0x90000046  }
0xb3: {  	s29 =	simm.s32 $0x9;
	_ =	strace $0x80000048  }
0xb4: {  	_ =	swait.ge [sflag:s29], $0x1  }
0xb5: {  	[sflag:s29] =	ssyncadd.s32 $0xFFFFFFFF  }
0xb6: {  	_ =	strace $0x90000048  }
0xb7: {  	_ =	sfence  }
0xb8: {  	s30 =	sld [smem:$0x0];
	_ =	sdelay $0x2  }
0xb9: {  	s31 =	sshll.u32 s1, $0xD;
	s1 =	sshrl.u32 s1, $0x2  }
0xba: {  	s3 =	sand.u32 $0x4000, s31;
	s1 =	sadd.s32 s1, s30  }
0xbb: {  	s0 =	sor.u32 s3, s0;
	s1 =	sshll.u32 s1, $0x11  }
0xbc: {  	s0 =	sor.u32 s1, s0  }
0xbd: {  	s0 =	sadd.s32 $0x8F2B, s0  }
0xbe: {  	[sflag:s0] =	ssyncadd.remote.s32 $0x1  }
0xbf: {  	_ =	sfence.sel $0xFFFF  }
0xc0: {  	[dreg:$0x0] =	wrdreg $0xFFFFFFFF;
	(pc) =	sbr.abs _section_cstart, $3  }
0xc1: {  	[dreg:$0x1] =	wrdreg $0xFFFFFFFF  }
0xc2: {  	_ =	task.clear_ibuf [dreg:s7], $0x2FFFF;
	_ =	strace $0x9FFFFFFF  }
0xc3: {  	(tm) =	ssettm $0x7FFFFFFF  }
tec
execute0_lowered:
.L_overlay_start_1:
0x0: {  	(tag) =	ssettag $0x1  }
0x1: {  	s1 =	rddreg [dreg:$0x0]  }
0x2: {  	s0 =	rddreg [dreg:$0x1]  }
0x3: {  	s2 =	rddreg [dreg:$0x2];
	s22 =	simm.s32 $0x0  }
0x4: {  	s3 =	srdreg.scid;
	s12 =	stileid.u32;
	s29 =	simm.s32 $0x8  }
0x5: {  	s31 =	simm.s32 $0x17D80;
	s30 =	simm.s32 $0x80;
	s28 =	simm.s32 $0x1ED80  }
0x6: {  	[smem:$0x7FF] =	sst s22;
	s3 =	sand.u32 $0x1, s3;
	s5 =	sadd.s32 $0x1FC00, s0  }
0x7: {  	s10 =	smul.u32 $0x13C00, s12;
	s6 =	sadd.s32 $0x20200, s0;
	s7 =	sadd.s32 $0x15C00, s0  }
0x8: {  	s8 =	sadd.s32 $0xBC00, s0;
	s9 =	sadd.s32 $0x1C00, s0;
	s26 =	smul.u32 $0x4F000, s12  }
0x9: {  	s11 =	sadd.s32 $0x20A00, s0;
	s13 =	sadd.s32 $0x20800, s0;
	s4 =	smul.u32 $0x13C000, s3  }
0xa: {  	_ =	strace $0x80000047;
	[dreg:$0x4] =	wrdreg s11;
	s25 =	sshll.u32 s3, $0x4  }
0xb: {  	[dreg:$0x5] =	wrdreg s13;
	s3 =	ssub.s32 $0x2, s3;
	s11 =	sshrl.u32 s26, $0x2  }
0xc: {  	s14 =	sshrl.u32 s3, $0x1;
	s4 =	sadd.s32 s10, s4;
	s10 =	sor.u32 s12, s25  }
0xd: {  	s23 =	sadd.s32 s11, s2;
	s3 =	ssub.s32 s3, s14;
	s4 =	sshrl.u32 s4, $0x3  }
0xe: {  	s12 =	smul.u32 $0x4F0, s10;
	s11 =	sadd.s32 $0x4000, s23;
	[dreg:$0x6] =	wrdreg s23  }
0xf: {  	s13 =	smul.u32 $0x2800, s10;
	s14 =	sadd.s32 $0xC000, s23;
	[dreg:$0x7] =	wrdreg s11  }
0x10: {  	s25 =	smax.u32 s3, $0x1;
	s26 =	sadd.s32 $0x10000, s23;
	[dreg:$0x9] =	wrdreg s14  }
0x11: {  	s3 =	simm.s32 $0x20;
	s4 =	sadd.s32 s4, s0;
	[dreg:$0x12] =	wrdreg s25  }
0x12: {  	[dreg:$0x13] =	wrdreg s26;
	s0 =	sadd.s32 s12, s0;
	s12 =	sadd.s32 $0x8000, s23  }
0x13: {  	s15 =	sshrl.u32 s13, $0x3;
	s24 =	sadd.s32 $0x20C00, s4;
	[dreg:$0x8] =	wrdreg s12  }
0x14: {  	s11 =	simm.s32 $0x15580;
	s16 =	sadd.s32 s7, s15;
	[dreg:$0x11] =	wrdreg s24  }
0x15: {  	s14 =	simm.s32 $0x1BD80;
	s17 =	sadd.s32 s8, s15;
	[dreg:$0xa] =	wrdreg s16  }
0x16: {  	s4 =	simm.s32 $0x0;
	s10 =	sadd.s32 s9, s15;
	[dreg:$0xb] =	wrdreg s17  }
0x17: {  	s18 =	sor.u32 $0x80, s15;
	s0 =	sadd.s32 $0x6FC00, s0;
	[dreg:$0xc] =	wrdreg s10  }
0x18: {  	s15 =	simm.s32 $0x1CD80;
	s19 =	sadd.s32 s7, s18;
	[dreg:$0x10] =	wrdreg s0  }
0x19: {  	s20 =	sadd.s32 s8, s18;
	s21 =	sadd.s32 s9, s18;
	[dreg:$0xd] =	wrdreg s19  }
0x1a: {  	s10 =	simm.s32 $0x15500;
	s16 =	simm.s32 $0x1DD80;
	[dreg:$0xe] =	wrdreg s20  }
0x1b: {  	s17 =	simm.s32 $0x3;
	s18 =	simm.s32 $0x1;
	[dreg:$0xf] =	wrdreg s21  }
0x1c: {  	v0 =	vimm.f32 $0.0e+00;
	s19 =	simm.s32 $0x15600;
	s20 =	simm.s32 $0x4;
	s21 =	simm.s32 $0x2  }
.LBB2_1:
0x1d: {  	[dreg:$0x14] =	wrdreg s4  }
0x1e: {  	s0 =	rddreg [dreg:$0x5];
	s24 =	simm.s32 $0x1FD80  }
0x1f: {  	[tilespmem:s24], [sflag:$0x8] =	stream.linear.gather [hbm4b:s0+s22], $0x80, $0x38;
	[tilespmem:$0x1FE80] =	vst v63  }
0x20: {  	_ =	swait.ge [sflag:s29], $0x80  }
0x21: {  	[sflag:s29] =	ssyncset.done $0x0  }
0x22: {  	s26 =	simm.s32 $0x1FE00;
	s25 =	rddreg [dreg:$0x4];
	[sflag:s29] =	ssyncadd.s32 $0xFFFFFF80  }
0x23: {  	[tilespmem:s26], [sflag:$0x8] =	stream.linear.gather [hbm4b:s25+s22], $0x80, $0x38;
	[tilespmem:$0x1FE80] =	vst v63  }
0x24: {  	_ =	swait.ge [sflag:s29], $0x80  }
0x25: {  	[sflag:s29] =	ssyncset.done $0x0  }
0x26: {  	s0 =	simm.s32 $0x0;
	[sflag:s29] =	ssyncadd.s32 $0xFFFFFF80  }
.LBB2_2:
0x27: {  	p0 =	sne.s32 s0, $0x9DC0  }
.Ltmp0:
0x28: {  	_ = 	snop;
	(pc) =	sbr.rel @p0 .LBB2_2-.Ltmp0, $3  }
0x29: {  	_ =	sdelay $0x1  }
0x2a: {  	s4 =	sshra.s32 s0, $0x2  }
0x2b: {  	s0 =	sadd.s32 $0x40, s0;
	[tilespmem:s4+$0x15600] =	vst v0  }
0x2c: {  	s0 =	simm.s32 $0x0  }
0x2d: {  	s4 =	sand.u32 $0xFE00, s0  }
0x2e: {  	s12 =	sand.u32 $0x70, s0;
	s22 =	sshrl.u32 s4, $0x2  }
0x2f: {  	s4 =	simm.s32 $0x40;
	s12 =	sor.u32 s12, s22  }
.LBB2_4:
0x30: {  	p0 =	sne.s32 s4, $0xFFC0  }
0x31: {  	[tilespmem:s12+$0x17D80] =	vst v0;
	s0 =	sadd.s32 $0x10, s0;
	s12 =	smov.u32 s4;
	s4 =	sadd.s32 $0x40, s4  }
.Ltmp1:
0x32: {  	(pc) =	sbr.rel @p0 .LBB2_4-.Ltmp1, $4  }
0x33: {  	_ = 	snop  }
0x34: {  	s12 =	sand.u32 $0xFE00, s12  }
0x35: {  	s22 =	sand.u32 $0x70, s0;
	s12 =	sshrl.u32 s12, $0x2  }
0x36: {  	s12 =	sor.u32 s22, s12  }
0x37: {  	[tilespmem:s12+$0x17D80] =	vst v0  }
0x38: {  	[spmem:s23] =	stream.linear.scatter [tilespmem:s31], [sflag:$0x8], $0x4000, $0x38;
	[tilespmem:$0x1FE80] =	vst v63  }
0x39: {  	_ =	swait.ge [sflag:s29], $0x4000  }
0x3a: {  	[sflag:s29] =	ssyncset.done $0x0  }
0x3b: {  	s0 =	rddreg [dreg:$0x7];
	[sflag:s29] =	ssyncadd.s32 $0xFFFFC000  }
0x3c: {  	[spmem:s0] =	stream.linear.scatter [tilespmem:s31], [sflag:$0x8], $0x4000, $0x38;
	[tilespmem:$0x1FE80] =	vst v63  }
0x3d: {  	_ =	swait.ge [sflag:s29], $0x4000  }
0x3e: {  	[sflag:s29] =	ssyncset.done $0x0  }
0x3f: {  	s4 =	rddreg [dreg:$0x8];
	[sflag:s29] =	ssyncadd.s32 $0xFFFFC000  }
0x40: {  	[spmem:s4] =	stream.linear.scatter [tilespmem:s31], [sflag:$0x8], $0x4000, $0x38;
	[tilespmem:$0x1FE80] =	vst v63  }
0x41: {  	_ =	swait.ge [sflag:s29], $0x4000  }
0x42: {  	[sflag:s29] =	ssyncset.done $0x0  }
0x43: {  	s12 =	rddreg [dreg:$0x9];
	[sflag:s29] =	ssyncadd.s32 $0xFFFFC000  }
0x44: {  	[spmem:s12] =	stream.linear.scatter [tilespmem:s31], [sflag:$0x8], $0x4000, $0x38;
	[tilespmem:$0x1FE80] =	vst v63  }
0x45: {  	_ =	swait.ge [sflag:s29], $0x4000  }
0x46: {  	[sflag:s29] =	ssyncset.done $0x0  }
0x47: {  	s22 =	rddreg [dreg:$0x13];
	[sflag:s29] =	ssyncadd.s32 $0xFFFFC000  }
0x48: {  	[spmem:s22] =	stream.linear.scatter [tilespmem:s31], [sflag:$0x8], $0x3C00, $0x38;
	[tilespmem:$0x1FE80] =	vst v63  }
0x49: {  	_ =	swait.ge [sflag:s29], $0x3C00  }
0x4a: {  	[sflag:s29] =	ssyncset.done $0x0  }
0x4b: {  	[sflag:s29] =	ssyncadd.s32 $0xFFFFC400  }
0x4c: {  	v1 =	vld [tilespmem:$0x1FD80]  }
0x4d: {  	v2 =	vld [tilespmem:$0x1FE00];
	[bflag:$0x0] =	sbarrier.arrive $0xFFFF  }
0x4e: {  	s25 =	simm.s32 $0x0;
	s4 =	simm.s32 $0x13C00;
	s23 =	rddreg [dreg:$0xa]  }
0x4f: {  	[tilespmem:s4], [sflag:$0x8] =	stream.linear.gather [hbm4b:s23+s25], $0x400, $0x38;
	[tilespmem:$0x1FE80] =	vst v63  }
0x50: {  	_ =	swait.ge [sflag:s29], $0x400  }
0x51: {  	[sflag:s29] =	ssyncset.done $0x0  }
0x52: {  	s12 =	simm.s32 $0x14400;
	s24 =	rddreg [dreg:$0xb];
	[sflag:s29] =	ssyncadd.s32 $0xFFFFFC00  }
0x53: {  	[tilespmem:s12], [sflag:$0x8] =	stream.linear.gather [hbm4b:s24+s25], $0x400, $0x38;
	[tilespmem:$0x1FE80] =	vst v63  }
0x54: {  	_ =	swait.ge [sflag:s29], $0x400  }
0x55: {  	[sflag:s29] =	ssyncset.done $0x0  }
0x56: {  	s22 =	simm.s32 $0x14C00;
	s26 =	rddreg [dreg:$0xc];
	[sflag:s29] =	ssyncadd.s32 $0xFFFFFC00  }
0x57: {  	[tilespmem:s22], [sflag:$0x8] =	stream.linear.gather [hbm4b:s26+s25], $0x400, $0x38;
	[tilespmem:$0x1FE80] =	vst v63  }
0x58: {  	_ =	swait.ge [sflag:s29], $0x400  }
0x59: {  	[sflag:s29] =	ssyncset.done $0x0  }
0x5a: {  	s23 =	simm.s32 $0x14000;
	s22 =	rddreg [dreg:$0xd];
	[sflag:s29] =	ssyncadd.s32 $0xFFFFFC00  }
0x5b: {  	[tilespmem:s23], [sflag:$0x7] =	stream.linear.gather [hbm4b:s22+s25], $0x400, $0x38;
	[tilespmem:$0x1FE80] =	vst v63  }
0x5c: {  	s26 =	simm.s32 $0x14800;
	s24 =	rddreg [dreg:$0xe]  }
0x5d: {  	[tilespmem:s26], [sflag:$0x7] =	stream.linear.gather [hbm4b:s24+s25], $0x400, $0x38;
	[tilespmem:$0x1FE80] =	vst v63  }
0x5e: {  	s22 =	rddreg [dreg:$0xf];
	s23 =	simm.s32 $0x15000  }
0x5f: {  	[tilespmem:s23], [sflag:$0x7] =	stream.linear.gather [hbm4b:s22+s25], $0x400, $0x38;
	[tilespmem:$0x1FE80] =	vst v63  }
0x60: {  	s24 =	simm.s32 $0x15400  }
0x61: {  	[tilespmem:s24], [sflag:$0x3] =	stream.indirect.gather [hbm4b:s5+s30], $0x1, s4, s30, $0xb8;
	[tilespmem:$0x1FE80] =	vst v63  }
0x62: {  	s26 =	simm.s32 $0x15480  }
0x63: {  	[tilespmem:s26], [sflag:$0x3] =	stream.indirect.gather [hbm4b:s6+s30], $0x1, s12, s30, $0xb8;
	[tilespmem:$0x1FE80] =	vst v63  }
0x64: {  	_ = 	snop  }
0x65: {  	[tilespmem:s31], [sflag:$0x1] =	stream.indirect.gather [hbm4b:s1+s3], $0x80, s4, s3, $0xb8;
	[tilespmem:$0x1FE80] =	vst v63  }
0x66: {  	s12 =	simm.s32 $0x18D80;
	s4 =	simm.s32 $0x13C20  }
0x67: {  	[tilespmem:s12], [sflag:$0x1] =	stream.indirect.gather [hbm4b:s1+s3], $0x80, s4, s3, $0xb8;
	[tilespmem:$0x1FE80] =	vst v63  }
0x68: {  	s22 =	simm.s32 $0x13C40;
	s23 =	simm.s32 $0x19D80  }
0x69: {  	[tilespmem:s23], [sflag:$0x1] =	stream.indirect.gather [hbm4b:s1+s3], $0x80, s22, s3, $0xb8;
	[tilespmem:$0x1FE80] =	vst v63  }
0x6a: {  	s24 =	simm.s32 $0x13C60;
	s26 =	simm.s32 $0x1AD80  }
0x6b: {  	[tilespmem:s26], [sflag:$0x1] =	stream.indirect.gather [hbm4b:s1+s3], $0x80, s24, s3, $0xb8;
	[tilespmem:$0x1FE80] =	vst v63  }
.LBB2_6:
0x6c: {  	p1 =	seq.s32 s25, $0x0  }
0x6d: {  	p0 =	sgt.u32 @!p1 s25, $0x23  }
0x6e: {  	s0 =	sand.u32 @!p1 $0x3, s25;
	p2 =	por p0, p1  }
0x6f: {  	p2 =	sne.s32 @!p2 s0, $0x0  }
0x70: {  	p0 =	por @!p1 p2, p0  }
0x71: {  	p0 =	por p0, p1  }
0x72: {  	s0 =	simm.s32 @!p1 $0x6;
	s4 =	sshll.u32 @!p0 s25, $0x8  }
0x73: {  	_ =	swait.ge @!p1 [sflag:s0], $0x4000;
	s4 =	sadd.s32 @!p0 $0x400, s4  }
0x74: {  	[sflag:s0] =	ssyncset.done @!p1 $0x0;
	s12 =	sadd.s32 @!p0 s13, s4  }
0x75: {  	[sflag:s0] =	ssyncadd.s32 @!p1 $0xFFFFC000;
	s0 =	sand.u32 @!p0 $0x400, s4;
	s4 =	sshrl.u32 @!p0 s12, $0x3  }
0x76: {  	s23 =	simm.s32 @!p0 $0x0;
	s12 =	sadd.s32 @!p0 $0x13C00, s0;
	s22 =	sadd.s32 @!p0 s7, s4  }
0x77: {  	[tilespmem:s12], [sflag:$0x7] =	stream.linear.gather @!p0 [hbm4b:s22+s23], $0x400, $0x38;
	[tilespmem:$0x1FE80] =	vst v63  }
0x78: {  	s12 =	sadd.s32 @!p0 $0x14400, s0;
	s22 =	sadd.s32 @!p0 s8, s4  }
0x79: {  	[tilespmem:s12], [sflag:$0x7] =	stream.linear.gather @!p0 [hbm4b:s22+s23], $0x400, $0x38;
	[tilespmem:$0x1FE80] =	vst v63  }
0x7a: {  	s0 =	sadd.s32 @!p0 $0x14C00, s0;
	s4 =	sadd.s32 @!p0 s9, s4  }
0x7b: {  	[tilespmem:s0], [sflag:$0x7] =	stream.linear.gather @!p0 [hbm4b:s4+s23], $0x400, $0x38;
	[tilespmem:$0x1FE80] =	vst v63  }
0x7c: {  	s23 =	sshll.u32 s25, $0x8  }
0x7d: {  	s4 =	sand.u32 $0x700, s23  }
0x7e: {  	s0 =	sadd.s32 $0x13C80, s4  }
0x7f: {  	[tilespmem:s10], [sflag:$0x4] =	stream.indirect.gather [hbm4b:s5+s30], $0x1, s0, s30, $0xb8;
	[tilespmem:$0x1FE80] =	vst v63  }
0x80: {  	s26 =	sadd.s32 $0x14480, s4  }
0x81: {  	[tilespmem:s11], [sflag:$0x4] =	stream.indirect.gather [hbm4b:s6+s30], $0x1, s26, s30, $0xb8;
	[tilespmem:$0x1FE80] =	vst v63  }
0x82: {  	_ = 	snop  }
0x83: {  	[tilespmem:s14], [sflag:$0x2] =	stream.indirect.gather [hbm4b:s1+s3], $0x80, s0, s3, $0xb8;
	[tilespmem:$0x1FE80] =	vst v63  }
0x84: {  	s24 =	sadd.s32 $0x13CA0, s4  }
0x85: {  	[tilespmem:s15], [sflag:$0x2] =	stream.indirect.gather [hbm4b:s1+s3], $0x80, s24, s3, $0xb8;
	[tilespmem:$0x1FE80] =	vst v63  }
0x86: {  	s12 =	sadd.s32 $0x13CC0, s4  }
0x87: {  	[tilespmem:s16], [sflag:$0x2] =	stream.indirect.gather [hbm4b:s1+s3], $0x80, s12, s3, $0xb8;
	[tilespmem:$0x1FE80] =	vst v63  }
0x88: {  	s22 =	sadd.s32 $0x13CE0, s4  }
0x89: {  	[tilespmem:s28], [sflag:$0x2] =	stream.indirect.gather [hbm4b:s1+s3], $0x80, s22, s3, $0xb8;
	[tilespmem:$0x1FE80] =	vst v63  }
0x8a: {  	_ =	swait.ge [sflag:s17], $0x80  }
0x8b: {  	[sflag:s17] =	ssyncset.done $0x0  }
0x8c: {  	[sflag:s17] =	ssyncadd.s32 $0xFFFFFF80  }
0x8d: {  	_ =	swait.ge [sflag:s17], $0x80  }
0x8e: {  	[sflag:s17] =	ssyncset.done $0x0  }
0x8f: {  	[sflag:s17] =	ssyncadd.s32 $0xFFFFFF80  }
0x90: {  	_ =	swait.ge [sflag:s18], $0x1000  }
0x91: {  	[sflag:s18] =	ssyncset.done $0x0  }
0x92: {  	[sflag:s18] =	ssyncadd.s32 $0xFFFFF000  }
0x93: {  	_ =	swait.ge [sflag:s18], $0x1000  }
0x94: {  	[sflag:s18] =	ssyncset.done $0x0  }
0x95: {  	[sflag:s18] =	ssyncadd.s32 $0xFFFFF000  }
0x96: {  	_ =	swait.ge [sflag:s18], $0x1000  }
0x97: {  	s0 =	sshll.u32 s25, $0x1;
	[sflag:s18] =	ssyncset.done $0x0  }
0x98: {  	s23 =	sand.u32 $0x6, s0;
	s24 =	sand.u32 $0x4, s25;
	[sflag:s18] =	ssyncadd.s32 $0xFFFFF000  }
0x99: {  	s23 =	sshll.u32 s23, $0x7;
	s22 =	sshll.u32 s24, $0x8;
	_ =	swait.ge [sflag:s18], $0x1000  }
0x9a: {  	s12 =	sor.u32 s22, s23;
	[sflag:s18] =	ssyncset.done $0x0  }
0x9b: {  	s4 =	sor.u32 $0x80, s4;
	v3 =	vmov s12;
	s12 =	simm.s32 $0x0;
	[sflag:s18] =	ssyncadd.s32 $0xFFFFF000  }
.LBB2_7:
0x9c: {  	s24 =	sshll.u32 s12, $0x4  }
0x9d: {  	v4 =	vld [tilespmem:s24+$0x15400]  }
0x9e: {  	v5 =	vld [tilespmem:s24+$0x15480];
	_ =	sdelay $0x4  }
0x9f: {  	v4 =	vadd.f32 v5, v4;
	_ =	sdelay $0x1  }
0xa0: {  	v5 =	vmul.f32 $2.000000030e-01, v4  }
0xa1: {  	vm0 =	vlt.f32 v4, $0.0e+00  }
0xa2: {  	v4 =	vsel vm0, v5, v4  }
0xa3: {  	v4 =	vsub.f32 v4, v1;
	_ =	sdelay $0x1  }
0xa4: {  	v4 =	vmul.f32 $1.442695020e+00, v4;
	_ =	sdelay $0x1  }
0xa5: {  	(erf) = vpow2.f32 v4;
	_ =	sdelay $0x1  }
0xa6: {  	v5 =	vld.idx.msk [tilespmem:v3+s24+$0x14400 ss:$0x1], $0xffff  }
0xa7: {  	v4 =	vld.idx.msk [tilespmem:v3+s24+$0x14C00 ss:$0x1], $0xffff;
	_ =	sdelay $0x4  }
0xa8: {  	vm1 =	vlt.s32 v5, $0x2710;
	vm15 =	veq.s32 v4, v2  }
0xa9: {  	vm0 =	vmand vm1, vm15;
	v4 =	vpop (erf)  }
0xaa: {  	s24 =	sshll.u32 s12, $0xB;
	v4 =	vnsel vm0, $0x0, v4  }
0xab: {  	s24 =	sand.u32 $0x3FFFF800, s24;
	[tilespmem:v5+s19+$0x0] =	vst.idx.add.f32.msk $0xffff, v4  }
0xac: {  	v5 =	vld [tilespmem:s24+$0x17D80]  }
0xad: {  	v6 =	vld [tilespmem:s24+$0x17D90]  }
0xae: {  	v7 =	vld [tilespmem:s24+$0x17DA0]  }
0xaf: {  	v8 =	vbroadcast v4, $0x0;
	v9 =	vld [tilespmem:s24+$0x17DB0]  }
0xb0: {  	v10 =	vld [tilespmem:s24+$0x17DC0]  }
0xb1: {  	v11 =	vld [tilespmem:s24+$0x17DD0];
	v5 =	vmul.f32 v8, v5  }
0xb2: {  	v12 =	vld [tilespmem:s24+$0x17DE0];
	v6 =	vmul.f32 v8, v6  }
0xb3: {  	v60 =	vld [tilespmem:s24+$0x17DF0];
	[tilespmem:s24+$0x17D80] =	vst v5;
	v5 =	vmul.f32 v8, v7  }
0xb4: {  	v62 =	vld [tilespmem:s24+$0x17E00];
	v61 =	vmul.f32 v9, v8;
	[tilespmem:s24+$0x17D90] =	vst v6  }
0xb5: {  	v63 =	vld [tilespmem:s24+$0x17E10];
	[tilespmem:s24+$0x17DA0] =	vst v5;
	v5 =	vmul.f32 v10, v8  }
0xb6: {  	v17 =	vld [tilespmem:s24+$0x17E20];
	v16 =	vmul.f32 v11, v8;
	[tilespmem:s24+$0x17DB0] =	vst v61  }
0xb7: {  	v18 =	vbroadcast v4, $0x1;
	v13 =	vld [tilespmem:s24+$0x17E30];
	[tilespmem:s24+$0x17DC0] =	vst v5;
	v5 =	vmul.f32 v12, v8  }
0xb8: {  	v20 =	vld [tilespmem:s24+$0x17E40];
	v19 =	vmul.f32 v60, v8;
	[tilespmem:s24+$0x17DD0] =	vst v16  }
0xb9: {  	v21 =	vld [tilespmem:s24+$0x17E50];
	[tilespmem:s24+$0x17DE0] =	vst v5;
	v5 =	vmul.f32 v62, v18  }
0xba: {  	v23 =	vld [tilespmem:s24+$0x17E60];
	v22 =	vmul.f32 v63, v18;
	[tilespmem:s24+$0x17DF0] =	vst v19  }
0xbb: {  	v24 =	vld [tilespmem:s24+$0x17E70];
	[tilespmem:s24+$0x17E00] =	vst v5;
	v5 =	vmul.f32 v17, v18  }
0xbc: {  	v26 =	vld [tilespmem:s24+$0x17E80];
	v25 =	vmul.f32 v13, v18;
	[tilespmem:s24+$0x17E10] =	vst v22  }
0xbd: {  	v27 =	vld [tilespmem:s24+$0x17E90];
	[tilespmem:s24+$0x17E20] =	vst v5;
	v5 =	vmul.f32 v20, v18  }
0xbe: {  	v29 =	vld [tilespmem:s24+$0x17EA0];
	v28 =	vmul.f32 v21, v18;
	[tilespmem:s24+$0x17E30] =	vst v25  }
0xbf: {  	v30 =	vbroadcast v4, $0x2;
	v31 =	vld [tilespmem:s24+$0x17EB0];
	[tilespmem:s24+$0x17E40] =	vst v5;
	v5 =	vmul.f32 v23, v18  }
0xc0: {  	v33 =	vld [tilespmem:s24+$0x17EC0];
	v32 =	vmul.f32 v24, v18;
	[tilespmem:s24+$0x17E50] =	vst v28  }
0xc1: {  	v34 =	vld [tilespmem:s24+$0x17ED0];
	[tilespmem:s24+$0x17E60] =	vst v5;
	v5 =	vmul.f32 v26, v30  }
0xc2: {  	v36 =	vld [tilespmem:s24+$0x17EE0];
	v35 =	vmul.f32 v27, v30;
	[tilespmem:s24+$0x17E70] =	vst v32  }
0xc3: {  	v37 =	vld [tilespmem:s24+$0x17EF0];
	[tilespmem:s24+$0x17E80] =	vst v5;
	v5 =	vmul.f32 v29, v30  }
0xc4: {  	v39 =	vld [tilespmem:s24+$0x17F00];
	v38 =	vmul.f32 v31, v30;
	[tilespmem:s24+$0x17E90] =	vst v35  }
0xc5: {  	v40 =	vld [tilespmem:s24+$0x17F10];
	[tilespmem:s24+$0x17EA0] =	vst v5;
	v5 =	vmul.f32 v33, v30  }
0xc6: {  	v42 =	vld [tilespmem:s24+$0x17F20];
	v41 =	vmul.f32 v34, v30;
	[tilespmem:s24+$0x17EB0] =	vst v38  }
0xc7: {  	v43 =	vbroadcast v4, $0x3;
	v44 =	vld [tilespmem:s24+$0x17F30];
	[tilespmem:s24+$0x17EC0] =	vst v5;
	v5 =	vmul.f32 v36, v30  }
0xc8: {  	v46 =	vld [tilespmem:s24+$0x17F40];
	v45 =	vmul.f32 v37, v30;
	[tilespmem:s24+$0x17ED0] =	vst v41  }
0xc9: {  	v47 =	vld [tilespmem:s24+$0x17F50];
	[tilespmem:s24+$0x17EE0] =	vst v5;
	v5 =	vmul.f32 v39, v43  }
0xca: {  	v49 =	vld [tilespmem:s24+$0x17F60];
	v48 =	vmul.f32 v40, v43;
	[tilespmem:s24+$0x17EF0] =	vst v45  }
0xcb: {  	v50 =	vld [tilespmem:s24+$0x17F70];
	[tilespmem:s24+$0x17F00] =	vst v5;
	v5 =	vmul.f32 v42, v43  }
0xcc: {  	v52 =	vld [tilespmem:s24+$0x17F80];
	v51 =	vmul.f32 v44, v43;
	[tilespmem:s24+$0x17F10] =	vst v48  }
0xcd: {  	v53 =	vld [tilespmem:s24+$0x17F90];
	[tilespmem:s24+$0x17F20] =	vst v5;
	v5 =	vmul.f32 v46, v43  }
0xce: {  	v55 =	vld [tilespmem:s24+$0x17FA0];
	v54 =	vmul.f32 v47, v43;
	[tilespmem:s24+$0x17F30] =	vst v51  }
0xcf: {  	v56 =	vbroadcast v4, $0x4;
	v57 =	vld [tilespmem:s24+$0x17FB0];
	[tilespmem:s24+$0x17F40] =	vst v5;
	v5 =	vmul.f32 v49, v43  }
0xd0: {  	v59 =	vld [tilespmem:s24+$0x17FC0];
	v58 =	vmul.f32 v50, v43;
	[tilespmem:s24+$0x17F50] =	vst v54  }
0xd1: {  	v60 =	vld [tilespmem:s24+$0x17FD0];
	[tilespmem:s24+$0x17F60] =	vst v5;
	v5 =	vmul.f32 v52, v56  }
0xd2: {  	[tilespmem:s24+$0x17F70] =	vst v58;
	v61 =	vmul.f32 v53, v56;
	v62 =	vld [tilespmem:s24+$0x17FE0]  }
0xd3: {  	v25 =	vld [tilespmem:s24+$0x18050];
	[tilespmem:s24+$0x17F80] =	vst v5;
	v5 =	vmul.f32 v55, v56  }
0xd4: {  	v16 =	vmul.f32 v57, v56;
	[tilespmem:s24+$0x17F90] =	vst v61;
	v17 =	vld [tilespmem:s24+$0x18000]  }
0xd5: {  	v38 =	vld [tilespmem:s24+$0x180D0];
	[tilespmem:s24+$0x17FA0] =	vst v5;
	v5 =	vmul.f32 v59, v56  }
0xd6: {  	v21 =	vbroadcast v4, $0x5;
	[tilespmem:s24+$0x17FB0] =	vst v16;
	v19 =	vmul.f32 v60, v56;
	v20 =	vld [tilespmem:s24+$0x18020]  }
0xd7: {  	v51 =	vld [tilespmem:s24+$0x18150];
	[tilespmem:s24+$0x17FC0] =	vst v5;
	v5 =	vmul.f32 v62, v56  }
0xd8: {  	v24 =	vld [tilespmem:s24+$0x18040];
	v34 =	vbroadcast v4, $0x6;
	[tilespmem:s24+$0x17FD0] =	vst v19;
	v32 =	vmul.f32 v25, v21  }
0xd9: {  	v63 =	vld [tilespmem:s24+$0x17FF0];
	[tilespmem:s24+$0x17FE0] =	vst v5;
	v5 =	vmul.f32 v17, v21  }
0xda: {  	v27 =	vld [tilespmem:s24+$0x18060];
	v47 =	vbroadcast v4, $0x7;
	v45 =	vmul.f32 v38, v34;
	[tilespmem:s24+$0x18050] =	vst v32  }
0xdb: {  	v16 =	vld [tilespmem:s24+$0x181D0];
	[tilespmem:s24+$0x18000] =	vst v5;
	v5 =	vmul.f32 v20, v21  }
0xdc: {  	v58 =	vmul.f32 v51, v47;
	[tilespmem:s24+$0x180D0] =	vst v45;
	v30 =	vld [tilespmem:s24+$0x18080]  }
0xdd: {  	v22 =	vld [tilespmem:s24+$0x18030];
	[tilespmem:s24+$0x18020] =	vst v5;
	v5 =	vmul.f32 v24, v21  }
0xde: {  	v60 =	vbroadcast v4, $0x8;
	[tilespmem:s24+$0x18150] =	vst v58;
	v23 =	vmul.f32 v63, v56;
	v33 =	vld [tilespmem:s24+$0x180A0]  }
0xdf: {  	v18 =	vld [tilespmem:s24+$0x18010];
	[tilespmem:s24+$0x18040] =	vst v5;
	v5 =	vmul.f32 v27, v21  }
0xe0: {  	v37 =	vld [tilespmem:s24+$0x180C0];
	[tilespmem:s24+$0x17FF0] =	vst v23;
	v23 =	vmul.f32 v16, v60  }
0xe1: {  	v28 =	vld [tilespmem:s24+$0x18070];
	[tilespmem:s24+$0x18060] =	vst v5;
	v5 =	vmul.f32 v30, v34  }
0xe2: {  	v40 =	vld [tilespmem:s24+$0x180E0];
	v29 =	vmul.f32 v22, v21;
	[tilespmem:s24+$0x181D0] =	vst v23  }
0xe3: {  	v31 =	vld [tilespmem:s24+$0x18090];
	[tilespmem:s24+$0x18080] =	vst v5;
	v5 =	vmul.f32 v33, v34  }
0xe4: {  	v26 =	vmul.f32 v18, v21;
	[tilespmem:s24+$0x18030] =	vst v29;
	v43 =	vld [tilespmem:s24+$0x18100]  }
0xe5: {  	v29 =	vld [tilespmem:s24+$0x18250];
	[tilespmem:s24+$0x180A0] =	vst v5;
	v5 =	vmul.f32 v37, v34  }
0xe6: {  	[tilespmem:s24+$0x18010] =	vst v26;
	v36 =	vmul.f32 v28, v21;
	v46 =	vld [tilespmem:s24+$0x18120]  }
0xe7: {  	v35 =	vld [tilespmem:s24+$0x180B0];
	[tilespmem:s24+$0x180C0] =	vst v5;
	v5 =	vmul.f32 v40, v34  }
0xe8: {  	v50 =	vld [tilespmem:s24+$0x18140];
	v25 =	vbroadcast v4, $0x9;
	[tilespmem:s24+$0x18070] =	vst v36;
	v39 =	vmul.f32 v31, v34  }
0xe9: {  	v41 =	vld [tilespmem:s24+$0x180F0];
	[tilespmem:s24+$0x180E0] =	vst v5;
	v5 =	vmul.f32 v43, v47  }
0xea: {  	v53 =	vld [tilespmem:s24+$0x18160];
	v36 =	vmul.f32 v29, v25;
	[tilespmem:s24+$0x18090] =	vst v39  }
0xeb: {  	v44 =	vld [tilespmem:s24+$0x18110];
	[tilespmem:s24+$0x18100] =	vst v5;
	v5 =	vmul.f32 v46, v47  }
0xec: {  	v42 =	vmul.f32 v35, v34;
	[tilespmem:s24+$0x18250] =	vst v36;
	v56 =	vld [tilespmem:s24+$0x18180]  }
0xed: {  	v48 =	vld [tilespmem:s24+$0x18130];
	[tilespmem:s24+$0x18120] =	vst v5;
	v5 =	vmul.f32 v50, v47  }
0xee: {  	[tilespmem:s24+$0x180B0] =	vst v42;
	v49 =	vmul.f32 v41, v34;
	v59 =	vld [tilespmem:s24+$0x181A0]  }
0xef: {  	v42 =	vld [tilespmem:s24+$0x182D0];
	[tilespmem:s24+$0x18140] =	vst v5;
	v5 =	vmul.f32 v53, v47  }
0xf0: {  	v63 =	vld [tilespmem:s24+$0x181C0];
	[tilespmem:s24+$0x180F0] =	vst v49;
	v52 =	vmul.f32 v44, v47  }
0xf1: {  	v54 =	vld [tilespmem:s24+$0x18170];
	[tilespmem:s24+$0x18160] =	vst v5;
	v5 =	vmul.f32 v56, v60  }
0xf2: {  	v38 =	vbroadcast v4, $0xA;
	v18 =	vld [tilespmem:s24+$0x181E0];
	[tilespmem:s24+$0x18110] =	vst v52;
	v55 =	vmul.f32 v48, v47  }
0xf3: {  	v57 =	vld [tilespmem:s24+$0x18190];
	[tilespmem:s24+$0x18180] =	vst v5;
	v5 =	vmul.f32 v59, v60  }
0xf4: {  	v49 =	vmul.f32 v42, v38;
	[tilespmem:s24+$0x18130] =	vst v55;
	v21 =	vld [tilespmem:s24+$0x18200]  }
0xf5: {  	v55 =	vld [tilespmem:s24+$0x18350];
	[tilespmem:s24+$0x181A0] =	vst v5;
	v5 =	vmul.f32 v63, v60  }
0xf6: {  	[tilespmem:s24+$0x182D0] =	vst v49;
	v62 =	vmul.f32 v54, v47;
	v24 =	vld [tilespmem:s24+$0x18220]  }
0xf7: {  	v61 =	vld [tilespmem:s24+$0x181B0];
	[tilespmem:s24+$0x181C0] =	vst v5;
	v5 =	vmul.f32 v18, v60  }
0xf8: {  	v51 =	vbroadcast v4, $0xB;
	v28 =	vld [tilespmem:s24+$0x18240];
	[tilespmem:s24+$0x18170] =	vst v62;
	v17 =	vmul.f32 v57, v60  }
0xf9: {  	v19 =	vld [tilespmem:s24+$0x181F0];
	[tilespmem:s24+$0x181E0] =	vst v5;
	v5 =	vmul.f32 v21, v25  }
0xfa: {  	v31 =	vld [tilespmem:s24+$0x18260];
	v62 =	vmul.f32 v55, v51;
	[tilespmem:s24+$0x18190] =	vst v17  }
0xfb: {  	v16 =	vbroadcast v4, $0xC;
	v55 =	vld [tilespmem:s24+$0x18530];
	[tilespmem:s24+$0x18200] =	vst v5;
	v5 =	vmul.f32 v24, v25  }
0xfc: {  	v29 =	vbroadcast v4, $0xD;
	v20 =	vmul.f32 v61, v60;
	[tilespmem:s24+$0x18350] =	vst v62;
	v34 =	vld [tilespmem:s24+$0x18280]  }
0xfd: {  	v22 =	vld [tilespmem:s24+$0x18210];
	v42 =	vbroadcast v4, $0xE;
	[tilespmem:s24+$0x18220] =	vst v5;
	v5 =	vmul.f32 v28, v25  }
0xfe: {  	v4 =	vbroadcast v4, $0xF;
	[tilespmem:s24+$0x181B0] =	vst v20;
	v27 =	vmul.f32 v19, v60;
	v37 =	vld [tilespmem:s24+$0x182A0]  }
0xff: {  	v20 =	vld [tilespmem:s24+$0x183D0];
	[tilespmem:s24+$0x18240] =	vst v5;
	v5 =	vmul.f32 v31, v25  }
0x100: {  	v41 =	vld [tilespmem:s24+$0x182C0];
	v62 =	vmul.f32 v55, v4;
	[tilespmem:s24+$0x181F0] =	vst v27  }
0x101: {  	v26 =	vld [tilespmem:s24+$0x18230];
	[tilespmem:s24+$0x18260] =	vst v5;
	v5 =	vmul.f32 v34, v38  }
0x102: {  	v44 =	vld [tilespmem:s24+$0x182E0];
	v30 =	vmul.f32 v22, v25;
	[tilespmem:s24+$0x18530] =	vst v62  }
0x103: {  	v32 =	vld [tilespmem:s24+$0x18270];
	[tilespmem:s24+$0x18280] =	vst v5;
	v5 =	vmul.f32 v37, v38  }
0x104: {  	v27 =	vmul.f32 v20, v16;
	[tilespmem:s24+$0x18210] =	vst v30;
	v47 =	vld [tilespmem:s24+$0x18300]  }
0x105: {  	v35 =	vld [tilespmem:s24+$0x18290];
	[tilespmem:s24+$0x182A0] =	vst v5;
	v5 =	vmul.f32 v41, v38  }
0x106: {  	v33 =	vmul.f32 v26, v25;
	[tilespmem:s24+$0x183D0] =	vst v27;
	v50 =	vld [tilespmem:s24+$0x18320]  }
0x107: {  	v39 =	vld [tilespmem:s24+$0x182B0];
	[tilespmem:s24+$0x182C0] =	vst v5;
	v5 =	vmul.f32 v44, v38  }
0x108: {  	v54 =	vld [tilespmem:s24+$0x18340];
	[tilespmem:s24+$0x18230] =	vst v33;
	v40 =	vmul.f32 v32, v25  }
0x109: {  	v33 =	vld [tilespmem:s24+$0x18450];
	[tilespmem:s24+$0x182E0] =	vst v5;
	v5 =	vmul.f32 v47, v51  }
0x10a: {  	v57 =	vld [tilespmem:s24+$0x18360];
	[tilespmem:s24+$0x18270] =	vst v40;
	v43 =	vmul.f32 v35, v38  }
0x10b: {  	v45 =	vld [tilespmem:s24+$0x182F0];
	[tilespmem:s24+$0x18300] =	vst v5;
	v5 =	vmul.f32 v50, v51  }
0x10c: {  	[tilespmem:s24+$0x18290] =	vst v43;
	v46 =	vmul.f32 v39, v38;
	v60 =	vld [tilespmem:s24+$0x18380]  }
0x10d: {  	v48 =	vld [tilespmem:s24+$0x18310];
	[tilespmem:s24+$0x18320] =	vst v5;
	v5 =	vmul.f32 v54, v51  }
0x10e: {  	v40 =	vmul.f32 v33, v29;
	[tilespmem:s24+$0x182B0] =	vst v46;
	v63 =	vld [tilespmem:s24+$0x183A0]  }
0x10f: {  	v46 =	vld [tilespmem:s24+$0x184D0];
	[tilespmem:s24+$0x18340] =	vst v5;
	v5 =	vmul.f32 v57, v51  }
0x110: {  	v19 =	vld [tilespmem:s24+$0x183C0];
	[tilespmem:s24+$0x18450] =	vst v40;
	v53 =	vmul.f32 v45, v38  }
0x111: {  	v52 =	vld [tilespmem:s24+$0x18330];
	[tilespmem:s24+$0x18360] =	vst v5;
	v5 =	vmul.f32 v60, v16  }
0x112: {  	v22 =	vld [tilespmem:s24+$0x183E0];
	[tilespmem:s24+$0x182F0] =	vst v53;
	v56 =	vmul.f32 v48, v51  }
0x113: {  	v49 =	vld [tilespmem:s24+$0x184F0];
	[tilespmem:s24+$0x18380] =	vst v5;
	v5 =	vmul.f32 v63, v16  }
0x114: {  	v53 =	vmul.f32 v46, v42;
	[tilespmem:s24+$0x18310] =	vst v56;
	v25 =	vld [tilespmem:s24+$0x18400]  }
0x115: {  	v58 =	vld [tilespmem:s24+$0x18370];
	[tilespmem:s24+$0x183A0] =	vst v5;
	v5 =	vmul.f32 v19, v16  }
0x116: {  	v59 =	vmul.f32 v52, v51;
	[tilespmem:s24+$0x184D0] =	vst v53;
	v28 =	vld [tilespmem:s24+$0x18420]  }
0x117: {  	v52 =	vld [tilespmem:s24+$0x18510];
	[tilespmem:s24+$0x183C0] =	vst v5;
	v5 =	vmul.f32 v22, v16  }
0x118: {  	v32 =	vld [tilespmem:s24+$0x18440];
	v56 =	vmul.f32 v49, v42;
	[tilespmem:s24+$0x18330] =	vst v59  }
0x119: {  	v61 =	vld [tilespmem:s24+$0x18390];
	[tilespmem:s24+$0x183E0] =	vst v5;
	v5 =	vmul.f32 v25, v29  }
0x11a: {  	v35 =	vld [tilespmem:s24+$0x18460];
	[tilespmem:s24+$0x184F0] =	vst v56;
	v18 =	vmul.f32 v58, v51  }
0x11b: {  	v17 =	vld [tilespmem:s24+$0x183B0];
	[tilespmem:s24+$0x18400] =	vst v5;
	v5 =	vmul.f32 v28, v29  }
0x11c: {  	v59 =	vmul.f32 v52, v4;
	[tilespmem:s24+$0x18370] =	vst v18;
	v38 =	vld [tilespmem:s24+$0x18480]  }
0x11d: {  	v23 =	vld [tilespmem:s24+$0x183F0];
	[tilespmem:s24+$0x18420] =	vst v5;
	v5 =	vmul.f32 v32, v29  }
0x11e: {  	v21 =	vmul.f32 v61, v16;
	[tilespmem:s24+$0x18510] =	vst v59;
	v41 =	vld [tilespmem:s24+$0x184A0]  }
0x11f: {  	v26 =	vld [tilespmem:s24+$0x18410];
	[tilespmem:s24+$0x18440] =	vst v5;
	v5 =	vmul.f32 v35, v29  }
0x120: {  	v45 =	vld [tilespmem:s24+$0x184C0];
	[tilespmem:s24+$0x18390] =	vst v21;
	v24 =	vmul.f32 v17, v16  }
0x121: {  	v30 =	vld [tilespmem:s24+$0x18430];
	[tilespmem:s24+$0x18460] =	vst v5;
	v5 =	vmul.f32 v38, v42  }
0x122: {  	v48 =	vld [tilespmem:s24+$0x184E0];
	[tilespmem:s24+$0x183B0] =	vst v24;
	v31 =	vmul.f32 v23, v16  }
0x123: {  	v36 =	vld [tilespmem:s24+$0x18470];
	[tilespmem:s24+$0x18480] =	vst v5;
	v5 =	vmul.f32 v41, v42  }
0x124: {  	[tilespmem:s24+$0x183F0] =	vst v31;
	v34 =	vmul.f32 v26, v29;
	v51 =	vld [tilespmem:s24+$0x18500]  }
0x125: {  	v39 =	vld [tilespmem:s24+$0x18490];
	[tilespmem:s24+$0x184A0] =	vst v5;
	v5 =	vmul.f32 v45, v42  }
0x126: {  	[tilespmem:s24+$0x18410] =	vst v34;
	v37 =	vmul.f32 v30, v29;
	v54 =	vld [tilespmem:s24+$0x18520]  }
0x127: {  	v43 =	vld [tilespmem:s24+$0x184B0];
	[tilespmem:s24+$0x184C0] =	vst v5;
	v5 =	vmul.f32 v48, v42  }
0x128: {  	[tilespmem:s24+$0x18430] =	vst v37;
	v44 =	vmul.f32 v36, v29;
	v57 =	vld [tilespmem:s24+$0x18540]  }
0x129: {  	v58 =	vld [tilespmem:s24+$0x18550];
	[tilespmem:s24+$0x184E0] =	vst v5;
	v5 =	vmul.f32 v51, v4  }
0x12a: {  	[tilespmem:s24+$0x18470] =	vst v44;
	v47 =	vmul.f32 v39, v42;
	v60 =	vld [tilespmem:s24+$0x18560]  }
0x12b: {  	v61 =	vld [tilespmem:s24+$0x18570];
	[tilespmem:s24+$0x18500] =	vst v5;
	v5 =	vmul.f32 v54, v4  }
0x12c: {  	[tilespmem:s24+$0x18490] =	vst v47;
	v50 =	vmul.f32 v43, v42  }
0x12d: {  	p0 =	sne.s32 s12, $0x7;
	[tilespmem:s24+$0x18520] =	vst v5;
	v5 =	vmul.f32 v57, v4  }
.Ltmp2:
0x12e: {  	[tilespmem:s24+$0x184B0] =	vst v50;
	v63 =	vmul.f32 v58, v4;
	(pc) =	sbr.rel @p0 .LBB2_7-.Ltmp2, $4  }
0x12f: {  	[tilespmem:s24+$0x18540] =	vst v5;
	v5 =	vmul.f32 v60, v4  }
0x130: {  	[tilespmem:s24+$0x18550] =	vst v63;
	v4 =	vmul.f32 v61, v4  }
0x131: {  	[tilespmem:s24+$0x18560] =	vst v5  }
0x132: {  	s12 =	sadd.s32 $0x1, s12;
	[tilespmem:s24+$0x18570] =	vst v4  }
0x133: {  	s12 =	sadd.s32 s23, s22  }
0x134: {  	s0 =	sadd.s32 $0x2, s0;
	p0 =	seq.s32 s25, $0x27;
	s12 =	sadd.s32 $0x14400, s12  }
0x135: {  	[spmem:s2] =	stream.indirect.scatter.add.f32 [tilespmem:s31], [sflag:$0x5], $0x80, s12, s30, $0xb8;
	[tilespmem:$0x1FE80] =	vst v63  }
0x136: {  	s12 =	sand.u32 @!p0 $0x6, s0  }
0x137: {  	p1 =	sne.s32 @!p0 s12, $0x0  }
0x138: {  	p1 =	por p1, p0  }
0x139: {  	s12 =	simm.s32 @!p1 $0x7  }
0x13a: {  	_ =	swait.ge @!p1 [sflag:s12], $0x400  }
0x13b: {  	[sflag:s12] =	ssyncset.done @!p1 $0x0  }
0x13c: {  	[sflag:s12] =	ssyncadd.s32 @!p1 $0xFFFFFC00  }
0x13d: {  	_ =	swait.ge @!p1 [sflag:s12], $0x400  }
0x13e: {  	[sflag:s12] =	ssyncset.done @!p1 $0x0  }
0x13f: {  	[sflag:s12] =	ssyncadd.s32 @!p1 $0xFFFFFC00  }
0x140: {  	_ =	swait.ge @!p1 [sflag:s12], $0x400  }
0x141: {  	[sflag:s12] =	ssyncset.done @!p1 $0x0  }
0x142: {  	[sflag:s12] =	ssyncadd.s32 @!p1 $0xFFFFFC00;
	s12 =	simm.s32 @!p0 $0x5  }
0x143: {  	s0 =	sshll.u32 @!p0 s0, $0x7;
	_ =	swait.ge @!p0 [sflag:s12], $0x4000  }
0x144: {  	s22 =	simm.s32 @!p0 $0x80;
	s0 =	sand.u32 @!p0 $0x700, s0;
	[sflag:s12] =	ssyncset.done @!p0 $0x0  }
0x145: {  	s23 =	simm.s32 @!p0 $0x15400;
	[sflag:s12] =	ssyncadd.s32 @!p0 $0xFFFFC000;
	s12 =	sadd.s32 @!p0 $0x13C00, s0  }
0x146: {  	[tilespmem:s23], [sflag:$0x3] =	stream.indirect.gather @!p0 [hbm4b:s5+s22], $0x1, s12, s22, $0xb8;
	[tilespmem:$0x1FE80] =	vst v63  }
0x147: {  	s24 =	simm.s32 @!p0 $0x15480;
	s23 =	sadd.s32 @!p0 $0x14400, s0  }
0x148: {  	[tilespmem:s24], [sflag:$0x3] =	stream.indirect.gather @!p0 [hbm4b:s6+s22], $0x1, s23, s22, $0xb8;
	[tilespmem:$0x1FE80] =	vst v63  }
0x149: {  	s22 =	simm.s32 @!p0 $0x20;
	s23 =	simm.s32 @!p0 $0x17D80  }
0x14a: {  	[tilespmem:s23], [sflag:$0x1] =	stream.indirect.gather @!p0 [hbm4b:s1+s22], $0x80, s12, s22, $0xb8;
	[tilespmem:$0x1FE80] =	vst v63  }
0x14b: {  	s12 =	sadd.s32 @!p0 $0x13C20, s0;
	s23 =	simm.s32 @!p0 $0x18D80  }
0x14c: {  	[tilespmem:s23], [sflag:$0x1] =	stream.indirect.gather @!p0 [hbm4b:s1+s22], $0x80, s12, s22, $0xb8;
	[tilespmem:$0x1FE80] =	vst v63  }
0x14d: {  	s12 =	sadd.s32 @!p0 $0x13C40, s0;
	s23 =	simm.s32 @!p0 $0x19D80  }
0x14e: {  	[tilespmem:s23], [sflag:$0x1] =	stream.indirect.gather @!p0 [hbm4b:s1+s22], $0x80, s12, s22, $0xb8;
	[tilespmem:$0x1FE80] =	vst v63  }
0x14f: {  	s0 =	sadd.s32 @!p0 $0x13C60, s0;
	s12 =	simm.s32 @!p0 $0x1AD80  }
0x150: {  	[tilespmem:s12], [sflag:$0x1] =	stream.indirect.gather @!p0 [hbm4b:s1+s22], $0x80, s0, s22, $0xb8;
	[tilespmem:$0x1FE80] =	vst v63  }
0x151: {  	_ =	swait.ge [sflag:s20], $0x80  }
0x152: {  	[sflag:s20] =	ssyncset.done $0x0  }
0x153: {  	[sflag:s20] =	ssyncadd.s32 $0xFFFFFF80  }
0x154: {  	_ =	swait.ge [sflag:s20], $0x80  }
0x155: {  	[sflag:s20] =	ssyncset.done $0x0  }
0x156: {  	[sflag:s20] =	ssyncadd.s32 $0xFFFFFF80  }
0x157: {  	_ =	swait.ge [sflag:s21], $0x1000  }
0x158: {  	[sflag:s21] =	ssyncset.done $0x0  }
0x159: {  	[sflag:s21] =	ssyncadd.s32 $0xFFFFF000  }
0x15a: {  	_ =	swait.ge [sflag:s21], $0x1000  }
0x15b: {  	[sflag:s21] =	ssyncset.done $0x0  }
0x15c: {  	[sflag:s21] =	ssyncadd.s32 $0xFFFFF000  }
0x15d: {  	_ =	swait.ge [sflag:s21], $0x1000  }
0x15e: {  	[sflag:s21] =	ssyncset.done $0x0  }
0x15f: {  	[sflag:s21] =	ssyncadd.s32 $0xFFFFF000  }
0x160: {  	_ =	swait.ge [sflag:s21], $0x1000  }
0x161: {  	[sflag:s21] =	ssyncset.done $0x0  }
0x162: {  	s0 =	simm.s32 $0x0;
	[sflag:s21] =	ssyncadd.s32 $0xFFFFF000  }
.LBB2_9:
0x163: {  	s12 =	sshll.u32 s0, $0x4  }
0x164: {  	v3 =	vld [tilespmem:s12+$0x15500]  }
0x165: {  	v4 =	vld [tilespmem:s12+$0x15580];
	_ =	sdelay $0x4  }
0x166: {  	v3 =	vadd.f32 v4, v3;
	_ =	sdelay $0x1  }
0x167: {  	v4 =	vmul.f32 $2.000000030e-01, v3  }
0x168: {  	vm0 =	vlt.f32 v3, $0.0e+00  }
0x169: {  	v3 =	vsel vm0, v4, v3  }
0x16a: {  	v3 =	vsub.f32 v3, v1;
	_ =	sdelay $0x1  }
0x16b: {  	v3 =	vmul.f32 $1.442695020e+00, v3;
	_ =	sdelay $0x1  }
0x16c: {  	(erf) = vpow2.f32 v3  }
0x16d: {  	s12 =	sor.u32 s4, s12  }
0x16e: {  	v53 =	vld [tilespmem:s12+$0x14400]  }
0x16f: {  	v3 =	vld [tilespmem:s12+$0x14C00];
	_ =	sdelay $0x4  }
0x170: {  	vm1 =	vlt.s32 v53, $0x2710;
	vm15 =	veq.s32 v3, v2  }
0x171: {  	vm0 =	vmand vm1, vm15;
	v3 =	vpop (erf)  }
0x172: {  	s24 =	sshll.u32 s0, $0xB;
	v3 =	vnsel vm0, $0x0, v3  }
0x173: {  	s12 =	sand.u32 $0x3FFFF800, s24;
	[tilespmem:v53+s19+$0x0] =	vst.idx.add.f32.msk $0xffff, v3  }
0x174: {  	v4 =	vld [tilespmem:s12+$0x1BD80]  }
0x175: {  	v5 =	vld [tilespmem:s12+$0x1BD90]  }
0x176: {  	v6 =	vld [tilespmem:s12+$0x1BDA0]  }
0x177: {  	v7 =	vbroadcast v3, $0x0;
	v8 =	vld [tilespmem:s12+$0x1BDB0]  }
0x178: {  	v9 =	vld [tilespmem:s12+$0x1BDC0]  }
0x179: {  	v10 =	vld [tilespmem:s12+$0x1BDD0];
	v4 =	vmul.f32 v7, v4  }
0x17a: {  	v11 =	vld [tilespmem:s12+$0x1BDE0];
	v5 =	vmul.f32 v7, v5  }
0x17b: {  	v55 =	vld [tilespmem:s12+$0x1BDF0];
	v54 =	vmul.f32 v7, v6;
	[tilespmem:s12+$0x1BD80] =	vst v4  }
0x17c: {  	v57 =	vld [tilespmem:s12+$0x1BE00];
	v56 =	vmul.f32 v8, v7;
	[tilespmem:s12+$0x1BD90] =	vst v5  }
0x17d: {  	v59 =	vld [tilespmem:s12+$0x1BE10];
	v58 =	vmul.f32 v9, v7;
	[tilespmem:s12+$0x1BDA0] =	vst v54  }
0x17e: {  	v61 =	vld [tilespmem:s12+$0x1BE20];
	v60 =	vmul.f32 v10, v7;
	[tilespmem:s12+$0x1BDB0] =	vst v56  }
0x17f: {  	v63 =	vbroadcast v3, $0x1;
	v12 =	vld [tilespmem:s12+$0x1BE30];
	v62 =	vmul.f32 v11, v7;
	[tilespmem:s12+$0x1BDC0] =	vst v58  }
0x180: {  	v14 =	vld [tilespmem:s12+$0x1BE40];
	v13 =	vmul.f32 v55, v7;
	[tilespmem:s12+$0x1BDD0] =	vst v60  }
0x181: {  	v16 =	vld [tilespmem:s12+$0x1BE50];
	v15 =	vmul.f32 v57, v63;
	[tilespmem:s12+$0x1BDE0] =	vst v62  }
0x182: {  	v18 =	vld [tilespmem:s12+$0x1BE60];
	v17 =	vmul.f32 v59, v63;
	[tilespmem:s12+$0x1BDF0] =	vst v13  }
0x183: {  	v20 =	vld [tilespmem:s12+$0x1BE70];
	v19 =	vmul.f32 v61, v63;
	[tilespmem:s12+$0x1BE00] =	vst v15  }
0x184: {  	v22 =	vld [tilespmem:s12+$0x1BE80];
	v21 =	vmul.f32 v12, v63;
	[tilespmem:s12+$0x1BE10] =	vst v17  }
0x185: {  	v24 =	vld [tilespmem:s12+$0x1BE90];
	v23 =	vmul.f32 v14, v63;
	[tilespmem:s12+$0x1BE20] =	vst v19  }
0x186: {  	v26 =	vld [tilespmem:s12+$0x1BEA0];
	v25 =	vmul.f32 v16, v63;
	[tilespmem:s12+$0x1BE30] =	vst v21  }
0x187: {  	v28 =	vbroadcast v3, $0x2;
	v29 =	vld [tilespmem:s12+$0x1BEB0];
	v27 =	vmul.f32 v18, v63;
	[tilespmem:s12+$0x1BE40] =	vst v23  }
0x188: {  	v31 =	vld [tilespmem:s12+$0x1BEC0];
	v30 =	vmul.f32 v20, v63;
	[tilespmem:s12+$0x1BE50] =	vst v25  }
0x189: {  	v33 =	vld [tilespmem:s12+$0x1BED0];
	v32 =	vmul.f32 v22, v28;
	[tilespmem:s12+$0x1BE60] =	vst v27  }
0x18a: {  	v35 =	vld [tilespmem:s12+$0x1BEE0];
	v34 =	vmul.f32 v24, v28;
	[tilespmem:s12+$0x1BE70] =	vst v30  }
0x18b: {  	v37 =	vld [tilespmem:s12+$0x1BEF0];
	v36 =	vmul.f32 v26, v28;
	[tilespmem:s12+$0x1BE80] =	vst v32  }
0x18c: {  	v39 =	vld [tilespmem:s12+$0x1BF00];
	v38 =	vmul.f32 v29, v28;
	[tilespmem:s12+$0x1BE90] =	vst v34  }
0x18d: {  	v41 =	vld [tilespmem:s12+$0x1BF10];
	v40 =	vmul.f32 v31, v28;
	[tilespmem:s12+$0x1BEA0] =	vst v36  }
0x18e: {  	v43 =	vld [tilespmem:s12+$0x1BF20];
	v42 =	vmul.f32 v33, v28;
	[tilespmem:s12+$0x1BEB0] =	vst v38  }
0x18f: {  	v45 =	vbroadcast v3, $0x3;
	v46 =	vld [tilespmem:s12+$0x1BF30];
	v44 =	vmul.f32 v35, v28;
	[tilespmem:s12+$0x1BEC0] =	vst v40  }
0x190: {  	v48 =	vld [tilespmem:s12+$0x1BF40];
	v47 =	vmul.f32 v37, v28;
	[tilespmem:s12+$0x1BED0] =	vst v42  }
0x191: {  	v50 =	vld [tilespmem:s12+$0x1BF50];
	v49 =	vmul.f32 v39, v45;
	[tilespmem:s12+$0x1BEE0] =	vst v44  }
0x192: {  	v52 =	vld [tilespmem:s12+$0x1BF60];
	v51 =	vmul.f32 v41, v45;
	[tilespmem:s12+$0x1BEF0] =	vst v47  }
0x193: {  	v53 =	vmul.f32 v43, v45;
	v63 =	vld [tilespmem:s12+$0x1BFB0];
	[tilespmem:s12+$0x1BF00] =	vst v49  }
0x194: {  	v55 =	vmul.f32 v46, v45;
	v14 =	vld [tilespmem:s12+$0x1BFC0];
	[tilespmem:s12+$0x1BF10] =	vst v51  }
0x195: {  	v57 =	vmul.f32 v48, v45;
	v16 =	vld [tilespmem:s12+$0x1BFD0];
	[tilespmem:s12+$0x1BF20] =	vst v53  }
0x196: {  	v59 =	vmul.f32 v50, v45;
	v18 =	vld [tilespmem:s12+$0x1BFE0];
	[tilespmem:s12+$0x1BF30] =	vst v55;
	v62 =	vbroadcast v3, $0x4  }
0x197: {  	v61 =	vmul.f32 v52, v45;
	v20 =	vld [tilespmem:s12+$0x1BFF0];
	[tilespmem:s12+$0x1BF40] =	vst v57  }
0x198: {  	v22 =	vld [tilespmem:s12+$0x1C000];
	[tilespmem:s12+$0x1BF50] =	vst v59;
	v21 =	vmul.f32 v63, v62  }
0x199: {  	v24 =	vld [tilespmem:s12+$0x1C010];
	[tilespmem:s12+$0x1BF60] =	vst v61;
	v23 =	vmul.f32 v14, v62  }
0x19a: {  	v26 =	vld [tilespmem:s12+$0x1C020];
	v25 =	vmul.f32 v16, v62;
	[tilespmem:s12+$0x1BFB0] =	vst v21  }
0x19b: {  	v28 =	vbroadcast v3, $0x5;
	v29 =	vld [tilespmem:s12+$0x1C030];
	v27 =	vmul.f32 v18, v62;
	[tilespmem:s12+$0x1BFC0] =	vst v23  }
0x19c: {  	v31 =	vld [tilespmem:s12+$0x1C040];
	v30 =	vmul.f32 v20, v62;
	[tilespmem:s12+$0x1BFD0] =	vst v25  }
0x19d: {  	v33 =	vld [tilespmem:s12+$0x1C050];
	v32 =	vmul.f32 v22, v28;
	[tilespmem:s12+$0x1BFE0] =	vst v27  }
0x19e: {  	v35 =	vld [tilespmem:s12+$0x1C060];
	v34 =	vmul.f32 v24, v28;
	[tilespmem:s12+$0x1BFF0] =	vst v30  }
0x19f: {  	v37 =	vld [tilespmem:s12+$0x1C070];
	v36 =	vmul.f32 v26, v28;
	[tilespmem:s12+$0x1C000] =	vst v32  }
0x1a0: {  	v54 =	vld [tilespmem:s12+$0x1BF70];
	v38 =	vmul.f32 v29, v28;
	[tilespmem:s12+$0x1C010] =	vst v34  }
0x1a1: {  	v56 =	vld [tilespmem:s12+$0x1BF80];
	v40 =	vmul.f32 v31, v28;
	[tilespmem:s12+$0x1C020] =	vst v36  }
0x1a2: {  	v58 =	vld [tilespmem:s12+$0x1BF90];
	v42 =	vmul.f32 v33, v28;
	[tilespmem:s12+$0x1C030] =	vst v38  }
0x1a3: {  	v60 =	vld [tilespmem:s12+$0x1BFA0];
	v44 =	vmul.f32 v35, v28;
	[tilespmem:s12+$0x1C040] =	vst v40  }
0x1a4: {  	v39 =	vld [tilespmem:s12+$0x1C080];
	v47 =	vmul.f32 v37, v28;
	[tilespmem:s12+$0x1C050] =	vst v42  }
0x1a5: {  	v41 =	vld [tilespmem:s12+$0x1C090];
	v13 =	vmul.f32 v54, v45;
	[tilespmem:s12+$0x1C060] =	vst v44  }
0x1a6: {  	v43 =	vld [tilespmem:s12+$0x1C0A0];
	v15 =	vmul.f32 v56, v62;
	[tilespmem:s12+$0x1C070] =	vst v47  }
0x1a7: {  	v46 =	vld [tilespmem:s12+$0x1C0B0];
	v17 =	vmul.f32 v58, v62;
	v45 =	vbroadcast v3, $0x6;
	[tilespmem:s12+$0x1BF70] =	vst v13  }
0x1a8: {  	v48 =	vld [tilespmem:s12+$0x1C0C0];
	v19 =	vmul.f32 v60, v62;
	[tilespmem:s12+$0x1BF80] =	vst v15  }
0x1a9: {  	v50 =	vld [tilespmem:s12+$0x1C0D0];
	[tilespmem:s12+$0x1BF90] =	vst v17;
	v49 =	vmul.f32 v39, v45  }
0x1aa: {  	v52 =	vld [tilespmem:s12+$0x1C0E0];
	[tilespmem:s12+$0x1BFA0] =	vst v19;
	v51 =	vmul.f32 v41, v45  }
0x1ab: {  	v63 =	vld [tilespmem:s12+$0x1C130];
	v53 =	vmul.f32 v43, v45;
	[tilespmem:s12+$0x1C080] =	vst v49  }
0x1ac: {  	v14 =	vld [tilespmem:s12+$0x1C140];
	v55 =	vmul.f32 v46, v45;
	[tilespmem:s12+$0x1C090] =	vst v51  }
0x1ad: {  	v16 =	vld [tilespmem:s12+$0x1C150];
	v57 =	vmul.f32 v48, v45;
	[tilespmem:s12+$0x1C0A0] =	vst v53  }
0x1ae: {  	v18 =	vld [tilespmem:s12+$0x1C160];
	v62 =	vbroadcast v3, $0x7;
	v59 =	vmul.f32 v50, v45;
	[tilespmem:s12+$0x1C0B0] =	vst v55  }
0x1af: {  	v20 =	vld [tilespmem:s12+$0x1C170];
	v61 =	vmul.f32 v52, v45;
	[tilespmem:s12+$0x1C0C0] =	vst v57  }
0x1b0: {  	v22 =	vld [tilespmem:s12+$0x1C180];
	v21 =	vmul.f32 v63, v62;
	[tilespmem:s12+$0x1C0D0] =	vst v59  }
0x1b1: {  	v24 =	vld [tilespmem:s12+$0x1C190];
	v23 =	vmul.f32 v14, v62;
	[tilespmem:s12+$0x1C0E0] =	vst v61  }
0x1b2: {  	v26 =	vld [tilespmem:s12+$0x1C1A0];
	v25 =	vmul.f32 v16, v62;
	[tilespmem:s12+$0x1C130] =	vst v21  }
0x1b3: {  	v28 =	vbroadcast v3, $0x8;
	v29 =	vld [tilespmem:s12+$0x1C1B0];
	v27 =	vmul.f32 v18, v62;
	[tilespmem:s12+$0x1C140] =	vst v23  }
0x1b4: {  	v31 =	vld [tilespmem:s12+$0x1C1C0];
	v30 =	vmul.f32 v20, v62;
	[tilespmem:s12+$0x1C150] =	vst v25  }
0x1b5: {  	v33 =	vld [tilespmem:s12+$0x1C1D0];
	v32 =	vmul.f32 v22, v28;
	[tilespmem:s12+$0x1C160] =	vst v27  }
0x1b6: {  	v35 =	vld [tilespmem:s12+$0x1C1E0];
	v34 =	vmul.f32 v24, v28;
	[tilespmem:s12+$0x1C170] =	vst v30  }
0x1b7: {  	v37 =	vld [tilespmem:s12+$0x1C1F0];
	v36 =	vmul.f32 v26, v28;
	[tilespmem:s12+$0x1C180] =	vst v32  }
0x1b8: {  	v54 =	vld [tilespmem:s12+$0x1C0F0];
	v38 =	vmul.f32 v29, v28;
	[tilespmem:s12+$0x1C190] =	vst v34  }
0x1b9: {  	v56 =	vld [tilespmem:s12+$0x1C100];
	v40 =	vmul.f32 v31, v28;
	[tilespmem:s12+$0x1C1A0] =	vst v36  }
0x1ba: {  	v58 =	vld [tilespmem:s12+$0x1C110];
	v42 =	vmul.f32 v33, v28;
	[tilespmem:s12+$0x1C1B0] =	vst v38  }
0x1bb: {  	v60 =	vld [tilespmem:s12+$0x1C120];
	v44 =	vmul.f32 v35, v28;
	[tilespmem:s12+$0x1C1C0] =	vst v40  }
0x1bc: {  	v39 =	vld [tilespmem:s12+$0x1C200];
	v47 =	vmul.f32 v37, v28;
	[tilespmem:s12+$0x1C1D0] =	vst v42  }
0x1bd: {  	v41 =	vld [tilespmem:s12+$0x1C210];
	v13 =	vmul.f32 v54, v45;
	[tilespmem:s12+$0x1C1E0] =	vst v44  }
0x1be: {  	v43 =	vld [tilespmem:s12+$0x1C220];
	v15 =	vmul.f32 v56, v62;
	[tilespmem:s12+$0x1C1F0] =	vst v47  }
0x1bf: {  	v46 =	vld [tilespmem:s12+$0x1C230];
	v17 =	vmul.f32 v58, v62;
	v45 =	vbroadcast v3, $0x9;
	[tilespmem:s12+$0x1C0F0] =	vst v13  }
0x1c0: {  	v48 =	vld [tilespmem:s12+$0x1C240];
	v19 =	vmul.f32 v60, v62;
	[tilespmem:s12+$0x1C100] =	vst v15  }
0x1c1: {  	v50 =	vld [tilespmem:s12+$0x1C250];
	[tilespmem:s12+$0x1C110] =	vst v17;
	v49 =	vmul.f32 v39, v45  }
0x1c2: {  	v52 =	vld [tilespmem:s12+$0x1C260];
	[tilespmem:s12+$0x1C120] =	vst v19;
	v51 =	vmul.f32 v41, v45  }
0x1c3: {  	v63 =	vld [tilespmem:s12+$0x1C2B0];
	v53 =	vmul.f32 v43, v45;
	[tilespmem:s12+$0x1C200] =	vst v49  }
0x1c4: {  	v29 =	vld [tilespmem:s12+$0x1C320];
	v55 =	vmul.f32 v46, v45;
	[tilespmem:s12+$0x1C210] =	vst v51  }
0x1c5: {  	v54 =	vld [tilespmem:s12+$0x1C270];
	v57 =	vmul.f32 v48, v45;
	[tilespmem:s12+$0x1C220] =	vst v53  }
0x1c6: {  	v56 =	vld [tilespmem:s12+$0x1C280];
	v62 =	vbroadcast v3, $0xA;
	v59 =	vmul.f32 v50, v45;
	[tilespmem:s12+$0x1C230] =	vst v55  }
0x1c7: {  	v31 =	vbroadcast v3, $0xB;
	v58 =	vld [tilespmem:s12+$0x1C290];
	v61 =	vmul.f32 v52, v45;
	[tilespmem:s12+$0x1C240] =	vst v57  }
0x1c8: {  	v60 =	vld [tilespmem:s12+$0x1C2A0];
	v24 =	vmul.f32 v63, v62;
	[tilespmem:s12+$0x1C250] =	vst v59  }
0x1c9: {  	v21 =	vld [tilespmem:s12+$0x1C2E0];
	v39 =	vmul.f32 v29, v31;
	[tilespmem:s12+$0x1C260] =	vst v61  }
0x1ca: {  	v23 =	vld [tilespmem:s12+$0x1C2F0];
	v16 =	vmul.f32 v54, v45;
	[tilespmem:s12+$0x1C2B0] =	vst v24  }
0x1cb: {  	v25 =	vld [tilespmem:s12+$0x1C300];
	v18 =	vmul.f32 v56, v62;
	[tilespmem:s12+$0x1C320] =	vst v39  }
0x1cc: {  	v27 =	vld [tilespmem:s12+$0x1C310];
	v20 =	vmul.f32 v58, v62;
	[tilespmem:s12+$0x1C270] =	vst v16  }
0x1cd: {  	v32 =	vld [tilespmem:s12+$0x1C330];
	v22 =	vmul.f32 v60, v62;
	[tilespmem:s12+$0x1C280] =	vst v18  }
0x1ce: {  	v34 =	vld [tilespmem:s12+$0x1C340];
	v30 =	vmul.f32 v21, v62;
	[tilespmem:s12+$0x1C290] =	vst v20  }
0x1cf: {  	v36 =	vld [tilespmem:s12+$0x1C350];
	v33 =	vmul.f32 v23, v62;
	[tilespmem:s12+$0x1C2A0] =	vst v22  }
0x1d0: {  	v38 =	vld [tilespmem:s12+$0x1C360];
	v35 =	vmul.f32 v25, v31;
	[tilespmem:s12+$0x1C2E0] =	vst v30  }
0x1d1: {  	v40 =	vld [tilespmem:s12+$0x1C370];
	v37 =	vmul.f32 v27, v31;
	[tilespmem:s12+$0x1C2F0] =	vst v33  }
0x1d2: {  	v42 =	vld [tilespmem:s12+$0x1C380];
	v41 =	vmul.f32 v32, v31;
	[tilespmem:s12+$0x1C300] =	vst v35  }
0x1d3: {  	v44 =	vld [tilespmem:s12+$0x1C390];
	v43 =	vmul.f32 v34, v31;
	[tilespmem:s12+$0x1C310] =	vst v37  }
0x1d4: {  	v17 =	vld [tilespmem:s12+$0x1C2C0];
	v45 =	vmul.f32 v36, v31;
	[tilespmem:s12+$0x1C330] =	vst v41  }
0x1d5: {  	v19 =	vld [tilespmem:s12+$0x1C2D0];
	v48 =	vbroadcast v3, $0xC;
	v47 =	vmul.f32 v38, v31;
	[tilespmem:s12+$0x1C340] =	vst v43  }
0x1d6: {  	v46 =	vld [tilespmem:s12+$0x1C3A0];
	v50 =	vmul.f32 v40, v31;
	[tilespmem:s12+$0x1C350] =	vst v45  }
0x1d7: {  	v49 =	vld [tilespmem:s12+$0x1C3B0];
	v52 =	vmul.f32 v42, v48;
	[tilespmem:s12+$0x1C360] =	vst v47  }
0x1d8: {  	v51 =	vld [tilespmem:s12+$0x1C3C0];
	v54 =	vmul.f32 v44, v48;
	[tilespmem:s12+$0x1C370] =	vst v50  }
0x1d9: {  	v53 =	vld [tilespmem:s12+$0x1C3D0];
	v26 =	vmul.f32 v17, v62;
	[tilespmem:s12+$0x1C380] =	vst v52  }
0x1da: {  	v55 =	vld [tilespmem:s12+$0x1C3E0];
	v28 =	vmul.f32 v19, v62;
	[tilespmem:s12+$0x1C390] =	vst v54  }
0x1db: {  	v57 =	vld [tilespmem:s12+$0x1C3F0];
	v56 =	vmul.f32 v46, v48;
	[tilespmem:s12+$0x1C2C0] =	vst v26  }
0x1dc: {  	v59 =	vld [tilespmem:s12+$0x1C400];
	[tilespmem:s12+$0x1C2D0] =	vst v28;
	v58 =	vmul.f32 v49, v48  }
0x1dd: {  	v61 =	vld [tilespmem:s12+$0x1C410];
	[tilespmem:s12+$0x1C3A0] =	vst v56;
	v60 =	vmul.f32 v51, v48  }
0x1de: {  	v63 =	vld [tilespmem:s12+$0x1C420];
	v62 =	vmul.f32 v53, v48;
	[tilespmem:s12+$0x1C3B0] =	vst v58  }
0x1df: {  	v24 =	vld [tilespmem:s12+$0x1C460];
	v17 =	vbroadcast v3, $0xD;
	v16 =	vmul.f32 v55, v48;
	[tilespmem:s12+$0x1C3C0] =	vst v60  }
0x1e0: {  	v32 =	vld [tilespmem:s12+$0x1C4A0];
	v19 =	vmul.f32 v57, v48;
	[tilespmem:s12+$0x1C3D0] =	vst v62  }
0x1e1: {  	v39 =	vld [tilespmem:s12+$0x1C4D0];
	v21 =	vmul.f32 v59, v17;
	[tilespmem:s12+$0x1C3E0] =	vst v16  }
0x1e2: {  	v18 =	vld [tilespmem:s12+$0x1C430];
	v23 =	vmul.f32 v61, v17;
	[tilespmem:s12+$0x1C3F0] =	vst v19  }
0x1e3: {  	v34 =	vbroadcast v3, $0xE;
	v20 =	vld [tilespmem:s12+$0x1C440];
	v25 =	vmul.f32 v63, v17;
	[tilespmem:s12+$0x1C400] =	vst v21  }
0x1e4: {  	v22 =	vld [tilespmem:s12+$0x1C450];
	v33 =	vmul.f32 v24, v17;
	[tilespmem:s12+$0x1C410] =	vst v23  }
0x1e5: {  	v30 =	vld [tilespmem:s12+$0x1C490];
	v42 =	vmul.f32 v32, v34;
	[tilespmem:s12+$0x1C420] =	vst v25  }
0x1e6: {  	v35 =	vld [tilespmem:s12+$0x1C4B0];
	v48 =	vmul.f32 v39, v34;
	[tilespmem:s12+$0x1C460] =	vst v33  }
0x1e7: {  	v37 =	vld [tilespmem:s12+$0x1C4C0];
	v27 =	vmul.f32 v18, v17;
	[tilespmem:s12+$0x1C4A0] =	vst v42  }
0x1e8: {  	v41 =	vld [tilespmem:s12+$0x1C4E0];
	v29 =	vmul.f32 v20, v17;
	[tilespmem:s12+$0x1C4D0] =	vst v48  }
0x1e9: {  	v43 =	vld [tilespmem:s12+$0x1C4F0];
	v31 =	vmul.f32 v22, v17;
	[tilespmem:s12+$0x1C430] =	vst v27  }
0x1ea: {  	v45 =	vld [tilespmem:s12+$0x1C500];
	v40 =	vmul.f32 v30, v34;
	[tilespmem:s12+$0x1C440] =	vst v29  }
0x1eb: {  	v47 =	vld [tilespmem:s12+$0x1C510];
	v44 =	vmul.f32 v35, v34;
	[tilespmem:s12+$0x1C450] =	vst v31  }
0x1ec: {  	v26 =	vld [tilespmem:s12+$0x1C470];
	v46 =	vmul.f32 v37, v34;
	[tilespmem:s12+$0x1C490] =	vst v40  }
0x1ed: {  	v3 =	vbroadcast v3, $0xF;
	v28 =	vld [tilespmem:s12+$0x1C480];
	v50 =	vmul.f32 v41, v34;
	[tilespmem:s12+$0x1C4B0] =	vst v44  }
0x1ee: {  	v49 =	vld [tilespmem:s12+$0x1C520];
	v52 =	vmul.f32 v43, v34;
	[tilespmem:s12+$0x1C4C0] =	vst v46  }
0x1ef: {  	v51 =	vld [tilespmem:s12+$0x1C530];
	v54 =	vmul.f32 v45, v3;
	[tilespmem:s12+$0x1C4E0] =	vst v50  }
0x1f0: {  	v53 =	vld [tilespmem:s12+$0x1C540];
	v56 =	vmul.f32 v47, v3;
	[tilespmem:s12+$0x1C4F0] =	vst v52  }
0x1f1: {  	v55 =	vld [tilespmem:s12+$0x1C550];
	v36 =	vmul.f32 v26, v17;
	[tilespmem:s12+$0x1C500] =	vst v54  }
0x1f2: {  	v57 =	vld [tilespmem:s12+$0x1C560];
	v38 =	vmul.f32 v28, v34;
	[tilespmem:s12+$0x1C510] =	vst v56  }
0x1f3: {  	v59 =	vld [tilespmem:s12+$0x1C570];
	v58 =	vmul.f32 v49, v3;
	[tilespmem:s12+$0x1C470] =	vst v36  }
0x1f4: {  	v60 =	vmul.f32 v51, v3;
	[tilespmem:s12+$0x1C480] =	vst v38  }
0x1f5: {  	p0 =	sne.s32 s0, $0x7;
	v61 =	vmul.f32 v53, v3;
	[tilespmem:s12+$0x1C520] =	vst v58  }
.Ltmp3:
0x1f6: {  	v62 =	vmul.f32 v55, v3;
	[tilespmem:s12+$0x1C530] =	vst v60;
	(pc) =	sbr.rel @p0 .LBB2_9-.Ltmp3, $4  }
0x1f7: {  	v63 =	vmul.f32 v57, v3;
	[tilespmem:s12+$0x1C540] =	vst v61  }
0x1f8: {  	v3 =	vmul.f32 v59, v3;
	[tilespmem:s12+$0x1C550] =	vst v62  }
0x1f9: {  	[tilespmem:s12+$0x1C560] =	vst v63  }
0x1fa: {  	s0 =	sadd.s32 $0x1, s0;
	[tilespmem:s12+$0x1C570] =	vst v3  }
0x1fb: {  	s25 =	sadd.s32 $0x1, s25  }
0x1fc: {  	p0 =	sne.s32 s25, $0x28  }
.Ltmp4:
0x1fd: {  	_ = 	snop;
	(pc) =	sbr.rel @p0 .LBB2_6-.Ltmp4, $2  }
0x1fe: {  	_ =	sdelay $0x2  }
0x1ff: {  	[spmem:s2] =	stream.indirect.scatter.add.f32 [tilespmem:s14], [sflag:$0x6], $0x80, s26, s30, $0xb8;
	[tilespmem:$0x1FE80] =	vst v63  }
0x200: {  	s0 =	simm.s32 $0x5  }
0x201: {  	_ =	swait.ge [sflag:s0], $0x4000  }
0x202: {  	[sflag:s0] =	ssyncset.done $0x0  }
0x203: {  	s22 =	simm.s32 $0x6;
	[sflag:s0] =	ssyncadd.s32 $0xFFFFC000  }
0x204: {  	_ =	swait.ge [sflag:s22], $0x4000  }
0x205: {  	[sflag:s22] =	ssyncset.done $0x0  }
0x206: {  	s23 =	rddreg [dreg:$0x10];
	[sflag:s22] =	ssyncadd.s32 $0xFFFFC000;
	s22 =	simm.s32 $0x0  }
0x207: {  	[hbm4b:s23+s22] =	stream.linear.scatter [tilespmem:s19], [sflag:$0x8], $0x2780, $0x38;
	[tilespmem:$0x1FE80] =	vst v63  }
0x208: {  	_ =	swait.ge [sflag:s29], $0x2780  }
0x209: {  	[sflag:s29] =	ssyncset.done $0x0  }
0x20a: {  	[sflag:s29] =	ssyncadd.s32 $0xFFFFD880  }
0x20b: {  	s24 =	stileid.u32;
	[bflag:$0x0] =	sbarrier.arrive $0xFFFF  }
0x20c: {  	s0 =	sshll.u32 s24, $0x6;
	s23 =	rddreg [dreg:$0x6]  }
0x20d: {  	s0 =	sor.u32 $0x1C08, s0;
	s12 =	rddreg [dreg:$0x11];
	s4 =	sshrl.u32 s23, $0x3  }
0x20e: {  	[hbm:s12], [sflag:s0] =	dma.local [spmem:s4], $0x2780  }
0x20f: {  	_ =	swait.ge [sflag:s29], $0x2780  }
0x210: {  	s25 =	rddreg [dreg:$0x14]  }
0x211: {  	s26 =	rddreg [dreg:$0x12];
	s4 =	sadd.s32 $0x1, s25  }
0x212: {  	p0 =	sne.s32 s4, s26  }
.Ltmp5:
0x213: {  	_ = 	snop;
	(pc) =	sbr.rel @p0 .LBB2_1-.Ltmp5, $3  }
0x214: {  	_ =	sdelay $0x1  }
0x215: {  	[sflag:s29] =	ssyncset.done $0x0  }
0x216: {  	[sflag:s29] =	ssyncadd.s32 $0xFFFFD880  }
0x217: {  	_ =	sfence.sel $0x180000  }
0x218: {  	[bflag:$0x0] =	sbarrier.arrive $0xFFFF  }
0x219: {  	_ =	strace $0x90000047  }
0x21a: {  	s0 =	stileid.u32;
	[bflag:$0x2] =	sbarrier.arrive $0xFFFF  }
0x21b: {  	p0 =	sne.s32 s0, $0x0;
	s0 =	rddreg [dreg:$0x3]  }
0x21c: {  	s0 =	sadd.s32 @!p0 $0x100000, s0  }
0x21d: {  	[sflag:s0] =	ssyncadd.tile.s32 @!p0 $0x1;
	_ =	shalt  }
.Lfunc_end2:
_tile_overlayer_lowered:
.L_overlay_start_2:
0x21e: {  	(tag) =	ssettag $0x2  }
0x21f: {  	s0 =	rddreg [dreg:$0x0];
	s2 =	stileid.u32  }
0x220: {  	s1 =	rddreg [dreg:$0x1];
	p0 =	sne.s32 s2, $0x0  }
0x221: {  	s3 =	rddreg [dreg:$0x2];
	[bflag:$0x3] =	sbarrier.arrive $0xFFFF;
	s2 =	simm.s32 @!p0 $0x1C08  }
0x222: {  	[timem:s3], [sflag:s2] =	dma.local @!p0 [hbm:s0], s1  }
0x223: {  	s0 =	simm.s32 @!p0 $0x8  }
0x224: {  	_ =	swait.ge @!p0 [sflag:s0], s1  }
0x225: {  	s1 =	ssub.s32 @!p0 $0x0, s1;
	[sflag:s0] =	ssyncset.done @!p0 $0x0  }
0x226: {  	[sflag:s0] =	ssyncadd.s32 @!p0 s1  }
0x227: {  	[bflag:$0x3] =	sbarrier.arrive $0xFFFF  }
0x228: {  	_ =	shalt  }

</sc_bundles>
